<compile_context>
chip_gen: v7x
topology: tpu7x:2x2x1
jax: 0.10.2.dev20260603
libtpu: 0.0.44.dev20260713+nightly
codegen_flags: <defaults>
</compile_context>

<pallas_src>
import functools
import math

import jax
import jax.numpy as jnp
from jax import lax
from jax.experimental import pallas as pl
from jax.experimental.pallas import tpu as pltpu
from jax.experimental.pallas import tpu_sc as plsc

_EGO_LENGTH = 4.7
_EGO_WIDTH = 1.85
_SAFETY_MARGIN = 0.5
_HALF_DIAG = math.sqrt(
    (_EGO_LENGTH / 2 + _SAFETY_MARGIN) ** 2 + (_EGO_WIDTH / 2 + _SAFETY_MARGIN) ** 2
)

_L = 16
_NC = 2
_NS = 16
_NW = _NC * _NS
_T = 64
_QG = 8
_NG = _T // _QG
_SENTINEL = 1.0e18

_Z, _H, _W = 16, 256, 256
_N = _Z * _H * _W
_ZT = 9
_TC_N = _ZT * _H * _W
_SC_N = _N - _TC_N
_SUB = 32


def _sc_partial_min(xs, ys, occ, pxb, pyb):
    p_per_w = _SC_N // _NW
    nblk = p_per_w // _L
    mesh = plsc.VectorSubcoreMesh(core_axis_name="c", subcore_axis_name="s")

    @functools.partial(
        pl.kernel,
        out_type=jax.ShapeDtypeStruct((_NW, _T, _L), jnp.float32),
        mesh=mesh,
        compiler_params=pltpu.CompilerParams(needs_layout_passes=False),
        scratch_types=[
            pltpu.VMEM((p_per_w + _L,), jnp.float32),
            pltpu.VMEM((p_per_w + _L,), jnp.float32),
            pltpu.VMEM((p_per_w,), jnp.float32),
            pltpu.VMEM((_T * _L,), jnp.float32),
            pltpu.VMEM((_T * _L,), jnp.float32),
            pltpu.VMEM((_T, _L), jnp.float32),
        ],
    )
    def sc_kernel(xs_hbm, ys_hbm, occ_hbm, pxb_hbm, pyb_hbm, out_hbm,
                  x_v, y_v, o_v, a_v, b_v, acc_v):
        wid = lax.axis_index("c") * _NS + lax.axis_index("s")
        base = _TC_N + wid * p_per_w
        pltpu.sync_copy(xs_hbm.at[pl.ds(base, p_per_w)], x_v.at[pl.ds(0, p_per_w)])
        pltpu.sync_copy(ys_hbm.at[pl.ds(base, p_per_w)], y_v.at[pl.ds(0, p_per_w)])
        pltpu.sync_copy(occ_hbm.at[pl.ds(base, p_per_w)], o_v)
        pltpu.sync_copy(pxb_hbm, a_v)
        pltpu.sync_copy(pyb_hbm, b_v)

        def cbody(i, cnt):
            off = i * _L
            xv = x_v[pl.ds(off, _L)]
            yv = y_v[pl.ds(off, _L)]
            ov = o_v[pl.ds(off, _L)]
            m = ov > 0.5
            plsc.store_compressed(x_v.at[pl.ds(cnt, _L)], xv, mask=m)
            plsc.store_compressed(y_v.at[pl.ds(cnt, _L)], yv, mask=m)
            return cnt + jnp.max(plsc.all_reduce_population_count(m))

        cnt = lax.fori_loop(0, nblk, cbody, jnp.int32(0))
        sent = jnp.full((_L,), _SENTINEL, jnp.float32)
        x_v[pl.ds(cnt, _L)] = sent
        y_v[pl.ds(cnt, _L)] = sent
        nblk_c = lax.shift_right_logical(cnt + (_L - 1), 4)

        inf16 = jnp.full((_L,), jnp.inf, jnp.float32)
        for g in range(_NG):
            pa = [a_v[pl.ds((g * _QG + j) * _L, _L)] for j in range(_QG)]
            pb = [b_v[pl.ds((g * _QG + j) * _L, _L)] for j in range(_QG)]

            def sbody(i, accs, pa=pa, pb=pb):
                off = i * _L
                xv = x_v[pl.ds(off, _L)]
                yv = y_v[pl.ds(off, _L)]
                out = []
                for j, acc in enumerate(accs):
                    dx = xv - pa[j]
                    dy = yv - pb[j]
                    out.append(jnp.minimum(acc, dx * dx + dy * dy))
                return tuple(out)

            accs = lax.fori_loop(0, nblk_c, sbody, (inf16,) * _QG)
            for j in range(_QG):
                acc_v[g * _QG + j, :] = accs[j]
        pltpu.sync_copy(acc_v, out_hbm.at[wid])

    return sc_kernel(xs, ys, occ, pxb, pyb)


def _tc_sweep(xs3d, ys3d, occ3d, px, py):
    jgrid = _H // _SUB

    def body(px_ref, py_ref, x_ref, y_ref, o_ref, out_ref):
        first = (pl.program_id(0) == 0) & (pl.program_id(1) == 0)

        @pl.when(first)
        def _init():
            out_ref[...] = jnp.full_like(out_ref, jnp.inf)

        x = x_ref[0]
        y = y_ref[0]
        o = o_ref[0]
        xm = jnp.where(o > 0.5, x, _SENTINEL)
        for t in range(_T):
            dx = xm - px_ref[t]
            dy = y - py_ref[t]
            d2 = dx * dx + dy * dy
            out_ref[t] = jnp.minimum(out_ref[t], d2)

    return pl.pallas_call(
        body,
        grid=(_ZT, jgrid),
        in_specs=[
            pl.BlockSpec(memory_space=pltpu.SMEM),
            pl.BlockSpec(memory_space=pltpu.SMEM),
            pl.BlockSpec((1, _SUB, _W), lambda i, j: (i, j, 0)),
            pl.BlockSpec((1, _SUB, _W), lambda i, j: (i, j, 0)),
            pl.BlockSpec((1, _SUB, _W), lambda i, j: (i, j, 0)),
        ],
        out_specs=pl.BlockSpec((_T, _SUB, _W), lambda i, j: (0, 0, 0)),
        out_shape=jax.ShapeDtypeStruct((_T, _SUB, _W), jnp.float32),
    )(px, py, xs3d, ys3d, occ3d)


def _tc_combine(p_sc, p_tc):

    def body(ps_ref, pt_ref, cf_ref, md_ref):
        a = jnp.min(ps_ref[...], axis=0, keepdims=True)
        bt = pt_ref[...]
        b = jnp.min(jnp.min(bt, axis=2), axis=1)
        d2 = jnp.minimum(a.reshape(_T), b)
        md = jnp.sqrt(d2)
        md_ref[...] = md
        cf_ref[...] = md >= _HALF_DIAG

    return pl.pallas_call(
        body,
        out_shape=(
            jax.ShapeDtypeStruct((_T,), jnp.bool_),
            jax.ShapeDtypeStruct((_T,), jnp.float32),
        ),
    )(p_sc, p_tc)


def kernel(trajectory, occupancy, voxel_coords):
    xs3d = voxel_coords[..., 0]
    ys3d = voxel_coords[..., 1]
    xs = xs3d.reshape(_N)
    ys = ys3d.reshape(_N)
    occ = occupancy.reshape(_N)

    px = trajectory[:, 0].astype(jnp.float32)
    py = trajectory[:, 1].astype(jnp.float32)
    pxb = jnp.broadcast_to(px[:, None], (_T, _L)).reshape(_T * _L)
    pyb = jnp.broadcast_to(py[:, None], (_T, _L)).reshape(_T * _L)

    partials = _sc_partial_min(xs, ys, occ, pxb, pyb)
    p_tc = _tc_sweep(xs3d, ys3d, occupancy, px, py)
    p_sc = partials.transpose(0, 2, 1).reshape(_NW * _L, _T)
    cf, md = _tc_combine(p_sc, p_tc)
    return cf, md

# --- scband reference (transcript-rebuilt; emitter-appended) ---
"""Pipeline reference for scband-collision-checker-44839458570292 (READ-ONLY COPY).

The authoritative reference and input builder live on the scoring server;
editing this copy changes nothing except your own understanding.
"""

import jax, jax.numpy as jnp
import numpy as np
import math

EGO_LENGTH = 4.7
EGO_WIDTH = 1.85
EGO_HEIGHT = 1.5
SAFETY_MARGIN = 0.5


def setup_inputs(seed: int = 0) -> dict:
    key = jax.random.key(seed)
    k1, k2, k3 = jax.random.split(key, 3)
    T = 64
    Z, H, W = 16, 256, 256
    trajectory = jax.random.normal(k1, (T, 3), dtype=jnp.float32)
    occupancy = jax.random.uniform(k2, (Z, H, W), dtype=jnp.float32)
    voxel_coords = jax.random.normal(k3, (Z, H, W, 3), dtype=jnp.float32)
    return {"trajectory": trajectory, "occupancy": occupancy, "voxel_coords": voxel_coords}


def reference(trajectory, occupancy, voxel_coords):
    T = trajectory.shape[0]
    half_diag = math.sqrt((EGO_LENGTH / 2 + SAFETY_MARGIN) ** 2 + (EGO_WIDTH / 2 + SAFETY_MARGIN) ** 2)
    occupied_mask = (occupancy > 0.5).reshape(-1)
    all_xy = voxel_coords.reshape(-1, 3)[:, :2]
    mins = []
    for t in range(T):
        pos = trajectory[t, :2]
        distances = jnp.linalg.norm(all_xy - pos[None, :], axis=1)
        masked = jnp.where(occupied_mask, distances, jnp.inf)
        mins.append(masked.min())
    min_distances = jnp.stack(mins).astype(jnp.float32)
    collision_free = min_distances >= half_diag
    return collision_free, min_distances

if __name__ == "__main__":
    import jax
    _d = setup_inputs()
    print(jax.jit(kernel)(*tuple(_d.values())))

</pallas_src>

<mosaic_0001>
#map = affine_map<(d0, d1) -> (0)>
#map1 = affine_map<(d0, d1) -> (0, 0, 0)>
module attributes {stable_mosaic.version = 14 : i64} {
  func.func @sc_kernel(%arg0: i32, %arg1: i32, %arg2: memref<1048576xf32, #tpu.memory_space<hbm>>, %arg3: memref<1048576xf32, #tpu.memory_space<hbm>>, %arg4: memref<1048576xf32, #tpu.memory_space<hbm>>, %arg5: memref<1024xf32, #tpu.memory_space<hbm>>, %arg6: memref<1024xf32, #tpu.memory_space<hbm>>, %arg7: memref<32x64x16xf32, #tpu.memory_space<hbm>>, %arg8: memref<14352xf32, #tpu.memory_space<vmem>>, %arg9: memref<14352xf32, #tpu.memory_space<vmem>>, %arg10: memref<14336xf32, #tpu.memory_space<vmem>>, %arg11: memref<1024xf32, #tpu.memory_space<vmem>>, %arg12: memref<1024xf32, #tpu.memory_space<vmem>>, %arg13: memref<64x16xf32, #tpu.memory_space<vmem>>) attributes {dimension_semantics = [#tpu.dimension_semantics<core_parallel>, #tpu.dimension_semantics<subcore_parallel>], iteration_bounds = array<i64: 2, 16>, scalar_prefetch = 0 : i64, scratch_operands = 6 : i64, tpu.core_type = #tpu.core_type<sc_vector_subcore>, window_params = [{transform_indices = #map}, {transform_indices = #map}, {transform_indices = #map}, {transform_indices = #map}, {transform_indices = #map}, {transform_indices = #map1}]} {
    %mul3A = arith.constant 16 : i32
    %mul3A_0 = arith.muli %arg0, %mul3A : i32
    %add3A = arith.addi %mul3A_0, %arg1 : i32
    %mul3A_1 = arith.constant 14336 : i32
    %mul3A_2 = arith.muli %add3A, %mul3A_1 : i32
    %add3A_3 = arith.constant 589824 : i32
    %add3A_4 = arith.addi %add3A_3, %mul3A_2 : i32
    "tpu.region"() ({
      %run_scoped3A = tpu.sem_alloc : memref<!tpu.dma_semaphore, #tpu.memory_space<semaphore_mem>>
      %dma_start3A = arith.constant 0 : i32
      %dma_start3A_618 = tpu.memref_slice %arg8[%dma_start3A] : memref<14352xf32, #tpu.memory_space<vmem>> -> memref<14336xf32, #tpu.memory_space<vmem>>
      %dma_start3A_619 = tpu.memref_slice %arg2[%add3A_4] : memref<1048576xf32, #tpu.memory_space<hbm>> -> memref<14336xf32, #tpu.memory_space<hbm>>
      %dma_start3A_620 = arith.constant 0 : i32
      %dma_start3A_621 = tpu.memref_slice %arg8[%dma_start3A_620] : memref<14352xf32, #tpu.memory_space<vmem>> -> memref<14336xf32, #tpu.memory_space<vmem>>
      %dma_start3A_622 = tpu.memref_slice %arg2[%add3A_4] : memref<1048576xf32, #tpu.memory_space<hbm>> -> memref<14336xf32, #tpu.memory_space<hbm>>
      tpu.enqueue_dma source(%dma_start3A_622 : memref<14336xf32, #tpu.memory_space<hbm>>) target(%dma_start3A_621 : memref<14336xf32, #tpu.memory_space<vmem>>) target_semaphore(%run_scoped3A : memref<!tpu.dma_semaphore, #tpu.memory_space<semaphore_mem>>)
      %dma_wait3A = arith.constant 0 : i32
      %dma_wait3A_623 = tpu.memref_slice %arg8[%dma_wait3A] : memref<14352xf32, #tpu.memory_space<vmem>> -> memref<14336xf32, #tpu.memory_space<vmem>>
      %dma_wait3A_624 = tpu.memref_slice %arg2[%add3A_4] : memref<1048576xf32, #tpu.memory_space<hbm>> -> memref<14336xf32, #tpu.memory_space<hbm>>
      %dma_wait3A_625 = arith.constant 0 : i32
      %dma_wait3A_626 = tpu.memref_slice %arg8[%dma_wait3A_625] : memref<14352xf32, #tpu.memory_space<vmem>> -> memref<14336xf32, #tpu.memory_space<vmem>>
      %dma_wait3A_627 = tpu.memref_slice %arg2[%add3A_4] : memref<1048576xf32, #tpu.memory_space<hbm>> -> memref<14336xf32, #tpu.memory_space<hbm>>
      tpu.wait_dma2 semaphore(%run_scoped3A : memref<!tpu.dma_semaphore, #tpu.memory_space<semaphore_mem>>) src(%dma_wait3A_627 : memref<14336xf32, #tpu.memory_space<hbm>>) dst(%dma_wait3A_626 : memref<14336xf32, #tpu.memory_space<vmem>>)
      tpu.yield
    }) : () -> ()
    "tpu.region"() ({
      %run_scoped3A = tpu.sem_alloc : memref<!tpu.dma_semaphore, #tpu.memory_space<semaphore_mem>>
      %dma_start3A = arith.constant 0 : i32
      %dma_start3A_618 = tpu.memref_slice %arg9[%dma_start3A] : memref<14352xf32, #tpu.memory_space<vmem>> -> memref<14336xf32, #tpu.memory_space<vmem>>
      %dma_start3A_619 = tpu.memref_slice %arg3[%add3A_4] : memref<1048576xf32, #tpu.memory_space<hbm>> -> memref<14336xf32, #tpu.memory_space<hbm>>
      %dma_start3A_620 = arith.constant 0 : i32
      %dma_start3A_621 = tpu.memref_slice %arg9[%dma_start3A_620] : memref<14352xf32, #tpu.memory_space<vmem>> -> memref<14336xf32, #tpu.memory_space<vmem>>
      %dma_start3A_622 = tpu.memref_slice %arg3[%add3A_4] : memref<1048576xf32, #tpu.memory_space<hbm>> -> memref<14336xf32, #tpu.memory_space<hbm>>
      tpu.enqueue_dma source(%dma_start3A_622 : memref<14336xf32, #tpu.memory_space<hbm>>) target(%dma_start3A_621 : memref<14336xf32, #tpu.memory_space<vmem>>) target_semaphore(%run_scoped3A : memref<!tpu.dma_semaphore, #tpu.memory_space<semaphore_mem>>)
      %dma_wait3A = arith.constant 0 : i32
      %dma_wait3A_623 = tpu.memref_slice %arg9[%dma_wait3A] : memref<14352xf32, #tpu.memory_space<vmem>> -> memref<14336xf32, #tpu.memory_space<vmem>>
      %dma_wait3A_624 = tpu.memref_slice %arg3[%add3A_4] : memref<1048576xf32, #tpu.memory_space<hbm>> -> memref<14336xf32, #tpu.memory_space<hbm>>
      %dma_wait3A_625 = arith.constant 0 : i32
      %dma_wait3A_626 = tpu.memref_slice %arg9[%dma_wait3A_625] : memref<14352xf32, #tpu.memory_space<vmem>> -> memref<14336xf32, #tpu.memory_space<vmem>>
      %dma_wait3A_627 = tpu.memref_slice %arg3[%add3A_4] : memref<1048576xf32, #tpu.memory_space<hbm>> -> memref<14336xf32, #tpu.memory_space<hbm>>
      tpu.wait_dma2 semaphore(%run_scoped3A : memref<!tpu.dma_semaphore, #tpu.memory_space<semaphore_mem>>) src(%dma_wait3A_627 : memref<14336xf32, #tpu.memory_space<hbm>>) dst(%dma_wait3A_626 : memref<14336xf32, #tpu.memory_space<vmem>>)
      tpu.yield
    }) : () -> ()
    "tpu.region"() ({
      %run_scoped3A = tpu.sem_alloc : memref<!tpu.dma_semaphore, #tpu.memory_space<semaphore_mem>>
      %dma_start3A = tpu.memref_slice %arg4[%add3A_4] : memref<1048576xf32, #tpu.memory_space<hbm>> -> memref<14336xf32, #tpu.memory_space<hbm>>
      %dma_start3A_618 = tpu.memref_slice %arg4[%add3A_4] : memref<1048576xf32, #tpu.memory_space<hbm>> -> memref<14336xf32, #tpu.memory_space<hbm>>
      tpu.enqueue_dma source(%dma_start3A_618 : memref<14336xf32, #tpu.memory_space<hbm>>) target(%arg10 : memref<14336xf32, #tpu.memory_space<vmem>>) target_semaphore(%run_scoped3A : memref<!tpu.dma_semaphore, #tpu.memory_space<semaphore_mem>>)
      %dma_wait3A = tpu.memref_slice %arg4[%add3A_4] : memref<1048576xf32, #tpu.memory_space<hbm>> -> memref<14336xf32, #tpu.memory_space<hbm>>
      %dma_wait3A_619 = tpu.memref_slice %arg4[%add3A_4] : memref<1048576xf32, #tpu.memory_space<hbm>> -> memref<14336xf32, #tpu.memory_space<hbm>>
      tpu.wait_dma2 semaphore(%run_scoped3A : memref<!tpu.dma_semaphore, #tpu.memory_space<semaphore_mem>>) src(%dma_wait3A_619 : memref<14336xf32, #tpu.memory_space<hbm>>) dst(%arg10 : memref<14336xf32, #tpu.memory_space<vmem>>)
      tpu.yield
    }) : () -> ()
    "tpu.region"() ({
      %run_scoped3A = tpu.sem_alloc : memref<!tpu.dma_semaphore, #tpu.memory_space<semaphore_mem>>
      tpu.enqueue_dma source(%arg5 : memref<1024xf32, #tpu.memory_space<hbm>>) target(%arg11 : memref<1024xf32, #tpu.memory_space<vmem>>) target_semaphore(%run_scoped3A : memref<!tpu.dma_semaphore, #tpu.memory_space<semaphore_mem>>)
      tpu.wait_dma2 semaphore(%run_scoped3A : memref<!tpu.dma_semaphore, #tpu.memory_space<semaphore_mem>>) src(%arg5 : memref<1024xf32, #tpu.memory_space<hbm>>) dst(%arg11 : memref<1024xf32, #tpu.memory_space<vmem>>)
      tpu.yield
    }) : () -> ()
    "tpu.region"() ({
      %run_scoped3A = tpu.sem_alloc : memref<!tpu.dma_semaphore, #tpu.memory_space<semaphore_mem>>
      tpu.enqueue_dma source(%arg6 : memref<1024xf32, #tpu.memory_space<hbm>>) target(%arg12 : memref<1024xf32, #tpu.memory_space<vmem>>) target_semaphore(%run_scoped3A : memref<!tpu.dma_semaphore, #tpu.memory_space<semaphore_mem>>)
      tpu.wait_dma2 semaphore(%run_scoped3A : memref<!tpu.dma_semaphore, #tpu.memory_space<semaphore_mem>>) src(%arg6 : memref<1024xf32, #tpu.memory_space<hbm>>) dst(%arg12 : memref<1024xf32, #tpu.memory_space<vmem>>)
      tpu.yield
    }) : () -> ()
    %scan3A = arith.constant 0 : i32
    %scan3A_5 = arith.constant 0 : i32
    %scan3A_6 = arith.constant 896 : i32
    %scan3A_7 = arith.addi %scan3A_5, %scan3A_6 : i32
    %scan3A_8 = arith.constant 1 : i32
    %scan3A_9 = scf.for %scan3A_618 = %scan3A_5 to %scan3A_7 step %scan3A_8 iter_args(%scan3A_619 = %scan3A) -> (i32)  : i32 {
      %mul3A_620 = arith.constant 16 : i32
      %mul3A_621 = arith.muli %scan3A_618, %mul3A_620 : i32
      %get3A_622 = arith.index_cast %mul3A_621 : i32 to index
      %get3A_623 = tpu.vector_load %arg8[%get3A_622] {strides = array<i32>} : memref<14352xf32, #tpu.memory_space<vmem>>, vector<16xf32>,
      %get3A_624 = arith.index_cast %mul3A_621 : i32 to index
      %get3A_625 = tpu.vector_load %arg9[%get3A_624] {strides = array<i32>} : memref<14352xf32, #tpu.memory_space<vmem>>, vector<16xf32>,
      %get3A_626 = arith.index_cast %mul3A_621 : i32 to index
      %get3A_627 = tpu.vector_load %arg10[%get3A_626] {strides = array<i32>} : memref<14336xf32, #tpu.memory_space<vmem>>, vector<16xf32>,
      %gt3A = arith.constant 5.000000e-01 : f32
      %gt3A_628 = vector.broadcast %gt3A : f32 to vector<16xf32>
      %gt3A_629 = arith.cmpf ogt, %get3A_627, %gt3A_628 : vector<16xf32>
      %swap3A_630 = arith.index_cast %scan3A_619 : i32 to index
      %swap3A_631 = tpu.vector_load %arg8[%swap3A_630] masked %gt3A_629 {strides = array<i32>} : memref<14352xf32, #tpu.memory_space<vmem>>, vector<16xf32>, vector<16xi1>
      tpu.vector_store %arg8[%swap3A_630], %get3A_623 masked %gt3A_629 {strides = array<i32>} : memref<14352xf32, #tpu.memory_space<vmem>>, vector<16xf32>, vector<16xi1>
      %swap3A_632 = arith.index_cast %scan3A_619 : i32 to index
      %swap3A_633 = tpu.vector_load %arg9[%swap3A_632] masked %gt3A_629 {strides = array<i32>} : memref<14352xf32, #tpu.memory_space<vmem>>, vector<16xf32>, vector<16xi1>
      tpu.vector_store %arg9[%swap3A_632], %get3A_625 masked %gt3A_629 {strides = array<i32>} : memref<14352xf32, #tpu.memory_space<vmem>>, vector<16xf32>, vector<16xi1>
      %all_reduce_population_count3A = tpu.all_reduce %gt3A_629 {dim = 0 : i64, kind = #tpu.reduction_kind<sum>} : vector<16xi1> -> vector<16xi32>
      %reduce_max3A = arith.constant true
      %reduce_max3A_634 = vector.broadcast %reduce_max3A : i1 to vector<16xi1>
      %reduce_max3A_635 = arith.constant -2147483648 : i32
      %reduce_max3A_636 = vector.broadcast %reduce_max3A_635 : i32 to vector<16xi32>
      %reduce_max3A_637 = arith.xori %all_reduce_population_count3A, %reduce_max3A_636 : vector<16xi32>
      %reduce_max3A_638 = tpu.scan <max>, %reduce_max3A_637 masked %reduce_max3A_634 : vector<16xi32>, vector<16xi1> -> vector<16xi32>
      %reduce_max3A_639 = arith.xori %reduce_max3A_638, %reduce_max3A_636 : vector<16xi32>
      %reduce_max3A_640 = vector.extract %reduce_max3A_639[15] : i32 from vector<16xi32>
      %add3A_641 = arith.addi %scan3A_619, %reduce_max3A_640 : i32
      scf.yield %add3A_641 : i32
    }
    %scan3A_10 = arith.constant 896 : i32
    %broadcast_in_dim3A = arith.constant 9.99999984E+17 : f32
    %broadcast_in_dim3A_11 = vector.broadcast %broadcast_in_dim3A : f32 to vector<16xf32>
    %swap3A = arith.index_cast %scan3A_9 : i32 to index
    %swap3A_12 = tpu.vector_load %arg8[%swap3A] {strides = array<i32>} : memref<14352xf32, #tpu.memory_space<vmem>>, vector<16xf32>,
    tpu.vector_store %arg8[%swap3A], %broadcast_in_dim3A_11 {strides = array<i32>} : memref<14352xf32, #tpu.memory_space<vmem>>, vector<16xf32>,
    %swap3A_13 = arith.index_cast %scan3A_9 : i32 to index
    %swap3A_14 = tpu.vector_load %arg9[%swap3A_13] {strides = array<i32>} : memref<14352xf32, #tpu.memory_space<vmem>>, vector<16xf32>,
    tpu.vector_store %arg9[%swap3A_13], %broadcast_in_dim3A_11 {strides = array<i32>} : memref<14352xf32, #tpu.memory_space<vmem>>, vector<16xf32>,
    %add3A_15 = arith.constant 15 : i32
    %add3A_16 = arith.addi %scan3A_9, %add3A_15 : i32
    %shift_right_logical3A = arith.constant 4 : i32
    %shift_right_logical3A_17 = arith.shrui %add3A_16, %shift_right_logical3A : i32
    %broadcast_in_dim3A_18 = arith.constant 0x7F800000 : f32
    %broadcast_in_dim3A_19 = vector.broadcast %broadcast_in_dim3A_18 : f32 to vector<16xf32>
    %get3A = arith.constant 0 : index
    %get3A_20 = tpu.vector_load %arg11[%get3A] {strides = array<i32>} : memref<1024xf32, #tpu.memory_space<vmem>>, vector<16xf32>,
    %get3A_21 = arith.constant 16 : index
    %get3A_22 = tpu.vector_load %arg11[%get3A_21] {strides = array<i32>} : memref<1024xf32, #tpu.memory_space<vmem>>, vector<16xf32>,
    %get3A_23 = arith.constant 32 : index
    %get3A_24 = tpu.vector_load %arg11[%get3A_23] {strides = array<i32>} : memref<1024xf32, #tpu.memory_space<vmem>>, vector<16xf32>,
    %get3A_25 = arith.constant 48 : index
    %get3A_26 = tpu.vector_load %arg11[%get3A_25] {strides = array<i32>} : memref<1024xf32, #tpu.memory_space<vmem>>, vector<16xf32>,
    %get3A_27 = arith.constant 64 : index
    %get3A_28 = tpu.vector_load %arg11[%get3A_27] {strides = array<i32>} : memref<1024xf32, #tpu.memory_space<vmem>>, vector<16xf32>,
    %get3A_29 = arith.constant 80 : index
    %get3A_30 = tpu.vector_load %arg11[%get3A_29] {strides = array<i32>} : memref<1024xf32, #tpu.memory_space<vmem>>, vector<16xf32>,
    %get3A_31 = arith.constant 96 : index
    %get3A_32 = tpu.vector_load %arg11[%get3A_31] {strides = array<i32>} : memref<1024xf32, #tpu.memory_space<vmem>>, vector<16xf32>,
    %get3A_33 = arith.constant 112 : index
    %get3A_34 = tpu.vector_load %arg11[%get3A_33] {strides = array<i32>} : memref<1024xf32, #tpu.memory_space<vmem>>, vector<16xf32>,
    %get3A_35 = arith.constant 0 : index
    %get3A_36 = tpu.vector_load %arg12[%get3A_35] {strides = array<i32>} : memref<1024xf32, #tpu.memory_space<vmem>>, vector<16xf32>,
    %get3A_37 = arith.constant 16 : index
    %get3A_38 = tpu.vector_load %arg12[%get3A_37] {strides = array<i32>} : memref<1024xf32, #tpu.memory_space<vmem>>, vector<16xf32>,
    %get3A_39 = arith.constant 32 : index
    %get3A_40 = tpu.vector_load %arg12[%get3A_39] {strides = array<i32>} : memref<1024xf32, #tpu.memory_space<vmem>>, vector<16xf32>,
    %get3A_41 = arith.constant 48 : index
    %get3A_42 = tpu.vector_load %arg12[%get3A_41] {strides = array<i32>} : memref<1024xf32, #tpu.memory_space<vmem>>, vector<16xf32>,
    %get3A_43 = arith.constant 64 : index
    %get3A_44 = tpu.vector_load %arg12[%get3A_43] {strides = array<i32>} : memref<1024xf32, #tpu.memory_space<vmem>>, vector<16xf32>,
    %get3A_45 = arith.constant 80 : index
    %get3A_46 = tpu.vector_load %arg12[%get3A_45] {strides = array<i32>} : memref<1024xf32, #tpu.memory_space<vmem>>, vector<16xf32>,
    %get3A_47 = arith.constant 96 : index
    %get3A_48 = tpu.vector_load %arg12[%get3A_47] {strides = array<i32>} : memref<1024xf32, #tpu.memory_space<vmem>>, vector<16xf32>,
    %get3A_49 = arith.constant 112 : index
    %get3A_50 = tpu.vector_load %arg12[%get3A_49] {strides = array<i32>} : memref<1024xf32, #tpu.memory_space<vmem>>, vector<16xf32>,
    %while3A = arith.constant 0 : i32
    %while3A_51 = arith.subi %shift_right_logical3A_17, %while3A : i32
    %while3A_52 = arith.addi %while3A, %while3A_51 : i32
    %while3A_53 = arith.constant 1 : i32
    %while3A_54 = arith.divsi %while3A_51, %while3A_53 : i32
    %while3A_55 = arith.muli %while3A_54, %while3A_53 : i32
    %while3A_56 = arith.addi %while3A, %while3A_55 : i32
    %while3A_57 = arith.constant 1 : i32
    %while3A_58:8 = scf.for %while3A_618 = %while3A to %while3A_56 step %while3A_57 iter_args(%while3A_619 = %broadcast_in_dim3A_19, %while3A_620 = %broadcast_in_dim3A_19, %while3A_621 = %broadcast_in_dim3A_19, %while3A_622 = %broadcast_in_dim3A_19, %while3A_623 = %broadcast_in_dim3A_19, %while3A_624 = %broadcast_in_dim3A_19, %while3A_625 = %broadcast_in_dim3A_19, %while3A_626 = %broadcast_in_dim3A_19) -> (vector<16xf32>, vector<16xf32>, vector<16xf32>, vector<16xf32>, vector<16xf32>, vector<16xf32>, vector<16xf32>, vector<16xf32>)  : i32 {
      %mul3A_627 = arith.constant 16 : i32
      %mul3A_628 = arith.muli %while3A_618, %mul3A_627 : i32
      %get3A_629 = arith.index_cast %mul3A_628 : i32 to index
      %get3A_630 = tpu.vector_load %arg8[%get3A_629] {strides = array<i32>} : memref<14352xf32, #tpu.memory_space<vmem>>, vector<16xf32>,
      %get3A_631 = arith.index_cast %mul3A_628 : i32 to index
      %get3A_632 = tpu.vector_load %arg9[%get3A_631] {strides = array<i32>} : memref<14352xf32, #tpu.memory_space<vmem>>, vector<16xf32>,
      %sub3A = arith.subf %get3A_630, %get3A_20 : vector<16xf32>
      %sub3A_633 = arith.subf %get3A_632, %get3A_36 : vector<16xf32>
      %mul3A_634 = arith.mulf %sub3A, %sub3A : vector<16xf32>
      %mul3A_635 = arith.mulf %sub3A_633, %sub3A_633 : vector<16xf32>
      %add3A_636 = arith.addf %mul3A_634, %mul3A_635 : vector<16xf32>
      %min3A = arith.minimumf %while3A_619, %add3A_636 : vector<16xf32>
      %sub3A_637 = arith.subf %get3A_630, %get3A_22 : vector<16xf32>
      %sub3A_638 = arith.subf %get3A_632, %get3A_38 : vector<16xf32>
      %mul3A_639 = arith.mulf %sub3A_637, %sub3A_637 : vector<16xf32>
      %mul3A_640 = arith.mulf %sub3A_638, %sub3A_638 : vector<16xf32>
      %add3A_641 = arith.addf %mul3A_639, %mul3A_640 : vector<16xf32>
      %min3A_642 = arith.minimumf %while3A_620, %add3A_641 : vector<16xf32>
      %sub3A_643 = arith.subf %get3A_630, %get3A_24 : vector<16xf32>
      %sub3A_644 = arith.subf %get3A_632, %get3A_40 : vector<16xf32>
      %mul3A_645 = arith.mulf %sub3A_643, %sub3A_643 : vector<16xf32>
      %mul3A_646 = arith.mulf %sub3A_644, %sub3A_644 : vector<16xf32>
      %add3A_647 = arith.addf %mul3A_645, %mul3A_646 : vector<16xf32>
      %min3A_648 = arith.minimumf %while3A_621, %add3A_647 : vector<16xf32>
      %sub3A_649 = arith.subf %get3A_630, %get3A_26 : vector<16xf32>
      %sub3A_650 = arith.subf %get3A_632, %get3A_42 : vector<16xf32>
      %mul3A_651 = arith.mulf %sub3A_649, %sub3A_649 : vector<16xf32>
      %mul3A_652 = arith.mulf %sub3A_650, %sub3A_650 : vector<16xf32>
      %add3A_653 = arith.addf %mul3A_651, %mul3A_652 : vector<16xf32>
      %min3A_654 = arith.minimumf %while3A_622, %add3A_653 : vector<16xf32>
      %sub3A_655 = arith.subf %get3A_630, %get3A_28 : vector<16xf32>
      %sub3A_656 = arith.subf %get3A_632, %get3A_44 : vector<16xf32>
      %mul3A_657 = arith.mulf %sub3A_655, %sub3A_655 : vector<16xf32>
      %mul3A_658 = arith.mulf %sub3A_656, %sub3A_656 : vector<16xf32>
      %add3A_659 = arith.addf %mul3A_657, %mul3A_658 : vector<16xf32>
      %min3A_660 = arith.minimumf %while3A_623, %add3A_659 : vector<16xf32>
      %sub3A_661 = arith.subf %get3A_630, %get3A_30 : vector<16xf32>
      %sub3A_662 = arith.subf %get3A_632, %get3A_46 : vector<16xf32>
      %mul3A_663 = arith.mulf %sub3A_661, %sub3A_661 : vector<16xf32>
      %mul3A_664 = arith.mulf %sub3A_662, %sub3A_662 : vector<16xf32>
      %add3A_665 = arith.addf %mul3A_663, %mul3A_664 : vector<16xf32>
      %min3A_666 = arith.minimumf %while3A_624, %add3A_665 : vector<16xf32>
      %sub3A_667 = arith.subf %get3A_630, %get3A_32 : vector<16xf32>
      %sub3A_668 = arith.subf %get3A_632, %get3A_48 : vector<16xf32>
      %mul3A_669 = arith.mulf %sub3A_667, %sub3A_667 : vector<16xf32>
      %mul3A_670 = arith.mulf %sub3A_668, %sub3A_668 : vector<16xf32>
      %add3A_671 = arith.addf %mul3A_669, %mul3A_670 : vector<16xf32>
      %min3A_672 = arith.minimumf %while3A_625, %add3A_671 : vector<16xf32>
      %sub3A_673 = arith.subf %get3A_630, %get3A_34 : vector<16xf32>
      %sub3A_674 = arith.subf %get3A_632, %get3A_50 : vector<16xf32>
      %mul3A_675 = arith.mulf %sub3A_673, %sub3A_673 : vector<16xf32>
      %mul3A_676 = arith.mulf %sub3A_674, %sub3A_674 : vector<16xf32>
      %add3A_677 = arith.addf %mul3A_675, %mul3A_676 : vector<16xf32>
      %min3A_678 = arith.minimumf %while3A_626, %add3A_677 : vector<16xf32>
      scf.yield %min3A, %min3A_642, %min3A_648, %min3A_654, %min3A_660, %min3A_666, %min3A_672, %min3A_678 : vector<16xf32>, vector<16xf32>, vector<16xf32>, vector<16xf32>, vector<16xf32>, vector<16xf32>, vector<16xf32>, vector<16xf32>
    }
    %while3A_59 = arith.constant 1 : i32
    %while3A_60:8 = scf.for %while3A_618 = %while3A_56 to %while3A_52 step %while3A_59 iter_args(%while3A_619 = %while3A_58#0, %while3A_620 = %while3A_58#1, %while3A_621 = %while3A_58#2, %while3A_622 = %while3A_58#3, %while3A_623 = %while3A_58#4, %while3A_624 = %while3A_58#5, %while3A_625 = %while3A_58#6, %while3A_626 = %while3A_58#7) -> (vector<16xf32>, vector<16xf32>, vector<16xf32>, vector<16xf32>, vector<16xf32>, vector<16xf32>, vector<16xf32>, vector<16xf32>)  : i32 {
      %mul3A_627 = arith.constant 16 : i32
      %mul3A_628 = arith.muli %while3A_618, %mul3A_627 : i32
      %get3A_629 = arith.index_cast %mul3A_628 : i32 to index
      %get3A_630 = tpu.vector_load %arg8[%get3A_629] {strides = array<i32>} : memref<14352xf32, #tpu.memory_space<vmem>>, vector<16xf32>,
      %get3A_631 = arith.index_cast %mul3A_628 : i32 to index
      %get3A_632 = tpu.vector_load %arg9[%get3A_631] {strides = array<i32>} : memref<14352xf32, #tpu.memory_space<vmem>>, vector<16xf32>,
      %sub3A = arith.subf %get3A_630, %get3A_20 : vector<16xf32>
      %sub3A_633 = arith.subf %get3A_632, %get3A_36 : vector<16xf32>
      %mul3A_634 = arith.mulf %sub3A, %sub3A : vector<16xf32>
      %mul3A_635 = arith.mulf %sub3A_633, %sub3A_633 : vector<16xf32>
      %add3A_636 = arith.addf %mul3A_634, %mul3A_635 : vector<16xf32>
      %min3A = arith.minimumf %while3A_619, %add3A_636 : vector<16xf32>
      %sub3A_637 = arith.subf %get3A_630, %get3A_22 : vector<16xf32>
      %sub3A_638 = arith.subf %get3A_632, %get3A_38 : vector<16xf32>
      %mul3A_639 = arith.mulf %sub3A_637, %sub3A_637 : vector<16xf32>
      %mul3A_640 = arith.mulf %sub3A_638, %sub3A_638 : vector<16xf32>
      %add3A_641 = arith.addf %mul3A_639, %mul3A_640 : vector<16xf32>
      %min3A_642 = arith.minimumf %while3A_620, %add3A_641 : vector<16xf32>
      %sub3A_643 = arith.subf %get3A_630, %get3A_24 : vector<16xf32>
      %sub3A_644 = arith.subf %get3A_632, %get3A_40 : vector<16xf32>
      %mul3A_645 = arith.mulf %sub3A_643, %sub3A_643 : vector<16xf32>
      %mul3A_646 = arith.mulf %sub3A_644, %sub3A_644 : vector<16xf32>
      %add3A_647 = arith.addf %mul3A_645, %mul3A_646 : vector<16xf32>
      %min3A_648 = arith.minimumf %while3A_621, %add3A_647 : vector<16xf32>
      %sub3A_649 = arith.subf %get3A_630, %get3A_26 : vector<16xf32>
      %sub3A_650 = arith.subf %get3A_632, %get3A_42 : vector<16xf32>
      %mul3A_651 = arith.mulf %sub3A_649, %sub3A_649 : vector<16xf32>
      %mul3A_652 = arith.mulf %sub3A_650, %sub3A_650 : vector<16xf32>
      %add3A_653 = arith.addf %mul3A_651, %mul3A_652 : vector<16xf32>
      %min3A_654 = arith.minimumf %while3A_622, %add3A_653 : vector<16xf32>
      %sub3A_655 = arith.subf %get3A_630, %get3A_28 : vector<16xf32>
      %sub3A_656 = arith.subf %get3A_632, %get3A_44 : vector<16xf32>
      %mul3A_657 = arith.mulf %sub3A_655, %sub3A_655 : vector<16xf32>
      %mul3A_658 = arith.mulf %sub3A_656, %sub3A_656 : vector<16xf32>
      %add3A_659 = arith.addf %mul3A_657, %mul3A_658 : vector<16xf32>
      %min3A_660 = arith.minimumf %while3A_623, %add3A_659 : vector<16xf32>
      %sub3A_661 = arith.subf %get3A_630, %get3A_30 : vector<16xf32>
      %sub3A_662 = arith.subf %get3A_632, %get3A_46 : vector<16xf32>
      %mul3A_663 = arith.mulf %sub3A_661, %sub3A_661 : vector<16xf32>
      %mul3A_664 = arith.mulf %sub3A_662, %sub3A_662 : vector<16xf32>
      %add3A_665 = arith.addf %mul3A_663, %mul3A_664 : vector<16xf32>
      %min3A_666 = arith.minimumf %while3A_624, %add3A_665 : vector<16xf32>
      %sub3A_667 = arith.subf %get3A_630, %get3A_32 : vector<16xf32>
      %sub3A_668 = arith.subf %get3A_632, %get3A_48 : vector<16xf32>
      %mul3A_669 = arith.mulf %sub3A_667, %sub3A_667 : vector<16xf32>
      %mul3A_670 = arith.mulf %sub3A_668, %sub3A_668 : vector<16xf32>
      %add3A_671 = arith.addf %mul3A_669, %mul3A_670 : vector<16xf32>
      %min3A_672 = arith.minimumf %while3A_625, %add3A_671 : vector<16xf32>
      %sub3A_673 = arith.subf %get3A_630, %get3A_34 : vector<16xf32>
      %sub3A_674 = arith.subf %get3A_632, %get3A_50 : vector<16xf32>
      %mul3A_675 = arith.mulf %sub3A_673, %sub3A_673 : vector<16xf32>
      %mul3A_676 = arith.mulf %sub3A_674, %sub3A_674 : vector<16xf32>
      %add3A_677 = arith.addf %mul3A_675, %mul3A_676 : vector<16xf32>
      %min3A_678 = arith.minimumf %while3A_626, %add3A_677 : vector<16xf32>
      scf.yield %min3A, %min3A_642, %min3A_648, %min3A_654, %min3A_660, %min3A_666, %min3A_672, %min3A_678 : vector<16xf32>, vector<16xf32>, vector<16xf32>, vector<16xf32>, vector<16xf32>, vector<16xf32>, vector<16xf32>, vector<16xf32>
    }
    %swap3A_61 = arith.constant 0 : i32
    %swap3A_62 = arith.index_cast %swap3A_61 : i32 to index
    %swap3A_63 = arith.constant 0 : index
    %swap3A_64 = tpu.vector_load %arg13[%swap3A_62, %swap3A_63] {strides = array<i32>} : memref<64x16xf32, #tpu.memory_space<vmem>>, vector<16xf32>,
    tpu.vector_store %arg13[%swap3A_62, %swap3A_63], %while3A_60#0 {strides = array<i32>} : memref<64x16xf32, #tpu.memory_space<vmem>>, vector<16xf32>,
    %swap3A_65 = arith.constant 1 : i32
    %swap3A_66 = arith.index_cast %swap3A_65 : i32 to index
    %swap3A_67 = arith.constant 0 : index
    %swap3A_68 = tpu.vector_load %arg13[%swap3A_66, %swap3A_67] {strides = array<i32>} : memref<64x16xf32, #tpu.memory_space<vmem>>, vector<16xf32>,
    tpu.vector_store %arg13[%swap3A_66, %swap3A_67], %while3A_60#1 {strides = array<i32>} : memref<64x16xf32, #tpu.memory_space<vmem>>, vector<16xf32>,
    %swap3A_69 = arith.constant 2 : i32
    %swap3A_70 = arith.index_cast %swap3A_69 : i32 to index
    %swap3A_71 = arith.constant 0 : index
    %swap3A_72 = tpu.vector_load %arg13[%swap3A_70, %swap3A_71] {strides = array<i32>} : memref<64x16xf32, #tpu.memory_space<vmem>>, vector<16xf32>,
    tpu.vector_store %arg13[%swap3A_70, %swap3A_71], %while3A_60#2 {strides = array<i32>} : memref<64x16xf32, #tpu.memory_space<vmem>>, vector<16xf32>,
    %swap3A_73 = arith.constant 3 : i32
    %swap3A_74 = arith.index_cast %swap3A_73 : i32 to index
    %swap3A_75 = arith.constant 0 : index
    %swap3A_76 = tpu.vector_load %arg13[%swap3A_74, %swap3A_75] {strides = array<i32>} : memref<64x16xf32, #tpu.memory_space<vmem>>, vector<16xf32>,
    tpu.vector_store %arg13[%swap3A_74, %swap3A_75], %while3A_60#3 {strides = array<i32>} : memref<64x16xf32, #tpu.memory_space<vmem>>, vector<16xf32>,
    %swap3A_77 = arith.constant 4 : i32
    %swap3A_78 = arith.index_cast %swap3A_77 : i32 to index
    %swap3A_79 = arith.constant 0 : index
    %swap3A_80 = tpu.vector_load %arg13[%swap3A_78, %swap3A_79] {strides = array<i32>} : memref<64x16xf32, #tpu.memory_space<vmem>>, vector<16xf32>,
    tpu.vector_store %arg13[%swap3A_78, %swap3A_79], %while3A_60#4 {strides = array<i32>} : memref<64x16xf32, #tpu.memory_space<vmem>>, vector<16xf32>,
    %swap3A_81 = arith.constant 5 : i32
    %swap3A_82 = arith.index_cast %swap3A_81 : i32 to index
    %swap3A_83 = arith.constant 0 : index
    %swap3A_84 = tpu.vector_load %arg13[%swap3A_82, %swap3A_83] {strides = array<i32>} : memref<64x16xf32, #tpu.memory_space<vmem>>, vector<16xf32>,
    tpu.vector_store %arg13[%swap3A_82, %swap3A_83], %while3A_60#5 {strides = array<i32>} : memref<64x16xf32, #tpu.memory_space<vmem>>, vector<16xf32>,
    %swap3A_85 = arith.constant 6 : i32
    %swap3A_86 = arith.index_cast %swap3A_85 : i32 to index
    %swap3A_87 = arith.constant 0 : index
    %swap3A_88 = tpu.vector_load %arg13[%swap3A_86, %swap3A_87] {strides = array<i32>} : memref<64x16xf32, #tpu.memory_space<vmem>>, vector<16xf32>,
    tpu.vector_store %arg13[%swap3A_86, %swap3A_87], %while3A_60#6 {strides = array<i32>} : memref<64x16xf32, #tpu.memory_space<vmem>>, vector<16xf32>,
    %swap3A_89 = arith.constant 7 : i32
    %swap3A_90 = arith.index_cast %swap3A_89 : i32 to index
    %swap3A_91 = arith.constant 0 : index
    %swap3A_92 = tpu.vector_load %arg13[%swap3A_90, %swap3A_91] {strides = array<i32>} : memref<64x16xf32, #tpu.memory_space<vmem>>, vector<16xf32>,
    tpu.vector_store %arg13[%swap3A_90, %swap3A_91], %while3A_60#7 {strides = array<i32>} : memref<64x16xf32, #tpu.memory_space<vmem>>, vector<16xf32>,
    %get3A_93 = arith.constant 128 : index
    %get3A_94 = tpu.vector_load %arg11[%get3A_93] {strides = array<i32>} : memref<1024xf32, #tpu.memory_space<vmem>>, vector<16xf32>,
    %get3A_95 = arith.constant 144 : index
    %get3A_96 = tpu.vector_load %arg11[%get3A_95] {strides = array<i32>} : memref<1024xf32, #tpu.memory_space<vmem>>, vector<16xf32>,
    %get3A_97 = arith.constant 160 : index
    %get3A_98 = tpu.vector_load %arg11[%get3A_97] {strides = array<i32>} : memref<1024xf32, #tpu.memory_space<vmem>>, vector<16xf32>,
    %get3A_99 = arith.constant 176 : index
    %get3A_100 = tpu.vector_load %arg11[%get3A_99] {strides = array<i32>} : memref<1024xf32, #tpu.memory_space<vmem>>, vector<16xf32>,
    %get3A_101 = arith.constant 192 : index
    %get3A_102 = tpu.vector_load %arg11[%get3A_101] {strides = array<i32>} : memref<1024xf32, #tpu.memory_space<vmem>>, vector<16xf32>,
    %get3A_103 = arith.constant 208 : index
    %get3A_104 = tpu.vector_load %arg11[%get3A_103] {strides = array<i32>} : memref<1024xf32, #tpu.memory_space<vmem>>, vector<16xf32>,
    %get3A_105 = arith.constant 224 : index
    %get3A_106 = tpu.vector_load %arg11[%get3A_105] {strides = array<i32>} : memref<1024xf32, #tpu.memory_space<vmem>>, vector<16xf32>,
    %get3A_107 = arith.constant 240 : index
    %get3A_108 = tpu.vector_load %arg11[%get3A_107] {strides = array<i32>} : memref<1024xf32, #tpu.memory_space<vmem>>, vector<16xf32>,
    %get3A_109 = arith.constant 128 : index
    %get3A_110 = tpu.vector_load %arg12[%get3A_109] {strides = array<i32>} : memref<1024xf32, #tpu.memory_space<vmem>>, vector<16xf32>,
    %get3A_111 = arith.constant 144 : index
    %get3A_112 = tpu.vector_load %arg12[%get3A_111] {strides = array<i32>} : memref<1024xf32, #tpu.memory_space<vmem>>, vector<16xf32>,
    %get3A_113 = arith.constant 160 : index
    %get3A_114 = tpu.vector_load %arg12[%get3A_113] {strides = array<i32>} : memref<1024xf32, #tpu.memory_space<vmem>>, vector<16xf32>,
    %get3A_115 = arith.constant 176 : index
    %get3A_116 = tpu.vector_load %arg12[%get3A_115] {strides = array<i32>} : memref<1024xf32, #tpu.memory_space<vmem>>, vector<16xf32>,
    %get3A_117 = arith.constant 192 : index
    %get3A_118 = tpu.vector_load %arg12[%get3A_117] {strides = array<i32>} : memref<1024xf32, #tpu.memory_space<vmem>>, vector<16xf32>,
    %get3A_119 = arith.constant 208 : index
    %get3A_120 = tpu.vector_load %arg12[%get3A_119] {strides = array<i32>} : memref<1024xf32, #tpu.memory_space<vmem>>, vector<16xf32>,
    %get3A_121 = arith.constant 224 : index
    %get3A_122 = tpu.vector_load %arg12[%get3A_121] {strides = array<i32>} : memref<1024xf32, #tpu.memory_space<vmem>>, vector<16xf32>,
    %get3A_123 = arith.constant 240 : index
    %get3A_124 = tpu.vector_load %arg12[%get3A_123] {strides = array<i32>} : memref<1024xf32, #tpu.memory_space<vmem>>, vector<16xf32>,
    %while3A_125 = arith.constant 0 : i32
    %while3A_126 = arith.subi %shift_right_logical3A_17, %while3A_125 : i32
    %while3A_127 = arith.addi %while3A_125, %while3A_126 : i32
    %while3A_128 = arith.constant 1 : i32
    %while3A_129 = arith.divsi %while3A_126, %while3A_128 : i32
    %while3A_130 = arith.muli %while3A_129, %while3A_128 : i32
    %while3A_131 = arith.addi %while3A_125, %while3A_130 : i32
    %while3A_132 = arith.constant 1 : i32
    %while3A_133:8 = scf.for %while3A_618 = %while3A_125 to %while3A_131 step %while3A_132 iter_args(%while3A_619 = %broadcast_in_dim3A_19, %while3A_620 = %broadcast_in_dim3A_19, %while3A_621 = %broadcast_in_dim3A_19, %while3A_622 = %broadcast_in_dim3A_19, %while3A_623 = %broadcast_in_dim3A_19, %while3A_624 = %broadcast_in_dim3A_19, %while3A_625 = %broadcast_in_dim3A_19, %while3A_626 = %broadcast_in_dim3A_19) -> (vector<16xf32>, vector<16xf32>, vector<16xf32>, vector<16xf32>, vector<16xf32>, vector<16xf32>, vector<16xf32>, vector<16xf32>)  : i32 {
      %mul3A_627 = arith.constant 16 : i32
      %mul3A_628 = arith.muli %while3A_618, %mul3A_627 : i32
      %get3A_629 = arith.index_cast %mul3A_628 : i32 to index
      %get3A_630 = tpu.vector_load %arg8[%get3A_629] {strides = array<i32>} : memref<14352xf32, #tpu.memory_space<vmem>>, vector<16xf32>,
      %get3A_631 = arith.index_cast %mul3A_628 : i32 to index
      %get3A_632 = tpu.vector_load %arg9[%get3A_631] {strides = array<i32>} : memref<14352xf32, #tpu.memory_space<vmem>>, vector<16xf32>,
      %sub3A = arith.subf %get3A_630, %get3A_94 : vector<16xf32>
      %sub3A_633 = arith.subf %get3A_632, %get3A_110 : vector<16xf32>
      %mul3A_634 = arith.mulf %sub3A, %sub3A : vector<16xf32>
      %mul3A_635 = arith.mulf %sub3A_633, %sub3A_633 : vector<16xf32>
      %add3A_636 = arith.addf %mul3A_634, %mul3A_635 : vector<16xf32>
      %min3A = arith.minimumf %while3A_619, %add3A_636 : vector<16xf32>
      %sub3A_637 = arith.subf %get3A_630, %get3A_96 : vector<16xf32>
      %sub3A_638 = arith.subf %get3A_632, %get3A_112 : vector<16xf32>
      %mul3A_639 = arith.mulf %sub3A_637, %sub3A_637 : vector<16xf32>
      %mul3A_640 = arith.mulf %sub3A_638, %sub3A_638 : vector<16xf32>
      %add3A_641 = arith.addf %mul3A_639, %mul3A_640 : vector<16xf32>
      %min3A_642 = arith.minimumf %while3A_620, %add3A_641 : vector<16xf32>
      %sub3A_643 = arith.subf %get3A_630, %get3A_98 : vector<16xf32>
      %sub3A_644 = arith.subf %get3A_632, %get3A_114 : vector<16xf32>
      %mul3A_645 = arith.mulf %sub3A_643, %sub3A_643 : vector<16xf32>
      %mul3A_646 = arith.mulf %sub3A_644, %sub3A_644 : vector<16xf32>
      %add3A_647 = arith.addf %mul3A_645, %mul3A_646 : vector<16xf32>
      %min3A_648 = arith.minimumf %while3A_621, %add3A_647 : vector<16xf32>
      %sub3A_649 = arith.subf %get3A_630, %get3A_100 : vector<16xf32>
      %sub3A_650 = arith.subf %get3A_632, %get3A_116 : vector<16xf32>
      %mul3A_651 = arith.mulf %sub3A_649, %sub3A_649 : vector<16xf32>
      %mul3A_652 = arith.mulf %sub3A_650, %sub3A_650 : vector<16xf32>
      %add3A_653 = arith.addf %mul3A_651, %mul3A_652 : vector<16xf32>
      %min3A_654 = arith.minimumf %while3A_622, %add3A_653 : vector<16xf32>
      %sub3A_655 = arith.subf %get3A_630, %get3A_102 : vector<16xf32>
      %sub3A_656 = arith.subf %get3A_632, %get3A_118 : vector<16xf32>
      %mul3A_657 = arith.mulf %sub3A_655, %sub3A_655 : vector<16xf32>
      %mul3A_658 = arith.mulf %sub3A_656, %sub3A_656 : vector<16xf32>
      %add3A_659 = arith.addf %mul3A_657, %mul3A_658 : vector<16xf32>
      %min3A_660 = arith.minimumf %while3A_623, %add3A_659 : vector<16xf32>
      %sub3A_661 = arith.subf %get3A_630, %get3A_104 : vector<16xf32>
      %sub3A_662 = arith.subf %get3A_632, %get3A_120 : vector<16xf32>
      %mul3A_663 = arith.mulf %sub3A_661, %sub3A_661 : vector<16xf32>
      %mul3A_664 = arith.mulf %sub3A_662, %sub3A_662 : vector<16xf32>
      %add3A_665 = arith.addf %mul3A_663, %mul3A_664 : vector<16xf32>
      %min3A_666 = arith.minimumf %while3A_624, %add3A_665 : vector<16xf32>
      %sub3A_667 = arith.subf %get3A_630, %get3A_106 : vector<16xf32>
      %sub3A_668 = arith.subf %get3A_632, %get3A_122 : vector<16xf32>
      %mul3A_669 = arith.mulf %sub3A_667, %sub3A_667 : vector<16xf32>
      %mul3A_670 = arith.mulf %sub3A_668, %sub3A_668 : vector<16xf32>
      %add3A_671 = arith.addf %mul3A_669, %mul3A_670 : vector<16xf32>
      %min3A_672 = arith.minimumf %while3A_625, %add3A_671 : vector<16xf32>
      %sub3A_673 = arith.subf %get3A_630, %get3A_108 : vector<16xf32>
      %sub3A_674 = arith.subf %get3A_632, %get3A_124 : vector<16xf32>
      %mul3A_675 = arith.mulf %sub3A_673, %sub3A_673 : vector<16xf32>
      %mul3A_676 = arith.mulf %sub3A_674, %sub3A_674 : vector<16xf32>
      %add3A_677 = arith.addf %mul3A_675, %mul3A_676 : vector<16xf32>
      %min3A_678 = arith.minimumf %while3A_626, %add3A_677 : vector<16xf32>
      scf.yield %min3A, %min3A_642, %min3A_648, %min3A_654, %min3A_660, %min3A_666, %min3A_672, %min3A_678 : vector<16xf32>, vector<16xf32>, vector<16xf32>, vector<16xf32>, vector<16xf32>, vector<16xf32>, vector<16xf32>, vector<16xf32>
    }
    %while3A_134 = arith.constant 1 : i32
    %while3A_135:8 = scf.for %while3A_618 = %while3A_131 to %while3A_127 step %while3A_134 iter_args(%while3A_619 = %while3A_133#0, %while3A_620 = %while3A_133#1, %while3A_621 = %while3A_133#2, %while3A_622 = %while3A_133#3, %while3A_623 = %while3A_133#4, %while3A_624 = %while3A_133#5, %while3A_625 = %while3A_133#6, %while3A_626 = %while3A_133#7) -> (vector<16xf32>, vector<16xf32>, vector<16xf32>, vector<16xf32>, vector<16xf32>, vector<16xf32>, vector<16xf32>, vector<16xf32>)  : i32 {
      %mul3A_627 = arith.constant 16 : i32
      %mul3A_628 = arith.muli %while3A_618, %mul3A_627 : i32
      %get3A_629 = arith.index_cast %mul3A_628 : i32 to index
      %get3A_630 = tpu.vector_load %arg8[%get3A_629] {strides = array<i32>} : memref<14352xf32, #tpu.memory_space<vmem>>, vector<16xf32>,
      %get3A_631 = arith.index_cast %mul3A_628 : i32 to index
      %get3A_632 = tpu.vector_load %arg9[%get3A_631] {strides = array<i32>} : memref<14352xf32, #tpu.memory_space<vmem>>, vector<16xf32>,
      %sub3A = arith.subf %get3A_630, %get3A_94 : vector<16xf32>
      %sub3A_633 = arith.subf %get3A_632, %get3A_110 : vector<16xf32>
      %mul3A_634 = arith.mulf %sub3A, %sub3A : vector<16xf32>
      %mul3A_635 = arith.mulf %sub3A_633, %sub3A_633 : vector<16xf32>
      %add3A_636 = arith.addf %mul3A_634, %mul3A_635 : vector<16xf32>
      %min3A = arith.minimumf %while3A_619, %add3A_636 : vector<16xf32>
      %sub3A_637 = arith.subf %get3A_630, %get3A_96 : vector<16xf32>
      %sub3A_638 = arith.subf %get3A_632, %get3A_112 : vector<16xf32>
      %mul3A_639 = arith.mulf %sub3A_637, %sub3A_637 : vector<16xf32>
      %mul3A_640 = arith.mulf %sub3A_638, %sub3A_638 : vector<16xf32>
      %add3A_641 = arith.addf %mul3A_639, %mul3A_640 : vector<16xf32>
      %min3A_642 = arith.minimumf %while3A_620, %add3A_641 : vector<16xf32>
      %sub3A_643 = arith.subf %get3A_630, %get3A_98 : vector<16xf32>
      %sub3A_644 = arith.subf %get3A_632, %get3A_114 : vector<16xf32>
      %mul3A_645 = arith.mulf %sub3A_643, %sub3A_643 : vector<16xf32>
      %mul3A_646 = arith.mulf %sub3A_644, %sub3A_644 : vector<16xf32>
      %add3A_647 = arith.addf %mul3A_645, %mul3A_646 : vector<16xf32>
      %min3A_648 = arith.minimumf %while3A_621, %add3A_647 : vector<16xf32>
      %sub3A_649 = arith.subf %get3A_630, %get3A_100 : vector<16xf32>
      %sub3A_650 = arith.subf %get3A_632, %get3A_116 : vector<16xf32>
      %mul3A_651 = arith.mulf %sub3A_649, %sub3A_649 : vector<16xf32>
      %mul3A_652 = arith.mulf %sub3A_650, %sub3A_650 : vector<16xf32>
      %add3A_653 = arith.addf %mul3A_651, %mul3A_652 : vector<16xf32>
      %min3A_654 = arith.minimumf %while3A_622, %add3A_653 : vector<16xf32>
      %sub3A_655 = arith.subf %get3A_630, %get3A_102 : vector<16xf32>
      %sub3A_656 = arith.subf %get3A_632, %get3A_118 : vector<16xf32>
      %mul3A_657 = arith.mulf %sub3A_655, %sub3A_655 : vector<16xf32>
      %mul3A_658 = arith.mulf %sub3A_656, %sub3A_656 : vector<16xf32>
      %add3A_659 = arith.addf %mul3A_657, %mul3A_658 : vector<16xf32>
      %min3A_660 = arith.minimumf %while3A_623, %add3A_659 : vector<16xf32>
      %sub3A_661 = arith.subf %get3A_630, %get3A_104 : vector<16xf32>
      %sub3A_662 = arith.subf %get3A_632, %get3A_120 : vector<16xf32>
      %mul3A_663 = arith.mulf %sub3A_661, %sub3A_661 : vector<16xf32>
      %mul3A_664 = arith.mulf %sub3A_662, %sub3A_662 : vector<16xf32>
      %add3A_665 = arith.addf %mul3A_663, %mul3A_664 : vector<16xf32>
      %min3A_666 = arith.minimumf %while3A_624, %add3A_665 : vector<16xf32>
      %sub3A_667 = arith.subf %get3A_630, %get3A_106 : vector<16xf32>
      %sub3A_668 = arith.subf %get3A_632, %get3A_122 : vector<16xf32>
      %mul3A_669 = arith.mulf %sub3A_667, %sub3A_667 : vector<16xf32>
      %mul3A_670 = arith.mulf %sub3A_668, %sub3A_668 : vector<16xf32>
      %add3A_671 = arith.addf %mul3A_669, %mul3A_670 : vector<16xf32>
      %min3A_672 = arith.minimumf %while3A_625, %add3A_671 : vector<16xf32>
      %sub3A_673 = arith.subf %get3A_630, %get3A_108 : vector<16xf32>
      %sub3A_674 = arith.subf %get3A_632, %get3A_124 : vector<16xf32>
      %mul3A_675 = arith.mulf %sub3A_673, %sub3A_673 : vector<16xf32>
      %mul3A_676 = arith.mulf %sub3A_674, %sub3A_674 : vector<16xf32>
      %add3A_677 = arith.addf %mul3A_675, %mul3A_676 : vector<16xf32>
      %min3A_678 = arith.minimumf %while3A_626, %add3A_677 : vector<16xf32>
      scf.yield %min3A, %min3A_642, %min3A_648, %min3A_654, %min3A_660, %min3A_666, %min3A_672, %min3A_678 : vector<16xf32>, vector<16xf32>, vector<16xf32>, vector<16xf32>, vector<16xf32>, vector<16xf32>, vector<16xf32>, vector<16xf32>
    }
    %swap3A_136 = arith.constant 8 : i32
    %swap3A_137 = arith.index_cast %swap3A_136 : i32 to index
    %swap3A_138 = arith.constant 0 : index
    %swap3A_139 = tpu.vector_load %arg13[%swap3A_137, %swap3A_138] {strides = array<i32>} : memref<64x16xf32, #tpu.memory_space<vmem>>, vector<16xf32>,
    tpu.vector_store %arg13[%swap3A_137, %swap3A_138], %while3A_135#0 {strides = array<i32>} : memref<64x16xf32, #tpu.memory_space<vmem>>, vector<16xf32>,
    %swap3A_140 = arith.constant 9 : i32
    %swap3A_141 = arith.index_cast %swap3A_140 : i32 to index
    %swap3A_142 = arith.constant 0 : index
    %swap3A_143 = tpu.vector_load %arg13[%swap3A_141, %swap3A_142] {strides = array<i32>} : memref<64x16xf32, #tpu.memory_space<vmem>>, vector<16xf32>,
    tpu.vector_store %arg13[%swap3A_141, %swap3A_142], %while3A_135#1 {strides = array<i32>} : memref<64x16xf32, #tpu.memory_space<vmem>>, vector<16xf32>,
    %swap3A_144 = arith.constant 10 : i32
    %swap3A_145 = arith.index_cast %swap3A_144 : i32 to index
    %swap3A_146 = arith.constant 0 : index
    %swap3A_147 = tpu.vector_load %arg13[%swap3A_145, %swap3A_146] {strides = array<i32>} : memref<64x16xf32, #tpu.memory_space<vmem>>, vector<16xf32>,
    tpu.vector_store %arg13[%swap3A_145, %swap3A_146], %while3A_135#2 {strides = array<i32>} : memref<64x16xf32, #tpu.memory_space<vmem>>, vector<16xf32>,
    %swap3A_148 = arith.constant 11 : i32
    %swap3A_149 = arith.index_cast %swap3A_148 : i32 to index
    %swap3A_150 = arith.constant 0 : index
    %swap3A_151 = tpu.vector_load %arg13[%swap3A_149, %swap3A_150] {strides = array<i32>} : memref<64x16xf32, #tpu.memory_space<vmem>>, vector<16xf32>,
    tpu.vector_store %arg13[%swap3A_149, %swap3A_150], %while3A_135#3 {strides = array<i32>} : memref<64x16xf32, #tpu.memory_space<vmem>>, vector<16xf32>,
    %swap3A_152 = arith.constant 12 : i32
    %swap3A_153 = arith.index_cast %swap3A_152 : i32 to index
    %swap3A_154 = arith.constant 0 : index
    %swap3A_155 = tpu.vector_load %arg13[%swap3A_153, %swap3A_154] {strides = array<i32>} : memref<64x16xf32, #tpu.memory_space<vmem>>, vector<16xf32>,
    tpu.vector_store %arg13[%swap3A_153, %swap3A_154], %while3A_135#4 {strides = array<i32>} : memref<64x16xf32, #tpu.memory_space<vmem>>, vector<16xf32>,
    %swap3A_156 = arith.constant 13 : i32
    %swap3A_157 = arith.index_cast %swap3A_156 : i32 to index
    %swap3A_158 = arith.constant 0 : index
    %swap3A_159 = tpu.vector_load %arg13[%swap3A_157, %swap3A_158] {strides = array<i32>} : memref<64x16xf32, #tpu.memory_space<vmem>>, vector<16xf32>,
    tpu.vector_store %arg13[%swap3A_157, %swap3A_158], %while3A_135#5 {strides = array<i32>} : memref<64x16xf32, #tpu.memory_space<vmem>>, vector<16xf32>,
    %swap3A_160 = arith.constant 14 : i32
    %swap3A_161 = arith.index_cast %swap3A_160 : i32 to index
    %swap3A_162 = arith.constant 0 : index
    %swap3A_163 = tpu.vector_load %arg13[%swap3A_161, %swap3A_162] {strides = array<i32>} : memref<64x16xf32, #tpu.memory_space<vmem>>, vector<16xf32>,
    tpu.vector_store %arg13[%swap3A_161, %swap3A_162], %while3A_135#6 {strides = array<i32>} : memref<64x16xf32, #tpu.memory_space<vmem>>, vector<16xf32>,
    %swap3A_164 = arith.constant 15 : i32
    %swap3A_165 = arith.index_cast %swap3A_164 : i32 to index
    %swap3A_166 = arith.constant 0 : index
    %swap3A_167 = tpu.vector_load %arg13[%swap3A_165, %swap3A_166] {strides = array<i32>} : memref<64x16xf32, #tpu.memory_space<vmem>>, vector<16xf32>,
    tpu.vector_store %arg13[%swap3A_165, %swap3A_166], %while3A_135#7 {strides = array<i32>} : memref<64x16xf32, #tpu.memory_space<vmem>>, vector<16xf32>,
    %get3A_168 = arith.constant 256 : index
    %get3A_169 = tpu.vector_load %arg11[%get3A_168] {strides = array<i32>} : memref<1024xf32, #tpu.memory_space<vmem>>, vector<16xf32>,
    %get3A_170 = arith.constant 272 : index
    %get3A_171 = tpu.vector_load %arg11[%get3A_170] {strides = array<i32>} : memref<1024xf32, #tpu.memory_space<vmem>>, vector<16xf32>,
    %get3A_172 = arith.constant 288 : index
    %get3A_173 = tpu.vector_load %arg11[%get3A_172] {strides = array<i32>} : memref<1024xf32, #tpu.memory_space<vmem>>, vector<16xf32>,
    %get3A_174 = arith.constant 304 : index
    %get3A_175 = tpu.vector_load %arg11[%get3A_174] {strides = array<i32>} : memref<1024xf32, #tpu.memory_space<vmem>>, vector<16xf32>,
    %get3A_176 = arith.constant 320 : index
    %get3A_177 = tpu.vector_load %arg11[%get3A_176] {strides = array<i32>} : memref<1024xf32, #tpu.memory_space<vmem>>, vector<16xf32>,
    %get3A_178 = arith.constant 336 : index
    %get3A_179 = tpu.vector_load %arg11[%get3A_178] {strides = array<i32>} : memref<1024xf32, #tpu.memory_space<vmem>>, vector<16xf32>,
    %get3A_180 = arith.constant 352 : index
    %get3A_181 = tpu.vector_load %arg11[%get3A_180] {strides = array<i32>} : memref<1024xf32, #tpu.memory_space<vmem>>, vector<16xf32>,
    %get3A_182 = arith.constant 368 : index
    %get3A_183 = tpu.vector_load %arg11[%get3A_182] {strides = array<i32>} : memref<1024xf32, #tpu.memory_space<vmem>>, vector<16xf32>,
    %get3A_184 = arith.constant 256 : index
    %get3A_185 = tpu.vector_load %arg12[%get3A_184] {strides = array<i32>} : memref<1024xf32, #tpu.memory_space<vmem>>, vector<16xf32>,
    %get3A_186 = arith.constant 272 : index
    %get3A_187 = tpu.vector_load %arg12[%get3A_186] {strides = array<i32>} : memref<1024xf32, #tpu.memory_space<vmem>>, vector<16xf32>,
    %get3A_188 = arith.constant 288 : index
    %get3A_189 = tpu.vector_load %arg12[%get3A_188] {strides = array<i32>} : memref<1024xf32, #tpu.memory_space<vmem>>, vector<16xf32>,
    %get3A_190 = arith.constant 304 : index
    %get3A_191 = tpu.vector_load %arg12[%get3A_190] {strides = array<i32>} : memref<1024xf32, #tpu.memory_space<vmem>>, vector<16xf32>,
    %get3A_192 = arith.constant 320 : index
    %get3A_193 = tpu.vector_load %arg12[%get3A_192] {strides = array<i32>} : memref<1024xf32, #tpu.memory_space<vmem>>, vector<16xf32>,
    %get3A_194 = arith.constant 336 : index
    %get3A_195 = tpu.vector_load %arg12[%get3A_194] {strides = array<i32>} : memref<1024xf32, #tpu.memory_space<vmem>>, vector<16xf32>,
    %get3A_196 = arith.constant 352 : index
    %get3A_197 = tpu.vector_load %arg12[%get3A_196] {strides = array<i32>} : memref<1024xf32, #tpu.memory_space<vmem>>, vector<16xf32>,
    %get3A_198 = arith.constant 368 : index
    %get3A_199 = tpu.vector_load %arg12[%get3A_198] {strides = array<i32>} : memref<1024xf32, #tpu.memory_space<vmem>>, vector<16xf32>,
    %while3A_200 = arith.constant 0 : i32
    %while3A_201 = arith.subi %shift_right_logical3A_17, %while3A_200 : i32
    %while3A_202 = arith.addi %while3A_200, %while3A_201 : i32
    %while3A_203 = arith.constant 1 : i32
    %while3A_204 = arith.divsi %while3A_201, %while3A_203 : i32
    %while3A_205 = arith.muli %while3A_204, %while3A_203 : i32
    %while3A_206 = arith.addi %while3A_200, %while3A_205 : i32
    %while3A_207 = arith.constant 1 : i32
    %while3A_208:8 = scf.for %while3A_618 = %while3A_200 to %while3A_206 step %while3A_207 iter_args(%while3A_619 = %broadcast_in_dim3A_19, %while3A_620 = %broadcast_in_dim3A_19, %while3A_621 = %broadcast_in_dim3A_19, %while3A_622 = %broadcast_in_dim3A_19, %while3A_623 = %broadcast_in_dim3A_19, %while3A_624 = %broadcast_in_dim3A_19, %while3A_625 = %broadcast_in_dim3A_19, %while3A_626 = %broadcast_in_dim3A_19) -> (vector<16xf32>, vector<16xf32>, vector<16xf32>, vector<16xf32>, vector<16xf32>, vector<16xf32>, vector<16xf32>, vector<16xf32>)  : i32 {
      %mul3A_627 = arith.constant 16 : i32
      %mul3A_628 = arith.muli %while3A_618, %mul3A_627 : i32
      %get3A_629 = arith.index_cast %mul3A_628 : i32 to index
      %get3A_630 = tpu.vector_load %arg8[%get3A_629] {strides = array<i32>} : memref<14352xf32, #tpu.memory_space<vmem>>, vector<16xf32>,
      %get3A_631 = arith.index_cast %mul3A_628 : i32 to index
      %get3A_632 = tpu.vector_load %arg9[%get3A_631] {strides = array<i32>} : memref<14352xf32, #tpu.memory_space<vmem>>, vector<16xf32>,
      %sub3A = arith.subf %get3A_630, %get3A_169 : vector<16xf32>
      %sub3A_633 = arith.subf %get3A_632, %get3A_185 : vector<16xf32>
      %mul3A_634 = arith.mulf %sub3A, %sub3A : vector<16xf32>
      %mul3A_635 = arith.mulf %sub3A_633, %sub3A_633 : vector<16xf32>
      %add3A_636 = arith.addf %mul3A_634, %mul3A_635 : vector<16xf32>
      %min3A = arith.minimumf %while3A_619, %add3A_636 : vector<16xf32>
      %sub3A_637 = arith.subf %get3A_630, %get3A_171 : vector<16xf32>
      %sub3A_638 = arith.subf %get3A_632, %get3A_187 : vector<16xf32>
      %mul3A_639 = arith.mulf %sub3A_637, %sub3A_637 : vector<16xf32>
      %mul3A_640 = arith.mulf %sub3A_638, %sub3A_638 : vector<16xf32>
      %add3A_641 = arith.addf %mul3A_639, %mul3A_640 : vector<16xf32>
      %min3A_642 = arith.minimumf %while3A_620, %add3A_641 : vector<16xf32>
      %sub3A_643 = arith.subf %get3A_630, %get3A_173 : vector<16xf32>
      %sub3A_644 = arith.subf %get3A_632, %get3A_189 : vector<16xf32>
      %mul3A_645 = arith.mulf %sub3A_643, %sub3A_643 : vector<16xf32>
      %mul3A_646 = arith.mulf %sub3A_644, %sub3A_644 : vector<16xf32>
      %add3A_647 = arith.addf %mul3A_645, %mul3A_646 : vector<16xf32>
      %min3A_648 = arith.minimumf %while3A_621, %add3A_647 : vector<16xf32>
      %sub3A_649 = arith.subf %get3A_630, %get3A_175 : vector<16xf32>
      %sub3A_650 = arith.subf %get3A_632, %get3A_191 : vector<16xf32>
      %mul3A_651 = arith.mulf %sub3A_649, %sub3A_649 : vector<16xf32>
      %mul3A_652 = arith.mulf %sub3A_650, %sub3A_650 : vector<16xf32>
      %add3A_653 = arith.addf %mul3A_651, %mul3A_652 : vector<16xf32>
      %min3A_654 = arith.minimumf %while3A_622, %add3A_653 : vector<16xf32>
      %sub3A_655 = arith.subf %get3A_630, %get3A_177 : vector<16xf32>
      %sub3A_656 = arith.subf %get3A_632, %get3A_193 : vector<16xf32>
      %mul3A_657 = arith.mulf %sub3A_655, %sub3A_655 : vector<16xf32>
      %mul3A_658 = arith.mulf %sub3A_656, %sub3A_656 : vector<16xf32>
      %add3A_659 = arith.addf %mul3A_657, %mul3A_658 : vector<16xf32>
      %min3A_660 = arith.minimumf %while3A_623, %add3A_659 : vector<16xf32>
      %sub3A_661 = arith.subf %get3A_630, %get3A_179 : vector<16xf32>
      %sub3A_662 = arith.subf %get3A_632, %get3A_195 : vector<16xf32>
      %mul3A_663 = arith.mulf %sub3A_661, %sub3A_661 : vector<16xf32>
      %mul3A_664 = arith.mulf %sub3A_662, %sub3A_662 : vector<16xf32>
      %add3A_665 = arith.addf %mul3A_663, %mul3A_664 : vector<16xf32>
      %min3A_666 = arith.minimumf %while3A_624, %add3A_665 : vector<16xf32>
      %sub3A_667 = arith.subf %get3A_630, %get3A_181 : vector<16xf32>
      %sub3A_668 = arith.subf %get3A_632, %get3A_197 : vector<16xf32>
      %mul3A_669 = arith.mulf %sub3A_667, %sub3A_667 : vector<16xf32>
      %mul3A_670 = arith.mulf %sub3A_668, %sub3A_668 : vector<16xf32>
      %add3A_671 = arith.addf %mul3A_669, %mul3A_670 : vector<16xf32>
      %min3A_672 = arith.minimumf %while3A_625, %add3A_671 : vector<16xf32>
      %sub3A_673 = arith.subf %get3A_630, %get3A_183 : vector<16xf32>
      %sub3A_674 = arith.subf %get3A_632, %get3A_199 : vector<16xf32>
      %mul3A_675 = arith.mulf %sub3A_673, %sub3A_673 : vector<16xf32>
      %mul3A_676 = arith.mulf %sub3A_674, %sub3A_674 : vector<16xf32>
      %add3A_677 = arith.addf %mul3A_675, %mul3A_676 : vector<16xf32>
      %min3A_678 = arith.minimumf %while3A_626, %add3A_677 : vector<16xf32>
      scf.yield %min3A, %min3A_642, %min3A_648, %min3A_654, %min3A_660, %min3A_666, %min3A_672, %min3A_678 : vector<16xf32>, vector<16xf32>, vector<16xf32>, vector<16xf32>, vector<16xf32>, vector<16xf32>, vector<16xf32>, vector<16xf32>
    }
    %while3A_209 = arith.constant 1 : i32
    %while3A_210:8 = scf.for %while3A_618 = %while3A_206 to %while3A_202 step %while3A_209 iter_args(%while3A_619 = %while3A_208#0, %while3A_620 = %while3A_208#1, %while3A_621 = %while3A_208#2, %while3A_622 = %while3A_208#3, %while3A_623 = %while3A_208#4, %while3A_624 = %while3A_208#5, %while3A_625 = %while3A_208#6, %while3A_626 = %while3A_208#7) -> (vector<16xf32>, vector<16xf32>, vector<16xf32>, vector<16xf32>, vector<16xf32>, vector<16xf32>, vector<16xf32>, vector<16xf32>)  : i32 {
      %mul3A_627 = arith.constant 16 : i32
      %mul3A_628 = arith.muli %while3A_618, %mul3A_627 : i32
      %get3A_629 = arith.index_cast %mul3A_628 : i32 to index
      %get3A_630 = tpu.vector_load %arg8[%get3A_629] {strides = array<i32>} : memref<14352xf32, #tpu.memory_space<vmem>>, vector<16xf32>,
      %get3A_631 = arith.index_cast %mul3A_628 : i32 to index
      %get3A_632 = tpu.vector_load %arg9[%get3A_631] {strides = array<i32>} : memref<14352xf32, #tpu.memory_space<vmem>>, vector<16xf32>,
      %sub3A = arith.subf %get3A_630, %get3A_169 : vector<16xf32>
      %sub3A_633 = arith.subf %get3A_632, %get3A_185 : vector<16xf32>
      %mul3A_634 = arith.mulf %sub3A, %sub3A : vector<16xf32>
      %mul3A_635 = arith.mulf %sub3A_633, %sub3A_633 : vector<16xf32>
      %add3A_636 = arith.addf %mul3A_634, %mul3A_635 : vector<16xf32>
      %min3A = arith.minimumf %while3A_619, %add3A_636 : vector<16xf32>
      %sub3A_637 = arith.subf %get3A_630, %get3A_171 : vector<16xf32>
      %sub3A_638 = arith.subf %get3A_632, %get3A_187 : vector<16xf32>
      %mul3A_639 = arith.mulf %sub3A_637, %sub3A_637 : vector<16xf32>
      %mul3A_640 = arith.mulf %sub3A_638, %sub3A_638 : vector<16xf32>
      %add3A_641 = arith.addf %mul3A_639, %mul3A_640 : vector<16xf32>
      %min3A_642 = arith.minimumf %while3A_620, %add3A_641 : vector<16xf32>
      %sub3A_643 = arith.subf %get3A_630, %get3A_173 : vector<16xf32>
      %sub3A_644 = arith.subf %get3A_632, %get3A_189 : vector<16xf32>
      %mul3A_645 = arith.mulf %sub3A_643, %sub3A_643 : vector<16xf32>
      %mul3A_646 = arith.mulf %sub3A_644, %sub3A_644 : vector<16xf32>
      %add3A_647 = arith.addf %mul3A_645, %mul3A_646 : vector<16xf32>
      %min3A_648 = arith.minimumf %while3A_621, %add3A_647 : vector<16xf32>
      %sub3A_649 = arith.subf %get3A_630, %get3A_175 : vector<16xf32>
      %sub3A_650 = arith.subf %get3A_632, %get3A_191 : vector<16xf32>
      %mul3A_651 = arith.mulf %sub3A_649, %sub3A_649 : vector<16xf32>
      %mul3A_652 = arith.mulf %sub3A_650, %sub3A_650 : vector<16xf32>
      %add3A_653 = arith.addf %mul3A_651, %mul3A_652 : vector<16xf32>
      %min3A_654 = arith.minimumf %while3A_622, %add3A_653 : vector<16xf32>
      %sub3A_655 = arith.subf %get3A_630, %get3A_177 : vector<16xf32>
      %sub3A_656 = arith.subf %get3A_632, %get3A_193 : vector<16xf32>
      %mul3A_657 = arith.mulf %sub3A_655, %sub3A_655 : vector<16xf32>
      %mul3A_658 = arith.mulf %sub3A_656, %sub3A_656 : vector<16xf32>
      %add3A_659 = arith.addf %mul3A_657, %mul3A_658 : vector<16xf32>
      %min3A_660 = arith.minimumf %while3A_623, %add3A_659 : vector<16xf32>
      %sub3A_661 = arith.subf %get3A_630, %get3A_179 : vector<16xf32>
      %sub3A_662 = arith.subf %get3A_632, %get3A_195 : vector<16xf32>
      %mul3A_663 = arith.mulf %sub3A_661, %sub3A_661 : vector<16xf32>
      %mul3A_664 = arith.mulf %sub3A_662, %sub3A_662 : vector<16xf32>
      %add3A_665 = arith.addf %mul3A_663, %mul3A_664 : vector<16xf32>
      %min3A_666 = arith.minimumf %while3A_624, %add3A_665 : vector<16xf32>
      %sub3A_667 = arith.subf %get3A_630, %get3A_181 : vector<16xf32>
      %sub3A_668 = arith.subf %get3A_632, %get3A_197 : vector<16xf32>
      %mul3A_669 = arith.mulf %sub3A_667, %sub3A_667 : vector<16xf32>
      %mul3A_670 = arith.mulf %sub3A_668, %sub3A_668 : vector<16xf32>
      %add3A_671 = arith.addf %mul3A_669, %mul3A_670 : vector<16xf32>
      %min3A_672 = arith.minimumf %while3A_625, %add3A_671 : vector<16xf32>
      %sub3A_673 = arith.subf %get3A_630, %get3A_183 : vector<16xf32>
      %sub3A_674 = arith.subf %get3A_632, %get3A_199 : vector<16xf32>
      %mul3A_675 = arith.mulf %sub3A_673, %sub3A_673 : vector<16xf32>
      %mul3A_676 = arith.mulf %sub3A_674, %sub3A_674 : vector<16xf32>
      %add3A_677 = arith.addf %mul3A_675, %mul3A_676 : vector<16xf32>
      %min3A_678 = arith.minimumf %while3A_626, %add3A_677 : vector<16xf32>
      scf.yield %min3A, %min3A_642, %min3A_648, %min3A_654, %min3A_660, %min3A_666, %min3A_672, %min3A_678 : vector<16xf32>, vector<16xf32>, vector<16xf32>, vector<16xf32>, vector<16xf32>, vector<16xf32>, vector<16xf32>, vector<16xf32>
    }
    %swap3A_211 = arith.constant 16 : i32
    %swap3A_212 = arith.index_cast %swap3A_211 : i32 to index
    %swap3A_213 = arith.constant 0 : index
    %swap3A_214 = tpu.vector_load %arg13[%swap3A_212, %swap3A_213] {strides = array<i32>} : memref<64x16xf32, #tpu.memory_space<vmem>>, vector<16xf32>,
    tpu.vector_store %arg13[%swap3A_212, %swap3A_213], %while3A_210#0 {strides = array<i32>} : memref<64x16xf32, #tpu.memory_space<vmem>>, vector<16xf32>,
    %swap3A_215 = arith.constant 17 : i32
    %swap3A_216 = arith.index_cast %swap3A_215 : i32 to index
    %swap3A_217 = arith.constant 0 : index
    %swap3A_218 = tpu.vector_load %arg13[%swap3A_216, %swap3A_217] {strides = array<i32>} : memref<64x16xf32, #tpu.memory_space<vmem>>, vector<16xf32>,
    tpu.vector_store %arg13[%swap3A_216, %swap3A_217], %while3A_210#1 {strides = array<i32>} : memref<64x16xf32, #tpu.memory_space<vmem>>, vector<16xf32>,
    %swap3A_219 = arith.constant 18 : i32
    %swap3A_220 = arith.index_cast %swap3A_219 : i32 to index
    %swap3A_221 = arith.constant 0 : index
    %swap3A_222 = tpu.vector_load %arg13[%swap3A_220, %swap3A_221] {strides = array<i32>} : memref<64x16xf32, #tpu.memory_space<vmem>>, vector<16xf32>,
    tpu.vector_store %arg13[%swap3A_220, %swap3A_221], %while3A_210#2 {strides = array<i32>} : memref<64x16xf32, #tpu.memory_space<vmem>>, vector<16xf32>,
    %swap3A_223 = arith.constant 19 : i32
    %swap3A_224 = arith.index_cast %swap3A_223 : i32 to index
    %swap3A_225 = arith.constant 0 : index
    %swap3A_226 = tpu.vector_load %arg13[%swap3A_224, %swap3A_225] {strides = array<i32>} : memref<64x16xf32, #tpu.memory_space<vmem>>, vector<16xf32>,
    tpu.vector_store %arg13[%swap3A_224, %swap3A_225], %while3A_210#3 {strides = array<i32>} : memref<64x16xf32, #tpu.memory_space<vmem>>, vector<16xf32>,
    %swap3A_227 = arith.constant 20 : i32
    %swap3A_228 = arith.index_cast %swap3A_227 : i32 to index
    %swap3A_229 = arith.constant 0 : index
    %swap3A_230 = tpu.vector_load %arg13[%swap3A_228, %swap3A_229] {strides = array<i32>} : memref<64x16xf32, #tpu.memory_space<vmem>>, vector<16xf32>,
    tpu.vector_store %arg13[%swap3A_228, %swap3A_229], %while3A_210#4 {strides = array<i32>} : memref<64x16xf32, #tpu.memory_space<vmem>>, vector<16xf32>,
    %swap3A_231 = arith.constant 21 : i32
    %swap3A_232 = arith.index_cast %swap3A_231 : i32 to index
    %swap3A_233 = arith.constant 0 : index
    %swap3A_234 = tpu.vector_load %arg13[%swap3A_232, %swap3A_233] {strides = array<i32>} : memref<64x16xf32, #tpu.memory_space<vmem>>, vector<16xf32>,
    tpu.vector_store %arg13[%swap3A_232, %swap3A_233], %while3A_210#5 {strides = array<i32>} : memref<64x16xf32, #tpu.memory_space<vmem>>, vector<16xf32>,
    %swap3A_235 = arith.constant 22 : i32
    %swap3A_236 = arith.index_cast %swap3A_235 : i32 to index
    %swap3A_237 = arith.constant 0 : index
    %swap3A_238 = tpu.vector_load %arg13[%swap3A_236, %swap3A_237] {strides = array<i32>} : memref<64x16xf32, #tpu.memory_space<vmem>>, vector<16xf32>,
    tpu.vector_store %arg13[%swap3A_236, %swap3A_237], %while3A_210#6 {strides = array<i32>} : memref<64x16xf32, #tpu.memory_space<vmem>>, vector<16xf32>,
    %swap3A_239 = arith.constant 23 : i32
    %swap3A_240 = arith.index_cast %swap3A_239 : i32 to index
    %swap3A_241 = arith.constant 0 : index
    %swap3A_242 = tpu.vector_load %arg13[%swap3A_240, %swap3A_241] {strides = array<i32>} : memref<64x16xf32, #tpu.memory_space<vmem>>, vector<16xf32>,
    tpu.vector_store %arg13[%swap3A_240, %swap3A_241], %while3A_210#7 {strides = array<i32>} : memref<64x16xf32, #tpu.memory_space<vmem>>, vector<16xf32>,
    %get3A_243 = arith.constant 384 : index
    %get3A_244 = tpu.vector_load %arg11[%get3A_243] {strides = array<i32>} : memref<1024xf32, #tpu.memory_space<vmem>>, vector<16xf32>,
    %get3A_245 = arith.constant 400 : index
    %get3A_246 = tpu.vector_load %arg11[%get3A_245] {strides = array<i32>} : memref<1024xf32, #tpu.memory_space<vmem>>, vector<16xf32>,
    %get3A_247 = arith.constant 416 : index
    %get3A_248 = tpu.vector_load %arg11[%get3A_247] {strides = array<i32>} : memref<1024xf32, #tpu.memory_space<vmem>>, vector<16xf32>,
    %get3A_249 = arith.constant 432 : index
    %get3A_250 = tpu.vector_load %arg11[%get3A_249] {strides = array<i32>} : memref<1024xf32, #tpu.memory_space<vmem>>, vector<16xf32>,
    %get3A_251 = arith.constant 448 : index
    %get3A_252 = tpu.vector_load %arg11[%get3A_251] {strides = array<i32>} : memref<1024xf32, #tpu.memory_space<vmem>>, vector<16xf32>,
    %get3A_253 = arith.constant 464 : index
    %get3A_254 = tpu.vector_load %arg11[%get3A_253] {strides = array<i32>} : memref<1024xf32, #tpu.memory_space<vmem>>, vector<16xf32>,
    %get3A_255 = arith.constant 480 : index
    %get3A_256 = tpu.vector_load %arg11[%get3A_255] {strides = array<i32>} : memref<1024xf32, #tpu.memory_space<vmem>>, vector<16xf32>,
    %get3A_257 = arith.constant 496 : index
    %get3A_258 = tpu.vector_load %arg11[%get3A_257] {strides = array<i32>} : memref<1024xf32, #tpu.memory_space<vmem>>, vector<16xf32>,
    %get3A_259 = arith.constant 384 : index
    %get3A_260 = tpu.vector_load %arg12[%get3A_259] {strides = array<i32>} : memref<1024xf32, #tpu.memory_space<vmem>>, vector<16xf32>,
    %get3A_261 = arith.constant 400 : index
    %get3A_262 = tpu.vector_load %arg12[%get3A_261] {strides = array<i32>} : memref<1024xf32, #tpu.memory_space<vmem>>, vector<16xf32>,
    %get3A_263 = arith.constant 416 : index
    %get3A_264 = tpu.vector_load %arg12[%get3A_263] {strides = array<i32>} : memref<1024xf32, #tpu.memory_space<vmem>>, vector<16xf32>,
    %get3A_265 = arith.constant 432 : index
    %get3A_266 = tpu.vector_load %arg12[%get3A_265] {strides = array<i32>} : memref<1024xf32, #tpu.memory_space<vmem>>, vector<16xf32>,
    %get3A_267 = arith.constant 448 : index
    %get3A_268 = tpu.vector_load %arg12[%get3A_267] {strides = array<i32>} : memref<1024xf32, #tpu.memory_space<vmem>>, vector<16xf32>,
    %get3A_269 = arith.constant 464 : index
    %get3A_270 = tpu.vector_load %arg12[%get3A_269] {strides = array<i32>} : memref<1024xf32, #tpu.memory_space<vmem>>, vector<16xf32>,
    %get3A_271 = arith.constant 480 : index
    %get3A_272 = tpu.vector_load %arg12[%get3A_271] {strides = array<i32>} : memref<1024xf32, #tpu.memory_space<vmem>>, vector<16xf32>,
    %get3A_273 = arith.constant 496 : index
    %get3A_274 = tpu.vector_load %arg12[%get3A_273] {strides = array<i32>} : memref<1024xf32, #tpu.memory_space<vmem>>, vector<16xf32>,
    %while3A_275 = arith.constant 0 : i32
    %while3A_276 = arith.subi %shift_right_logical3A_17, %while3A_275 : i32
    %while3A_277 = arith.addi %while3A_275, %while3A_276 : i32
    %while3A_278 = arith.constant 1 : i32
    %while3A_279 = arith.divsi %while3A_276, %while3A_278 : i32
    %while3A_280 = arith.muli %while3A_279, %while3A_278 : i32
    %while3A_281 = arith.addi %while3A_275, %while3A_280 : i32
    %while3A_282 = arith.constant 1 : i32
    %while3A_283:8 = scf.for %while3A_618 = %while3A_275 to %while3A_281 step %while3A_282 iter_args(%while3A_619 = %broadcast_in_dim3A_19, %while3A_620 = %broadcast_in_dim3A_19, %while3A_621 = %broadcast_in_dim3A_19, %while3A_622 = %broadcast_in_dim3A_19, %while3A_623 = %broadcast_in_dim3A_19, %while3A_624 = %broadcast_in_dim3A_19, %while3A_625 = %broadcast_in_dim3A_19, %while3A_626 = %broadcast_in_dim3A_19) -> (vector<16xf32>, vector<16xf32>, vector<16xf32>, vector<16xf32>, vector<16xf32>, vector<16xf32>, vector<16xf32>, vector<16xf32>)  : i32 {
      %mul3A_627 = arith.constant 16 : i32
      %mul3A_628 = arith.muli %while3A_618, %mul3A_627 : i32
      %get3A_629 = arith.index_cast %mul3A_628 : i32 to index
      %get3A_630 = tpu.vector_load %arg8[%get3A_629] {strides = array<i32>} : memref<14352xf32, #tpu.memory_space<vmem>>, vector<16xf32>,
      %get3A_631 = arith.index_cast %mul3A_628 : i32 to index
      %get3A_632 = tpu.vector_load %arg9[%get3A_631] {strides = array<i32>} : memref<14352xf32, #tpu.memory_space<vmem>>, vector<16xf32>,
      %sub3A = arith.subf %get3A_630, %get3A_244 : vector<16xf32>
      %sub3A_633 = arith.subf %get3A_632, %get3A_260 : vector<16xf32>
      %mul3A_634 = arith.mulf %sub3A, %sub3A : vector<16xf32>
      %mul3A_635 = arith.mulf %sub3A_633, %sub3A_633 : vector<16xf32>
      %add3A_636 = arith.addf %mul3A_634, %mul3A_635 : vector<16xf32>
      %min3A = arith.minimumf %while3A_619, %add3A_636 : vector<16xf32>
      %sub3A_637 = arith.subf %get3A_630, %get3A_246 : vector<16xf32>
      %sub3A_638 = arith.subf %get3A_632, %get3A_262 : vector<16xf32>
      %mul3A_639 = arith.mulf %sub3A_637, %sub3A_637 : vector<16xf32>
      %mul3A_640 = arith.mulf %sub3A_638, %sub3A_638 : vector<16xf32>
      %add3A_641 = arith.addf %mul3A_639, %mul3A_640 : vector<16xf32>
      %min3A_642 = arith.minimumf %while3A_620, %add3A_641 : vector<16xf32>
      %sub3A_643 = arith.subf %get3A_630, %get3A_248 : vector<16xf32>
      %sub3A_644 = arith.subf %get3A_632, %get3A_264 : vector<16xf32>
      %mul3A_645 = arith.mulf %sub3A_643, %sub3A_643 : vector<16xf32>
      %mul3A_646 = arith.mulf %sub3A_644, %sub3A_644 : vector<16xf32>
      %add3A_647 = arith.addf %mul3A_645, %mul3A_646 : vector<16xf32>
      %min3A_648 = arith.minimumf %while3A_621, %add3A_647 : vector<16xf32>
      %sub3A_649 = arith.subf %get3A_630, %get3A_250 : vector<16xf32>
      %sub3A_650 = arith.subf %get3A_632, %get3A_266 : vector<16xf32>
      %mul3A_651 = arith.mulf %sub3A_649, %sub3A_649 : vector<16xf32>
      %mul3A_652 = arith.mulf %sub3A_650, %sub3A_650 : vector<16xf32>
      %add3A_653 = arith.addf %mul3A_651, %mul3A_652 : vector<16xf32>
      %min3A_654 = arith.minimumf %while3A_622, %add3A_653 : vector<16xf32>
      %sub3A_655 = arith.subf %get3A_630, %get3A_252 : vector<16xf32>
      %sub3A_656 = arith.subf %get3A_632, %get3A_268 : vector<16xf32>
      %mul3A_657 = arith.mulf %sub3A_655, %sub3A_655 : vector<16xf32>
      %mul3A_658 = arith.mulf %sub3A_656, %sub3A_656 : vector<16xf32>
      %add3A_659 = arith.addf %mul3A_657, %mul3A_658 : vector<16xf32>
      %min3A_660 = arith.minimumf %while3A_623, %add3A_659 : vector<16xf32>
      %sub3A_661 = arith.subf %get3A_630, %get3A_254 : vector<16xf32>
      %sub3A_662 = arith.subf %get3A_632, %get3A_270 : vector<16xf32>
      %mul3A_663 = arith.mulf %sub3A_661, %sub3A_661 : vector<16xf32>
      %mul3A_664 = arith.mulf %sub3A_662, %sub3A_662 : vector<16xf32>
      %add3A_665 = arith.addf %mul3A_663, %mul3A_664 : vector<16xf32>
      %min3A_666 = arith.minimumf %while3A_624, %add3A_665 : vector<16xf32>
      %sub3A_667 = arith.subf %get3A_630, %get3A_256 : vector<16xf32>
      %sub3A_668 = arith.subf %get3A_632, %get3A_272 : vector<16xf32>
      %mul3A_669 = arith.mulf %sub3A_667, %sub3A_667 : vector<16xf32>
      %mul3A_670 = arith.mulf %sub3A_668, %sub3A_668 : vector<16xf32>
      %add3A_671 = arith.addf %mul3A_669, %mul3A_670 : vector<16xf32>
      %min3A_672 = arith.minimumf %while3A_625, %add3A_671 : vector<16xf32>
      %sub3A_673 = arith.subf %get3A_630, %get3A_258 : vector<16xf32>
      %sub3A_674 = arith.subf %get3A_632, %get3A_274 : vector<16xf32>
      %mul3A_675 = arith.mulf %sub3A_673, %sub3A_673 : vector<16xf32>
      %mul3A_676 = arith.mulf %sub3A_674, %sub3A_674 : vector<16xf32>
      %add3A_677 = arith.addf %mul3A_675, %mul3A_676 : vector<16xf32>
      %min3A_678 = arith.minimumf %while3A_626, %add3A_677 : vector<16xf32>
      scf.yield %min3A, %min3A_642, %min3A_648, %min3A_654, %min3A_660, %min3A_666, %min3A_672, %min3A_678 : vector<16xf32>, vector<16xf32>, vector<16xf32>, vector<16xf32>, vector<16xf32>, vector<16xf32>, vector<16xf32>, vector<16xf32>
    }
    %while3A_284 = arith.constant 1 : i32
    %while3A_285:8 = scf.for %while3A_618 = %while3A_281 to %while3A_277 step %while3A_284 iter_args(%while3A_619 = %while3A_283#0, %while3A_620 = %while3A_283#1, %while3A_621 = %while3A_283#2, %while3A_622 = %while3A_283#3, %while3A_623 = %while3A_283#4, %while3A_624 = %while3A_283#5, %while3A_625 = %while3A_283#6, %while3A_626 = %while3A_283#7) -> (vector<16xf32>, vector<16xf32>, vector<16xf32>, vector<16xf32>, vector<16xf32>, vector<16xf32>, vector<16xf32>, vector<16xf32>)  : i32 {
      %mul3A_627 = arith.constant 16 : i32
      %mul3A_628 = arith.muli %while3A_618, %mul3A_627 : i32
      %get3A_629 = arith.index_cast %mul3A_628 : i32 to index
      %get3A_630 = tpu.vector_load %arg8[%get3A_629] {strides = array<i32>} : memref<14352xf32, #tpu.memory_space<vmem>>, vector<16xf32>,
      %get3A_631 = arith.index_cast %mul3A_628 : i32 to index
      %get3A_632 = tpu.vector_load %arg9[%get3A_631] {strides = array<i32>} : memref<14352xf32, #tpu.memory_space<vmem>>, vector<16xf32>,
      %sub3A = arith.subf %get3A_630, %get3A_244 : vector<16xf32>
      %sub3A_633 = arith.subf %get3A_632, %get3A_260 : vector<16xf32>
      %mul3A_634 = arith.mulf %sub3A, %sub3A : vector<16xf32>
      %mul3A_635 = arith.mulf %sub3A_633, %sub3A_633 : vector<16xf32>
      %add3A_636 = arith.addf %mul3A_634, %mul3A_635 : vector<16xf32>
      %min3A = arith.minimumf %while3A_619, %add3A_636 : vector<16xf32>
      %sub3A_637 = arith.subf %get3A_630, %get3A_246 : vector<16xf32>
      %sub3A_638 = arith.subf %get3A_632, %get3A_262 : vector<16xf32>
      %mul3A_639 = arith.mulf %sub3A_637, %sub3A_637 : vector<16xf32>
      %mul3A_640 = arith.mulf %sub3A_638, %sub3A_638 : vector<16xf32>
      %add3A_641 = arith.addf %mul3A_639, %mul3A_640 : vector<16xf32>
      %min3A_642 = arith.minimumf %while3A_620, %add3A_641 : vector<16xf32>
      %sub3A_643 = arith.subf %get3A_630, %get3A_248 : vector<16xf32>
      %sub3A_644 = arith.subf %get3A_632, %get3A_264 : vector<16xf32>
      %mul3A_645 = arith.mulf %sub3A_643, %sub3A_643 : vector<16xf32>
      %mul3A_646 = arith.mulf %sub3A_644, %sub3A_644 : vector<16xf32>
      %add3A_647 = arith.addf %mul3A_645, %mul3A_646 : vector<16xf32>
      %min3A_648 = arith.minimumf %while3A_621, %add3A_647 : vector<16xf32>
      %sub3A_649 = arith.subf %get3A_630, %get3A_250 : vector<16xf32>
      %sub3A_650 = arith.subf %get3A_632, %get3A_266 : vector<16xf32>
      %mul3A_651 = arith.mulf %sub3A_649, %sub3A_649 : vector<16xf32>
      %mul3A_652 = arith.mulf %sub3A_650, %sub3A_650 : vector<16xf32>
      %add3A_653 = arith.addf %mul3A_651, %mul3A_652 : vector<16xf32>
      %min3A_654 = arith.minimumf %while3A_622, %add3A_653 : vector<16xf32>
      %sub3A_655 = arith.subf %get3A_630, %get3A_252 : vector<16xf32>
      %sub3A_656 = arith.subf %get3A_632, %get3A_268 : vector<16xf32>
      %mul3A_657 = arith.mulf %sub3A_655, %sub3A_655 : vector<16xf32>
      %mul3A_658 = arith.mulf %sub3A_656, %sub3A_656 : vector<16xf32>
      %add3A_659 = arith.addf %mul3A_657, %mul3A_658 : vector<16xf32>
      %min3A_660 = arith.minimumf %while3A_623, %add3A_659 : vector<16xf32>
      %sub3A_661 = arith.subf %get3A_630, %get3A_254 : vector<16xf32>
      %sub3A_662 = arith.subf %get3A_632, %get3A_270 : vector<16xf32>
      %mul3A_663 = arith.mulf %sub3A_661, %sub3A_661 : vector<16xf32>
      %mul3A_664 = arith.mulf %sub3A_662, %sub3A_662 : vector<16xf32>
      %add3A_665 = arith.addf %mul3A_663, %mul3A_664 : vector<16xf32>
      %min3A_666 = arith.minimumf %while3A_624, %add3A_665 : vector<16xf32>
      %sub3A_667 = arith.subf %get3A_630, %get3A_256 : vector<16xf32>
      %sub3A_668 = arith.subf %get3A_632, %get3A_272 : vector<16xf32>
      %mul3A_669 = arith.mulf %sub3A_667, %sub3A_667 : vector<16xf32>
      %mul3A_670 = arith.mulf %sub3A_668, %sub3A_668 : vector<16xf32>
      %add3A_671 = arith.addf %mul3A_669, %mul3A_670 : vector<16xf32>
      %min3A_672 = arith.minimumf %while3A_625, %add3A_671 : vector<16xf32>
      %sub3A_673 = arith.subf %get3A_630, %get3A_258 : vector<16xf32>
      %sub3A_674 = arith.subf %get3A_632, %get3A_274 : vector<16xf32>
      %mul3A_675 = arith.mulf %sub3A_673, %sub3A_673 : vector<16xf32>
      %mul3A_676 = arith.mulf %sub3A_674, %sub3A_674 : vector<16xf32>
      %add3A_677 = arith.addf %mul3A_675, %mul3A_676 : vector<16xf32>
      %min3A_678 = arith.minimumf %while3A_626, %add3A_677 : vector<16xf32>
      scf.yield %min3A, %min3A_642, %min3A_648, %min3A_654, %min3A_660, %min3A_666, %min3A_672, %min3A_678 : vector<16xf32>, vector<16xf32>, vector<16xf32>, vector<16xf32>, vector<16xf32>, vector<16xf32>, vector<16xf32>, vector<16xf32>
    }
    %swap3A_286 = arith.constant 24 : i32
    %swap3A_287 = arith.index_cast %swap3A_286 : i32 to index
    %swap3A_288 = arith.constant 0 : index
    %swap3A_289 = tpu.vector_load %arg13[%swap3A_287, %swap3A_288] {strides = array<i32>} : memref<64x16xf32, #tpu.memory_space<vmem>>, vector<16xf32>,
    tpu.vector_store %arg13[%swap3A_287, %swap3A_288], %while3A_285#0 {strides = array<i32>} : memref<64x16xf32, #tpu.memory_space<vmem>>, vector<16xf32>,
    %swap3A_290 = arith.constant 25 : i32
    %swap3A_291 = arith.index_cast %swap3A_290 : i32 to index
    %swap3A_292 = arith.constant 0 : index
    %swap3A_293 = tpu.vector_load %arg13[%swap3A_291, %swap3A_292] {strides = array<i32>} : memref<64x16xf32, #tpu.memory_space<vmem>>, vector<16xf32>,
    tpu.vector_store %arg13[%swap3A_291, %swap3A_292], %while3A_285#1 {strides = array<i32>} : memref<64x16xf32, #tpu.memory_space<vmem>>, vector<16xf32>,
    %swap3A_294 = arith.constant 26 : i32
    %swap3A_295 = arith.index_cast %swap3A_294 : i32 to index
    %swap3A_296 = arith.constant 0 : index
    %swap3A_297 = tpu.vector_load %arg13[%swap3A_295, %swap3A_296] {strides = array<i32>} : memref<64x16xf32, #tpu.memory_space<vmem>>, vector<16xf32>,
    tpu.vector_store %arg13[%swap3A_295, %swap3A_296], %while3A_285#2 {strides = array<i32>} : memref<64x16xf32, #tpu.memory_space<vmem>>, vector<16xf32>,
    %swap3A_298 = arith.constant 27 : i32
    %swap3A_299 = arith.index_cast %swap3A_298 : i32 to index
    %swap3A_300 = arith.constant 0 : index
    %swap3A_301 = tpu.vector_load %arg13[%swap3A_299, %swap3A_300] {strides = array<i32>} : memref<64x16xf32, #tpu.memory_space<vmem>>, vector<16xf32>,
    tpu.vector_store %arg13[%swap3A_299, %swap3A_300], %while3A_285#3 {strides = array<i32>} : memref<64x16xf32, #tpu.memory_space<vmem>>, vector<16xf32>,
    %swap3A_302 = arith.constant 28 : i32
    %swap3A_303 = arith.index_cast %swap3A_302 : i32 to index
    %swap3A_304 = arith.constant 0 : index
    %swap3A_305 = tpu.vector_load %arg13[%swap3A_303, %swap3A_304] {strides = array<i32>} : memref<64x16xf32, #tpu.memory_space<vmem>>, vector<16xf32>,
    tpu.vector_store %arg13[%swap3A_303, %swap3A_304], %while3A_285#4 {strides = array<i32>} : memref<64x16xf32, #tpu.memory_space<vmem>>, vector<16xf32>,
    %swap3A_306 = arith.constant 29 : i32
    %swap3A_307 = arith.index_cast %swap3A_306 : i32 to index
    %swap3A_308 = arith.constant 0 : index
    %swap3A_309 = tpu.vector_load %arg13[%swap3A_307, %swap3A_308] {strides = array<i32>} : memref<64x16xf32, #tpu.memory_space<vmem>>, vector<16xf32>,
    tpu.vector_store %arg13[%swap3A_307, %swap3A_308], %while3A_285#5 {strides = array<i32>} : memref<64x16xf32, #tpu.memory_space<vmem>>, vector<16xf32>,
    %swap3A_310 = arith.constant 30 : i32
    %swap3A_311 = arith.index_cast %swap3A_310 : i32 to index
    %swap3A_312 = arith.constant 0 : index
    %swap3A_313 = tpu.vector_load %arg13[%swap3A_311, %swap3A_312] {strides = array<i32>} : memref<64x16xf32, #tpu.memory_space<vmem>>, vector<16xf32>,
    tpu.vector_store %arg13[%swap3A_311, %swap3A_312], %while3A_285#6 {strides = array<i32>} : memref<64x16xf32, #tpu.memory_space<vmem>>, vector<16xf32>,
    %swap3A_314 = arith.constant 31 : i32
    %swap3A_315 = arith.index_cast %swap3A_314 : i32 to index
    %swap3A_316 = arith.constant 0 : index
    %swap3A_317 = tpu.vector_load %arg13[%swap3A_315, %swap3A_316] {strides = array<i32>} : memref<64x16xf32, #tpu.memory_space<vmem>>, vector<16xf32>,
    tpu.vector_store %arg13[%swap3A_315, %swap3A_316], %while3A_285#7 {strides = array<i32>} : memref<64x16xf32, #tpu.memory_space<vmem>>, vector<16xf32>,
    %get3A_318 = arith.constant 512 : index
    %get3A_319 = tpu.vector_load %arg11[%get3A_318] {strides = array<i32>} : memref<1024xf32, #tpu.memory_space<vmem>>, vector<16xf32>,
    %get3A_320 = arith.constant 528 : index
    %get3A_321 = tpu.vector_load %arg11[%get3A_320] {strides = array<i32>} : memref<1024xf32, #tpu.memory_space<vmem>>, vector<16xf32>,
    %get3A_322 = arith.constant 544 : index
    %get3A_323 = tpu.vector_load %arg11[%get3A_322] {strides = array<i32>} : memref<1024xf32, #tpu.memory_space<vmem>>, vector<16xf32>,
    %get3A_324 = arith.constant 560 : index
    %get3A_325 = tpu.vector_load %arg11[%get3A_324] {strides = array<i32>} : memref<1024xf32, #tpu.memory_space<vmem>>, vector<16xf32>,
    %get3A_326 = arith.constant 576 : index
    %get3A_327 = tpu.vector_load %arg11[%get3A_326] {strides = array<i32>} : memref<1024xf32, #tpu.memory_space<vmem>>, vector<16xf32>,
    %get3A_328 = arith.constant 592 : index
    %get3A_329 = tpu.vector_load %arg11[%get3A_328] {strides = array<i32>} : memref<1024xf32, #tpu.memory_space<vmem>>, vector<16xf32>,
    %get3A_330 = arith.constant 608 : index
    %get3A_331 = tpu.vector_load %arg11[%get3A_330] {strides = array<i32>} : memref<1024xf32, #tpu.memory_space<vmem>>, vector<16xf32>,
    %get3A_332 = arith.constant 624 : index
    %get3A_333 = tpu.vector_load %arg11[%get3A_332] {strides = array<i32>} : memref<1024xf32, #tpu.memory_space<vmem>>, vector<16xf32>,
    %get3A_334 = arith.constant 512 : index
    %get3A_335 = tpu.vector_load %arg12[%get3A_334] {strides = array<i32>} : memref<1024xf32, #tpu.memory_space<vmem>>, vector<16xf32>,
    %get3A_336 = arith.constant 528 : index
    %get3A_337 = tpu.vector_load %arg12[%get3A_336] {strides = array<i32>} : memref<1024xf32, #tpu.memory_space<vmem>>, vector<16xf32>,
    %get3A_338 = arith.constant 544 : index
    %get3A_339 = tpu.vector_load %arg12[%get3A_338] {strides = array<i32>} : memref<1024xf32, #tpu.memory_space<vmem>>, vector<16xf32>,
    %get3A_340 = arith.constant 560 : index
    %get3A_341 = tpu.vector_load %arg12[%get3A_340] {strides = array<i32>} : memref<1024xf32, #tpu.memory_space<vmem>>, vector<16xf32>,
    %get3A_342 = arith.constant 576 : index
    %get3A_343 = tpu.vector_load %arg12[%get3A_342] {strides = array<i32>} : memref<1024xf32, #tpu.memory_space<vmem>>, vector<16xf32>,
    %get3A_344 = arith.constant 592 : index
    %get3A_345 = tpu.vector_load %arg12[%get3A_344] {strides = array<i32>} : memref<1024xf32, #tpu.memory_space<vmem>>, vector<16xf32>,
    %get3A_346 = arith.constant 608 : index
    %get3A_347 = tpu.vector_load %arg12[%get3A_346] {strides = array<i32>} : memref<1024xf32, #tpu.memory_space<vmem>>, vector<16xf32>,
    %get3A_348 = arith.constant 624 : index
    %get3A_349 = tpu.vector_load %arg12[%get3A_348] {strides = array<i32>} : memref<1024xf32, #tpu.memory_space<vmem>>, vector<16xf32>,
    %while3A_350 = arith.constant 0 : i32
    %while3A_351 = arith.subi %shift_right_logical3A_17, %while3A_350 : i32
    %while3A_352 = arith.addi %while3A_350, %while3A_351 : i32
    %while3A_353 = arith.constant 1 : i32
    %while3A_354 = arith.divsi %while3A_351, %while3A_353 : i32
    %while3A_355 = arith.muli %while3A_354, %while3A_353 : i32
    %while3A_356 = arith.addi %while3A_350, %while3A_355 : i32
    %while3A_357 = arith.constant 1 : i32
    %while3A_358:8 = scf.for %while3A_618 = %while3A_350 to %while3A_356 step %while3A_357 iter_args(%while3A_619 = %broadcast_in_dim3A_19, %while3A_620 = %broadcast_in_dim3A_19, %while3A_621 = %broadcast_in_dim3A_19, %while3A_622 = %broadcast_in_dim3A_19, %while3A_623 = %broadcast_in_dim3A_19, %while3A_624 = %broadcast_in_dim3A_19, %while3A_625 = %broadcast_in_dim3A_19, %while3A_626 = %broadcast_in_dim3A_19) -> (vector<16xf32>, vector<16xf32>, vector<16xf32>, vector<16xf32>, vector<16xf32>, vector<16xf32>, vector<16xf32>, vector<16xf32>)  : i32 {
      %mul3A_627 = arith.constant 16 : i32
      %mul3A_628 = arith.muli %while3A_618, %mul3A_627 : i32
      %get3A_629 = arith.index_cast %mul3A_628 : i32 to index
      %get3A_630 = tpu.vector_load %arg8[%get3A_629] {strides = array<i32>} : memref<14352xf32, #tpu.memory_space<vmem>>, vector<16xf32>,
      %get3A_631 = arith.index_cast %mul3A_628 : i32 to index
      %get3A_632 = tpu.vector_load %arg9[%get3A_631] {strides = array<i32>} : memref<14352xf32, #tpu.memory_space<vmem>>, vector<16xf32>,
      %sub3A = arith.subf %get3A_630, %get3A_319 : vector<16xf32>
      %sub3A_633 = arith.subf %get3A_632, %get3A_335 : vector<16xf32>
      %mul3A_634 = arith.mulf %sub3A, %sub3A : vector<16xf32>
      %mul3A_635 = arith.mulf %sub3A_633, %sub3A_633 : vector<16xf32>
      %add3A_636 = arith.addf %mul3A_634, %mul3A_635 : vector<16xf32>
      %min3A = arith.minimumf %while3A_619, %add3A_636 : vector<16xf32>
      %sub3A_637 = arith.subf %get3A_630, %get3A_321 : vector<16xf32>
      %sub3A_638 = arith.subf %get3A_632, %get3A_337 : vector<16xf32>
      %mul3A_639 = arith.mulf %sub3A_637, %sub3A_637 : vector<16xf32>
      %mul3A_640 = arith.mulf %sub3A_638, %sub3A_638 : vector<16xf32>
      %add3A_641 = arith.addf %mul3A_639, %mul3A_640 : vector<16xf32>
      %min3A_642 = arith.minimumf %while3A_620, %add3A_641 : vector<16xf32>
      %sub3A_643 = arith.subf %get3A_630, %get3A_323 : vector<16xf32>
      %sub3A_644 = arith.subf %get3A_632, %get3A_339 : vector<16xf32>
      %mul3A_645 = arith.mulf %sub3A_643, %sub3A_643 : vector<16xf32>
      %mul3A_646 = arith.mulf %sub3A_644, %sub3A_644 : vector<16xf32>
      %add3A_647 = arith.addf %mul3A_645, %mul3A_646 : vector<16xf32>
      %min3A_648 = arith.minimumf %while3A_621, %add3A_647 : vector<16xf32>
      %sub3A_649 = arith.subf %get3A_630, %get3A_325 : vector<16xf32>
      %sub3A_650 = arith.subf %get3A_632, %get3A_341 : vector<16xf32>
      %mul3A_651 = arith.mulf %sub3A_649, %sub3A_649 : vector<16xf32>
      %mul3A_652 = arith.mulf %sub3A_650, %sub3A_650 : vector<16xf32>
      %add3A_653 = arith.addf %mul3A_651, %mul3A_652 : vector<16xf32>
      %min3A_654 = arith.minimumf %while3A_622, %add3A_653 : vector<16xf32>
      %sub3A_655 = arith.subf %get3A_630, %get3A_327 : vector<16xf32>
      %sub3A_656 = arith.subf %get3A_632, %get3A_343 : vector<16xf32>
      %mul3A_657 = arith.mulf %sub3A_655, %sub3A_655 : vector<16xf32>
      %mul3A_658 = arith.mulf %sub3A_656, %sub3A_656 : vector<16xf32>
      %add3A_659 = arith.addf %mul3A_657, %mul3A_658 : vector<16xf32>
      %min3A_660 = arith.minimumf %while3A_623, %add3A_659 : vector<16xf32>
      %sub3A_661 = arith.subf %get3A_630, %get3A_329 : vector<16xf32>
      %sub3A_662 = arith.subf %get3A_632, %get3A_345 : vector<16xf32>
      %mul3A_663 = arith.mulf %sub3A_661, %sub3A_661 : vector<16xf32>
      %mul3A_664 = arith.mulf %sub3A_662, %sub3A_662 : vector<16xf32>
      %add3A_665 = arith.addf %mul3A_663, %mul3A_664 : vector<16xf32>
      %min3A_666 = arith.minimumf %while3A_624, %add3A_665 : vector<16xf32>
      %sub3A_667 = arith.subf %get3A_630, %get3A_331 : vector<16xf32>
      %sub3A_668 = arith.subf %get3A_632, %get3A_347 : vector<16xf32>
      %mul3A_669 = arith.mulf %sub3A_667, %sub3A_667 : vector<16xf32>
      %mul3A_670 = arith.mulf %sub3A_668, %sub3A_668 : vector<16xf32>
      %add3A_671 = arith.addf %mul3A_669, %mul3A_670 : vector<16xf32>
      %min3A_672 = arith.minimumf %while3A_625, %add3A_671 : vector<16xf32>
      %sub3A_673 = arith.subf %get3A_630, %get3A_333 : vector<16xf32>
      %sub3A_674 = arith.subf %get3A_632, %get3A_349 : vector<16xf32>
      %mul3A_675 = arith.mulf %sub3A_673, %sub3A_673 : vector<16xf32>
      %mul3A_676 = arith.mulf %sub3A_674, %sub3A_674 : vector<16xf32>
      %add3A_677 = arith.addf %mul3A_675, %mul3A_676 : vector<16xf32>
      %min3A_678 = arith.minimumf %while3A_626, %add3A_677 : vector<16xf32>
      scf.yield %min3A, %min3A_642, %min3A_648, %min3A_654, %min3A_660, %min3A_666, %min3A_672, %min3A_678 : vector<16xf32>, vector<16xf32>, vector<16xf32>, vector<16xf32>, vector<16xf32>, vector<16xf32>, vector<16xf32>, vector<16xf32>
    }
    %while3A_359 = arith.constant 1 : i32
    %while3A_360:8 = scf.for %while3A_618 = %while3A_356 to %while3A_352 step %while3A_359 iter_args(%while3A_619 = %while3A_358#0, %while3A_620 = %while3A_358#1, %while3A_621 = %while3A_358#2, %while3A_622 = %while3A_358#3, %while3A_623 = %while3A_358#4, %while3A_624 = %while3A_358#5, %while3A_625 = %while3A_358#6, %while3A_626 = %while3A_358#7) -> (vector<16xf32>, vector<16xf32>, vector<16xf32>, vector<16xf32>, vector<16xf32>, vector<16xf32>, vector<16xf32>, vector<16xf32>)  : i32 {
      %mul3A_627 = arith.constant 16 : i32
      %mul3A_628 = arith.muli %while3A_618, %mul3A_627 : i32
      %get3A_629 = arith.index_cast %mul3A_628 : i32 to index
      %get3A_630 = tpu.vector_load %arg8[%get3A_629] {strides = array<i32>} : memref<14352xf32, #tpu.memory_space<vmem>>, vector<16xf32>,
      %get3A_631 = arith.index_cast %mul3A_628 : i32 to index
      %get3A_632 = tpu.vector_load %arg9[%get3A_631] {strides = array<i32>} : memref<14352xf32, #tpu.memory_space<vmem>>, vector<16xf32>,
      %sub3A = arith.subf %get3A_630, %get3A_319 : vector<16xf32>
      %sub3A_633 = arith.subf %get3A_632, %get3A_335 : vector<16xf32>
      %mul3A_634 = arith.mulf %sub3A, %sub3A : vector<16xf32>
      %mul3A_635 = arith.mulf %sub3A_633, %sub3A_633 : vector<16xf32>
      %add3A_636 = arith.addf %mul3A_634, %mul3A_635 : vector<16xf32>
      %min3A = arith.minimumf %while3A_619, %add3A_636 : vector<16xf32>
      %sub3A_637 = arith.subf %get3A_630, %get3A_321 : vector<16xf32>
      %sub3A_638 = arith.subf %get3A_632, %get3A_337 : vector<16xf32>
      %mul3A_639 = arith.mulf %sub3A_637, %sub3A_637 : vector<16xf32>
      %mul3A_640 = arith.mulf %sub3A_638, %sub3A_638 : vector<16xf32>
      %add3A_641 = arith.addf %mul3A_639, %mul3A_640 : vector<16xf32>
      %min3A_642 = arith.minimumf %while3A_620, %add3A_641 : vector<16xf32>
      %sub3A_643 = arith.subf %get3A_630, %get3A_323 : vector<16xf32>
      %sub3A_644 = arith.subf %get3A_632, %get3A_339 : vector<16xf32>
      %mul3A_645 = arith.mulf %sub3A_643, %sub3A_643 : vector<16xf32>
      %mul3A_646 = arith.mulf %sub3A_644, %sub3A_644 : vector<16xf32>
      %add3A_647 = arith.addf %mul3A_645, %mul3A_646 : vector<16xf32>
      %min3A_648 = arith.minimumf %while3A_621, %add3A_647 : vector<16xf32>
      %sub3A_649 = arith.subf %get3A_630, %get3A_325 : vector<16xf32>
      %sub3A_650 = arith.subf %get3A_632, %get3A_341 : vector<16xf32>
      %mul3A_651 = arith.mulf %sub3A_649, %sub3A_649 : vector<16xf32>
      %mul3A_652 = arith.mulf %sub3A_650, %sub3A_650 : vector<16xf32>
      %add3A_653 = arith.addf %mul3A_651, %mul3A_652 : vector<16xf32>
      %min3A_654 = arith.minimumf %while3A_622, %add3A_653 : vector<16xf32>
      %sub3A_655 = arith.subf %get3A_630, %get3A_327 : vector<16xf32>
      %sub3A_656 = arith.subf %get3A_632, %get3A_343 : vector<16xf32>
      %mul3A_657 = arith.mulf %sub3A_655, %sub3A_655 : vector<16xf32>
      %mul3A_658 = arith.mulf %sub3A_656, %sub3A_656 : vector<16xf32>
      %add3A_659 = arith.addf %mul3A_657, %mul3A_658 : vector<16xf32>
      %min3A_660 = arith.minimumf %while3A_623, %add3A_659 : vector<16xf32>
      %sub3A_661 = arith.subf %get3A_630, %get3A_329 : vector<16xf32>
      %sub3A_662 = arith.subf %get3A_632, %get3A_345 : vector<16xf32>
      %mul3A_663 = arith.mulf %sub3A_661, %sub3A_661 : vector<16xf32>
      %mul3A_664 = arith.mulf %sub3A_662, %sub3A_662 : vector<16xf32>
      %add3A_665 = arith.addf %mul3A_663, %mul3A_664 : vector<16xf32>
      %min3A_666 = arith.minimumf %while3A_624, %add3A_665 : vector<16xf32>
      %sub3A_667 = arith.subf %get3A_630, %get3A_331 : vector<16xf32>
      %sub3A_668 = arith.subf %get3A_632, %get3A_347 : vector<16xf32>
      %mul3A_669 = arith.mulf %sub3A_667, %sub3A_667 : vector<16xf32>
      %mul3A_670 = arith.mulf %sub3A_668, %sub3A_668 : vector<16xf32>
      %add3A_671 = arith.addf %mul3A_669, %mul3A_670 : vector<16xf32>
      %min3A_672 = arith.minimumf %while3A_625, %add3A_671 : vector<16xf32>
      %sub3A_673 = arith.subf %get3A_630, %get3A_333 : vector<16xf32>
      %sub3A_674 = arith.subf %get3A_632, %get3A_349 : vector<16xf32>
      %mul3A_675 = arith.mulf %sub3A_673, %sub3A_673 : vector<16xf32>
      %mul3A_676 = arith.mulf %sub3A_674, %sub3A_674 : vector<16xf32>
      %add3A_677 = arith.addf %mul3A_675, %mul3A_676 : vector<16xf32>
      %min3A_678 = arith.minimumf %while3A_626, %add3A_677 : vector<16xf32>
      scf.yield %min3A, %min3A_642, %min3A_648, %min3A_654, %min3A_660, %min3A_666, %min3A_672, %min3A_678 : vector<16xf32>, vector<16xf32>, vector<16xf32>, vector<16xf32>, vector<16xf32>, vector<16xf32>, vector<16xf32>, vector<16xf32>
    }
    %swap3A_361 = arith.constant 32 : i32
    %swap3A_362 = arith.index_cast %swap3A_361 : i32 to index
    %swap3A_363 = arith.constant 0 : index
    %swap3A_364 = tpu.vector_load %arg13[%swap3A_362, %swap3A_363] {strides = array<i32>} : memref<64x16xf32, #tpu.memory_space<vmem>>, vector<16xf32>,
    tpu.vector_store %arg13[%swap3A_362, %swap3A_363], %while3A_360#0 {strides = array<i32>} : memref<64x16xf32, #tpu.memory_space<vmem>>, vector<16xf32>,
    %swap3A_365 = arith.constant 33 : i32
    %swap3A_366 = arith.index_cast %swap3A_365 : i32 to index
    %swap3A_367 = arith.constant 0 : index
    %swap3A_368 = tpu.vector_load %arg13[%swap3A_366, %swap3A_367] {strides = array<i32>} : memref<64x16xf32, #tpu.memory_space<vmem>>, vector<16xf32>,
    tpu.vector_store %arg13[%swap3A_366, %swap3A_367], %while3A_360#1 {strides = array<i32>} : memref<64x16xf32, #tpu.memory_space<vmem>>, vector<16xf32>,
    %swap3A_369 = arith.constant 34 : i32
    %swap3A_370 = arith.index_cast %swap3A_369 : i32 to index
    %swap3A_371 = arith.constant 0 : index
    %swap3A_372 = tpu.vector_load %arg13[%swap3A_370, %swap3A_371] {strides = array<i32>} : memref<64x16xf32, #tpu.memory_space<vmem>>, vector<16xf32>,
    tpu.vector_store %arg13[%swap3A_370, %swap3A_371], %while3A_360#2 {strides = array<i32>} : memref<64x16xf32, #tpu.memory_space<vmem>>, vector<16xf32>,
    %swap3A_373 = arith.constant 35 : i32
    %swap3A_374 = arith.index_cast %swap3A_373 : i32 to index
    %swap3A_375 = arith.constant 0 : index
    %swap3A_376 = tpu.vector_load %arg13[%swap3A_374, %swap3A_375] {strides = array<i32>} : memref<64x16xf32, #tpu.memory_space<vmem>>, vector<16xf32>,
    tpu.vector_store %arg13[%swap3A_374, %swap3A_375], %while3A_360#3 {strides = array<i32>} : memref<64x16xf32, #tpu.memory_space<vmem>>, vector<16xf32>,
    %swap3A_377 = arith.constant 36 : i32
    %swap3A_378 = arith.index_cast %swap3A_377 : i32 to index
    %swap3A_379 = arith.constant 0 : index
    %swap3A_380 = tpu.vector_load %arg13[%swap3A_378, %swap3A_379] {strides = array<i32>} : memref<64x16xf32, #tpu.memory_space<vmem>>, vector<16xf32>,
    tpu.vector_store %arg13[%swap3A_378, %swap3A_379], %while3A_360#4 {strides = array<i32>} : memref<64x16xf32, #tpu.memory_space<vmem>>, vector<16xf32>,
    %swap3A_381 = arith.constant 37 : i32
    %swap3A_382 = arith.index_cast %swap3A_381 : i32 to index
    %swap3A_383 = arith.constant 0 : index
    %swap3A_384 = tpu.vector_load %arg13[%swap3A_382, %swap3A_383] {strides = array<i32>} : memref<64x16xf32, #tpu.memory_space<vmem>>, vector<16xf32>,
    tpu.vector_store %arg13[%swap3A_382, %swap3A_383], %while3A_360#5 {strides = array<i32>} : memref<64x16xf32, #tpu.memory_space<vmem>>, vector<16xf32>,
    %swap3A_385 = arith.constant 38 : i32
    %swap3A_386 = arith.index_cast %swap3A_385 : i32 to index
    %swap3A_387 = arith.constant 0 : index
    %swap3A_388 = tpu.vector_load %arg13[%swap3A_386, %swap3A_387] {strides = array<i32>} : memref<64x16xf32, #tpu.memory_space<vmem>>, vector<16xf32>,
    tpu.vector_store %arg13[%swap3A_386, %swap3A_387], %while3A_360#6 {strides = array<i32>} : memref<64x16xf32, #tpu.memory_space<vmem>>, vector<16xf32>,
    %swap3A_389 = arith.constant 39 : i32
    %swap3A_390 = arith.index_cast %swap3A_389 : i32 to index
    %swap3A_391 = arith.constant 0 : index
    %swap3A_392 = tpu.vector_load %arg13[%swap3A_390, %swap3A_391] {strides = array<i32>} : memref<64x16xf32, #tpu.memory_space<vmem>>, vector<16xf32>,
    tpu.vector_store %arg13[%swap3A_390, %swap3A_391], %while3A_360#7 {strides = array<i32>} : memref<64x16xf32, #tpu.memory_space<vmem>>, vector<16xf32>,
    %get3A_393 = arith.constant 640 : index
    %get3A_394 = tpu.vector_load %arg11[%get3A_393] {strides = array<i32>} : memref<1024xf32, #tpu.memory_space<vmem>>, vector<16xf32>,
    %get3A_395 = arith.constant 656 : index
    %get3A_396 = tpu.vector_load %arg11[%get3A_395] {strides = array<i32>} : memref<1024xf32, #tpu.memory_space<vmem>>, vector<16xf32>,
    %get3A_397 = arith.constant 672 : index
    %get3A_398 = tpu.vector_load %arg11[%get3A_397] {strides = array<i32>} : memref<1024xf32, #tpu.memory_space<vmem>>, vector<16xf32>,
    %get3A_399 = arith.constant 688 : index
    %get3A_400 = tpu.vector_load %arg11[%get3A_399] {strides = array<i32>} : memref<1024xf32, #tpu.memory_space<vmem>>, vector<16xf32>,
    %get3A_401 = arith.constant 704 : index
    %get3A_402 = tpu.vector_load %arg11[%get3A_401] {strides = array<i32>} : memref<1024xf32, #tpu.memory_space<vmem>>, vector<16xf32>,
    %get3A_403 = arith.constant 720 : index
    %get3A_404 = tpu.vector_load %arg11[%get3A_403] {strides = array<i32>} : memref<1024xf32, #tpu.memory_space<vmem>>, vector<16xf32>,
    %get3A_405 = arith.constant 736 : index
    %get3A_406 = tpu.vector_load %arg11[%get3A_405] {strides = array<i32>} : memref<1024xf32, #tpu.memory_space<vmem>>, vector<16xf32>,
    %get3A_407 = arith.constant 752 : index
    %get3A_408 = tpu.vector_load %arg11[%get3A_407] {strides = array<i32>} : memref<1024xf32, #tpu.memory_space<vmem>>, vector<16xf32>,
    %get3A_409 = arith.constant 640 : index
    %get3A_410 = tpu.vector_load %arg12[%get3A_409] {strides = array<i32>} : memref<1024xf32, #tpu.memory_space<vmem>>, vector<16xf32>,
    %get3A_411 = arith.constant 656 : index
    %get3A_412 = tpu.vector_load %arg12[%get3A_411] {strides = array<i32>} : memref<1024xf32, #tpu.memory_space<vmem>>, vector<16xf32>,
    %get3A_413 = arith.constant 672 : index
    %get3A_414 = tpu.vector_load %arg12[%get3A_413] {strides = array<i32>} : memref<1024xf32, #tpu.memory_space<vmem>>, vector<16xf32>,
    %get3A_415 = arith.constant 688 : index
    %get3A_416 = tpu.vector_load %arg12[%get3A_415] {strides = array<i32>} : memref<1024xf32, #tpu.memory_space<vmem>>, vector<16xf32>,
    %get3A_417 = arith.constant 704 : index
    %get3A_418 = tpu.vector_load %arg12[%get3A_417] {strides = array<i32>} : memref<1024xf32, #tpu.memory_space<vmem>>, vector<16xf32>,
    %get3A_419 = arith.constant 720 : index
    %get3A_420 = tpu.vector_load %arg12[%get3A_419] {strides = array<i32>} : memref<1024xf32, #tpu.memory_space<vmem>>, vector<16xf32>,
    %get3A_421 = arith.constant 736 : index
    %get3A_422 = tpu.vector_load %arg12[%get3A_421] {strides = array<i32>} : memref<1024xf32, #tpu.memory_space<vmem>>, vector<16xf32>,
    %get3A_423 = arith.constant 752 : index
    %get3A_424 = tpu.vector_load %arg12[%get3A_423] {strides = array<i32>} : memref<1024xf32, #tpu.memory_space<vmem>>, vector<16xf32>,
    %while3A_425 = arith.constant 0 : i32
    %while3A_426 = arith.subi %shift_right_logical3A_17, %while3A_425 : i32
    %while3A_427 = arith.addi %while3A_425, %while3A_426 : i32
    %while3A_428 = arith.constant 1 : i32
    %while3A_429 = arith.divsi %while3A_426, %while3A_428 : i32
    %while3A_430 = arith.muli %while3A_429, %while3A_428 : i32
    %while3A_431 = arith.addi %while3A_425, %while3A_430 : i32
    %while3A_432 = arith.constant 1 : i32
    %while3A_433:8 = scf.for %while3A_618 = %while3A_425 to %while3A_431 step %while3A_432 iter_args(%while3A_619 = %broadcast_in_dim3A_19, %while3A_620 = %broadcast_in_dim3A_19, %while3A_621 = %broadcast_in_dim3A_19, %while3A_622 = %broadcast_in_dim3A_19, %while3A_623 = %broadcast_in_dim3A_19, %while3A_624 = %broadcast_in_dim3A_19, %while3A_625 = %broadcast_in_dim3A_19, %while3A_626 = %broadcast_in_dim3A_19) -> (vector<16xf32>, vector<16xf32>, vector<16xf32>, vector<16xf32>, vector<16xf32>, vector<16xf32>, vector<16xf32>, vector<16xf32>)  : i32 {
      %mul3A_627 = arith.constant 16 : i32
      %mul3A_628 = arith.muli %while3A_618, %mul3A_627 : i32
      %get3A_629 = arith.index_cast %mul3A_628 : i32 to index
      %get3A_630 = tpu.vector_load %arg8[%get3A_629] {strides = array<i32>} : memref<14352xf32, #tpu.memory_space<vmem>>, vector<16xf32>,
      %get3A_631 = arith.index_cast %mul3A_628 : i32 to index
      %get3A_632 = tpu.vector_load %arg9[%get3A_631] {strides = array<i32>} : memref<14352xf32, #tpu.memory_space<vmem>>, vector<16xf32>,
      %sub3A = arith.subf %get3A_630, %get3A_394 : vector<16xf32>
      %sub3A_633 = arith.subf %get3A_632, %get3A_410 : vector<16xf32>
      %mul3A_634 = arith.mulf %sub3A, %sub3A : vector<16xf32>
      %mul3A_635 = arith.mulf %sub3A_633, %sub3A_633 : vector<16xf32>
      %add3A_636 = arith.addf %mul3A_634, %mul3A_635 : vector<16xf32>
      %min3A = arith.minimumf %while3A_619, %add3A_636 : vector<16xf32>
      %sub3A_637 = arith.subf %get3A_630, %get3A_396 : vector<16xf32>
      %sub3A_638 = arith.subf %get3A_632, %get3A_412 : vector<16xf32>
      %mul3A_639 = arith.mulf %sub3A_637, %sub3A_637 : vector<16xf32>
      %mul3A_640 = arith.mulf %sub3A_638, %sub3A_638 : vector<16xf32>
      %add3A_641 = arith.addf %mul3A_639, %mul3A_640 : vector<16xf32>
      %min3A_642 = arith.minimumf %while3A_620, %add3A_641 : vector<16xf32>
      %sub3A_643 = arith.subf %get3A_630, %get3A_398 : vector<16xf32>
      %sub3A_644 = arith.subf %get3A_632, %get3A_414 : vector<16xf32>
      %mul3A_645 = arith.mulf %sub3A_643, %sub3A_643 : vector<16xf32>
      %mul3A_646 = arith.mulf %sub3A_644, %sub3A_644 : vector<16xf32>
      %add3A_647 = arith.addf %mul3A_645, %mul3A_646 : vector<16xf32>
      %min3A_648 = arith.minimumf %while3A_621, %add3A_647 : vector<16xf32>
      %sub3A_649 = arith.subf %get3A_630, %get3A_400 : vector<16xf32>
      %sub3A_650 = arith.subf %get3A_632, %get3A_416 : vector<16xf32>
      %mul3A_651 = arith.mulf %sub3A_649, %sub3A_649 : vector<16xf32>
      %mul3A_652 = arith.mulf %sub3A_650, %sub3A_650 : vector<16xf32>
      %add3A_653 = arith.addf %mul3A_651, %mul3A_652 : vector<16xf32>
      %min3A_654 = arith.minimumf %while3A_622, %add3A_653 : vector<16xf32>
      %sub3A_655 = arith.subf %get3A_630, %get3A_402 : vector<16xf32>
      %sub3A_656 = arith.subf %get3A_632, %get3A_418 : vector<16xf32>
      %mul3A_657 = arith.mulf %sub3A_655, %sub3A_655 : vector<16xf32>
      %mul3A_658 = arith.mulf %sub3A_656, %sub3A_656 : vector<16xf32>
      %add3A_659 = arith.addf %mul3A_657, %mul3A_658 : vector<16xf32>
      %min3A_660 = arith.minimumf %while3A_623, %add3A_659 : vector<16xf32>
      %sub3A_661 = arith.subf %get3A_630, %get3A_404 : vector<16xf32>
      %sub3A_662 = arith.subf %get3A_632, %get3A_420 : vector<16xf32>
      %mul3A_663 = arith.mulf %sub3A_661, %sub3A_661 : vector<16xf32>
      %mul3A_664 = arith.mulf %sub3A_662, %sub3A_662 : vector<16xf32>
      %add3A_665 = arith.addf %mul3A_663, %mul3A_664 : vector<16xf32>
      %min3A_666 = arith.minimumf %while3A_624, %add3A_665 : vector<16xf32>
      %sub3A_667 = arith.subf %get3A_630, %get3A_406 : vector<16xf32>
      %sub3A_668 = arith.subf %get3A_632, %get3A_422 : vector<16xf32>
      %mul3A_669 = arith.mulf %sub3A_667, %sub3A_667 : vector<16xf32>
      %mul3A_670 = arith.mulf %sub3A_668, %sub3A_668 : vector<16xf32>
      %add3A_671 = arith.addf %mul3A_669, %mul3A_670 : vector<16xf32>
      %min3A_672 = arith.minimumf %while3A_625, %add3A_671 : vector<16xf32>
      %sub3A_673 = arith.subf %get3A_630, %get3A_408 : vector<16xf32>
      %sub3A_674 = arith.subf %get3A_632, %get3A_424 : vector<16xf32>
      %mul3A_675 = arith.mulf %sub3A_673, %sub3A_673 : vector<16xf32>
      %mul3A_676 = arith.mulf %sub3A_674, %sub3A_674 : vector<16xf32>
      %add3A_677 = arith.addf %mul3A_675, %mul3A_676 : vector<16xf32>
      %min3A_678 = arith.minimumf %while3A_626, %add3A_677 : vector<16xf32>
      scf.yield %min3A, %min3A_642, %min3A_648, %min3A_654, %min3A_660, %min3A_666, %min3A_672, %min3A_678 : vector<16xf32>, vector<16xf32>, vector<16xf32>, vector<16xf32>, vector<16xf32>, vector<16xf32>, vector<16xf32>, vector<16xf32>
    }
    %while3A_434 = arith.constant 1 : i32
    %while3A_435:8 = scf.for %while3A_618 = %while3A_431 to %while3A_427 step %while3A_434 iter_args(%while3A_619 = %while3A_433#0, %while3A_620 = %while3A_433#1, %while3A_621 = %while3A_433#2, %while3A_622 = %while3A_433#3, %while3A_623 = %while3A_433#4, %while3A_624 = %while3A_433#5, %while3A_625 = %while3A_433#6, %while3A_626 = %while3A_433#7) -> (vector<16xf32>, vector<16xf32>, vector<16xf32>, vector<16xf32>, vector<16xf32>, vector<16xf32>, vector<16xf32>, vector<16xf32>)  : i32 {
      %mul3A_627 = arith.constant 16 : i32
      %mul3A_628 = arith.muli %while3A_618, %mul3A_627 : i32
      %get3A_629 = arith.index_cast %mul3A_628 : i32 to index
      %get3A_630 = tpu.vector_load %arg8[%get3A_629] {strides = array<i32>} : memref<14352xf32, #tpu.memory_space<vmem>>, vector<16xf32>,
      %get3A_631 = arith.index_cast %mul3A_628 : i32 to index
      %get3A_632 = tpu.vector_load %arg9[%get3A_631] {strides = array<i32>} : memref<14352xf32, #tpu.memory_space<vmem>>, vector<16xf32>,
      %sub3A = arith.subf %get3A_630, %get3A_394 : vector<16xf32>
      %sub3A_633 = arith.subf %get3A_632, %get3A_410 : vector<16xf32>
      %mul3A_634 = arith.mulf %sub3A, %sub3A : vector<16xf32>
      %mul3A_635 = arith.mulf %sub3A_633, %sub3A_633 : vector<16xf32>
      %add3A_636 = arith.addf %mul3A_634, %mul3A_635 : vector<16xf32>
      %min3A = arith.minimumf %while3A_619, %add3A_636 : vector<16xf32>
      %sub3A_637 = arith.subf %get3A_630, %get3A_396 : vector<16xf32>
      %sub3A_638 = arith.subf %get3A_632, %get3A_412 : vector<16xf32>
      %mul3A_639 = arith.mulf %sub3A_637, %sub3A_637 : vector<16xf32>
      %mul3A_640 = arith.mulf %sub3A_638, %sub3A_638 : vector<16xf32>
      %add3A_641 = arith.addf %mul3A_639, %mul3A_640 : vector<16xf32>
      %min3A_642 = arith.minimumf %while3A_620, %add3A_641 : vector<16xf32>
      %sub3A_643 = arith.subf %get3A_630, %get3A_398 : vector<16xf32>
      %sub3A_644 = arith.subf %get3A_632, %get3A_414 : vector<16xf32>
      %mul3A_645 = arith.mulf %sub3A_643, %sub3A_643 : vector<16xf32>
      %mul3A_646 = arith.mulf %sub3A_644, %sub3A_644 : vector<16xf32>
      %add3A_647 = arith.addf %mul3A_645, %mul3A_646 : vector<16xf32>
      %min3A_648 = arith.minimumf %while3A_621, %add3A_647 : vector<16xf32>
      %sub3A_649 = arith.subf %get3A_630, %get3A_400 : vector<16xf32>
      %sub3A_650 = arith.subf %get3A_632, %get3A_416 : vector<16xf32>
      %mul3A_651 = arith.mulf %sub3A_649, %sub3A_649 : vector<16xf32>
      %mul3A_652 = arith.mulf %sub3A_650, %sub3A_650 : vector<16xf32>
      %add3A_653 = arith.addf %mul3A_651, %mul3A_652 : vector<16xf32>
      %min3A_654 = arith.minimumf %while3A_622, %add3A_653 : vector<16xf32>
      %sub3A_655 = arith.subf %get3A_630, %get3A_402 : vector<16xf32>
      %sub3A_656 = arith.subf %get3A_632, %get3A_418 : vector<16xf32>
      %mul3A_657 = arith.mulf %sub3A_655, %sub3A_655 : vector<16xf32>
      %mul3A_658 = arith.mulf %sub3A_656, %sub3A_656 : vector<16xf32>
      %add3A_659 = arith.addf %mul3A_657, %mul3A_658 : vector<16xf32>
      %min3A_660 = arith.minimumf %while3A_623, %add3A_659 : vector<16xf32>
      %sub3A_661 = arith.subf %get3A_630, %get3A_404 : vector<16xf32>
      %sub3A_662 = arith.subf %get3A_632, %get3A_420 : vector<16xf32>
      %mul3A_663 = arith.mulf %sub3A_661, %sub3A_661 : vector<16xf32>
      %mul3A_664 = arith.mulf %sub3A_662, %sub3A_662 : vector<16xf32>
      %add3A_665 = arith.addf %mul3A_663, %mul3A_664 : vector<16xf32>
      %min3A_666 = arith.minimumf %while3A_624, %add3A_665 : vector<16xf32>
      %sub3A_667 = arith.subf %get3A_630, %get3A_406 : vector<16xf32>
      %sub3A_668 = arith.subf %get3A_632, %get3A_422 : vector<16xf32>
      %mul3A_669 = arith.mulf %sub3A_667, %sub3A_667 : vector<16xf32>
      %mul3A_670 = arith.mulf %sub3A_668, %sub3A_668 : vector<16xf32>
      %add3A_671 = arith.addf %mul3A_669, %mul3A_670 : vector<16xf32>
      %min3A_672 = arith.minimumf %while3A_625, %add3A_671 : vector<16xf32>
      %sub3A_673 = arith.subf %get3A_630, %get3A_408 : vector<16xf32>
      %sub3A_674 = arith.subf %get3A_632, %get3A_424 : vector<16xf32>
      %mul3A_675 = arith.mulf %sub3A_673, %sub3A_673 : vector<16xf32>
      %mul3A_676 = arith.mulf %sub3A_674, %sub3A_674 : vector<16xf32>
      %add3A_677 = arith.addf %mul3A_675, %mul3A_676 : vector<16xf32>
      %min3A_678 = arith.minimumf %while3A_626, %add3A_677 : vector<16xf32>
      scf.yield %min3A, %min3A_642, %min3A_648, %min3A_654, %min3A_660, %min3A_666, %min3A_672, %min3A_678 : vector<16xf32>, vector<16xf32>, vector<16xf32>, vector<16xf32>, vector<16xf32>, vector<16xf32>, vector<16xf32>, vector<16xf32>
    }
    %swap3A_436 = arith.constant 40 : i32
    %swap3A_437 = arith.index_cast %swap3A_436 : i32 to index
    %swap3A_438 = arith.constant 0 : index
    %swap3A_439 = tpu.vector_load %arg13[%swap3A_437, %swap3A_438] {strides = array<i32>} : memref<64x16xf32, #tpu.memory_space<vmem>>, vector<16xf32>,
    tpu.vector_store %arg13[%swap3A_437, %swap3A_438], %while3A_435#0 {strides = array<i32>} : memref<64x16xf32, #tpu.memory_space<vmem>>, vector<16xf32>,
    %swap3A_440 = arith.constant 41 : i32
    %swap3A_441 = arith.index_cast %swap3A_440 : i32 to index
    %swap3A_442 = arith.constant 0 : index
    %swap3A_443 = tpu.vector_load %arg13[%swap3A_441, %swap3A_442] {strides = array<i32>} : memref<64x16xf32, #tpu.memory_space<vmem>>, vector<16xf32>,
    tpu.vector_store %arg13[%swap3A_441, %swap3A_442], %while3A_435#1 {strides = array<i32>} : memref<64x16xf32, #tpu.memory_space<vmem>>, vector<16xf32>,
    %swap3A_444 = arith.constant 42 : i32
    %swap3A_445 = arith.index_cast %swap3A_444 : i32 to index
    %swap3A_446 = arith.constant 0 : index
    %swap3A_447 = tpu.vector_load %arg13[%swap3A_445, %swap3A_446] {strides = array<i32>} : memref<64x16xf32, #tpu.memory_space<vmem>>, vector<16xf32>,
    tpu.vector_store %arg13[%swap3A_445, %swap3A_446], %while3A_435#2 {strides = array<i32>} : memref<64x16xf32, #tpu.memory_space<vmem>>, vector<16xf32>,
    %swap3A_448 = arith.constant 43 : i32
    %swap3A_449 = arith.index_cast %swap3A_448 : i32 to index
    %swap3A_450 = arith.constant 0 : index
    %swap3A_451 = tpu.vector_load %arg13[%swap3A_449, %swap3A_450] {strides = array<i32>} : memref<64x16xf32, #tpu.memory_space<vmem>>, vector<16xf32>,
    tpu.vector_store %arg13[%swap3A_449, %swap3A_450], %while3A_435#3 {strides = array<i32>} : memref<64x16xf32, #tpu.memory_space<vmem>>, vector<16xf32>,
    %swap3A_452 = arith.constant 44 : i32
    %swap3A_453 = arith.index_cast %swap3A_452 : i32 to index
    %swap3A_454 = arith.constant 0 : index
    %swap3A_455 = tpu.vector_load %arg13[%swap3A_453, %swap3A_454] {strides = array<i32>} : memref<64x16xf32, #tpu.memory_space<vmem>>, vector<16xf32>,
    tpu.vector_store %arg13[%swap3A_453, %swap3A_454], %while3A_435#4 {strides = array<i32>} : memref<64x16xf32, #tpu.memory_space<vmem>>, vector<16xf32>,
    %swap3A_456 = arith.constant 45 : i32
    %swap3A_457 = arith.index_cast %swap3A_456 : i32 to index
    %swap3A_458 = arith.constant 0 : index
    %swap3A_459 = tpu.vector_load %arg13[%swap3A_457, %swap3A_458] {strides = array<i32>} : memref<64x16xf32, #tpu.memory_space<vmem>>, vector<16xf32>,
    tpu.vector_store %arg13[%swap3A_457, %swap3A_458], %while3A_435#5 {strides = array<i32>} : memref<64x16xf32, #tpu.memory_space<vmem>>, vector<16xf32>,
    %swap3A_460 = arith.constant 46 : i32
    %swap3A_461 = arith.index_cast %swap3A_460 : i32 to index
    %swap3A_462 = arith.constant 0 : index
    %swap3A_463 = tpu.vector_load %arg13[%swap3A_461, %swap3A_462] {strides = array<i32>} : memref<64x16xf32, #tpu.memory_space<vmem>>, vector<16xf32>,
    tpu.vector_store %arg13[%swap3A_461, %swap3A_462], %while3A_435#6 {strides = array<i32>} : memref<64x16xf32, #tpu.memory_space<vmem>>, vector<16xf32>,
    %swap3A_464 = arith.constant 47 : i32
    %swap3A_465 = arith.index_cast %swap3A_464 : i32 to index
    %swap3A_466 = arith.constant 0 : index
    %swap3A_467 = tpu.vector_load %arg13[%swap3A_465, %swap3A_466] {strides = array<i32>} : memref<64x16xf32, #tpu.memory_space<vmem>>, vector<16xf32>,
    tpu.vector_store %arg13[%swap3A_465, %swap3A_466], %while3A_435#7 {strides = array<i32>} : memref<64x16xf32, #tpu.memory_space<vmem>>, vector<16xf32>,
    %get3A_468 = arith.constant 768 : index
    %get3A_469 = tpu.vector_load %arg11[%get3A_468] {strides = array<i32>} : memref<1024xf32, #tpu.memory_space<vmem>>, vector<16xf32>,
    %get3A_470 = arith.constant 784 : index
    %get3A_471 = tpu.vector_load %arg11[%get3A_470] {strides = array<i32>} : memref<1024xf32, #tpu.memory_space<vmem>>, vector<16xf32>,
    %get3A_472 = arith.constant 800 : index
    %get3A_473 = tpu.vector_load %arg11[%get3A_472] {strides = array<i32>} : memref<1024xf32, #tpu.memory_space<vmem>>, vector<16xf32>,
    %get3A_474 = arith.constant 816 : index
    %get3A_475 = tpu.vector_load %arg11[%get3A_474] {strides = array<i32>} : memref<1024xf32, #tpu.memory_space<vmem>>, vector<16xf32>,
    %get3A_476 = arith.constant 832 : index
    %get3A_477 = tpu.vector_load %arg11[%get3A_476] {strides = array<i32>} : memref<1024xf32, #tpu.memory_space<vmem>>, vector<16xf32>,
    %get3A_478 = arith.constant 848 : index
    %get3A_479 = tpu.vector_load %arg11[%get3A_478] {strides = array<i32>} : memref<1024xf32, #tpu.memory_space<vmem>>, vector<16xf32>,
    %get3A_480 = arith.constant 864 : index
    %get3A_481 = tpu.vector_load %arg11[%get3A_480] {strides = array<i32>} : memref<1024xf32, #tpu.memory_space<vmem>>, vector<16xf32>,
    %get3A_482 = arith.constant 880 : index
    %get3A_483 = tpu.vector_load %arg11[%get3A_482] {strides = array<i32>} : memref<1024xf32, #tpu.memory_space<vmem>>, vector<16xf32>,
    %get3A_484 = arith.constant 768 : index
    %get3A_485 = tpu.vector_load %arg12[%get3A_484] {strides = array<i32>} : memref<1024xf32, #tpu.memory_space<vmem>>, vector<16xf32>,
    %get3A_486 = arith.constant 784 : index
    %get3A_487 = tpu.vector_load %arg12[%get3A_486] {strides = array<i32>} : memref<1024xf32, #tpu.memory_space<vmem>>, vector<16xf32>,
    %get3A_488 = arith.constant 800 : index
    %get3A_489 = tpu.vector_load %arg12[%get3A_488] {strides = array<i32>} : memref<1024xf32, #tpu.memory_space<vmem>>, vector<16xf32>,
    %get3A_490 = arith.constant 816 : index
    %get3A_491 = tpu.vector_load %arg12[%get3A_490] {strides = array<i32>} : memref<1024xf32, #tpu.memory_space<vmem>>, vector<16xf32>,
    %get3A_492 = arith.constant 832 : index
    %get3A_493 = tpu.vector_load %arg12[%get3A_492] {strides = array<i32>} : memref<1024xf32, #tpu.memory_space<vmem>>, vector<16xf32>,
    %get3A_494 = arith.constant 848 : index
    %get3A_495 = tpu.vector_load %arg12[%get3A_494] {strides = array<i32>} : memref<1024xf32, #tpu.memory_space<vmem>>, vector<16xf32>,
    %get3A_496 = arith.constant 864 : index
    %get3A_497 = tpu.vector_load %arg12[%get3A_496] {strides = array<i32>} : memref<1024xf32, #tpu.memory_space<vmem>>, vector<16xf32>,
    %get3A_498 = arith.constant 880 : index
    %get3A_499 = tpu.vector_load %arg12[%get3A_498] {strides = array<i32>} : memref<1024xf32, #tpu.memory_space<vmem>>, vector<16xf32>,
    %while3A_500 = arith.constant 0 : i32
    %while3A_501 = arith.subi %shift_right_logical3A_17, %while3A_500 : i32
    %while3A_502 = arith.addi %while3A_500, %while3A_501 : i32
    %while3A_503 = arith.constant 1 : i32
    %while3A_504 = arith.divsi %while3A_501, %while3A_503 : i32
    %while3A_505 = arith.muli %while3A_504, %while3A_503 : i32
    %while3A_506 = arith.addi %while3A_500, %while3A_505 : i32
    %while3A_507 = arith.constant 1 : i32
    %while3A_508:8 = scf.for %while3A_618 = %while3A_500 to %while3A_506 step %while3A_507 iter_args(%while3A_619 = %broadcast_in_dim3A_19, %while3A_620 = %broadcast_in_dim3A_19, %while3A_621 = %broadcast_in_dim3A_19, %while3A_622 = %broadcast_in_dim3A_19, %while3A_623 = %broadcast_in_dim3A_19, %while3A_624 = %broadcast_in_dim3A_19, %while3A_625 = %broadcast_in_dim3A_19, %while3A_626 = %broadcast_in_dim3A_19) -> (vector<16xf32>, vector<16xf32>, vector<16xf32>, vector<16xf32>, vector<16xf32>, vector<16xf32>, vector<16xf32>, vector<16xf32>)  : i32 {
      %mul3A_627 = arith.constant 16 : i32
      %mul3A_628 = arith.muli %while3A_618, %mul3A_627 : i32
      %get3A_629 = arith.index_cast %mul3A_628 : i32 to index
      %get3A_630 = tpu.vector_load %arg8[%get3A_629] {strides = array<i32>} : memref<14352xf32, #tpu.memory_space<vmem>>, vector<16xf32>,
      %get3A_631 = arith.index_cast %mul3A_628 : i32 to index
      %get3A_632 = tpu.vector_load %arg9[%get3A_631] {strides = array<i32>} : memref<14352xf32, #tpu.memory_space<vmem>>, vector<16xf32>,
      %sub3A = arith.subf %get3A_630, %get3A_469 : vector<16xf32>
      %sub3A_633 = arith.subf %get3A_632, %get3A_485 : vector<16xf32>
      %mul3A_634 = arith.mulf %sub3A, %sub3A : vector<16xf32>
      %mul3A_635 = arith.mulf %sub3A_633, %sub3A_633 : vector<16xf32>
      %add3A_636 = arith.addf %mul3A_634, %mul3A_635 : vector<16xf32>
      %min3A = arith.minimumf %while3A_619, %add3A_636 : vector<16xf32>
      %sub3A_637 = arith.subf %get3A_630, %get3A_471 : vector<16xf32>
      %sub3A_638 = arith.subf %get3A_632, %get3A_487 : vector<16xf32>
      %mul3A_639 = arith.mulf %sub3A_637, %sub3A_637 : vector<16xf32>
      %mul3A_640 = arith.mulf %sub3A_638, %sub3A_638 : vector<16xf32>
      %add3A_641 = arith.addf %mul3A_639, %mul3A_640 : vector<16xf32>
      %min3A_642 = arith.minimumf %while3A_620, %add3A_641 : vector<16xf32>
      %sub3A_643 = arith.subf %get3A_630, %get3A_473 : vector<16xf32>
      %sub3A_644 = arith.subf %get3A_632, %get3A_489 : vector<16xf32>
      %mul3A_645 = arith.mulf %sub3A_643, %sub3A_643 : vector<16xf32>
      %mul3A_646 = arith.mulf %sub3A_644, %sub3A_644 : vector<16xf32>
      %add3A_647 = arith.addf %mul3A_645, %mul3A_646 : vector<16xf32>
      %min3A_648 = arith.minimumf %while3A_621, %add3A_647 : vector<16xf32>
      %sub3A_649 = arith.subf %get3A_630, %get3A_475 : vector<16xf32>
      %sub3A_650 = arith.subf %get3A_632, %get3A_491 : vector<16xf32>
      %mul3A_651 = arith.mulf %sub3A_649, %sub3A_649 : vector<16xf32>
      %mul3A_652 = arith.mulf %sub3A_650, %sub3A_650 : vector<16xf32>
      %add3A_653 = arith.addf %mul3A_651, %mul3A_652 : vector<16xf32>
      %min3A_654 = arith.minimumf %while3A_622, %add3A_653 : vector<16xf32>
      %sub3A_655 = arith.subf %get3A_630, %get3A_477 : vector<16xf32>
      %sub3A_656 = arith.subf %get3A_632, %get3A_493 : vector<16xf32>
      %mul3A_657 = arith.mulf %sub3A_655, %sub3A_655 : vector<16xf32>
      %mul3A_658 = arith.mulf %sub3A_656, %sub3A_656 : vector<16xf32>
      %add3A_659 = arith.addf %mul3A_657, %mul3A_658 : vector<16xf32>
      %min3A_660 = arith.minimumf %while3A_623, %add3A_659 : vector<16xf32>
      %sub3A_661 = arith.subf %get3A_630, %get3A_479 : vector<16xf32>
      %sub3A_662 = arith.subf %get3A_632, %get3A_495 : vector<16xf32>
      %mul3A_663 = arith.mulf %sub3A_661, %sub3A_661 : vector<16xf32>
      %mul3A_664 = arith.mulf %sub3A_662, %sub3A_662 : vector<16xf32>
      %add3A_665 = arith.addf %mul3A_663, %mul3A_664 : vector<16xf32>
      %min3A_666 = arith.minimumf %while3A_624, %add3A_665 : vector<16xf32>
      %sub3A_667 = arith.subf %get3A_630, %get3A_481 : vector<16xf32>
      %sub3A_668 = arith.subf %get3A_632, %get3A_497 : vector<16xf32>
      %mul3A_669 = arith.mulf %sub3A_667, %sub3A_667 : vector<16xf32>
      %mul3A_670 = arith.mulf %sub3A_668, %sub3A_668 : vector<16xf32>
      %add3A_671 = arith.addf %mul3A_669, %mul3A_670 : vector<16xf32>
      %min3A_672 = arith.minimumf %while3A_625, %add3A_671 : vector<16xf32>
      %sub3A_673 = arith.subf %get3A_630, %get3A_483 : vector<16xf32>
      %sub3A_674 = arith.subf %get3A_632, %get3A_499 : vector<16xf32>
      %mul3A_675 = arith.mulf %sub3A_673, %sub3A_673 : vector<16xf32>
      %mul3A_676 = arith.mulf %sub3A_674, %sub3A_674 : vector<16xf32>
      %add3A_677 = arith.addf %mul3A_675, %mul3A_676 : vector<16xf32>
      %min3A_678 = arith.minimumf %while3A_626, %add3A_677 : vector<16xf32>
      scf.yield %min3A, %min3A_642, %min3A_648, %min3A_654, %min3A_660, %min3A_666, %min3A_672, %min3A_678 : vector<16xf32>, vector<16xf32>, vector<16xf32>, vector<16xf32>, vector<16xf32>, vector<16xf32>, vector<16xf32>, vector<16xf32>
    }
    %while3A_509 = arith.constant 1 : i32
    %while3A_510:8 = scf.for %while3A_618 = %while3A_506 to %while3A_502 step %while3A_509 iter_args(%while3A_619 = %while3A_508#0, %while3A_620 = %while3A_508#1, %while3A_621 = %while3A_508#2, %while3A_622 = %while3A_508#3, %while3A_623 = %while3A_508#4, %while3A_624 = %while3A_508#5, %while3A_625 = %while3A_508#6, %while3A_626 = %while3A_508#7) -> (vector<16xf32>, vector<16xf32>, vector<16xf32>, vector<16xf32>, vector<16xf32>, vector<16xf32>, vector<16xf32>, vector<16xf32>)  : i32 {
      %mul3A_627 = arith.constant 16 : i32
      %mul3A_628 = arith.muli %while3A_618, %mul3A_627 : i32
      %get3A_629 = arith.index_cast %mul3A_628 : i32 to index
      %get3A_630 = tpu.vector_load %arg8[%get3A_629] {strides = array<i32>} : memref<14352xf32, #tpu.memory_space<vmem>>, vector<16xf32>,
      %get3A_631 = arith.index_cast %mul3A_628 : i32 to index
      %get3A_632 = tpu.vector_load %arg9[%get3A_631] {strides = array<i32>} : memref<14352xf32, #tpu.memory_space<vmem>>, vector<16xf32>,
      %sub3A = arith.subf %get3A_630, %get3A_469 : vector<16xf32>
      %sub3A_633 = arith.subf %get3A_632, %get3A_485 : vector<16xf32>
      %mul3A_634 = arith.mulf %sub3A, %sub3A : vector<16xf32>
      %mul3A_635 = arith.mulf %sub3A_633, %sub3A_633 : vector<16xf32>
      %add3A_636 = arith.addf %mul3A_634, %mul3A_635 : vector<16xf32>
      %min3A = arith.minimumf %while3A_619, %add3A_636 : vector<16xf32>
      %sub3A_637 = arith.subf %get3A_630, %get3A_471 : vector<16xf32>
      %sub3A_638 = arith.subf %get3A_632, %get3A_487 : vector<16xf32>
      %mul3A_639 = arith.mulf %sub3A_637, %sub3A_637 : vector<16xf32>
      %mul3A_640 = arith.mulf %sub3A_638, %sub3A_638 : vector<16xf32>
      %add3A_641 = arith.addf %mul3A_639, %mul3A_640 : vector<16xf32>
      %min3A_642 = arith.minimumf %while3A_620, %add3A_641 : vector<16xf32>
      %sub3A_643 = arith.subf %get3A_630, %get3A_473 : vector<16xf32>
      %sub3A_644 = arith.subf %get3A_632, %get3A_489 : vector<16xf32>
      %mul3A_645 = arith.mulf %sub3A_643, %sub3A_643 : vector<16xf32>
      %mul3A_646 = arith.mulf %sub3A_644, %sub3A_644 : vector<16xf32>
      %add3A_647 = arith.addf %mul3A_645, %mul3A_646 : vector<16xf32>
      %min3A_648 = arith.minimumf %while3A_621, %add3A_647 : vector<16xf32>
      %sub3A_649 = arith.subf %get3A_630, %get3A_475 : vector<16xf32>
      %sub3A_650 = arith.subf %get3A_632, %get3A_491 : vector<16xf32>
      %mul3A_651 = arith.mulf %sub3A_649, %sub3A_649 : vector<16xf32>
      %mul3A_652 = arith.mulf %sub3A_650, %sub3A_650 : vector<16xf32>
      %add3A_653 = arith.addf %mul3A_651, %mul3A_652 : vector<16xf32>
      %min3A_654 = arith.minimumf %while3A_622, %add3A_653 : vector<16xf32>
      %sub3A_655 = arith.subf %get3A_630, %get3A_477 : vector<16xf32>
      %sub3A_656 = arith.subf %get3A_632, %get3A_493 : vector<16xf32>
      %mul3A_657 = arith.mulf %sub3A_655, %sub3A_655 : vector<16xf32>
      %mul3A_658 = arith.mulf %sub3A_656, %sub3A_656 : vector<16xf32>
      %add3A_659 = arith.addf %mul3A_657, %mul3A_658 : vector<16xf32>
      %min3A_660 = arith.minimumf %while3A_623, %add3A_659 : vector<16xf32>
      %sub3A_661 = arith.subf %get3A_630, %get3A_479 : vector<16xf32>
      %sub3A_662 = arith.subf %get3A_632, %get3A_495 : vector<16xf32>
      %mul3A_663 = arith.mulf %sub3A_661, %sub3A_661 : vector<16xf32>
      %mul3A_664 = arith.mulf %sub3A_662, %sub3A_662 : vector<16xf32>
      %add3A_665 = arith.addf %mul3A_663, %mul3A_664 : vector<16xf32>
      %min3A_666 = arith.minimumf %while3A_624, %add3A_665 : vector<16xf32>
      %sub3A_667 = arith.subf %get3A_630, %get3A_481 : vector<16xf32>
      %sub3A_668 = arith.subf %get3A_632, %get3A_497 : vector<16xf32>
      %mul3A_669 = arith.mulf %sub3A_667, %sub3A_667 : vector<16xf32>
      %mul3A_670 = arith.mulf %sub3A_668, %sub3A_668 : vector<16xf32>
      %add3A_671 = arith.addf %mul3A_669, %mul3A_670 : vector<16xf32>
      %min3A_672 = arith.minimumf %while3A_625, %add3A_671 : vector<16xf32>
      %sub3A_673 = arith.subf %get3A_630, %get3A_483 : vector<16xf32>
      %sub3A_674 = arith.subf %get3A_632, %get3A_499 : vector<16xf32>
      %mul3A_675 = arith.mulf %sub3A_673, %sub3A_673 : vector<16xf32>
      %mul3A_676 = arith.mulf %sub3A_674, %sub3A_674 : vector<16xf32>
      %add3A_677 = arith.addf %mul3A_675, %mul3A_676 : vector<16xf32>
      %min3A_678 = arith.minimumf %while3A_626, %add3A_677 : vector<16xf32>
      scf.yield %min3A, %min3A_642, %min3A_648, %min3A_654, %min3A_660, %min3A_666, %min3A_672, %min3A_678 : vector<16xf32>, vector<16xf32>, vector<16xf32>, vector<16xf32>, vector<16xf32>, vector<16xf32>, vector<16xf32>, vector<16xf32>
    }
    %swap3A_511 = arith.constant 48 : i32
    %swap3A_512 = arith.index_cast %swap3A_511 : i32 to index
    %swap3A_513 = arith.constant 0 : index
    %swap3A_514 = tpu.vector_load %arg13[%swap3A_512, %swap3A_513] {strides = array<i32>} : memref<64x16xf32, #tpu.memory_space<vmem>>, vector<16xf32>,
    tpu.vector_store %arg13[%swap3A_512, %swap3A_513], %while3A_510#0 {strides = array<i32>} : memref<64x16xf32, #tpu.memory_space<vmem>>, vector<16xf32>,
    %swap3A_515 = arith.constant 49 : i32
    %swap3A_516 = arith.index_cast %swap3A_515 : i32 to index
    %swap3A_517 = arith.constant 0 : index
    %swap3A_518 = tpu.vector_load %arg13[%swap3A_516, %swap3A_517] {strides = array<i32>} : memref<64x16xf32, #tpu.memory_space<vmem>>, vector<16xf32>,
    tpu.vector_store %arg13[%swap3A_516, %swap3A_517], %while3A_510#1 {strides = array<i32>} : memref<64x16xf32, #tpu.memory_space<vmem>>, vector<16xf32>,
    %swap3A_519 = arith.constant 50 : i32
    %swap3A_520 = arith.index_cast %swap3A_519 : i32 to index
    %swap3A_521 = arith.constant 0 : index
    %swap3A_522 = tpu.vector_load %arg13[%swap3A_520, %swap3A_521] {strides = array<i32>} : memref<64x16xf32, #tpu.memory_space<vmem>>, vector<16xf32>,
    tpu.vector_store %arg13[%swap3A_520, %swap3A_521], %while3A_510#2 {strides = array<i32>} : memref<64x16xf32, #tpu.memory_space<vmem>>, vector<16xf32>,
    %swap3A_523 = arith.constant 51 : i32
    %swap3A_524 = arith.index_cast %swap3A_523 : i32 to index
    %swap3A_525 = arith.constant 0 : index
    %swap3A_526 = tpu.vector_load %arg13[%swap3A_524, %swap3A_525] {strides = array<i32>} : memref<64x16xf32, #tpu.memory_space<vmem>>, vector<16xf32>,
    tpu.vector_store %arg13[%swap3A_524, %swap3A_525], %while3A_510#3 {strides = array<i32>} : memref<64x16xf32, #tpu.memory_space<vmem>>, vector<16xf32>,
    %swap3A_527 = arith.constant 52 : i32
    %swap3A_528 = arith.index_cast %swap3A_527 : i32 to index
    %swap3A_529 = arith.constant 0 : index
    %swap3A_530 = tpu.vector_load %arg13[%swap3A_528, %swap3A_529] {strides = array<i32>} : memref<64x16xf32, #tpu.memory_space<vmem>>, vector<16xf32>,
    tpu.vector_store %arg13[%swap3A_528, %swap3A_529], %while3A_510#4 {strides = array<i32>} : memref<64x16xf32, #tpu.memory_space<vmem>>, vector<16xf32>,
    %swap3A_531 = arith.constant 53 : i32
    %swap3A_532 = arith.index_cast %swap3A_531 : i32 to index
    %swap3A_533 = arith.constant 0 : index
    %swap3A_534 = tpu.vector_load %arg13[%swap3A_532, %swap3A_533] {strides = array<i32>} : memref<64x16xf32, #tpu.memory_space<vmem>>, vector<16xf32>,
    tpu.vector_store %arg13[%swap3A_532, %swap3A_533], %while3A_510#5 {strides = array<i32>} : memref<64x16xf32, #tpu.memory_space<vmem>>, vector<16xf32>,
    %swap3A_535 = arith.constant 54 : i32
    %swap3A_536 = arith.index_cast %swap3A_535 : i32 to index
    %swap3A_537 = arith.constant 0 : index
    %swap3A_538 = tpu.vector_load %arg13[%swap3A_536, %swap3A_537] {strides = array<i32>} : memref<64x16xf32, #tpu.memory_space<vmem>>, vector<16xf32>,
    tpu.vector_store %arg13[%swap3A_536, %swap3A_537], %while3A_510#6 {strides = array<i32>} : memref<64x16xf32, #tpu.memory_space<vmem>>, vector<16xf32>,
    %swap3A_539 = arith.constant 55 : i32
    %swap3A_540 = arith.index_cast %swap3A_539 : i32 to index
    %swap3A_541 = arith.constant 0 : index
    %swap3A_542 = tpu.vector_load %arg13[%swap3A_540, %swap3A_541] {strides = array<i32>} : memref<64x16xf32, #tpu.memory_space<vmem>>, vector<16xf32>,
    tpu.vector_store %arg13[%swap3A_540, %swap3A_541], %while3A_510#7 {strides = array<i32>} : memref<64x16xf32, #tpu.memory_space<vmem>>, vector<16xf32>,
    %get3A_543 = arith.constant 896 : index
    %get3A_544 = tpu.vector_load %arg11[%get3A_543] {strides = array<i32>} : memref<1024xf32, #tpu.memory_space<vmem>>, vector<16xf32>,
    %get3A_545 = arith.constant 912 : index
    %get3A_546 = tpu.vector_load %arg11[%get3A_545] {strides = array<i32>} : memref<1024xf32, #tpu.memory_space<vmem>>, vector<16xf32>,
    %get3A_547 = arith.constant 928 : index
    %get3A_548 = tpu.vector_load %arg11[%get3A_547] {strides = array<i32>} : memref<1024xf32, #tpu.memory_space<vmem>>, vector<16xf32>,
    %get3A_549 = arith.constant 944 : index
    %get3A_550 = tpu.vector_load %arg11[%get3A_549] {strides = array<i32>} : memref<1024xf32, #tpu.memory_space<vmem>>, vector<16xf32>,
    %get3A_551 = arith.constant 960 : index
    %get3A_552 = tpu.vector_load %arg11[%get3A_551] {strides = array<i32>} : memref<1024xf32, #tpu.memory_space<vmem>>, vector<16xf32>,
    %get3A_553 = arith.constant 976 : index
    %get3A_554 = tpu.vector_load %arg11[%get3A_553] {strides = array<i32>} : memref<1024xf32, #tpu.memory_space<vmem>>, vector<16xf32>,
    %get3A_555 = arith.constant 992 : index
    %get3A_556 = tpu.vector_load %arg11[%get3A_555] {strides = array<i32>} : memref<1024xf32, #tpu.memory_space<vmem>>, vector<16xf32>,
    %get3A_557 = arith.constant 1008 : index
    %get3A_558 = tpu.vector_load %arg11[%get3A_557] {strides = array<i32>} : memref<1024xf32, #tpu.memory_space<vmem>>, vector<16xf32>,
    %get3A_559 = arith.constant 896 : index
    %get3A_560 = tpu.vector_load %arg12[%get3A_559] {strides = array<i32>} : memref<1024xf32, #tpu.memory_space<vmem>>, vector<16xf32>,
    %get3A_561 = arith.constant 912 : index
    %get3A_562 = tpu.vector_load %arg12[%get3A_561] {strides = array<i32>} : memref<1024xf32, #tpu.memory_space<vmem>>, vector<16xf32>,
    %get3A_563 = arith.constant 928 : index
    %get3A_564 = tpu.vector_load %arg12[%get3A_563] {strides = array<i32>} : memref<1024xf32, #tpu.memory_space<vmem>>, vector<16xf32>,
    %get3A_565 = arith.constant 944 : index
    %get3A_566 = tpu.vector_load %arg12[%get3A_565] {strides = array<i32>} : memref<1024xf32, #tpu.memory_space<vmem>>, vector<16xf32>,
    %get3A_567 = arith.constant 960 : index
    %get3A_568 = tpu.vector_load %arg12[%get3A_567] {strides = array<i32>} : memref<1024xf32, #tpu.memory_space<vmem>>, vector<16xf32>,
    %get3A_569 = arith.constant 976 : index
    %get3A_570 = tpu.vector_load %arg12[%get3A_569] {strides = array<i32>} : memref<1024xf32, #tpu.memory_space<vmem>>, vector<16xf32>,
    %get3A_571 = arith.constant 992 : index
    %get3A_572 = tpu.vector_load %arg12[%get3A_571] {strides = array<i32>} : memref<1024xf32, #tpu.memory_space<vmem>>, vector<16xf32>,
    %get3A_573 = arith.constant 1008 : index
    %get3A_574 = tpu.vector_load %arg12[%get3A_573] {strides = array<i32>} : memref<1024xf32, #tpu.memory_space<vmem>>, vector<16xf32>,
    %while3A_575 = arith.constant 0 : i32
    %while3A_576 = arith.subi %shift_right_logical3A_17, %while3A_575 : i32
    %while3A_577 = arith.addi %while3A_575, %while3A_576 : i32
    %while3A_578 = arith.constant 1 : i32
    %while3A_579 = arith.divsi %while3A_576, %while3A_578 : i32
    %while3A_580 = arith.muli %while3A_579, %while3A_578 : i32
    %while3A_581 = arith.addi %while3A_575, %while3A_580 : i32
    %while3A_582 = arith.constant 1 : i32
    %while3A_583:8 = scf.for %while3A_618 = %while3A_575 to %while3A_581 step %while3A_582 iter_args(%while3A_619 = %broadcast_in_dim3A_19, %while3A_620 = %broadcast_in_dim3A_19, %while3A_621 = %broadcast_in_dim3A_19, %while3A_622 = %broadcast_in_dim3A_19, %while3A_623 = %broadcast_in_dim3A_19, %while3A_624 = %broadcast_in_dim3A_19, %while3A_625 = %broadcast_in_dim3A_19, %while3A_626 = %broadcast_in_dim3A_19) -> (vector<16xf32>, vector<16xf32>, vector<16xf32>, vector<16xf32>, vector<16xf32>, vector<16xf32>, vector<16xf32>, vector<16xf32>)  : i32 {
      %mul3A_627 = arith.constant 16 : i32
      %mul3A_628 = arith.muli %while3A_618, %mul3A_627 : i32
      %get3A_629 = arith.index_cast %mul3A_628 : i32 to index
      %get3A_630 = tpu.vector_load %arg8[%get3A_629] {strides = array<i32>} : memref<14352xf32, #tpu.memory_space<vmem>>, vector<16xf32>,
      %get3A_631 = arith.index_cast %mul3A_628 : i32 to index
      %get3A_632 = tpu.vector_load %arg9[%get3A_631] {strides = array<i32>} : memref<14352xf32, #tpu.memory_space<vmem>>, vector<16xf32>,
      %sub3A = arith.subf %get3A_630, %get3A_544 : vector<16xf32>
      %sub3A_633 = arith.subf %get3A_632, %get3A_560 : vector<16xf32>
      %mul3A_634 = arith.mulf %sub3A, %sub3A : vector<16xf32>
      %mul3A_635 = arith.mulf %sub3A_633, %sub3A_633 : vector<16xf32>
      %add3A_636 = arith.addf %mul3A_634, %mul3A_635 : vector<16xf32>
      %min3A = arith.minimumf %while3A_619, %add3A_636 : vector<16xf32>
      %sub3A_637 = arith.subf %get3A_630, %get3A_546 : vector<16xf32>
      %sub3A_638 = arith.subf %get3A_632, %get3A_562 : vector<16xf32>
      %mul3A_639 = arith.mulf %sub3A_637, %sub3A_637 : vector<16xf32>
      %mul3A_640 = arith.mulf %sub3A_638, %sub3A_638 : vector<16xf32>
      %add3A_641 = arith.addf %mul3A_639, %mul3A_640 : vector<16xf32>
      %min3A_642 = arith.minimumf %while3A_620, %add3A_641 : vector<16xf32>
      %sub3A_643 = arith.subf %get3A_630, %get3A_548 : vector<16xf32>
      %sub3A_644 = arith.subf %get3A_632, %get3A_564 : vector<16xf32>
      %mul3A_645 = arith.mulf %sub3A_643, %sub3A_643 : vector<16xf32>
      %mul3A_646 = arith.mulf %sub3A_644, %sub3A_644 : vector<16xf32>
      %add3A_647 = arith.addf %mul3A_645, %mul3A_646 : vector<16xf32>
      %min3A_648 = arith.minimumf %while3A_621, %add3A_647 : vector<16xf32>
      %sub3A_649 = arith.subf %get3A_630, %get3A_550 : vector<16xf32>
      %sub3A_650 = arith.subf %get3A_632, %get3A_566 : vector<16xf32>
      %mul3A_651 = arith.mulf %sub3A_649, %sub3A_649 : vector<16xf32>
      %mul3A_652 = arith.mulf %sub3A_650, %sub3A_650 : vector<16xf32>
      %add3A_653 = arith.addf %mul3A_651, %mul3A_652 : vector<16xf32>
      %min3A_654 = arith.minimumf %while3A_622, %add3A_653 : vector<16xf32>
      %sub3A_655 = arith.subf %get3A_630, %get3A_552 : vector<16xf32>
      %sub3A_656 = arith.subf %get3A_632, %get3A_568 : vector<16xf32>
      %mul3A_657 = arith.mulf %sub3A_655, %sub3A_655 : vector<16xf32>
      %mul3A_658 = arith.mulf %sub3A_656, %sub3A_656 : vector<16xf32>
      %add3A_659 = arith.addf %mul3A_657, %mul3A_658 : vector<16xf32>
      %min3A_660 = arith.minimumf %while3A_623, %add3A_659 : vector<16xf32>
      %sub3A_661 = arith.subf %get3A_630, %get3A_554 : vector<16xf32>
      %sub3A_662 = arith.subf %get3A_632, %get3A_570 : vector<16xf32>
      %mul3A_663 = arith.mulf %sub3A_661, %sub3A_661 : vector<16xf32>
      %mul3A_664 = arith.mulf %sub3A_662, %sub3A_662 : vector<16xf32>
      %add3A_665 = arith.addf %mul3A_663, %mul3A_664 : vector<16xf32>
      %min3A_666 = arith.minimumf %while3A_624, %add3A_665 : vector<16xf32>
      %sub3A_667 = arith.subf %get3A_630, %get3A_556 : vector<16xf32>
      %sub3A_668 = arith.subf %get3A_632, %get3A_572 : vector<16xf32>
      %mul3A_669 = arith.mulf %sub3A_667, %sub3A_667 : vector<16xf32>
      %mul3A_670 = arith.mulf %sub3A_668, %sub3A_668 : vector<16xf32>
      %add3A_671 = arith.addf %mul3A_669, %mul3A_670 : vector<16xf32>
      %min3A_672 = arith.minimumf %while3A_625, %add3A_671 : vector<16xf32>
      %sub3A_673 = arith.subf %get3A_630, %get3A_558 : vector<16xf32>
      %sub3A_674 = arith.subf %get3A_632, %get3A_574 : vector<16xf32>
      %mul3A_675 = arith.mulf %sub3A_673, %sub3A_673 : vector<16xf32>
      %mul3A_676 = arith.mulf %sub3A_674, %sub3A_674 : vector<16xf32>
      %add3A_677 = arith.addf %mul3A_675, %mul3A_676 : vector<16xf32>
      %min3A_678 = arith.minimumf %while3A_626, %add3A_677 : vector<16xf32>
      scf.yield %min3A, %min3A_642, %min3A_648, %min3A_654, %min3A_660, %min3A_666, %min3A_672, %min3A_678 : vector<16xf32>, vector<16xf32>, vector<16xf32>, vector<16xf32>, vector<16xf32>, vector<16xf32>, vector<16xf32>, vector<16xf32>
    }
    %while3A_584 = arith.constant 1 : i32
    %while3A_585:8 = scf.for %while3A_618 = %while3A_581 to %while3A_577 step %while3A_584 iter_args(%while3A_619 = %while3A_583#0, %while3A_620 = %while3A_583#1, %while3A_621 = %while3A_583#2, %while3A_622 = %while3A_583#3, %while3A_623 = %while3A_583#4, %while3A_624 = %while3A_583#5, %while3A_625 = %while3A_583#6, %while3A_626 = %while3A_583#7) -> (vector<16xf32>, vector<16xf32>, vector<16xf32>, vector<16xf32>, vector<16xf32>, vector<16xf32>, vector<16xf32>, vector<16xf32>)  : i32 {
      %mul3A_627 = arith.constant 16 : i32
      %mul3A_628 = arith.muli %while3A_618, %mul3A_627 : i32
      %get3A_629 = arith.index_cast %mul3A_628 : i32 to index
      %get3A_630 = tpu.vector_load %arg8[%get3A_629] {strides = array<i32>} : memref<14352xf32, #tpu.memory_space<vmem>>, vector<16xf32>,
      %get3A_631 = arith.index_cast %mul3A_628 : i32 to index
      %get3A_632 = tpu.vector_load %arg9[%get3A_631] {strides = array<i32>} : memref<14352xf32, #tpu.memory_space<vmem>>, vector<16xf32>,
      %sub3A = arith.subf %get3A_630, %get3A_544 : vector<16xf32>
      %sub3A_633 = arith.subf %get3A_632, %get3A_560 : vector<16xf32>
      %mul3A_634 = arith.mulf %sub3A, %sub3A : vector<16xf32>
      %mul3A_635 = arith.mulf %sub3A_633, %sub3A_633 : vector<16xf32>
      %add3A_636 = arith.addf %mul3A_634, %mul3A_635 : vector<16xf32>
      %min3A = arith.minimumf %while3A_619, %add3A_636 : vector<16xf32>
      %sub3A_637 = arith.subf %get3A_630, %get3A_546 : vector<16xf32>
      %sub3A_638 = arith.subf %get3A_632, %get3A_562 : vector<16xf32>
      %mul3A_639 = arith.mulf %sub3A_637, %sub3A_637 : vector<16xf32>
      %mul3A_640 = arith.mulf %sub3A_638, %sub3A_638 : vector<16xf32>
      %add3A_641 = arith.addf %mul3A_639, %mul3A_640 : vector<16xf32>
      %min3A_642 = arith.minimumf %while3A_620, %add3A_641 : vector<16xf32>
      %sub3A_643 = arith.subf %get3A_630, %get3A_548 : vector<16xf32>
      %sub3A_644 = arith.subf %get3A_632, %get3A_564 : vector<16xf32>
      %mul3A_645 = arith.mulf %sub3A_643, %sub3A_643 : vector<16xf32>
      %mul3A_646 = arith.mulf %sub3A_644, %sub3A_644 : vector<16xf32>
      %add3A_647 = arith.addf %mul3A_645, %mul3A_646 : vector<16xf32>
      %min3A_648 = arith.minimumf %while3A_621, %add3A_647 : vector<16xf32>
      %sub3A_649 = arith.subf %get3A_630, %get3A_550 : vector<16xf32>
      %sub3A_650 = arith.subf %get3A_632, %get3A_566 : vector<16xf32>
      %mul3A_651 = arith.mulf %sub3A_649, %sub3A_649 : vector<16xf32>
      %mul3A_652 = arith.mulf %sub3A_650, %sub3A_650 : vector<16xf32>
      %add3A_653 = arith.addf %mul3A_651, %mul3A_652 : vector<16xf32>
      %min3A_654 = arith.minimumf %while3A_622, %add3A_653 : vector<16xf32>
      %sub3A_655 = arith.subf %get3A_630, %get3A_552 : vector<16xf32>
      %sub3A_656 = arith.subf %get3A_632, %get3A_568 : vector<16xf32>
      %mul3A_657 = arith.mulf %sub3A_655, %sub3A_655 : vector<16xf32>
      %mul3A_658 = arith.mulf %sub3A_656, %sub3A_656 : vector<16xf32>
      %add3A_659 = arith.addf %mul3A_657, %mul3A_658 : vector<16xf32>
      %min3A_660 = arith.minimumf %while3A_623, %add3A_659 : vector<16xf32>
      %sub3A_661 = arith.subf %get3A_630, %get3A_554 : vector<16xf32>
      %sub3A_662 = arith.subf %get3A_632, %get3A_570 : vector<16xf32>
      %mul3A_663 = arith.mulf %sub3A_661, %sub3A_661 : vector<16xf32>
      %mul3A_664 = arith.mulf %sub3A_662, %sub3A_662 : vector<16xf32>
      %add3A_665 = arith.addf %mul3A_663, %mul3A_664 : vector<16xf32>
      %min3A_666 = arith.minimumf %while3A_624, %add3A_665 : vector<16xf32>
      %sub3A_667 = arith.subf %get3A_630, %get3A_556 : vector<16xf32>
      %sub3A_668 = arith.subf %get3A_632, %get3A_572 : vector<16xf32>
      %mul3A_669 = arith.mulf %sub3A_667, %sub3A_667 : vector<16xf32>
      %mul3A_670 = arith.mulf %sub3A_668, %sub3A_668 : vector<16xf32>
      %add3A_671 = arith.addf %mul3A_669, %mul3A_670 : vector<16xf32>
      %min3A_672 = arith.minimumf %while3A_625, %add3A_671 : vector<16xf32>
      %sub3A_673 = arith.subf %get3A_630, %get3A_558 : vector<16xf32>
      %sub3A_674 = arith.subf %get3A_632, %get3A_574 : vector<16xf32>
      %mul3A_675 = arith.mulf %sub3A_673, %sub3A_673 : vector<16xf32>
      %mul3A_676 = arith.mulf %sub3A_674, %sub3A_674 : vector<16xf32>
      %add3A_677 = arith.addf %mul3A_675, %mul3A_676 : vector<16xf32>
      %min3A_678 = arith.minimumf %while3A_626, %add3A_677 : vector<16xf32>
      scf.yield %min3A, %min3A_642, %min3A_648, %min3A_654, %min3A_660, %min3A_666, %min3A_672, %min3A_678 : vector<16xf32>, vector<16xf32>, vector<16xf32>, vector<16xf32>, vector<16xf32>, vector<16xf32>, vector<16xf32>, vector<16xf32>
    }
    %swap3A_586 = arith.constant 56 : i32
    %swap3A_587 = arith.index_cast %swap3A_586 : i32 to index
    %swap3A_588 = arith.constant 0 : index
    %swap3A_589 = tpu.vector_load %arg13[%swap3A_587, %swap3A_588] {strides = array<i32>} : memref<64x16xf32, #tpu.memory_space<vmem>>, vector<16xf32>,
    tpu.vector_store %arg13[%swap3A_587, %swap3A_588], %while3A_585#0 {strides = array<i32>} : memref<64x16xf32, #tpu.memory_space<vmem>>, vector<16xf32>,
    %swap3A_590 = arith.constant 57 : i32
    %swap3A_591 = arith.index_cast %swap3A_590 : i32 to index
    %swap3A_592 = arith.constant 0 : index
    %swap3A_593 = tpu.vector_load %arg13[%swap3A_591, %swap3A_592] {strides = array<i32>} : memref<64x16xf32, #tpu.memory_space<vmem>>, vector<16xf32>,
    tpu.vector_store %arg13[%swap3A_591, %swap3A_592], %while3A_585#1 {strides = array<i32>} : memref<64x16xf32, #tpu.memory_space<vmem>>, vector<16xf32>,
    %swap3A_594 = arith.constant 58 : i32
    %swap3A_595 = arith.index_cast %swap3A_594 : i32 to index
    %swap3A_596 = arith.constant 0 : index
    %swap3A_597 = tpu.vector_load %arg13[%swap3A_595, %swap3A_596] {strides = array<i32>} : memref<64x16xf32, #tpu.memory_space<vmem>>, vector<16xf32>,
    tpu.vector_store %arg13[%swap3A_595, %swap3A_596], %while3A_585#2 {strides = array<i32>} : memref<64x16xf32, #tpu.memory_space<vmem>>, vector<16xf32>,
    %swap3A_598 = arith.constant 59 : i32
    %swap3A_599 = arith.index_cast %swap3A_598 : i32 to index
    %swap3A_600 = arith.constant 0 : index
    %swap3A_601 = tpu.vector_load %arg13[%swap3A_599, %swap3A_600] {strides = array<i32>} : memref<64x16xf32, #tpu.memory_space<vmem>>, vector<16xf32>,
    tpu.vector_store %arg13[%swap3A_599, %swap3A_600], %while3A_585#3 {strides = array<i32>} : memref<64x16xf32, #tpu.memory_space<vmem>>, vector<16xf32>,
    %swap3A_602 = arith.constant 60 : i32
    %swap3A_603 = arith.index_cast %swap3A_602 : i32 to index
    %swap3A_604 = arith.constant 0 : index
    %swap3A_605 = tpu.vector_load %arg13[%swap3A_603, %swap3A_604] {strides = array<i32>} : memref<64x16xf32, #tpu.memory_space<vmem>>, vector<16xf32>,
    tpu.vector_store %arg13[%swap3A_603, %swap3A_604], %while3A_585#4 {strides = array<i32>} : memref<64x16xf32, #tpu.memory_space<vmem>>, vector<16xf32>,
    %swap3A_606 = arith.constant 61 : i32
    %swap3A_607 = arith.index_cast %swap3A_606 : i32 to index
    %swap3A_608 = arith.constant 0 : index
    %swap3A_609 = tpu.vector_load %arg13[%swap3A_607, %swap3A_608] {strides = array<i32>} : memref<64x16xf32, #tpu.memory_space<vmem>>, vector<16xf32>,
    tpu.vector_store %arg13[%swap3A_607, %swap3A_608], %while3A_585#5 {strides = array<i32>} : memref<64x16xf32, #tpu.memory_space<vmem>>, vector<16xf32>,
    %swap3A_610 = arith.constant 62 : i32
    %swap3A_611 = arith.index_cast %swap3A_610 : i32 to index
    %swap3A_612 = arith.constant 0 : index
    %swap3A_613 = tpu.vector_load %arg13[%swap3A_611, %swap3A_612] {strides = array<i32>} : memref<64x16xf32, #tpu.memory_space<vmem>>, vector<16xf32>,
    tpu.vector_store %arg13[%swap3A_611, %swap3A_612], %while3A_585#6 {strides = array<i32>} : memref<64x16xf32, #tpu.memory_space<vmem>>, vector<16xf32>,
    %swap3A_614 = arith.constant 63 : i32
    %swap3A_615 = arith.index_cast %swap3A_614 : i32 to index
    %swap3A_616 = arith.constant 0 : index
    %swap3A_617 = tpu.vector_load %arg13[%swap3A_615, %swap3A_616] {strides = array<i32>} : memref<64x16xf32, #tpu.memory_space<vmem>>, vector<16xf32>,
    tpu.vector_store %arg13[%swap3A_615, %swap3A_616], %while3A_585#7 {strides = array<i32>} : memref<64x16xf32, #tpu.memory_space<vmem>>, vector<16xf32>,
    "tpu.region"() ({
      %run_scoped3A = tpu.sem_alloc : memref<!tpu.dma_semaphore, #tpu.memory_space<semaphore_mem>>
      %dma_start3A = arith.constant 0 : i32
      %dma_start3A_618 = arith.constant 0 : i32
      %dma_start3A_619 = tpu.memref_slice %arg7[%add3A, %dma_start3A, %dma_start3A_618] : memref<32x64x16xf32, #tpu.memory_space<hbm>> -> memref<1x64x16xf32, #tpu.memory_space<hbm>>
      %dma_start3A_620 = tpu.memref_squeeze %dma_start3A_619 : memref<1x64x16xf32, #tpu.memory_space<hbm>> -> memref<64x16xf32, #tpu.memory_space<hbm>>
      %dma_start3A_621 = arith.constant 0 : i32
      %dma_start3A_622 = arith.constant 0 : i32
      %dma_start3A_623 = tpu.memref_slice %arg7[%add3A, %dma_start3A_621, %dma_start3A_622] : memref<32x64x16xf32, #tpu.memory_space<hbm>> -> memref<1x64x16xf32, #tpu.memory_space<hbm>>
      %dma_start3A_624 = tpu.memref_squeeze %dma_start3A_623 : memref<1x64x16xf32, #tpu.memory_space<hbm>> -> memref<64x16xf32, #tpu.memory_space<hbm>>
      tpu.enqueue_dma source(%arg13 : memref<64x16xf32, #tpu.memory_space<vmem>>) target(%dma_start3A_624 : memref<64x16xf32, #tpu.memory_space<hbm>>) target_semaphore(%run_scoped3A : memref<!tpu.dma_semaphore, #tpu.memory_space<semaphore_mem>>)
      %dma_wait3A = arith.constant 0 : i32
      %dma_wait3A_625 = arith.constant 0 : i32
      %dma_wait3A_626 = tpu.memref_slice %arg7[%add3A, %dma_wait3A, %dma_wait3A_625] : memref<32x64x16xf32, #tpu.memory_space<hbm>> -> memref<1x64x16xf32, #tpu.memory_space<hbm>>
      %dma_wait3A_627 = tpu.memref_squeeze %dma_wait3A_626 : memref<1x64x16xf32, #tpu.memory_space<hbm>> -> memref<64x16xf32, #tpu.memory_space<hbm>>
      %dma_wait3A_628 = arith.constant 0 : i32
      %dma_wait3A_629 = arith.constant 0 : i32
      %dma_wait3A_630 = tpu.memref_slice %arg7[%add3A, %dma_wait3A_628, %dma_wait3A_629] : memref<32x64x16xf32, #tpu.memory_space<hbm>> -> memref<1x64x16xf32, #tpu.memory_space<hbm>>
      %dma_wait3A_631 = tpu.memref_squeeze %dma_wait3A_630 : memref<1x64x16xf32, #tpu.memory_space<hbm>> -> memref<64x16xf32, #tpu.memory_space<hbm>>
      tpu.wait_dma2 semaphore(%run_scoped3A : memref<!tpu.dma_semaphore, #tpu.memory_space<semaphore_mem>>) src(%arg13 : memref<64x16xf32, #tpu.memory_space<vmem>>) dst(%dma_wait3A_631 : memref<64x16xf32, #tpu.memory_space<hbm>>)
      tpu.yield
    }) : () -> ()
    return
  }
}

module attributes {stable_mosaic.version = 14 : i64} {
  func.func @body(%arg0: i32, %arg1: i32, %arg2: memref<64xf32, #tpu.memory_space<smem>>, %arg3: memref<64xf32, #tpu.memory_space<smem>>, %arg4: memref<1x32x256xf32, #tpu.memory_space<vmem>>, %arg5: memref<1x32x256xf32, #tpu.memory_space<vmem>>, %arg6: memref<1x32x256xf32, #tpu.memory_space<vmem>>, %arg7: memref<64x32x256xf32, #tpu.memory_space<vmem>>) attributes {dimension_semantics = [#tpu.dimension_semantics<arbitrary>, #tpu.dimension_semantics<arbitrary>], iteration_bounds = array<i64: 9, 8>, scalar_prefetch = 0 : i64, scratch_operands = 0 : i64, tpu.core_type = #tpu.core_type<tc>, window_params = [{transform_indices = @transform_0, window_bounds = array<i64: 64>}, {transform_indices = @transform_1, window_bounds = array<i64: 64>}, {transform_indices = @transform_2, window_bounds = array<i64: 1, 32, 256>}, {transform_indices = @transform_3, window_bounds = array<i64: 1, 32, 256>}, {transform_indices = @transform_4, window_bounds = array<i64: 1, 32, 256>}, {pipeline_mode = #tpu.pipeline_mode<synchronous>, transform_indices = @transform_5, window_bounds = array<i64: 64, 32, 256>}]} {
    %eq3A = arith.constant 0 : i32
    %eq3A_0 = arith.cmpi eq, %arg0, %eq3A : i32
    %eq3A_1 = arith.constant 0 : i32
    %eq3A_2 = arith.cmpi eq, %arg1, %eq3A_1 : i32
    %and3A = arith.andi %eq3A_0, %eq3A_2 : i1
    %convert_element_type3A = arith.extui %and3A : i1 to i32
    %cond3A = arith.constant 0 : i32
    %cond3A_3 = arith.cmpi ne, %convert_element_type3A, %cond3A : i32
    scf.if %cond3A_3 {
      %broadcast_in_dim3A_1487 = arith.constant 0x7F800000 : f32
      %broadcast_in_dim3A_1488 = vector.broadcast %broadcast_in_dim3A_1487 : f32 to vector<64x32x256xf32>
      %swap3A_1489 = arith.constant 0 : index
      %swap3A_1490 = arith.constant 0 : index
      %swap3A_1491 = arith.constant 0 : index
      %swap3A_1492 = vector.load %arg7[%swap3A_1489, %swap3A_1490, %swap3A_1491] : memref<64x32x256xf32, #tpu.memory_space<vmem>>, vector<64x32x256xf32>
      tpu.vector_store %arg7[%swap3A_1489, %swap3A_1490, %swap3A_1491], %broadcast_in_dim3A_1488 {strides = array<i32>} : memref<64x32x256xf32, #tpu.memory_space<vmem>>, vector<64x32x256xf32>,
    } else {
    }
    %get3A = arith.constant 0 : index
    %get3A_4 = arith.constant 0 : index
    %get3A_5 = arith.constant 0 : index
    %get3A_6 = vector.load %arg4[%get3A, %get3A_4, %get3A_5] : memref<1x32x256xf32, #tpu.memory_space<vmem>>, vector<1x32x256xf32>
    %get3A_7 = vector.shape_cast %get3A_6 : vector<1x32x256xf32> to vector<32x256xf32>
    %get3A_8 = arith.constant 0 : index
    %get3A_9 = arith.constant 0 : index
    %get3A_10 = arith.constant 0 : index
    %get3A_11 = vector.load %arg5[%get3A_8, %get3A_9, %get3A_10] : memref<1x32x256xf32, #tpu.memory_space<vmem>>, vector<1x32x256xf32>
    %get3A_12 = vector.shape_cast %get3A_11 : vector<1x32x256xf32> to vector<32x256xf32>
    %get3A_13 = arith.constant 0 : index
    %get3A_14 = arith.constant 0 : index
    %get3A_15 = arith.constant 0 : index
    %get3A_16 = vector.load %arg6[%get3A_13, %get3A_14, %get3A_15] : memref<1x32x256xf32, #tpu.memory_space<vmem>>, vector<1x32x256xf32>
    %get3A_17 = vector.shape_cast %get3A_16 : vector<1x32x256xf32> to vector<32x256xf32>
    %gt3A = arith.constant 5.000000e-01 : f32
    %gt3A_18 = vector.broadcast %gt3A : f32 to vector<32x256xf32>
    %gt3A_19 = arith.cmpf ogt, %get3A_17, %gt3A_18 : vector<32x256xf32>
    %jit3A = arith.constant 9.99999984E+17 : f32
    %broadcast_in_dim3A = vector.broadcast %jit3A : f32 to vector<32x256xf32>
    %select_n3A = arith.select %gt3A_19, %get3A_7, %broadcast_in_dim3A : vector<32x256xi1>, vector<32x256xf32>
    %get3A_20 = arith.constant 0 : index
    %get3A_21 = memref.load %arg2[%get3A_20] : memref<64xf32, #tpu.memory_space<smem>>
    %sub3A = vector.broadcast %get3A_21 : f32 to vector<32x256xf32>
    %sub3A_22 = arith.subf %select_n3A, %sub3A : vector<32x256xf32>
    %get3A_23 = arith.constant 0 : index
    %get3A_24 = memref.load %arg3[%get3A_23] : memref<64xf32, #tpu.memory_space<smem>>
    %sub3A_25 = vector.broadcast %get3A_24 : f32 to vector<32x256xf32>
    %sub3A_26 = arith.subf %get3A_12, %sub3A_25 : vector<32x256xf32>
    %mul3A = arith.mulf %sub3A_22, %sub3A_22 : vector<32x256xf32>
    %mul3A_27 = arith.mulf %sub3A_26, %sub3A_26 : vector<32x256xf32>
    %add3A = arith.addf %mul3A, %mul3A_27 : vector<32x256xf32>
    %get3A_28 = arith.constant 0 : index
    %get3A_29 = arith.constant 0 : index
    %get3A_30 = arith.constant 0 : index
    %get3A_31 = vector.load %arg7[%get3A_28, %get3A_29, %get3A_30] : memref<64x32x256xf32, #tpu.memory_space<vmem>>, vector<1x32x256xf32>
    %get3A_32 = vector.shape_cast %get3A_31 : vector<1x32x256xf32> to vector<32x256xf32>
    %min3A = arith.minimumf %get3A_32, %add3A : vector<32x256xf32>
    %swap3A = arith.constant 0 : index
    %swap3A_33 = arith.constant 0 : index
    %swap3A_34 = arith.constant 0 : index
    %swap3A_35 = vector.load %arg7[%swap3A, %swap3A_33, %swap3A_34] : memref<64x32x256xf32, #tpu.memory_space<vmem>>, vector<1x32x256xf32>
    %swap3A_36 = vector.shape_cast %swap3A_35 : vector<1x32x256xf32> to vector<32x256xf32>
    %swap3A_37 = vector.shape_cast %min3A : vector<32x256xf32> to vector<1x32x256xf32>
    tpu.vector_store %arg7[%swap3A, %swap3A_33, %swap3A_34], %swap3A_37 {strides = array<i32>} : memref<64x32x256xf32, #tpu.memory_space<vmem>>, vector<1x32x256xf32>,
    %get3A_38 = arith.constant 1 : index
    %get3A_39 = memref.load %arg2[%get3A_38] : memref<64xf32, #tpu.memory_space<smem>>
    %sub3A_40 = vector.broadcast %get3A_39 : f32 to vector<32x256xf32>
    %sub3A_41 = arith.subf %select_n3A, %sub3A_40 : vector<32x256xf32>
    %get3A_42 = arith.constant 1 : index
    %get3A_43 = memref.load %arg3[%get3A_42] : memref<64xf32, #tpu.memory_space<smem>>
    %sub3A_44 = vector.broadcast %get3A_43 : f32 to vector<32x256xf32>
    %sub3A_45 = arith.subf %get3A_12, %sub3A_44 : vector<32x256xf32>
    %mul3A_46 = arith.mulf %sub3A_41, %sub3A_41 : vector<32x256xf32>
    %mul3A_47 = arith.mulf %sub3A_45, %sub3A_45 : vector<32x256xf32>
    %add3A_48 = arith.addf %mul3A_46, %mul3A_47 : vector<32x256xf32>
    %get3A_49 = arith.constant 1 : index
    %get3A_50 = arith.constant 0 : index
    %get3A_51 = arith.constant 0 : index
    %get3A_52 = vector.load %arg7[%get3A_49, %get3A_50, %get3A_51] : memref<64x32x256xf32, #tpu.memory_space<vmem>>, vector<1x32x256xf32>
    %get3A_53 = vector.shape_cast %get3A_52 : vector<1x32x256xf32> to vector<32x256xf32>
    %min3A_54 = arith.minimumf %get3A_53, %add3A_48 : vector<32x256xf32>
    %swap3A_55 = arith.constant 1 : index
    %swap3A_56 = arith.constant 0 : index
    %swap3A_57 = arith.constant 0 : index
    %swap3A_58 = vector.load %arg7[%swap3A_55, %swap3A_56, %swap3A_57] : memref<64x32x256xf32, #tpu.memory_space<vmem>>, vector<1x32x256xf32>
    %swap3A_59 = vector.shape_cast %swap3A_58 : vector<1x32x256xf32> to vector<32x256xf32>
    %swap3A_60 = vector.shape_cast %min3A_54 : vector<32x256xf32> to vector<1x32x256xf32>
    tpu.vector_store %arg7[%swap3A_55, %swap3A_56, %swap3A_57], %swap3A_60 {strides = array<i32>} : memref<64x32x256xf32, #tpu.memory_space<vmem>>, vector<1x32x256xf32>,
    %get3A_61 = arith.constant 2 : index
    %get3A_62 = memref.load %arg2[%get3A_61] : memref<64xf32, #tpu.memory_space<smem>>
    %sub3A_63 = vector.broadcast %get3A_62 : f32 to vector<32x256xf32>
    %sub3A_64 = arith.subf %select_n3A, %sub3A_63 : vector<32x256xf32>
    %get3A_65 = arith.constant 2 : index
    %get3A_66 = memref.load %arg3[%get3A_65] : memref<64xf32, #tpu.memory_space<smem>>
    %sub3A_67 = vector.broadcast %get3A_66 : f32 to vector<32x256xf32>
    %sub3A_68 = arith.subf %get3A_12, %sub3A_67 : vector<32x256xf32>
    %mul3A_69 = arith.mulf %sub3A_64, %sub3A_64 : vector<32x256xf32>
    %mul3A_70 = arith.mulf %sub3A_68, %sub3A_68 : vector<32x256xf32>
    %add3A_71 = arith.addf %mul3A_69, %mul3A_70 : vector<32x256xf32>
    %get3A_72 = arith.constant 2 : index
    %get3A_73 = arith.constant 0 : index
    %get3A_74 = arith.constant 0 : index
    %get3A_75 = vector.load %arg7[%get3A_72, %get3A_73, %get3A_74] : memref<64x32x256xf32, #tpu.memory_space<vmem>>, vector<1x32x256xf32>
    %get3A_76 = vector.shape_cast %get3A_75 : vector<1x32x256xf32> to vector<32x256xf32>
    %min3A_77 = arith.minimumf %get3A_76, %add3A_71 : vector<32x256xf32>
    %swap3A_78 = arith.constant 2 : index
    %swap3A_79 = arith.constant 0 : index
    %swap3A_80 = arith.constant 0 : index
    %swap3A_81 = vector.load %arg7[%swap3A_78, %swap3A_79, %swap3A_80] : memref<64x32x256xf32, #tpu.memory_space<vmem>>, vector<1x32x256xf32>
    %swap3A_82 = vector.shape_cast %swap3A_81 : vector<1x32x256xf32> to vector<32x256xf32>
    %swap3A_83 = vector.shape_cast %min3A_77 : vector<32x256xf32> to vector<1x32x256xf32>
    tpu.vector_store %arg7[%swap3A_78, %swap3A_79, %swap3A_80], %swap3A_83 {strides = array<i32>} : memref<64x32x256xf32, #tpu.memory_space<vmem>>, vector<1x32x256xf32>,
    %get3A_84 = arith.constant 3 : index
    %get3A_85 = memref.load %arg2[%get3A_84] : memref<64xf32, #tpu.memory_space<smem>>
    %sub3A_86 = vector.broadcast %get3A_85 : f32 to vector<32x256xf32>
    %sub3A_87 = arith.subf %select_n3A, %sub3A_86 : vector<32x256xf32>
    %get3A_88 = arith.constant 3 : index
    %get3A_89 = memref.load %arg3[%get3A_88] : memref<64xf32, #tpu.memory_space<smem>>
    %sub3A_90 = vector.broadcast %get3A_89 : f32 to vector<32x256xf32>
    %sub3A_91 = arith.subf %get3A_12, %sub3A_90 : vector<32x256xf32>
    %mul3A_92 = arith.mulf %sub3A_87, %sub3A_87 : vector<32x256xf32>
    %mul3A_93 = arith.mulf %sub3A_91, %sub3A_91 : vector<32x256xf32>
    %add3A_94 = arith.addf %mul3A_92, %mul3A_93 : vector<32x256xf32>
    %get3A_95 = arith.constant 3 : index
    %get3A_96 = arith.constant 0 : index
    %get3A_97 = arith.constant 0 : index
    %get3A_98 = vector.load %arg7[%get3A_95, %get3A_96, %get3A_97] : memref<64x32x256xf32, #tpu.memory_space<vmem>>, vector<1x32x256xf32>
    %get3A_99 = vector.shape_cast %get3A_98 : vector<1x32x256xf32> to vector<32x256xf32>
    %min3A_100 = arith.minimumf %get3A_99, %add3A_94 : vector<32x256xf32>
    %swap3A_101 = arith.constant 3 : index
    %swap3A_102 = arith.constant 0 : index
    %swap3A_103 = arith.constant 0 : index
    %swap3A_104 = vector.load %arg7[%swap3A_101, %swap3A_102, %swap3A_103] : memref<64x32x256xf32, #tpu.memory_space<vmem>>, vector<1x32x256xf32>
    %swap3A_105 = vector.shape_cast %swap3A_104 : vector<1x32x256xf32> to vector<32x256xf32>
    %swap3A_106 = vector.shape_cast %min3A_100 : vector<32x256xf32> to vector<1x32x256xf32>
    tpu.vector_store %arg7[%swap3A_101, %swap3A_102, %swap3A_103], %swap3A_106 {strides = array<i32>} : memref<64x32x256xf32, #tpu.memory_space<vmem>>, vector<1x32x256xf32>,
    %get3A_107 = arith.constant 4 : index
    %get3A_108 = memref.load %arg2[%get3A_107] : memref<64xf32, #tpu.memory_space<smem>>
    %sub3A_109 = vector.broadcast %get3A_108 : f32 to vector<32x256xf32>
    %sub3A_110 = arith.subf %select_n3A, %sub3A_109 : vector<32x256xf32>
    %get3A_111 = arith.constant 4 : index
    %get3A_112 = memref.load %arg3[%get3A_111] : memref<64xf32, #tpu.memory_space<smem>>
    %sub3A_113 = vector.broadcast %get3A_112 : f32 to vector<32x256xf32>
    %sub3A_114 = arith.subf %get3A_12, %sub3A_113 : vector<32x256xf32>
    %mul3A_115 = arith.mulf %sub3A_110, %sub3A_110 : vector<32x256xf32>
    %mul3A_116 = arith.mulf %sub3A_114, %sub3A_114 : vector<32x256xf32>
    %add3A_117 = arith.addf %mul3A_115, %mul3A_116 : vector<32x256xf32>
    %get3A_118 = arith.constant 4 : index
    %get3A_119 = arith.constant 0 : index
    %get3A_120 = arith.constant 0 : index
    %get3A_121 = vector.load %arg7[%get3A_118, %get3A_119, %get3A_120] : memref<64x32x256xf32, #tpu.memory_space<vmem>>, vector<1x32x256xf32>
    %get3A_122 = vector.shape_cast %get3A_121 : vector<1x32x256xf32> to vector<32x256xf32>
    %min3A_123 = arith.minimumf %get3A_122, %add3A_117 : vector<32x256xf32>
    %swap3A_124 = arith.constant 4 : index
    %swap3A_125 = arith.constant 0 : index
    %swap3A_126 = arith.constant 0 : index
    %swap3A_127 = vector.load %arg7[%swap3A_124, %swap3A_125, %swap3A_126] : memref<64x32x256xf32, #tpu.memory_space<vmem>>, vector<1x32x256xf32>
    %swap3A_128 = vector.shape_cast %swap3A_127 : vector<1x32x256xf32> to vector<32x256xf32>
    %swap3A_129 = vector.shape_cast %min3A_123 : vector<32x256xf32> to vector<1x32x256xf32>
    tpu.vector_store %arg7[%swap3A_124, %swap3A_125, %swap3A_126], %swap3A_129 {strides = array<i32>} : memref<64x32x256xf32, #tpu.memory_space<vmem>>, vector<1x32x256xf32>,
    %get3A_130 = arith.constant 5 : index
    %get3A_131 = memref.load %arg2[%get3A_130] : memref<64xf32, #tpu.memory_space<smem>>
    %sub3A_132 = vector.broadcast %get3A_131 : f32 to vector<32x256xf32>
    %sub3A_133 = arith.subf %select_n3A, %sub3A_132 : vector<32x256xf32>
    %get3A_134 = arith.constant 5 : index
    %get3A_135 = memref.load %arg3[%get3A_134] : memref<64xf32, #tpu.memory_space<smem>>
    %sub3A_136 = vector.broadcast %get3A_135 : f32 to vector<32x256xf32>
    %sub3A_137 = arith.subf %get3A_12, %sub3A_136 : vector<32x256xf32>
    %mul3A_138 = arith.mulf %sub3A_133, %sub3A_133 : vector<32x256xf32>
    %mul3A_139 = arith.mulf %sub3A_137, %sub3A_137 : vector<32x256xf32>
    %add3A_140 = arith.addf %mul3A_138, %mul3A_139 : vector<32x256xf32>
    %get3A_141 = arith.constant 5 : index
    %get3A_142 = arith.constant 0 : index
    %get3A_143 = arith.constant 0 : index
    %get3A_144 = vector.load %arg7[%get3A_141, %get3A_142, %get3A_143] : memref<64x32x256xf32, #tpu.memory_space<vmem>>, vector<1x32x256xf32>
    %get3A_145 = vector.shape_cast %get3A_144 : vector<1x32x256xf32> to vector<32x256xf32>
    %min3A_146 = arith.minimumf %get3A_145, %add3A_140 : vector<32x256xf32>
    %swap3A_147 = arith.constant 5 : index
    %swap3A_148 = arith.constant 0 : index
    %swap3A_149 = arith.constant 0 : index
    %swap3A_150 = vector.load %arg7[%swap3A_147, %swap3A_148, %swap3A_149] : memref<64x32x256xf32, #tpu.memory_space<vmem>>, vector<1x32x256xf32>
    %swap3A_151 = vector.shape_cast %swap3A_150 : vector<1x32x256xf32> to vector<32x256xf32>
    %swap3A_152 = vector.shape_cast %min3A_146 : vector<32x256xf32> to vector<1x32x256xf32>
    tpu.vector_store %arg7[%swap3A_147, %swap3A_148, %swap3A_149], %swap3A_152 {strides = array<i32>} : memref<64x32x256xf32, #tpu.memory_space<vmem>>, vector<1x32x256xf32>,
    %get3A_153 = arith.constant 6 : index
    %get3A_154 = memref.load %arg2[%get3A_153] : memref<64xf32, #tpu.memory_space<smem>>
    %sub3A_155 = vector.broadcast %get3A_154 : f32 to vector<32x256xf32>
    %sub3A_156 = arith.subf %select_n3A, %sub3A_155 : vector<32x256xf32>
    %get3A_157 = arith.constant 6 : index
    %get3A_158 = memref.load %arg3[%get3A_157] : memref<64xf32, #tpu.memory_space<smem>>
    %sub3A_159 = vector.broadcast %get3A_158 : f32 to vector<32x256xf32>
    %sub3A_160 = arith.subf %get3A_12, %sub3A_159 : vector<32x256xf32>
    %mul3A_161 = arith.mulf %sub3A_156, %sub3A_156 : vector<32x256xf32>
    %mul3A_162 = arith.mulf %sub3A_160, %sub3A_160 : vector<32x256xf32>
    %add3A_163 = arith.addf %mul3A_161, %mul3A_162 : vector<32x256xf32>
    %get3A_164 = arith.constant 6 : index
    %get3A_165 = arith.constant 0 : index
    %get3A_166 = arith.constant 0 : index
    %get3A_167 = vector.load %arg7[%get3A_164, %get3A_165, %get3A_166] : memref<64x32x256xf32, #tpu.memory_space<vmem>>, vector<1x32x256xf32>
    %get3A_168 = vector.shape_cast %get3A_167 : vector<1x32x256xf32> to vector<32x256xf32>
    %min3A_169 = arith.minimumf %get3A_168, %add3A_163 : vector<32x256xf32>
    %swap3A_170 = arith.constant 6 : index
    %swap3A_171 = arith.constant 0 : index
    %swap3A_172 = arith.constant 0 : index
    %swap3A_173 = vector.load %arg7[%swap3A_170, %swap3A_171, %swap3A_172] : memref<64x32x256xf32, #tpu.memory_space<vmem>>, vector<1x32x256xf32>
    %swap3A_174 = vector.shape_cast %swap3A_173 : vector<1x32x256xf32> to vector<32x256xf32>
    %swap3A_175 = vector.shape_cast %min3A_169 : vector<32x256xf32> to vector<1x32x256xf32>
    tpu.vector_store %arg7[%swap3A_170, %swap3A_171, %swap3A_172], %swap3A_175 {strides = array<i32>} : memref<64x32x256xf32, #tpu.memory_space<vmem>>, vector<1x32x256xf32>,
    %get3A_176 = arith.constant 7 : index
    %get3A_177 = memref.load %arg2[%get3A_176] : memref<64xf32, #tpu.memory_space<smem>>
    %sub3A_178 = vector.broadcast %get3A_177 : f32 to vector<32x256xf32>
    %sub3A_179 = arith.subf %select_n3A, %sub3A_178 : vector<32x256xf32>
    %get3A_180 = arith.constant 7 : index
    %get3A_181 = memref.load %arg3[%get3A_180] : memref<64xf32, #tpu.memory_space<smem>>
    %sub3A_182 = vector.broadcast %get3A_181 : f32 to vector<32x256xf32>
    %sub3A_183 = arith.subf %get3A_12, %sub3A_182 : vector<32x256xf32>
    %mul3A_184 = arith.mulf %sub3A_179, %sub3A_179 : vector<32x256xf32>
    %mul3A_185 = arith.mulf %sub3A_183, %sub3A_183 : vector<32x256xf32>
    %add3A_186 = arith.addf %mul3A_184, %mul3A_185 : vector<32x256xf32>
    %get3A_187 = arith.constant 7 : index
    %get3A_188 = arith.constant 0 : index
    %get3A_189 = arith.constant 0 : index
    %get3A_190 = vector.load %arg7[%get3A_187, %get3A_188, %get3A_189] : memref<64x32x256xf32, #tpu.memory_space<vmem>>, vector<1x32x256xf32>
    %get3A_191 = vector.shape_cast %get3A_190 : vector<1x32x256xf32> to vector<32x256xf32>
    %min3A_192 = arith.minimumf %get3A_191, %add3A_186 : vector<32x256xf32>
    %swap3A_193 = arith.constant 7 : index
    %swap3A_194 = arith.constant 0 : index
    %swap3A_195 = arith.constant 0 : index
    %swap3A_196 = vector.load %arg7[%swap3A_193, %swap3A_194, %swap3A_195] : memref<64x32x256xf32, #tpu.memory_space<vmem>>, vector<1x32x256xf32>
    %swap3A_197 = vector.shape_cast %swap3A_196 : vector<1x32x256xf32> to vector<32x256xf32>
    %swap3A_198 = vector.shape_cast %min3A_192 : vector<32x256xf32> to vector<1x32x256xf32>
    tpu.vector_store %arg7[%swap3A_193, %swap3A_194, %swap3A_195], %swap3A_198 {strides = array<i32>} : memref<64x32x256xf32, #tpu.memory_space<vmem>>, vector<1x32x256xf32>,
    %get3A_199 = arith.constant 8 : index
    %get3A_200 = memref.load %arg2[%get3A_199] : memref<64xf32, #tpu.memory_space<smem>>
    %sub3A_201 = vector.broadcast %get3A_200 : f32 to vector<32x256xf32>
    %sub3A_202 = arith.subf %select_n3A, %sub3A_201 : vector<32x256xf32>
    %get3A_203 = arith.constant 8 : index
    %get3A_204 = memref.load %arg3[%get3A_203] : memref<64xf32, #tpu.memory_space<smem>>
    %sub3A_205 = vector.broadcast %get3A_204 : f32 to vector<32x256xf32>
    %sub3A_206 = arith.subf %get3A_12, %sub3A_205 : vector<32x256xf32>
    %mul3A_207 = arith.mulf %sub3A_202, %sub3A_202 : vector<32x256xf32>
    %mul3A_208 = arith.mulf %sub3A_206, %sub3A_206 : vector<32x256xf32>
    %add3A_209 = arith.addf %mul3A_207, %mul3A_208 : vector<32x256xf32>
    %get3A_210 = arith.constant 8 : index
    %get3A_211 = arith.constant 0 : index
    %get3A_212 = arith.constant 0 : index
    %get3A_213 = vector.load %arg7[%get3A_210, %get3A_211, %get3A_212] : memref<64x32x256xf32, #tpu.memory_space<vmem>>, vector<1x32x256xf32>
    %get3A_214 = vector.shape_cast %get3A_213 : vector<1x32x256xf32> to vector<32x256xf32>
    %min3A_215 = arith.minimumf %get3A_214, %add3A_209 : vector<32x256xf32>
    %swap3A_216 = arith.constant 8 : index
    %swap3A_217 = arith.constant 0 : index
    %swap3A_218 = arith.constant 0 : index
    %swap3A_219 = vector.load %arg7[%swap3A_216, %swap3A_217, %swap3A_218] : memref<64x32x256xf32, #tpu.memory_space<vmem>>, vector<1x32x256xf32>
    %swap3A_220 = vector.shape_cast %swap3A_219 : vector<1x32x256xf32> to vector<32x256xf32>
    %swap3A_221 = vector.shape_cast %min3A_215 : vector<32x256xf32> to vector<1x32x256xf32>
    tpu.vector_store %arg7[%swap3A_216, %swap3A_217, %swap3A_218], %swap3A_221 {strides = array<i32>} : memref<64x32x256xf32, #tpu.memory_space<vmem>>, vector<1x32x256xf32>,
    %get3A_222 = arith.constant 9 : index
    %get3A_223 = memref.load %arg2[%get3A_222] : memref<64xf32, #tpu.memory_space<smem>>
    %sub3A_224 = vector.broadcast %get3A_223 : f32 to vector<32x256xf32>
    %sub3A_225 = arith.subf %select_n3A, %sub3A_224 : vector<32x256xf32>
    %get3A_226 = arith.constant 9 : index
    %get3A_227 = memref.load %arg3[%get3A_226] : memref<64xf32, #tpu.memory_space<smem>>
    %sub3A_228 = vector.broadcast %get3A_227 : f32 to vector<32x256xf32>
    %sub3A_229 = arith.subf %get3A_12, %sub3A_228 : vector<32x256xf32>
    %mul3A_230 = arith.mulf %sub3A_225, %sub3A_225 : vector<32x256xf32>
    %mul3A_231 = arith.mulf %sub3A_229, %sub3A_229 : vector<32x256xf32>
    %add3A_232 = arith.addf %mul3A_230, %mul3A_231 : vector<32x256xf32>
    %get3A_233 = arith.constant 9 : index
    %get3A_234 = arith.constant 0 : index
    %get3A_235 = arith.constant 0 : index
    %get3A_236 = vector.load %arg7[%get3A_233, %get3A_234, %get3A_235] : memref<64x32x256xf32, #tpu.memory_space<vmem>>, vector<1x32x256xf32>
    %get3A_237 = vector.shape_cast %get3A_236 : vector<1x32x256xf32> to vector<32x256xf32>
    %min3A_238 = arith.minimumf %get3A_237, %add3A_232 : vector<32x256xf32>
    %swap3A_239 = arith.constant 9 : index
    %swap3A_240 = arith.constant 0 : index
    %swap3A_241 = arith.constant 0 : index
    %swap3A_242 = vector.load %arg7[%swap3A_239, %swap3A_240, %swap3A_241] : memref<64x32x256xf32, #tpu.memory_space<vmem>>, vector<1x32x256xf32>
    %swap3A_243 = vector.shape_cast %swap3A_242 : vector<1x32x256xf32> to vector<32x256xf32>
    %swap3A_244 = vector.shape_cast %min3A_238 : vector<32x256xf32> to vector<1x32x256xf32>
    tpu.vector_store %arg7[%swap3A_239, %swap3A_240, %swap3A_241], %swap3A_244 {strides = array<i32>} : memref<64x32x256xf32, #tpu.memory_space<vmem>>, vector<1x32x256xf32>,
    %get3A_245 = arith.constant 10 : index
    %get3A_246 = memref.load %arg2[%get3A_245] : memref<64xf32, #tpu.memory_space<smem>>
    %sub3A_247 = vector.broadcast %get3A_246 : f32 to vector<32x256xf32>
    %sub3A_248 = arith.subf %select_n3A, %sub3A_247 : vector<32x256xf32>
    %get3A_249 = arith.constant 10 : index
    %get3A_250 = memref.load %arg3[%get3A_249] : memref<64xf32, #tpu.memory_space<smem>>
    %sub3A_251 = vector.broadcast %get3A_250 : f32 to vector<32x256xf32>
    %sub3A_252 = arith.subf %get3A_12, %sub3A_251 : vector<32x256xf32>
    %mul3A_253 = arith.mulf %sub3A_248, %sub3A_248 : vector<32x256xf32>
    %mul3A_254 = arith.mulf %sub3A_252, %sub3A_252 : vector<32x256xf32>
    %add3A_255 = arith.addf %mul3A_253, %mul3A_254 : vector<32x256xf32>
    %get3A_256 = arith.constant 10 : index
    %get3A_257 = arith.constant 0 : index
    %get3A_258 = arith.constant 0 : index
    %get3A_259 = vector.load %arg7[%get3A_256, %get3A_257, %get3A_258] : memref<64x32x256xf32, #tpu.memory_space<vmem>>, vector<1x32x256xf32>
    %get3A_260 = vector.shape_cast %get3A_259 : vector<1x32x256xf32> to vector<32x256xf32>
    %min3A_261 = arith.minimumf %get3A_260, %add3A_255 : vector<32x256xf32>
    %swap3A_262 = arith.constant 10 : index
    %swap3A_263 = arith.constant 0 : index
    %swap3A_264 = arith.constant 0 : index
    %swap3A_265 = vector.load %arg7[%swap3A_262, %swap3A_263, %swap3A_264] : memref<64x32x256xf32, #tpu.memory_space<vmem>>, vector<1x32x256xf32>
    %swap3A_266 = vector.shape_cast %swap3A_265 : vector<1x32x256xf32> to vector<32x256xf32>
    %swap3A_267 = vector.shape_cast %min3A_261 : vector<32x256xf32> to vector<1x32x256xf32>
    tpu.vector_store %arg7[%swap3A_262, %swap3A_263, %swap3A_264], %swap3A_267 {strides = array<i32>} : memref<64x32x256xf32, #tpu.memory_space<vmem>>, vector<1x32x256xf32>,
    %get3A_268 = arith.constant 11 : index
    %get3A_269 = memref.load %arg2[%get3A_268] : memref<64xf32, #tpu.memory_space<smem>>
    %sub3A_270 = vector.broadcast %get3A_269 : f32 to vector<32x256xf32>
    %sub3A_271 = arith.subf %select_n3A, %sub3A_270 : vector<32x256xf32>
    %get3A_272 = arith.constant 11 : index
    %get3A_273 = memref.load %arg3[%get3A_272] : memref<64xf32, #tpu.memory_space<smem>>
    %sub3A_274 = vector.broadcast %get3A_273 : f32 to vector<32x256xf32>
    %sub3A_275 = arith.subf %get3A_12, %sub3A_274 : vector<32x256xf32>
    %mul3A_276 = arith.mulf %sub3A_271, %sub3A_271 : vector<32x256xf32>
    %mul3A_277 = arith.mulf %sub3A_275, %sub3A_275 : vector<32x256xf32>
    %add3A_278 = arith.addf %mul3A_276, %mul3A_277 : vector<32x256xf32>
    %get3A_279 = arith.constant 11 : index
    %get3A_280 = arith.constant 0 : index
    %get3A_281 = arith.constant 0 : index
    %get3A_282 = vector.load %arg7[%get3A_279, %get3A_280, %get3A_281] : memref<64x32x256xf32, #tpu.memory_space<vmem>>, vector<1x32x256xf32>
    %get3A_283 = vector.shape_cast %get3A_282 : vector<1x32x256xf32> to vector<32x256xf32>
    %min3A_284 = arith.minimumf %get3A_283, %add3A_278 : vector<32x256xf32>
    %swap3A_285 = arith.constant 11 : index
    %swap3A_286 = arith.constant 0 : index
    %swap3A_287 = arith.constant 0 : index
    %swap3A_288 = vector.load %arg7[%swap3A_285, %swap3A_286, %swap3A_287] : memref<64x32x256xf32, #tpu.memory_space<vmem>>, vector<1x32x256xf32>
    %swap3A_289 = vector.shape_cast %swap3A_288 : vector<1x32x256xf32> to vector<32x256xf32>
    %swap3A_290 = vector.shape_cast %min3A_284 : vector<32x256xf32> to vector<1x32x256xf32>
    tpu.vector_store %arg7[%swap3A_285, %swap3A_286, %swap3A_287], %swap3A_290 {strides = array<i32>} : memref<64x32x256xf32, #tpu.memory_space<vmem>>, vector<1x32x256xf32>,
    %get3A_291 = arith.constant 12 : index
    %get3A_292 = memref.load %arg2[%get3A_291] : memref<64xf32, #tpu.memory_space<smem>>
    %sub3A_293 = vector.broadcast %get3A_292 : f32 to vector<32x256xf32>
    %sub3A_294 = arith.subf %select_n3A, %sub3A_293 : vector<32x256xf32>
    %get3A_295 = arith.constant 12 : index
    %get3A_296 = memref.load %arg3[%get3A_295] : memref<64xf32, #tpu.memory_space<smem>>
    %sub3A_297 = vector.broadcast %get3A_296 : f32 to vector<32x256xf32>
    %sub3A_298 = arith.subf %get3A_12, %sub3A_297 : vector<32x256xf32>
    %mul3A_299 = arith.mulf %sub3A_294, %sub3A_294 : vector<32x256xf32>
    %mul3A_300 = arith.mulf %sub3A_298, %sub3A_298 : vector<32x256xf32>
    %add3A_301 = arith.addf %mul3A_299, %mul3A_300 : vector<32x256xf32>
    %get3A_302 = arith.constant 12 : index
    %get3A_303 = arith.constant 0 : index
    %get3A_304 = arith.constant 0 : index
    %get3A_305 = vector.load %arg7[%get3A_302, %get3A_303, %get3A_304] : memref<64x32x256xf32, #tpu.memory_space<vmem>>, vector<1x32x256xf32>
    %get3A_306 = vector.shape_cast %get3A_305 : vector<1x32x256xf32> to vector<32x256xf32>
    %min3A_307 = arith.minimumf %get3A_306, %add3A_301 : vector<32x256xf32>
    %swap3A_308 = arith.constant 12 : index
    %swap3A_309 = arith.constant 0 : index
    %swap3A_310 = arith.constant 0 : index
    %swap3A_311 = vector.load %arg7[%swap3A_308, %swap3A_309, %swap3A_310] : memref<64x32x256xf32, #tpu.memory_space<vmem>>, vector<1x32x256xf32>
    %swap3A_312 = vector.shape_cast %swap3A_311 : vector<1x32x256xf32> to vector<32x256xf32>
    %swap3A_313 = vector.shape_cast %min3A_307 : vector<32x256xf32> to vector<1x32x256xf32>
    tpu.vector_store %arg7[%swap3A_308, %swap3A_309, %swap3A_310], %swap3A_313 {strides = array<i32>} : memref<64x32x256xf32, #tpu.memory_space<vmem>>, vector<1x32x256xf32>,
    %get3A_314 = arith.constant 13 : index
    %get3A_315 = memref.load %arg2[%get3A_314] : memref<64xf32, #tpu.memory_space<smem>>
    %sub3A_316 = vector.broadcast %get3A_315 : f32 to vector<32x256xf32>
    %sub3A_317 = arith.subf %select_n3A, %sub3A_316 : vector<32x256xf32>
    %get3A_318 = arith.constant 13 : index
    %get3A_319 = memref.load %arg3[%get3A_318] : memref<64xf32, #tpu.memory_space<smem>>
    %sub3A_320 = vector.broadcast %get3A_319 : f32 to vector<32x256xf32>
    %sub3A_321 = arith.subf %get3A_12, %sub3A_320 : vector<32x256xf32>
    %mul3A_322 = arith.mulf %sub3A_317, %sub3A_317 : vector<32x256xf32>
    %mul3A_323 = arith.mulf %sub3A_321, %sub3A_321 : vector<32x256xf32>
    %add3A_324 = arith.addf %mul3A_322, %mul3A_323 : vector<32x256xf32>
    %get3A_325 = arith.constant 13 : index
    %get3A_326 = arith.constant 0 : index
    %get3A_327 = arith.constant 0 : index
    %get3A_328 = vector.load %arg7[%get3A_325, %get3A_326, %get3A_327] : memref<64x32x256xf32, #tpu.memory_space<vmem>>, vector<1x32x256xf32>
    %get3A_329 = vector.shape_cast %get3A_328 : vector<1x32x256xf32> to vector<32x256xf32>
    %min3A_330 = arith.minimumf %get3A_329, %add3A_324 : vector<32x256xf32>
    %swap3A_331 = arith.constant 13 : index
    %swap3A_332 = arith.constant 0 : index
    %swap3A_333 = arith.constant 0 : index
    %swap3A_334 = vector.load %arg7[%swap3A_331, %swap3A_332, %swap3A_333] : memref<64x32x256xf32, #tpu.memory_space<vmem>>, vector<1x32x256xf32>
    %swap3A_335 = vector.shape_cast %swap3A_334 : vector<1x32x256xf32> to vector<32x256xf32>
    %swap3A_336 = vector.shape_cast %min3A_330 : vector<32x256xf32> to vector<1x32x256xf32>
    tpu.vector_store %arg7[%swap3A_331, %swap3A_332, %swap3A_333], %swap3A_336 {strides = array<i32>} : memref<64x32x256xf32, #tpu.memory_space<vmem>>, vector<1x32x256xf32>,
    %get3A_337 = arith.constant 14 : index
    %get3A_338 = memref.load %arg2[%get3A_337] : memref<64xf32, #tpu.memory_space<smem>>
    %sub3A_339 = vector.broadcast %get3A_338 : f32 to vector<32x256xf32>
    %sub3A_340 = arith.subf %select_n3A, %sub3A_339 : vector<32x256xf32>
    %get3A_341 = arith.constant 14 : index
    %get3A_342 = memref.load %arg3[%get3A_341] : memref<64xf32, #tpu.memory_space<smem>>
    %sub3A_343 = vector.broadcast %get3A_342 : f32 to vector<32x256xf32>
    %sub3A_344 = arith.subf %get3A_12, %sub3A_343 : vector<32x256xf32>
    %mul3A_345 = arith.mulf %sub3A_340, %sub3A_340 : vector<32x256xf32>
    %mul3A_346 = arith.mulf %sub3A_344, %sub3A_344 : vector<32x256xf32>
    %add3A_347 = arith.addf %mul3A_345, %mul3A_346 : vector<32x256xf32>
    %get3A_348 = arith.constant 14 : index
    %get3A_349 = arith.constant 0 : index
    %get3A_350 = arith.constant 0 : index
    %get3A_351 = vector.load %arg7[%get3A_348, %get3A_349, %get3A_350] : memref<64x32x256xf32, #tpu.memory_space<vmem>>, vector<1x32x256xf32>
    %get3A_352 = vector.shape_cast %get3A_351 : vector<1x32x256xf32> to vector<32x256xf32>
    %min3A_353 = arith.minimumf %get3A_352, %add3A_347 : vector<32x256xf32>
    %swap3A_354 = arith.constant 14 : index
    %swap3A_355 = arith.constant 0 : index
    %swap3A_356 = arith.constant 0 : index
    %swap3A_357 = vector.load %arg7[%swap3A_354, %swap3A_355, %swap3A_356] : memref<64x32x256xf32, #tpu.memory_space<vmem>>, vector<1x32x256xf32>
    %swap3A_358 = vector.shape_cast %swap3A_357 : vector<1x32x256xf32> to vector<32x256xf32>
    %swap3A_359 = vector.shape_cast %min3A_353 : vector<32x256xf32> to vector<1x32x256xf32>
    tpu.vector_store %arg7[%swap3A_354, %swap3A_355, %swap3A_356], %swap3A_359 {strides = array<i32>} : memref<64x32x256xf32, #tpu.memory_space<vmem>>, vector<1x32x256xf32>,
    %get3A_360 = arith.constant 15 : index
    %get3A_361 = memref.load %arg2[%get3A_360] : memref<64xf32, #tpu.memory_space<smem>>
    %sub3A_362 = vector.broadcast %get3A_361 : f32 to vector<32x256xf32>
    %sub3A_363 = arith.subf %select_n3A, %sub3A_362 : vector<32x256xf32>
    %get3A_364 = arith.constant 15 : index
    %get3A_365 = memref.load %arg3[%get3A_364] : memref<64xf32, #tpu.memory_space<smem>>
    %sub3A_366 = vector.broadcast %get3A_365 : f32 to vector<32x256xf32>
    %sub3A_367 = arith.subf %get3A_12, %sub3A_366 : vector<32x256xf32>
    %mul3A_368 = arith.mulf %sub3A_363, %sub3A_363 : vector<32x256xf32>
    %mul3A_369 = arith.mulf %sub3A_367, %sub3A_367 : vector<32x256xf32>
    %add3A_370 = arith.addf %mul3A_368, %mul3A_369 : vector<32x256xf32>
    %get3A_371 = arith.constant 15 : index
    %get3A_372 = arith.constant 0 : index
    %get3A_373 = arith.constant 0 : index
    %get3A_374 = vector.load %arg7[%get3A_371, %get3A_372, %get3A_373] : memref<64x32x256xf32, #tpu.memory_space<vmem>>, vector<1x32x256xf32>
    %get3A_375 = vector.shape_cast %get3A_374 : vector<1x32x256xf32> to vector<32x256xf32>
    %min3A_376 = arith.minimumf %get3A_375, %add3A_370 : vector<32x256xf32>
    %swap3A_377 = arith.constant 15 : index
    %swap3A_378 = arith.constant 0 : index
    %swap3A_379 = arith.constant 0 : index
    %swap3A_380 = vector.load %arg7[%swap3A_377, %swap3A_378, %swap3A_379] : memref<64x32x256xf32, #tpu.memory_space<vmem>>, vector<1x32x256xf32>
    %swap3A_381 = vector.shape_cast %swap3A_380 : vector<1x32x256xf32> to vector<32x256xf32>
    %swap3A_382 = vector.shape_cast %min3A_376 : vector<32x256xf32> to vector<1x32x256xf32>
    tpu.vector_store %arg7[%swap3A_377, %swap3A_378, %swap3A_379], %swap3A_382 {strides = array<i32>} : memref<64x32x256xf32, #tpu.memory_space<vmem>>, vector<1x32x256xf32>,
    %get3A_383 = arith.constant 16 : index
    %get3A_384 = memref.load %arg2[%get3A_383] : memref<64xf32, #tpu.memory_space<smem>>
    %sub3A_385 = vector.broadcast %get3A_384 : f32 to vector<32x256xf32>
    %sub3A_386 = arith.subf %select_n3A, %sub3A_385 : vector<32x256xf32>
    %get3A_387 = arith.constant 16 : index
    %get3A_388 = memref.load %arg3[%get3A_387] : memref<64xf32, #tpu.memory_space<smem>>
    %sub3A_389 = vector.broadcast %get3A_388 : f32 to vector<32x256xf32>
    %sub3A_390 = arith.subf %get3A_12, %sub3A_389 : vector<32x256xf32>
    %mul3A_391 = arith.mulf %sub3A_386, %sub3A_386 : vector<32x256xf32>
    %mul3A_392 = arith.mulf %sub3A_390, %sub3A_390 : vector<32x256xf32>
    %add3A_393 = arith.addf %mul3A_391, %mul3A_392 : vector<32x256xf32>
    %get3A_394 = arith.constant 16 : index
    %get3A_395 = arith.constant 0 : index
    %get3A_396 = arith.constant 0 : index
    %get3A_397 = vector.load %arg7[%get3A_394, %get3A_395, %get3A_396] : memref<64x32x256xf32, #tpu.memory_space<vmem>>, vector<1x32x256xf32>
    %get3A_398 = vector.shape_cast %get3A_397 : vector<1x32x256xf32> to vector<32x256xf32>
    %min3A_399 = arith.minimumf %get3A_398, %add3A_393 : vector<32x256xf32>
    %swap3A_400 = arith.constant 16 : index
    %swap3A_401 = arith.constant 0 : index
    %swap3A_402 = arith.constant 0 : index
    %swap3A_403 = vector.load %arg7[%swap3A_400, %swap3A_401, %swap3A_402] : memref<64x32x256xf32, #tpu.memory_space<vmem>>, vector<1x32x256xf32>
    %swap3A_404 = vector.shape_cast %swap3A_403 : vector<1x32x256xf32> to vector<32x256xf32>
    %swap3A_405 = vector.shape_cast %min3A_399 : vector<32x256xf32> to vector<1x32x256xf32>
    tpu.vector_store %arg7[%swap3A_400, %swap3A_401, %swap3A_402], %swap3A_405 {strides = array<i32>} : memref<64x32x256xf32, #tpu.memory_space<vmem>>, vector<1x32x256xf32>,
    %get3A_406 = arith.constant 17 : index
    %get3A_407 = memref.load %arg2[%get3A_406] : memref<64xf32, #tpu.memory_space<smem>>
    %sub3A_408 = vector.broadcast %get3A_407 : f32 to vector<32x256xf32>
    %sub3A_409 = arith.subf %select_n3A, %sub3A_408 : vector<32x256xf32>
    %get3A_410 = arith.constant 17 : index
    %get3A_411 = memref.load %arg3[%get3A_410] : memref<64xf32, #tpu.memory_space<smem>>
    %sub3A_412 = vector.broadcast %get3A_411 : f32 to vector<32x256xf32>
    %sub3A_413 = arith.subf %get3A_12, %sub3A_412 : vector<32x256xf32>
    %mul3A_414 = arith.mulf %sub3A_409, %sub3A_409 : vector<32x256xf32>
    %mul3A_415 = arith.mulf %sub3A_413, %sub3A_413 : vector<32x256xf32>
    %add3A_416 = arith.addf %mul3A_414, %mul3A_415 : vector<32x256xf32>
    %get3A_417 = arith.constant 17 : index
    %get3A_418 = arith.constant 0 : index
    %get3A_419 = arith.constant 0 : index
    %get3A_420 = vector.load %arg7[%get3A_417, %get3A_418, %get3A_419] : memref<64x32x256xf32, #tpu.memory_space<vmem>>, vector<1x32x256xf32>
    %get3A_421 = vector.shape_cast %get3A_420 : vector<1x32x256xf32> to vector<32x256xf32>
    %min3A_422 = arith.minimumf %get3A_421, %add3A_416 : vector<32x256xf32>
    %swap3A_423 = arith.constant 17 : index
    %swap3A_424 = arith.constant 0 : index
    %swap3A_425 = arith.constant 0 : index
    %swap3A_426 = vector.load %arg7[%swap3A_423, %swap3A_424, %swap3A_425] : memref<64x32x256xf32, #tpu.memory_space<vmem>>, vector<1x32x256xf32>
    %swap3A_427 = vector.shape_cast %swap3A_426 : vector<1x32x256xf32> to vector<32x256xf32>
    %swap3A_428 = vector.shape_cast %min3A_422 : vector<32x256xf32> to vector<1x32x256xf32>
    tpu.vector_store %arg7[%swap3A_423, %swap3A_424, %swap3A_425], %swap3A_428 {strides = array<i32>} : memref<64x32x256xf32, #tpu.memory_space<vmem>>, vector<1x32x256xf32>,
    %get3A_429 = arith.constant 18 : index
    %get3A_430 = memref.load %arg2[%get3A_429] : memref<64xf32, #tpu.memory_space<smem>>
    %sub3A_431 = vector.broadcast %get3A_430 : f32 to vector<32x256xf32>
    %sub3A_432 = arith.subf %select_n3A, %sub3A_431 : vector<32x256xf32>
    %get3A_433 = arith.constant 18 : index
    %get3A_434 = memref.load %arg3[%get3A_433] : memref<64xf32, #tpu.memory_space<smem>>
    %sub3A_435 = vector.broadcast %get3A_434 : f32 to vector<32x256xf32>
    %sub3A_436 = arith.subf %get3A_12, %sub3A_435 : vector<32x256xf32>
    %mul3A_437 = arith.mulf %sub3A_432, %sub3A_432 : vector<32x256xf32>
    %mul3A_438 = arith.mulf %sub3A_436, %sub3A_436 : vector<32x256xf32>
    %add3A_439 = arith.addf %mul3A_437, %mul3A_438 : vector<32x256xf32>
    %get3A_440 = arith.constant 18 : index
    %get3A_441 = arith.constant 0 : index
    %get3A_442 = arith.constant 0 : index
    %get3A_443 = vector.load %arg7[%get3A_440, %get3A_441, %get3A_442] : memref<64x32x256xf32, #tpu.memory_space<vmem>>, vector<1x32x256xf32>
    %get3A_444 = vector.shape_cast %get3A_443 : vector<1x32x256xf32> to vector<32x256xf32>
    %min3A_445 = arith.minimumf %get3A_444, %add3A_439 : vector<32x256xf32>
    %swap3A_446 = arith.constant 18 : index
    %swap3A_447 = arith.constant 0 : index
    %swap3A_448 = arith.constant 0 : index
    %swap3A_449 = vector.load %arg7[%swap3A_446, %swap3A_447, %swap3A_448] : memref<64x32x256xf32, #tpu.memory_space<vmem>>, vector<1x32x256xf32>
    %swap3A_450 = vector.shape_cast %swap3A_449 : vector<1x32x256xf32> to vector<32x256xf32>
    %swap3A_451 = vector.shape_cast %min3A_445 : vector<32x256xf32> to vector<1x32x256xf32>
    tpu.vector_store %arg7[%swap3A_446, %swap3A_447, %swap3A_448], %swap3A_451 {strides = array<i32>} : memref<64x32x256xf32, #tpu.memory_space<vmem>>, vector<1x32x256xf32>,
    %get3A_452 = arith.constant 19 : index
    %get3A_453 = memref.load %arg2[%get3A_452] : memref<64xf32, #tpu.memory_space<smem>>
    %sub3A_454 = vector.broadcast %get3A_453 : f32 to vector<32x256xf32>
    %sub3A_455 = arith.subf %select_n3A, %sub3A_454 : vector<32x256xf32>
    %get3A_456 = arith.constant 19 : index
    %get3A_457 = memref.load %arg3[%get3A_456] : memref<64xf32, #tpu.memory_space<smem>>
    %sub3A_458 = vector.broadcast %get3A_457 : f32 to vector<32x256xf32>
    %sub3A_459 = arith.subf %get3A_12, %sub3A_458 : vector<32x256xf32>
    %mul3A_460 = arith.mulf %sub3A_455, %sub3A_455 : vector<32x256xf32>
    %mul3A_461 = arith.mulf %sub3A_459, %sub3A_459 : vector<32x256xf32>
    %add3A_462 = arith.addf %mul3A_460, %mul3A_461 : vector<32x256xf32>
    %get3A_463 = arith.constant 19 : index
    %get3A_464 = arith.constant 0 : index
    %get3A_465 = arith.constant 0 : index
    %get3A_466 = vector.load %arg7[%get3A_463, %get3A_464, %get3A_465] : memref<64x32x256xf32, #tpu.memory_space<vmem>>, vector<1x32x256xf32>
    %get3A_467 = vector.shape_cast %get3A_466 : vector<1x32x256xf32> to vector<32x256xf32>
    %min3A_468 = arith.minimumf %get3A_467, %add3A_462 : vector<32x256xf32>
    %swap3A_469 = arith.constant 19 : index
    %swap3A_470 = arith.constant 0 : index
    %swap3A_471 = arith.constant 0 : index
    %swap3A_472 = vector.load %arg7[%swap3A_469, %swap3A_470, %swap3A_471] : memref<64x32x256xf32, #tpu.memory_space<vmem>>, vector<1x32x256xf32>
    %swap3A_473 = vector.shape_cast %swap3A_472 : vector<1x32x256xf32> to vector<32x256xf32>
    %swap3A_474 = vector.shape_cast %min3A_468 : vector<32x256xf32> to vector<1x32x256xf32>
    tpu.vector_store %arg7[%swap3A_469, %swap3A_470, %swap3A_471], %swap3A_474 {strides = array<i32>} : memref<64x32x256xf32, #tpu.memory_space<vmem>>, vector<1x32x256xf32>,
    %get3A_475 = arith.constant 20 : index
    %get3A_476 = memref.load %arg2[%get3A_475] : memref<64xf32, #tpu.memory_space<smem>>
    %sub3A_477 = vector.broadcast %get3A_476 : f32 to vector<32x256xf32>
    %sub3A_478 = arith.subf %select_n3A, %sub3A_477 : vector<32x256xf32>
    %get3A_479 = arith.constant 20 : index
    %get3A_480 = memref.load %arg3[%get3A_479] : memref<64xf32, #tpu.memory_space<smem>>
    %sub3A_481 = vector.broadcast %get3A_480 : f32 to vector<32x256xf32>
    %sub3A_482 = arith.subf %get3A_12, %sub3A_481 : vector<32x256xf32>
    %mul3A_483 = arith.mulf %sub3A_478, %sub3A_478 : vector<32x256xf32>
    %mul3A_484 = arith.mulf %sub3A_482, %sub3A_482 : vector<32x256xf32>
    %add3A_485 = arith.addf %mul3A_483, %mul3A_484 : vector<32x256xf32>
    %get3A_486 = arith.constant 20 : index
    %get3A_487 = arith.constant 0 : index
    %get3A_488 = arith.constant 0 : index
    %get3A_489 = vector.load %arg7[%get3A_486, %get3A_487, %get3A_488] : memref<64x32x256xf32, #tpu.memory_space<vmem>>, vector<1x32x256xf32>
    %get3A_490 = vector.shape_cast %get3A_489 : vector<1x32x256xf32> to vector<32x256xf32>
    %min3A_491 = arith.minimumf %get3A_490, %add3A_485 : vector<32x256xf32>
    %swap3A_492 = arith.constant 20 : index
    %swap3A_493 = arith.constant 0 : index
    %swap3A_494 = arith.constant 0 : index
    %swap3A_495 = vector.load %arg7[%swap3A_492, %swap3A_493, %swap3A_494] : memref<64x32x256xf32, #tpu.memory_space<vmem>>, vector<1x32x256xf32>
    %swap3A_496 = vector.shape_cast %swap3A_495 : vector<1x32x256xf32> to vector<32x256xf32>
    %swap3A_497 = vector.shape_cast %min3A_491 : vector<32x256xf32> to vector<1x32x256xf32>
    tpu.vector_store %arg7[%swap3A_492, %swap3A_493, %swap3A_494], %swap3A_497 {strides = array<i32>} : memref<64x32x256xf32, #tpu.memory_space<vmem>>, vector<1x32x256xf32>,
    %get3A_498 = arith.constant 21 : index
    %get3A_499 = memref.load %arg2[%get3A_498] : memref<64xf32, #tpu.memory_space<smem>>
    %sub3A_500 = vector.broadcast %get3A_499 : f32 to vector<32x256xf32>
    %sub3A_501 = arith.subf %select_n3A, %sub3A_500 : vector<32x256xf32>
    %get3A_502 = arith.constant 21 : index
    %get3A_503 = memref.load %arg3[%get3A_502] : memref<64xf32, #tpu.memory_space<smem>>
    %sub3A_504 = vector.broadcast %get3A_503 : f32 to vector<32x256xf32>
    %sub3A_505 = arith.subf %get3A_12, %sub3A_504 : vector<32x256xf32>
    %mul3A_506 = arith.mulf %sub3A_501, %sub3A_501 : vector<32x256xf32>
    %mul3A_507 = arith.mulf %sub3A_505, %sub3A_505 : vector<32x256xf32>
    %add3A_508 = arith.addf %mul3A_506, %mul3A_507 : vector<32x256xf32>
    %get3A_509 = arith.constant 21 : index
    %get3A_510 = arith.constant 0 : index
    %get3A_511 = arith.constant 0 : index
    %get3A_512 = vector.load %arg7[%get3A_509, %get3A_510, %get3A_511] : memref<64x32x256xf32, #tpu.memory_space<vmem>>, vector<1x32x256xf32>
    %get3A_513 = vector.shape_cast %get3A_512 : vector<1x32x256xf32> to vector<32x256xf32>
    %min3A_514 = arith.minimumf %get3A_513, %add3A_508 : vector<32x256xf32>
    %swap3A_515 = arith.constant 21 : index
    %swap3A_516 = arith.constant 0 : index
    %swap3A_517 = arith.constant 0 : index
    %swap3A_518 = vector.load %arg7[%swap3A_515, %swap3A_516, %swap3A_517] : memref<64x32x256xf32, #tpu.memory_space<vmem>>, vector<1x32x256xf32>
    %swap3A_519 = vector.shape_cast %swap3A_518 : vector<1x32x256xf32> to vector<32x256xf32>
    %swap3A_520 = vector.shape_cast %min3A_514 : vector<32x256xf32> to vector<1x32x256xf32>
    tpu.vector_store %arg7[%swap3A_515, %swap3A_516, %swap3A_517], %swap3A_520 {strides = array<i32>} : memref<64x32x256xf32, #tpu.memory_space<vmem>>, vector<1x32x256xf32>,
    %get3A_521 = arith.constant 22 : index
    %get3A_522 = memref.load %arg2[%get3A_521] : memref<64xf32, #tpu.memory_space<smem>>
    %sub3A_523 = vector.broadcast %get3A_522 : f32 to vector<32x256xf32>
    %sub3A_524 = arith.subf %select_n3A, %sub3A_523 : vector<32x256xf32>
    %get3A_525 = arith.constant 22 : index
    %get3A_526 = memref.load %arg3[%get3A_525] : memref<64xf32, #tpu.memory_space<smem>>
    %sub3A_527 = vector.broadcast %get3A_526 : f32 to vector<32x256xf32>
    %sub3A_528 = arith.subf %get3A_12, %sub3A_527 : vector<32x256xf32>
    %mul3A_529 = arith.mulf %sub3A_524, %sub3A_524 : vector<32x256xf32>
    %mul3A_530 = arith.mulf %sub3A_528, %sub3A_528 : vector<32x256xf32>
    %add3A_531 = arith.addf %mul3A_529, %mul3A_530 : vector<32x256xf32>
    %get3A_532 = arith.constant 22 : index
    %get3A_533 = arith.constant 0 : index
    %get3A_534 = arith.constant 0 : index
    %get3A_535 = vector.load %arg7[%get3A_532, %get3A_533, %get3A_534] : memref<64x32x256xf32, #tpu.memory_space<vmem>>, vector<1x32x256xf32>
    %get3A_536 = vector.shape_cast %get3A_535 : vector<1x32x256xf32> to vector<32x256xf32>
    %min3A_537 = arith.minimumf %get3A_536, %add3A_531 : vector<32x256xf32>
    %swap3A_538 = arith.constant 22 : index
    %swap3A_539 = arith.constant 0 : index
    %swap3A_540 = arith.constant 0 : index
    %swap3A_541 = vector.load %arg7[%swap3A_538, %swap3A_539, %swap3A_540] : memref<64x32x256xf32, #tpu.memory_space<vmem>>, vector<1x32x256xf32>
    %swap3A_542 = vector.shape_cast %swap3A_541 : vector<1x32x256xf32> to vector<32x256xf32>
    %swap3A_543 = vector.shape_cast %min3A_537 : vector<32x256xf32> to vector<1x32x256xf32>
    tpu.vector_store %arg7[%swap3A_538, %swap3A_539, %swap3A_540], %swap3A_543 {strides = array<i32>} : memref<64x32x256xf32, #tpu.memory_space<vmem>>, vector<1x32x256xf32>,
    %get3A_544 = arith.constant 23 : index
    %get3A_545 = memref.load %arg2[%get3A_544] : memref<64xf32, #tpu.memory_space<smem>>
    %sub3A_546 = vector.broadcast %get3A_545 : f32 to vector<32x256xf32>
    %sub3A_547 = arith.subf %select_n3A, %sub3A_546 : vector<32x256xf32>
    %get3A_548 = arith.constant 23 : index
    %get3A_549 = memref.load %arg3[%get3A_548] : memref<64xf32, #tpu.memory_space<smem>>
    %sub3A_550 = vector.broadcast %get3A_549 : f32 to vector<32x256xf32>
    %sub3A_551 = arith.subf %get3A_12, %sub3A_550 : vector<32x256xf32>
    %mul3A_552 = arith.mulf %sub3A_547, %sub3A_547 : vector<32x256xf32>
    %mul3A_553 = arith.mulf %sub3A_551, %sub3A_551 : vector<32x256xf32>
    %add3A_554 = arith.addf %mul3A_552, %mul3A_553 : vector<32x256xf32>
    %get3A_555 = arith.constant 23 : index
    %get3A_556 = arith.constant 0 : index
    %get3A_557 = arith.constant 0 : index
    %get3A_558 = vector.load %arg7[%get3A_555, %get3A_556, %get3A_557] : memref<64x32x256xf32, #tpu.memory_space<vmem>>, vector<1x32x256xf32>
    %get3A_559 = vector.shape_cast %get3A_558 : vector<1x32x256xf32> to vector<32x256xf32>
    %min3A_560 = arith.minimumf %get3A_559, %add3A_554 : vector<32x256xf32>
    %swap3A_561 = arith.constant 23 : index
    %swap3A_562 = arith.constant 0 : index
    %swap3A_563 = arith.constant 0 : index
    %swap3A_564 = vector.load %arg7[%swap3A_561, %swap3A_562, %swap3A_563] : memref<64x32x256xf32, #tpu.memory_space<vmem>>, vector<1x32x256xf32>
    %swap3A_565 = vector.shape_cast %swap3A_564 : vector<1x32x256xf32> to vector<32x256xf32>
    %swap3A_566 = vector.shape_cast %min3A_560 : vector<32x256xf32> to vector<1x32x256xf32>
    tpu.vector_store %arg7[%swap3A_561, %swap3A_562, %swap3A_563], %swap3A_566 {strides = array<i32>} : memref<64x32x256xf32, #tpu.memory_space<vmem>>, vector<1x32x256xf32>,
    %get3A_567 = arith.constant 24 : index
    %get3A_568 = memref.load %arg2[%get3A_567] : memref<64xf32, #tpu.memory_space<smem>>
    %sub3A_569 = vector.broadcast %get3A_568 : f32 to vector<32x256xf32>
    %sub3A_570 = arith.subf %select_n3A, %sub3A_569 : vector<32x256xf32>
    %get3A_571 = arith.constant 24 : index
    %get3A_572 = memref.load %arg3[%get3A_571] : memref<64xf32, #tpu.memory_space<smem>>
    %sub3A_573 = vector.broadcast %get3A_572 : f32 to vector<32x256xf32>
    %sub3A_574 = arith.subf %get3A_12, %sub3A_573 : vector<32x256xf32>
    %mul3A_575 = arith.mulf %sub3A_570, %sub3A_570 : vector<32x256xf32>
    %mul3A_576 = arith.mulf %sub3A_574, %sub3A_574 : vector<32x256xf32>
    %add3A_577 = arith.addf %mul3A_575, %mul3A_576 : vector<32x256xf32>
    %get3A_578 = arith.constant 24 : index
    %get3A_579 = arith.constant 0 : index
    %get3A_580 = arith.constant 0 : index
    %get3A_581 = vector.load %arg7[%get3A_578, %get3A_579, %get3A_580] : memref<64x32x256xf32, #tpu.memory_space<vmem>>, vector<1x32x256xf32>
    %get3A_582 = vector.shape_cast %get3A_581 : vector<1x32x256xf32> to vector<32x256xf32>
    %min3A_583 = arith.minimumf %get3A_582, %add3A_577 : vector<32x256xf32>
    %swap3A_584 = arith.constant 24 : index
    %swap3A_585 = arith.constant 0 : index
    %swap3A_586 = arith.constant 0 : index
    %swap3A_587 = vector.load %arg7[%swap3A_584, %swap3A_585, %swap3A_586] : memref<64x32x256xf32, #tpu.memory_space<vmem>>, vector<1x32x256xf32>
    %swap3A_588 = vector.shape_cast %swap3A_587 : vector<1x32x256xf32> to vector<32x256xf32>
    %swap3A_589 = vector.shape_cast %min3A_583 : vector<32x256xf32> to vector<1x32x256xf32>
    tpu.vector_store %arg7[%swap3A_584, %swap3A_585, %swap3A_586], %swap3A_589 {strides = array<i32>} : memref<64x32x256xf32, #tpu.memory_space<vmem>>, vector<1x32x256xf32>,
    %get3A_590 = arith.constant 25 : index
    %get3A_591 = memref.load %arg2[%get3A_590] : memref<64xf32, #tpu.memory_space<smem>>
    %sub3A_592 = vector.broadcast %get3A_591 : f32 to vector<32x256xf32>
    %sub3A_593 = arith.subf %select_n3A, %sub3A_592 : vector<32x256xf32>
    %get3A_594 = arith.constant 25 : index
    %get3A_595 = memref.load %arg3[%get3A_594] : memref<64xf32, #tpu.memory_space<smem>>
    %sub3A_596 = vector.broadcast %get3A_595 : f32 to vector<32x256xf32>
    %sub3A_597 = arith.subf %get3A_12, %sub3A_596 : vector<32x256xf32>
    %mul3A_598 = arith.mulf %sub3A_593, %sub3A_593 : vector<32x256xf32>
    %mul3A_599 = arith.mulf %sub3A_597, %sub3A_597 : vector<32x256xf32>
    %add3A_600 = arith.addf %mul3A_598, %mul3A_599 : vector<32x256xf32>
    %get3A_601 = arith.constant 25 : index
    %get3A_602 = arith.constant 0 : index
    %get3A_603 = arith.constant 0 : index
    %get3A_604 = vector.load %arg7[%get3A_601, %get3A_602, %get3A_603] : memref<64x32x256xf32, #tpu.memory_space<vmem>>, vector<1x32x256xf32>
    %get3A_605 = vector.shape_cast %get3A_604 : vector<1x32x256xf32> to vector<32x256xf32>
    %min3A_606 = arith.minimumf %get3A_605, %add3A_600 : vector<32x256xf32>
    %swap3A_607 = arith.constant 25 : index
    %swap3A_608 = arith.constant 0 : index
    %swap3A_609 = arith.constant 0 : index
    %swap3A_610 = vector.load %arg7[%swap3A_607, %swap3A_608, %swap3A_609] : memref<64x32x256xf32, #tpu.memory_space<vmem>>, vector<1x32x256xf32>
    %swap3A_611 = vector.shape_cast %swap3A_610 : vector<1x32x256xf32> to vector<32x256xf32>
    %swap3A_612 = vector.shape_cast %min3A_606 : vector<32x256xf32> to vector<1x32x256xf32>
    tpu.vector_store %arg7[%swap3A_607, %swap3A_608, %swap3A_609], %swap3A_612 {strides = array<i32>} : memref<64x32x256xf32, #tpu.memory_space<vmem>>, vector<1x32x256xf32>,
    %get3A_613 = arith.constant 26 : index
    %get3A_614 = memref.load %arg2[%get3A_613] : memref<64xf32, #tpu.memory_space<smem>>
    %sub3A_615 = vector.broadcast %get3A_614 : f32 to vector<32x256xf32>
    %sub3A_616 = arith.subf %select_n3A, %sub3A_615 : vector<32x256xf32>
    %get3A_617 = arith.constant 26 : index
    %get3A_618 = memref.load %arg3[%get3A_617] : memref<64xf32, #tpu.memory_space<smem>>
    %sub3A_619 = vector.broadcast %get3A_618 : f32 to vector<32x256xf32>
    %sub3A_620 = arith.subf %get3A_12, %sub3A_619 : vector<32x256xf32>
    %mul3A_621 = arith.mulf %sub3A_616, %sub3A_616 : vector<32x256xf32>
    %mul3A_622 = arith.mulf %sub3A_620, %sub3A_620 : vector<32x256xf32>
    %add3A_623 = arith.addf %mul3A_621, %mul3A_622 : vector<32x256xf32>
    %get3A_624 = arith.constant 26 : index
    %get3A_625 = arith.constant 0 : index
    %get3A_626 = arith.constant 0 : index
    %get3A_627 = vector.load %arg7[%get3A_624, %get3A_625, %get3A_626] : memref<64x32x256xf32, #tpu.memory_space<vmem>>, vector<1x32x256xf32>
    %get3A_628 = vector.shape_cast %get3A_627 : vector<1x32x256xf32> to vector<32x256xf32>
    %min3A_629 = arith.minimumf %get3A_628, %add3A_623 : vector<32x256xf32>
    %swap3A_630 = arith.constant 26 : index
    %swap3A_631 = arith.constant 0 : index
    %swap3A_632 = arith.constant 0 : index
    %swap3A_633 = vector.load %arg7[%swap3A_630, %swap3A_631, %swap3A_632] : memref<64x32x256xf32, #tpu.memory_space<vmem>>, vector<1x32x256xf32>
    %swap3A_634 = vector.shape_cast %swap3A_633 : vector<1x32x256xf32> to vector<32x256xf32>
    %swap3A_635 = vector.shape_cast %min3A_629 : vector<32x256xf32> to vector<1x32x256xf32>
    tpu.vector_store %arg7[%swap3A_630, %swap3A_631, %swap3A_632], %swap3A_635 {strides = array<i32>} : memref<64x32x256xf32, #tpu.memory_space<vmem>>, vector<1x32x256xf32>,
    %get3A_636 = arith.constant 27 : index
    %get3A_637 = memref.load %arg2[%get3A_636] : memref<64xf32, #tpu.memory_space<smem>>
    %sub3A_638 = vector.broadcast %get3A_637 : f32 to vector<32x256xf32>
    %sub3A_639 = arith.subf %select_n3A, %sub3A_638 : vector<32x256xf32>
    %get3A_640 = arith.constant 27 : index
    %get3A_641 = memref.load %arg3[%get3A_640] : memref<64xf32, #tpu.memory_space<smem>>
    %sub3A_642 = vector.broadcast %get3A_641 : f32 to vector<32x256xf32>
    %sub3A_643 = arith.subf %get3A_12, %sub3A_642 : vector<32x256xf32>
    %mul3A_644 = arith.mulf %sub3A_639, %sub3A_639 : vector<32x256xf32>
    %mul3A_645 = arith.mulf %sub3A_643, %sub3A_643 : vector<32x256xf32>
    %add3A_646 = arith.addf %mul3A_644, %mul3A_645 : vector<32x256xf32>
    %get3A_647 = arith.constant 27 : index
    %get3A_648 = arith.constant 0 : index
    %get3A_649 = arith.constant 0 : index
    %get3A_650 = vector.load %arg7[%get3A_647, %get3A_648, %get3A_649] : memref<64x32x256xf32, #tpu.memory_space<vmem>>, vector<1x32x256xf32>
    %get3A_651 = vector.shape_cast %get3A_650 : vector<1x32x256xf32> to vector<32x256xf32>
    %min3A_652 = arith.minimumf %get3A_651, %add3A_646 : vector<32x256xf32>
    %swap3A_653 = arith.constant 27 : index
    %swap3A_654 = arith.constant 0 : index
    %swap3A_655 = arith.constant 0 : index
    %swap3A_656 = vector.load %arg7[%swap3A_653, %swap3A_654, %swap3A_655] : memref<64x32x256xf32, #tpu.memory_space<vmem>>, vector<1x32x256xf32>
    %swap3A_657 = vector.shape_cast %swap3A_656 : vector<1x32x256xf32> to vector<32x256xf32>
    %swap3A_658 = vector.shape_cast %min3A_652 : vector<32x256xf32> to vector<1x32x256xf32>
    tpu.vector_store %arg7[%swap3A_653, %swap3A_654, %swap3A_655], %swap3A_658 {strides = array<i32>} : memref<64x32x256xf32, #tpu.memory_space<vmem>>, vector<1x32x256xf32>,
    %get3A_659 = arith.constant 28 : index
    %get3A_660 = memref.load %arg2[%get3A_659] : memref<64xf32, #tpu.memory_space<smem>>
    %sub3A_661 = vector.broadcast %get3A_660 : f32 to vector<32x256xf32>
    %sub3A_662 = arith.subf %select_n3A, %sub3A_661 : vector<32x256xf32>
    %get3A_663 = arith.constant 28 : index
    %get3A_664 = memref.load %arg3[%get3A_663] : memref<64xf32, #tpu.memory_space<smem>>
    %sub3A_665 = vector.broadcast %get3A_664 : f32 to vector<32x256xf32>
    %sub3A_666 = arith.subf %get3A_12, %sub3A_665 : vector<32x256xf32>
    %mul3A_667 = arith.mulf %sub3A_662, %sub3A_662 : vector<32x256xf32>
    %mul3A_668 = arith.mulf %sub3A_666, %sub3A_666 : vector<32x256xf32>
    %add3A_669 = arith.addf %mul3A_667, %mul3A_668 : vector<32x256xf32>
    %get3A_670 = arith.constant 28 : index
    %get3A_671 = arith.constant 0 : index
    %get3A_672 = arith.constant 0 : index
    %get3A_673 = vector.load %arg7[%get3A_670, %get3A_671, %get3A_672] : memref<64x32x256xf32, #tpu.memory_space<vmem>>, vector<1x32x256xf32>
    %get3A_674 = vector.shape_cast %get3A_673 : vector<1x32x256xf32> to vector<32x256xf32>
    %min3A_675 = arith.minimumf %get3A_674, %add3A_669 : vector<32x256xf32>
    %swap3A_676 = arith.constant 28 : index
    %swap3A_677 = arith.constant 0 : index
    %swap3A_678 = arith.constant 0 : index
    %swap3A_679 = vector.load %arg7[%swap3A_676, %swap3A_677, %swap3A_678] : memref<64x32x256xf32, #tpu.memory_space<vmem>>, vector<1x32x256xf32>
    %swap3A_680 = vector.shape_cast %swap3A_679 : vector<1x32x256xf32> to vector<32x256xf32>
    %swap3A_681 = vector.shape_cast %min3A_675 : vector<32x256xf32> to vector<1x32x256xf32>
    tpu.vector_store %arg7[%swap3A_676, %swap3A_677, %swap3A_678], %swap3A_681 {strides = array<i32>} : memref<64x32x256xf32, #tpu.memory_space<vmem>>, vector<1x32x256xf32>,
    %get3A_682 = arith.constant 29 : index
    %get3A_683 = memref.load %arg2[%get3A_682] : memref<64xf32, #tpu.memory_space<smem>>
    %sub3A_684 = vector.broadcast %get3A_683 : f32 to vector<32x256xf32>
    %sub3A_685 = arith.subf %select_n3A, %sub3A_684 : vector<32x256xf32>
    %get3A_686 = arith.constant 29 : index
    %get3A_687 = memref.load %arg3[%get3A_686] : memref<64xf32, #tpu.memory_space<smem>>
    %sub3A_688 = vector.broadcast %get3A_687 : f32 to vector<32x256xf32>
    %sub3A_689 = arith.subf %get3A_12, %sub3A_688 : vector<32x256xf32>
    %mul3A_690 = arith.mulf %sub3A_685, %sub3A_685 : vector<32x256xf32>
    %mul3A_691 = arith.mulf %sub3A_689, %sub3A_689 : vector<32x256xf32>
    %add3A_692 = arith.addf %mul3A_690, %mul3A_691 : vector<32x256xf32>
    %get3A_693 = arith.constant 29 : index
    %get3A_694 = arith.constant 0 : index
    %get3A_695 = arith.constant 0 : index
    %get3A_696 = vector.load %arg7[%get3A_693, %get3A_694, %get3A_695] : memref<64x32x256xf32, #tpu.memory_space<vmem>>, vector<1x32x256xf32>
    %get3A_697 = vector.shape_cast %get3A_696 : vector<1x32x256xf32> to vector<32x256xf32>
    %min3A_698 = arith.minimumf %get3A_697, %add3A_692 : vector<32x256xf32>
    %swap3A_699 = arith.constant 29 : index
    %swap3A_700 = arith.constant 0 : index
    %swap3A_701 = arith.constant 0 : index
    %swap3A_702 = vector.load %arg7[%swap3A_699, %swap3A_700, %swap3A_701] : memref<64x32x256xf32, #tpu.memory_space<vmem>>, vector<1x32x256xf32>
    %swap3A_703 = vector.shape_cast %swap3A_702 : vector<1x32x256xf32> to vector<32x256xf32>
    %swap3A_704 = vector.shape_cast %min3A_698 : vector<32x256xf32> to vector<1x32x256xf32>
    tpu.vector_store %arg7[%swap3A_699, %swap3A_700, %swap3A_701], %swap3A_704 {strides = array<i32>} : memref<64x32x256xf32, #tpu.memory_space<vmem>>, vector<1x32x256xf32>,
    %get3A_705 = arith.constant 30 : index
    %get3A_706 = memref.load %arg2[%get3A_705] : memref<64xf32, #tpu.memory_space<smem>>
    %sub3A_707 = vector.broadcast %get3A_706 : f32 to vector<32x256xf32>
    %sub3A_708 = arith.subf %select_n3A, %sub3A_707 : vector<32x256xf32>
    %get3A_709 = arith.constant 30 : index
    %get3A_710 = memref.load %arg3[%get3A_709] : memref<64xf32, #tpu.memory_space<smem>>
    %sub3A_711 = vector.broadcast %get3A_710 : f32 to vector<32x256xf32>
    %sub3A_712 = arith.subf %get3A_12, %sub3A_711 : vector<32x256xf32>
    %mul3A_713 = arith.mulf %sub3A_708, %sub3A_708 : vector<32x256xf32>
    %mul3A_714 = arith.mulf %sub3A_712, %sub3A_712 : vector<32x256xf32>
    %add3A_715 = arith.addf %mul3A_713, %mul3A_714 : vector<32x256xf32>
    %get3A_716 = arith.constant 30 : index
    %get3A_717 = arith.constant 0 : index
    %get3A_718 = arith.constant 0 : index
    %get3A_719 = vector.load %arg7[%get3A_716, %get3A_717, %get3A_718] : memref<64x32x256xf32, #tpu.memory_space<vmem>>, vector<1x32x256xf32>
    %get3A_720 = vector.shape_cast %get3A_719 : vector<1x32x256xf32> to vector<32x256xf32>
    %min3A_721 = arith.minimumf %get3A_720, %add3A_715 : vector<32x256xf32>
    %swap3A_722 = arith.constant 30 : index
    %swap3A_723 = arith.constant 0 : index
    %swap3A_724 = arith.constant 0 : index
    %swap3A_725 = vector.load %arg7[%swap3A_722, %swap3A_723, %swap3A_724] : memref<64x32x256xf32, #tpu.memory_space<vmem>>, vector<1x32x256xf32>
    %swap3A_726 = vector.shape_cast %swap3A_725 : vector<1x32x256xf32> to vector<32x256xf32>
    %swap3A_727 = vector.shape_cast %min3A_721 : vector<32x256xf32> to vector<1x32x256xf32>
    tpu.vector_store %arg7[%swap3A_722, %swap3A_723, %swap3A_724], %swap3A_727 {strides = array<i32>} : memref<64x32x256xf32, #tpu.memory_space<vmem>>, vector<1x32x256xf32>,
    %get3A_728 = arith.constant 31 : index
    %get3A_729 = memref.load %arg2[%get3A_728] : memref<64xf32, #tpu.memory_space<smem>>
    %sub3A_730 = vector.broadcast %get3A_729 : f32 to vector<32x256xf32>
    %sub3A_731 = arith.subf %select_n3A, %sub3A_730 : vector<32x256xf32>
    %get3A_732 = arith.constant 31 : index
    %get3A_733 = memref.load %arg3[%get3A_732] : memref<64xf32, #tpu.memory_space<smem>>
    %sub3A_734 = vector.broadcast %get3A_733 : f32 to vector<32x256xf32>
    %sub3A_735 = arith.subf %get3A_12, %sub3A_734 : vector<32x256xf32>
    %mul3A_736 = arith.mulf %sub3A_731, %sub3A_731 : vector<32x256xf32>
    %mul3A_737 = arith.mulf %sub3A_735, %sub3A_735 : vector<32x256xf32>
    %add3A_738 = arith.addf %mul3A_736, %mul3A_737 : vector<32x256xf32>
    %get3A_739 = arith.constant 31 : index
    %get3A_740 = arith.constant 0 : index
    %get3A_741 = arith.constant 0 : index
    %get3A_742 = vector.load %arg7[%get3A_739, %get3A_740, %get3A_741] : memref<64x32x256xf32, #tpu.memory_space<vmem>>, vector<1x32x256xf32>
    %get3A_743 = vector.shape_cast %get3A_742 : vector<1x32x256xf32> to vector<32x256xf32>
    %min3A_744 = arith.minimumf %get3A_743, %add3A_738 : vector<32x256xf32>
    %swap3A_745 = arith.constant 31 : index
    %swap3A_746 = arith.constant 0 : index
    %swap3A_747 = arith.constant 0 : index
    %swap3A_748 = vector.load %arg7[%swap3A_745, %swap3A_746, %swap3A_747] : memref<64x32x256xf32, #tpu.memory_space<vmem>>, vector<1x32x256xf32>
    %swap3A_749 = vector.shape_cast %swap3A_748 : vector<1x32x256xf32> to vector<32x256xf32>
    %swap3A_750 = vector.shape_cast %min3A_744 : vector<32x256xf32> to vector<1x32x256xf32>
    tpu.vector_store %arg7[%swap3A_745, %swap3A_746, %swap3A_747], %swap3A_750 {strides = array<i32>} : memref<64x32x256xf32, #tpu.memory_space<vmem>>, vector<1x32x256xf32>,
    %get3A_751 = arith.constant 32 : index
    %get3A_752 = memref.load %arg2[%get3A_751] : memref<64xf32, #tpu.memory_space<smem>>
    %sub3A_753 = vector.broadcast %get3A_752 : f32 to vector<32x256xf32>
    %sub3A_754 = arith.subf %select_n3A, %sub3A_753 : vector<32x256xf32>
    %get3A_755 = arith.constant 32 : index
    %get3A_756 = memref.load %arg3[%get3A_755] : memref<64xf32, #tpu.memory_space<smem>>
    %sub3A_757 = vector.broadcast %get3A_756 : f32 to vector<32x256xf32>
    %sub3A_758 = arith.subf %get3A_12, %sub3A_757 : vector<32x256xf32>
    %mul3A_759 = arith.mulf %sub3A_754, %sub3A_754 : vector<32x256xf32>
    %mul3A_760 = arith.mulf %sub3A_758, %sub3A_758 : vector<32x256xf32>
    %add3A_761 = arith.addf %mul3A_759, %mul3A_760 : vector<32x256xf32>
    %get3A_762 = arith.constant 32 : index
    %get3A_763 = arith.constant 0 : index
    %get3A_764 = arith.constant 0 : index
    %get3A_765 = vector.load %arg7[%get3A_762, %get3A_763, %get3A_764] : memref<64x32x256xf32, #tpu.memory_space<vmem>>, vector<1x32x256xf32>
    %get3A_766 = vector.shape_cast %get3A_765 : vector<1x32x256xf32> to vector<32x256xf32>
    %min3A_767 = arith.minimumf %get3A_766, %add3A_761 : vector<32x256xf32>
    %swap3A_768 = arith.constant 32 : index
    %swap3A_769 = arith.constant 0 : index
    %swap3A_770 = arith.constant 0 : index
    %swap3A_771 = vector.load %arg7[%swap3A_768, %swap3A_769, %swap3A_770] : memref<64x32x256xf32, #tpu.memory_space<vmem>>, vector<1x32x256xf32>
    %swap3A_772 = vector.shape_cast %swap3A_771 : vector<1x32x256xf32> to vector<32x256xf32>
    %swap3A_773 = vector.shape_cast %min3A_767 : vector<32x256xf32> to vector<1x32x256xf32>
    tpu.vector_store %arg7[%swap3A_768, %swap3A_769, %swap3A_770], %swap3A_773 {strides = array<i32>} : memref<64x32x256xf32, #tpu.memory_space<vmem>>, vector<1x32x256xf32>,
    %get3A_774 = arith.constant 33 : index
    %get3A_775 = memref.load %arg2[%get3A_774] : memref<64xf32, #tpu.memory_space<smem>>
    %sub3A_776 = vector.broadcast %get3A_775 : f32 to vector<32x256xf32>
    %sub3A_777 = arith.subf %select_n3A, %sub3A_776 : vector<32x256xf32>
    %get3A_778 = arith.constant 33 : index
    %get3A_779 = memref.load %arg3[%get3A_778] : memref<64xf32, #tpu.memory_space<smem>>
    %sub3A_780 = vector.broadcast %get3A_779 : f32 to vector<32x256xf32>
    %sub3A_781 = arith.subf %get3A_12, %sub3A_780 : vector<32x256xf32>
    %mul3A_782 = arith.mulf %sub3A_777, %sub3A_777 : vector<32x256xf32>
    %mul3A_783 = arith.mulf %sub3A_781, %sub3A_781 : vector<32x256xf32>
    %add3A_784 = arith.addf %mul3A_782, %mul3A_783 : vector<32x256xf32>
    %get3A_785 = arith.constant 33 : index
    %get3A_786 = arith.constant 0 : index
    %get3A_787 = arith.constant 0 : index
    %get3A_788 = vector.load %arg7[%get3A_785, %get3A_786, %get3A_787] : memref<64x32x256xf32, #tpu.memory_space<vmem>>, vector<1x32x256xf32>
    %get3A_789 = vector.shape_cast %get3A_788 : vector<1x32x256xf32> to vector<32x256xf32>
    %min3A_790 = arith.minimumf %get3A_789, %add3A_784 : vector<32x256xf32>
    %swap3A_791 = arith.constant 33 : index
    %swap3A_792 = arith.constant 0 : index
    %swap3A_793 = arith.constant 0 : index
    %swap3A_794 = vector.load %arg7[%swap3A_791, %swap3A_792, %swap3A_793] : memref<64x32x256xf32, #tpu.memory_space<vmem>>, vector<1x32x256xf32>
    %swap3A_795 = vector.shape_cast %swap3A_794 : vector<1x32x256xf32> to vector<32x256xf32>
    %swap3A_796 = vector.shape_cast %min3A_790 : vector<32x256xf32> to vector<1x32x256xf32>
    tpu.vector_store %arg7[%swap3A_791, %swap3A_792, %swap3A_793], %swap3A_796 {strides = array<i32>} : memref<64x32x256xf32, #tpu.memory_space<vmem>>, vector<1x32x256xf32>,
    %get3A_797 = arith.constant 34 : index
    %get3A_798 = memref.load %arg2[%get3A_797] : memref<64xf32, #tpu.memory_space<smem>>
    %sub3A_799 = vector.broadcast %get3A_798 : f32 to vector<32x256xf32>
    %sub3A_800 = arith.subf %select_n3A, %sub3A_799 : vector<32x256xf32>
    %get3A_801 = arith.constant 34 : index
    %get3A_802 = memref.load %arg3[%get3A_801] : memref<64xf32, #tpu.memory_space<smem>>
    %sub3A_803 = vector.broadcast %get3A_802 : f32 to vector<32x256xf32>
    %sub3A_804 = arith.subf %get3A_12, %sub3A_803 : vector<32x256xf32>
    %mul3A_805 = arith.mulf %sub3A_800, %sub3A_800 : vector<32x256xf32>
    %mul3A_806 = arith.mulf %sub3A_804, %sub3A_804 : vector<32x256xf32>
    %add3A_807 = arith.addf %mul3A_805, %mul3A_806 : vector<32x256xf32>
    %get3A_808 = arith.constant 34 : index
    %get3A_809 = arith.constant 0 : index
    %get3A_810 = arith.constant 0 : index
    %get3A_811 = vector.load %arg7[%get3A_808, %get3A_809, %get3A_810] : memref<64x32x256xf32, #tpu.memory_space<vmem>>, vector<1x32x256xf32>
    %get3A_812 = vector.shape_cast %get3A_811 : vector<1x32x256xf32> to vector<32x256xf32>
    %min3A_813 = arith.minimumf %get3A_812, %add3A_807 : vector<32x256xf32>
    %swap3A_814 = arith.constant 34 : index
    %swap3A_815 = arith.constant 0 : index
    %swap3A_816 = arith.constant 0 : index
    %swap3A_817 = vector.load %arg7[%swap3A_814, %swap3A_815, %swap3A_816] : memref<64x32x256xf32, #tpu.memory_space<vmem>>, vector<1x32x256xf32>
    %swap3A_818 = vector.shape_cast %swap3A_817 : vector<1x32x256xf32> to vector<32x256xf32>
    %swap3A_819 = vector.shape_cast %min3A_813 : vector<32x256xf32> to vector<1x32x256xf32>
    tpu.vector_store %arg7[%swap3A_814, %swap3A_815, %swap3A_816], %swap3A_819 {strides = array<i32>} : memref<64x32x256xf32, #tpu.memory_space<vmem>>, vector<1x32x256xf32>,
    %get3A_820 = arith.constant 35 : index
    %get3A_821 = memref.load %arg2[%get3A_820] : memref<64xf32, #tpu.memory_space<smem>>
    %sub3A_822 = vector.broadcast %get3A_821 : f32 to vector<32x256xf32>
    %sub3A_823 = arith.subf %select_n3A, %sub3A_822 : vector<32x256xf32>
    %get3A_824 = arith.constant 35 : index
    %get3A_825 = memref.load %arg3[%get3A_824] : memref<64xf32, #tpu.memory_space<smem>>
    %sub3A_826 = vector.broadcast %get3A_825 : f32 to vector<32x256xf32>
    %sub3A_827 = arith.subf %get3A_12, %sub3A_826 : vector<32x256xf32>
    %mul3A_828 = arith.mulf %sub3A_823, %sub3A_823 : vector<32x256xf32>
    %mul3A_829 = arith.mulf %sub3A_827, %sub3A_827 : vector<32x256xf32>
    %add3A_830 = arith.addf %mul3A_828, %mul3A_829 : vector<32x256xf32>
    %get3A_831 = arith.constant 35 : index
    %get3A_832 = arith.constant 0 : index
    %get3A_833 = arith.constant 0 : index
    %get3A_834 = vector.load %arg7[%get3A_831, %get3A_832, %get3A_833] : memref<64x32x256xf32, #tpu.memory_space<vmem>>, vector<1x32x256xf32>
    %get3A_835 = vector.shape_cast %get3A_834 : vector<1x32x256xf32> to vector<32x256xf32>
    %min3A_836 = arith.minimumf %get3A_835, %add3A_830 : vector<32x256xf32>
    %swap3A_837 = arith.constant 35 : index
    %swap3A_838 = arith.constant 0 : index
    %swap3A_839 = arith.constant 0 : index
    %swap3A_840 = vector.load %arg7[%swap3A_837, %swap3A_838, %swap3A_839] : memref<64x32x256xf32, #tpu.memory_space<vmem>>, vector<1x32x256xf32>
    %swap3A_841 = vector.shape_cast %swap3A_840 : vector<1x32x256xf32> to vector<32x256xf32>
    %swap3A_842 = vector.shape_cast %min3A_836 : vector<32x256xf32> to vector<1x32x256xf32>
    tpu.vector_store %arg7[%swap3A_837, %swap3A_838, %swap3A_839], %swap3A_842 {strides = array<i32>} : memref<64x32x256xf32, #tpu.memory_space<vmem>>, vector<1x32x256xf32>,
    %get3A_843 = arith.constant 36 : index
    %get3A_844 = memref.load %arg2[%get3A_843] : memref<64xf32, #tpu.memory_space<smem>>
    %sub3A_845 = vector.broadcast %get3A_844 : f32 to vector<32x256xf32>
    %sub3A_846 = arith.subf %select_n3A, %sub3A_845 : vector<32x256xf32>
    %get3A_847 = arith.constant 36 : index
    %get3A_848 = memref.load %arg3[%get3A_847] : memref<64xf32, #tpu.memory_space<smem>>
    %sub3A_849 = vector.broadcast %get3A_848 : f32 to vector<32x256xf32>
    %sub3A_850 = arith.subf %get3A_12, %sub3A_849 : vector<32x256xf32>
    %mul3A_851 = arith.mulf %sub3A_846, %sub3A_846 : vector<32x256xf32>
    %mul3A_852 = arith.mulf %sub3A_850, %sub3A_850 : vector<32x256xf32>
    %add3A_853 = arith.addf %mul3A_851, %mul3A_852 : vector<32x256xf32>
    %get3A_854 = arith.constant 36 : index
    %get3A_855 = arith.constant 0 : index
    %get3A_856 = arith.constant 0 : index
    %get3A_857 = vector.load %arg7[%get3A_854, %get3A_855, %get3A_856] : memref<64x32x256xf32, #tpu.memory_space<vmem>>, vector<1x32x256xf32>
    %get3A_858 = vector.shape_cast %get3A_857 : vector<1x32x256xf32> to vector<32x256xf32>
    %min3A_859 = arith.minimumf %get3A_858, %add3A_853 : vector<32x256xf32>
    %swap3A_860 = arith.constant 36 : index
    %swap3A_861 = arith.constant 0 : index
    %swap3A_862 = arith.constant 0 : index
    %swap3A_863 = vector.load %arg7[%swap3A_860, %swap3A_861, %swap3A_862] : memref<64x32x256xf32, #tpu.memory_space<vmem>>, vector<1x32x256xf32>
    %swap3A_864 = vector.shape_cast %swap3A_863 : vector<1x32x256xf32> to vector<32x256xf32>
    %swap3A_865 = vector.shape_cast %min3A_859 : vector<32x256xf32> to vector<1x32x256xf32>
    tpu.vector_store %arg7[%swap3A_860, %swap3A_861, %swap3A_862], %swap3A_865 {strides = array<i32>} : memref<64x32x256xf32, #tpu.memory_space<vmem>>, vector<1x32x256xf32>,
    %get3A_866 = arith.constant 37 : index
    %get3A_867 = memref.load %arg2[%get3A_866] : memref<64xf32, #tpu.memory_space<smem>>
    %sub3A_868 = vector.broadcast %get3A_867 : f32 to vector<32x256xf32>
    %sub3A_869 = arith.subf %select_n3A, %sub3A_868 : vector<32x256xf32>
    %get3A_870 = arith.constant 37 : index
    %get3A_871 = memref.load %arg3[%get3A_870] : memref<64xf32, #tpu.memory_space<smem>>
    %sub3A_872 = vector.broadcast %get3A_871 : f32 to vector<32x256xf32>
    %sub3A_873 = arith.subf %get3A_12, %sub3A_872 : vector<32x256xf32>
    %mul3A_874 = arith.mulf %sub3A_869, %sub3A_869 : vector<32x256xf32>
    %mul3A_875 = arith.mulf %sub3A_873, %sub3A_873 : vector<32x256xf32>
    %add3A_876 = arith.addf %mul3A_874, %mul3A_875 : vector<32x256xf32>
    %get3A_877 = arith.constant 37 : index
    %get3A_878 = arith.constant 0 : index
    %get3A_879 = arith.constant 0 : index
    %get3A_880 = vector.load %arg7[%get3A_877, %get3A_878, %get3A_879] : memref<64x32x256xf32, #tpu.memory_space<vmem>>, vector<1x32x256xf32>
    %get3A_881 = vector.shape_cast %get3A_880 : vector<1x32x256xf32> to vector<32x256xf32>
    %min3A_882 = arith.minimumf %get3A_881, %add3A_876 : vector<32x256xf32>
    %swap3A_883 = arith.constant 37 : index
    %swap3A_884 = arith.constant 0 : index
    %swap3A_885 = arith.constant 0 : index
    %swap3A_886 = vector.load %arg7[%swap3A_883, %swap3A_884, %swap3A_885] : memref<64x32x256xf32, #tpu.memory_space<vmem>>, vector<1x32x256xf32>
    %swap3A_887 = vector.shape_cast %swap3A_886 : vector<1x32x256xf32> to vector<32x256xf32>
    %swap3A_888 = vector.shape_cast %min3A_882 : vector<32x256xf32> to vector<1x32x256xf32>
    tpu.vector_store %arg7[%swap3A_883, %swap3A_884, %swap3A_885], %swap3A_888 {strides = array<i32>} : memref<64x32x256xf32, #tpu.memory_space<vmem>>, vector<1x32x256xf32>,
    %get3A_889 = arith.constant 38 : index
    %get3A_890 = memref.load %arg2[%get3A_889] : memref<64xf32, #tpu.memory_space<smem>>
    %sub3A_891 = vector.broadcast %get3A_890 : f32 to vector<32x256xf32>
    %sub3A_892 = arith.subf %select_n3A, %sub3A_891 : vector<32x256xf32>
    %get3A_893 = arith.constant 38 : index
    %get3A_894 = memref.load %arg3[%get3A_893] : memref<64xf32, #tpu.memory_space<smem>>
    %sub3A_895 = vector.broadcast %get3A_894 : f32 to vector<32x256xf32>
    %sub3A_896 = arith.subf %get3A_12, %sub3A_895 : vector<32x256xf32>
    %mul3A_897 = arith.mulf %sub3A_892, %sub3A_892 : vector<32x256xf32>
    %mul3A_898 = arith.mulf %sub3A_896, %sub3A_896 : vector<32x256xf32>
    %add3A_899 = arith.addf %mul3A_897, %mul3A_898 : vector<32x256xf32>
    %get3A_900 = arith.constant 38 : index
    %get3A_901 = arith.constant 0 : index
    %get3A_902 = arith.constant 0 : index
    %get3A_903 = vector.load %arg7[%get3A_900, %get3A_901, %get3A_902] : memref<64x32x256xf32, #tpu.memory_space<vmem>>, vector<1x32x256xf32>
    %get3A_904 = vector.shape_cast %get3A_903 : vector<1x32x256xf32> to vector<32x256xf32>
    %min3A_905 = arith.minimumf %get3A_904, %add3A_899 : vector<32x256xf32>
    %swap3A_906 = arith.constant 38 : index
    %swap3A_907 = arith.constant 0 : index
    %swap3A_908 = arith.constant 0 : index
    %swap3A_909 = vector.load %arg7[%swap3A_906, %swap3A_907, %swap3A_908] : memref<64x32x256xf32, #tpu.memory_space<vmem>>, vector<1x32x256xf32>
    %swap3A_910 = vector.shape_cast %swap3A_909 : vector<1x32x256xf32> to vector<32x256xf32>
    %swap3A_911 = vector.shape_cast %min3A_905 : vector<32x256xf32> to vector<1x32x256xf32>
    tpu.vector_store %arg7[%swap3A_906, %swap3A_907, %swap3A_908], %swap3A_911 {strides = array<i32>} : memref<64x32x256xf32, #tpu.memory_space<vmem>>, vector<1x32x256xf32>,
    %get3A_912 = arith.constant 39 : index
    %get3A_913 = memref.load %arg2[%get3A_912] : memref<64xf32, #tpu.memory_space<smem>>
    %sub3A_914 = vector.broadcast %get3A_913 : f32 to vector<32x256xf32>
    %sub3A_915 = arith.subf %select_n3A, %sub3A_914 : vector<32x256xf32>
    %get3A_916 = arith.constant 39 : index
    %get3A_917 = memref.load %arg3[%get3A_916] : memref<64xf32, #tpu.memory_space<smem>>
    %sub3A_918 = vector.broadcast %get3A_917 : f32 to vector<32x256xf32>
    %sub3A_919 = arith.subf %get3A_12, %sub3A_918 : vector<32x256xf32>
    %mul3A_920 = arith.mulf %sub3A_915, %sub3A_915 : vector<32x256xf32>
    %mul3A_921 = arith.mulf %sub3A_919, %sub3A_919 : vector<32x256xf32>
    %add3A_922 = arith.addf %mul3A_920, %mul3A_921 : vector<32x256xf32>
    %get3A_923 = arith.constant 39 : index
    %get3A_924 = arith.constant 0 : index
    %get3A_925 = arith.constant 0 : index
    %get3A_926 = vector.load %arg7[%get3A_923, %get3A_924, %get3A_925] : memref<64x32x256xf32, #tpu.memory_space<vmem>>, vector<1x32x256xf32>
    %get3A_927 = vector.shape_cast %get3A_926 : vector<1x32x256xf32> to vector<32x256xf32>
    %min3A_928 = arith.minimumf %get3A_927, %add3A_922 : vector<32x256xf32>
    %swap3A_929 = arith.constant 39 : index
    %swap3A_930 = arith.constant 0 : index
    %swap3A_931 = arith.constant 0 : index
    %swap3A_932 = vector.load %arg7[%swap3A_929, %swap3A_930, %swap3A_931] : memref<64x32x256xf32, #tpu.memory_space<vmem>>, vector<1x32x256xf32>
    %swap3A_933 = vector.shape_cast %swap3A_932 : vector<1x32x256xf32> to vector<32x256xf32>
    %swap3A_934 = vector.shape_cast %min3A_928 : vector<32x256xf32> to vector<1x32x256xf32>
    tpu.vector_store %arg7[%swap3A_929, %swap3A_930, %swap3A_931], %swap3A_934 {strides = array<i32>} : memref<64x32x256xf32, #tpu.memory_space<vmem>>, vector<1x32x256xf32>,
    %get3A_935 = arith.constant 40 : index
    %get3A_936 = memref.load %arg2[%get3A_935] : memref<64xf32, #tpu.memory_space<smem>>
    %sub3A_937 = vector.broadcast %get3A_936 : f32 to vector<32x256xf32>
    %sub3A_938 = arith.subf %select_n3A, %sub3A_937 : vector<32x256xf32>
    %get3A_939 = arith.constant 40 : index
    %get3A_940 = memref.load %arg3[%get3A_939] : memref<64xf32, #tpu.memory_space<smem>>
    %sub3A_941 = vector.broadcast %get3A_940 : f32 to vector<32x256xf32>
    %sub3A_942 = arith.subf %get3A_12, %sub3A_941 : vector<32x256xf32>
    %mul3A_943 = arith.mulf %sub3A_938, %sub3A_938 : vector<32x256xf32>
    %mul3A_944 = arith.mulf %sub3A_942, %sub3A_942 : vector<32x256xf32>
    %add3A_945 = arith.addf %mul3A_943, %mul3A_944 : vector<32x256xf32>
    %get3A_946 = arith.constant 40 : index
    %get3A_947 = arith.constant 0 : index
    %get3A_948 = arith.constant 0 : index
    %get3A_949 = vector.load %arg7[%get3A_946, %get3A_947, %get3A_948] : memref<64x32x256xf32, #tpu.memory_space<vmem>>, vector<1x32x256xf32>
    %get3A_950 = vector.shape_cast %get3A_949 : vector<1x32x256xf32> to vector<32x256xf32>
    %min3A_951 = arith.minimumf %get3A_950, %add3A_945 : vector<32x256xf32>
    %swap3A_952 = arith.constant 40 : index
    %swap3A_953 = arith.constant 0 : index
    %swap3A_954 = arith.constant 0 : index
    %swap3A_955 = vector.load %arg7[%swap3A_952, %swap3A_953, %swap3A_954] : memref<64x32x256xf32, #tpu.memory_space<vmem>>, vector<1x32x256xf32>
    %swap3A_956 = vector.shape_cast %swap3A_955 : vector<1x32x256xf32> to vector<32x256xf32>
    %swap3A_957 = vector.shape_cast %min3A_951 : vector<32x256xf32> to vector<1x32x256xf32>
    tpu.vector_store %arg7[%swap3A_952, %swap3A_953, %swap3A_954], %swap3A_957 {strides = array<i32>} : memref<64x32x256xf32, #tpu.memory_space<vmem>>, vector<1x32x256xf32>,
    %get3A_958 = arith.constant 41 : index
    %get3A_959 = memref.load %arg2[%get3A_958] : memref<64xf32, #tpu.memory_space<smem>>
    %sub3A_960 = vector.broadcast %get3A_959 : f32 to vector<32x256xf32>
    %sub3A_961 = arith.subf %select_n3A, %sub3A_960 : vector<32x256xf32>
    %get3A_962 = arith.constant 41 : index
    %get3A_963 = memref.load %arg3[%get3A_962] : memref<64xf32, #tpu.memory_space<smem>>
    %sub3A_964 = vector.broadcast %get3A_963 : f32 to vector<32x256xf32>
    %sub3A_965 = arith.subf %get3A_12, %sub3A_964 : vector<32x256xf32>
    %mul3A_966 = arith.mulf %sub3A_961, %sub3A_961 : vector<32x256xf32>
    %mul3A_967 = arith.mulf %sub3A_965, %sub3A_965 : vector<32x256xf32>
    %add3A_968 = arith.addf %mul3A_966, %mul3A_967 : vector<32x256xf32>
    %get3A_969 = arith.constant 41 : index
    %get3A_970 = arith.constant 0 : index
    %get3A_971 = arith.constant 0 : index
    %get3A_972 = vector.load %arg7[%get3A_969, %get3A_970, %get3A_971] : memref<64x32x256xf32, #tpu.memory_space<vmem>>, vector<1x32x256xf32>
    %get3A_973 = vector.shape_cast %get3A_972 : vector<1x32x256xf32> to vector<32x256xf32>
    %min3A_974 = arith.minimumf %get3A_973, %add3A_968 : vector<32x256xf32>
    %swap3A_975 = arith.constant 41 : index
    %swap3A_976 = arith.constant 0 : index
    %swap3A_977 = arith.constant 0 : index
    %swap3A_978 = vector.load %arg7[%swap3A_975, %swap3A_976, %swap3A_977] : memref<64x32x256xf32, #tpu.memory_space<vmem>>, vector<1x32x256xf32>
    %swap3A_979 = vector.shape_cast %swap3A_978 : vector<1x32x256xf32> to vector<32x256xf32>
    %swap3A_980 = vector.shape_cast %min3A_974 : vector<32x256xf32> to vector<1x32x256xf32>
    tpu.vector_store %arg7[%swap3A_975, %swap3A_976, %swap3A_977], %swap3A_980 {strides = array<i32>} : memref<64x32x256xf32, #tpu.memory_space<vmem>>, vector<1x32x256xf32>,
    %get3A_981 = arith.constant 42 : index
    %get3A_982 = memref.load %arg2[%get3A_981] : memref<64xf32, #tpu.memory_space<smem>>
    %sub3A_983 = vector.broadcast %get3A_982 : f32 to vector<32x256xf32>
    %sub3A_984 = arith.subf %select_n3A, %sub3A_983 : vector<32x256xf32>
    %get3A_985 = arith.constant 42 : index
    %get3A_986 = memref.load %arg3[%get3A_985] : memref<64xf32, #tpu.memory_space<smem>>
    %sub3A_987 = vector.broadcast %get3A_986 : f32 to vector<32x256xf32>
    %sub3A_988 = arith.subf %get3A_12, %sub3A_987 : vector<32x256xf32>
    %mul3A_989 = arith.mulf %sub3A_984, %sub3A_984 : vector<32x256xf32>
    %mul3A_990 = arith.mulf %sub3A_988, %sub3A_988 : vector<32x256xf32>
    %add3A_991 = arith.addf %mul3A_989, %mul3A_990 : vector<32x256xf32>
    %get3A_992 = arith.constant 42 : index
    %get3A_993 = arith.constant 0 : index
    %get3A_994 = arith.constant 0 : index
    %get3A_995 = vector.load %arg7[%get3A_992, %get3A_993, %get3A_994] : memref<64x32x256xf32, #tpu.memory_space<vmem>>, vector<1x32x256xf32>
    %get3A_996 = vector.shape_cast %get3A_995 : vector<1x32x256xf32> to vector<32x256xf32>
    %min3A_997 = arith.minimumf %get3A_996, %add3A_991 : vector<32x256xf32>
    %swap3A_998 = arith.constant 42 : index
    %swap3A_999 = arith.constant 0 : index
    %swap3A_1000 = arith.constant 0 : index
    %swap3A_1001 = vector.load %arg7[%swap3A_998, %swap3A_999, %swap3A_1000] : memref<64x32x256xf32, #tpu.memory_space<vmem>>, vector<1x32x256xf32>
    %swap3A_1002 = vector.shape_cast %swap3A_1001 : vector<1x32x256xf32> to vector<32x256xf32>
    %swap3A_1003 = vector.shape_cast %min3A_997 : vector<32x256xf32> to vector<1x32x256xf32>
    tpu.vector_store %arg7[%swap3A_998, %swap3A_999, %swap3A_1000], %swap3A_1003 {strides = array<i32>} : memref<64x32x256xf32, #tpu.memory_space<vmem>>, vector<1x32x256xf32>,
    %get3A_1004 = arith.constant 43 : index
    %get3A_1005 = memref.load %arg2[%get3A_1004] : memref<64xf32, #tpu.memory_space<smem>>
    %sub3A_1006 = vector.broadcast %get3A_1005 : f32 to vector<32x256xf32>
    %sub3A_1007 = arith.subf %select_n3A, %sub3A_1006 : vector<32x256xf32>
    %get3A_1008 = arith.constant 43 : index
    %get3A_1009 = memref.load %arg3[%get3A_1008] : memref<64xf32, #tpu.memory_space<smem>>
    %sub3A_1010 = vector.broadcast %get3A_1009 : f32 to vector<32x256xf32>
    %sub3A_1011 = arith.subf %get3A_12, %sub3A_1010 : vector<32x256xf32>
    %mul3A_1012 = arith.mulf %sub3A_1007, %sub3A_1007 : vector<32x256xf32>
    %mul3A_1013 = arith.mulf %sub3A_1011, %sub3A_1011 : vector<32x256xf32>
    %add3A_1014 = arith.addf %mul3A_1012, %mul3A_1013 : vector<32x256xf32>
    %get3A_1015 = arith.constant 43 : index
    %get3A_1016 = arith.constant 0 : index
    %get3A_1017 = arith.constant 0 : index
    %get3A_1018 = vector.load %arg7[%get3A_1015, %get3A_1016, %get3A_1017] : memref<64x32x256xf32, #tpu.memory_space<vmem>>, vector<1x32x256xf32>
    %get3A_1019 = vector.shape_cast %get3A_1018 : vector<1x32x256xf32> to vector<32x256xf32>
    %min3A_1020 = arith.minimumf %get3A_1019, %add3A_1014 : vector<32x256xf32>
    %swap3A_1021 = arith.constant 43 : index
    %swap3A_1022 = arith.constant 0 : index
    %swap3A_1023 = arith.constant 0 : index
    %swap3A_1024 = vector.load %arg7[%swap3A_1021, %swap3A_1022, %swap3A_1023] : memref<64x32x256xf32, #tpu.memory_space<vmem>>, vector<1x32x256xf32>
    %swap3A_1025 = vector.shape_cast %swap3A_1024 : vector<1x32x256xf32> to vector<32x256xf32>
    %swap3A_1026 = vector.shape_cast %min3A_1020 : vector<32x256xf32> to vector<1x32x256xf32>
    tpu.vector_store %arg7[%swap3A_1021, %swap3A_1022, %swap3A_1023], %swap3A_1026 {strides = array<i32>} : memref<64x32x256xf32, #tpu.memory_space<vmem>>, vector<1x32x256xf32>,
    %get3A_1027 = arith.constant 44 : index
    %get3A_1028 = memref.load %arg2[%get3A_1027] : memref<64xf32, #tpu.memory_space<smem>>
    %sub3A_1029 = vector.broadcast %get3A_1028 : f32 to vector<32x256xf32>
    %sub3A_1030 = arith.subf %select_n3A, %sub3A_1029 : vector<32x256xf32>
    %get3A_1031 = arith.constant 44 : index
    %get3A_1032 = memref.load %arg3[%get3A_1031] : memref<64xf32, #tpu.memory_space<smem>>
    %sub3A_1033 = vector.broadcast %get3A_1032 : f32 to vector<32x256xf32>
    %sub3A_1034 = arith.subf %get3A_12, %sub3A_1033 : vector<32x256xf32>
    %mul3A_1035 = arith.mulf %sub3A_1030, %sub3A_1030 : vector<32x256xf32>
    %mul3A_1036 = arith.mulf %sub3A_1034, %sub3A_1034 : vector<32x256xf32>
    %add3A_1037 = arith.addf %mul3A_1035, %mul3A_1036 : vector<32x256xf32>
    %get3A_1038 = arith.constant 44 : index
    %get3A_1039 = arith.constant 0 : index
    %get3A_1040 = arith.constant 0 : index
    %get3A_1041 = vector.load %arg7[%get3A_1038, %get3A_1039, %get3A_1040] : memref<64x32x256xf32, #tpu.memory_space<vmem>>, vector<1x32x256xf32>
    %get3A_1042 = vector.shape_cast %get3A_1041 : vector<1x32x256xf32> to vector<32x256xf32>
    %min3A_1043 = arith.minimumf %get3A_1042, %add3A_1037 : vector<32x256xf32>
    %swap3A_1044 = arith.constant 44 : index
    %swap3A_1045 = arith.constant 0 : index
    %swap3A_1046 = arith.constant 0 : index
    %swap3A_1047 = vector.load %arg7[%swap3A_1044, %swap3A_1045, %swap3A_1046] : memref<64x32x256xf32, #tpu.memory_space<vmem>>, vector<1x32x256xf32>
    %swap3A_1048 = vector.shape_cast %swap3A_1047 : vector<1x32x256xf32> to vector<32x256xf32>
    %swap3A_1049 = vector.shape_cast %min3A_1043 : vector<32x256xf32> to vector<1x32x256xf32>
    tpu.vector_store %arg7[%swap3A_1044, %swap3A_1045, %swap3A_1046], %swap3A_1049 {strides = array<i32>} : memref<64x32x256xf32, #tpu.memory_space<vmem>>, vector<1x32x256xf32>,
    %get3A_1050 = arith.constant 45 : index
    %get3A_1051 = memref.load %arg2[%get3A_1050] : memref<64xf32, #tpu.memory_space<smem>>
    %sub3A_1052 = vector.broadcast %get3A_1051 : f32 to vector<32x256xf32>
    %sub3A_1053 = arith.subf %select_n3A, %sub3A_1052 : vector<32x256xf32>
    %get3A_1054 = arith.constant 45 : index
    %get3A_1055 = memref.load %arg3[%get3A_1054] : memref<64xf32, #tpu.memory_space<smem>>
    %sub3A_1056 = vector.broadcast %get3A_1055 : f32 to vector<32x256xf32>
    %sub3A_1057 = arith.subf %get3A_12, %sub3A_1056 : vector<32x256xf32>
    %mul3A_1058 = arith.mulf %sub3A_1053, %sub3A_1053 : vector<32x256xf32>
    %mul3A_1059 = arith.mulf %sub3A_1057, %sub3A_1057 : vector<32x256xf32>
    %add3A_1060 = arith.addf %mul3A_1058, %mul3A_1059 : vector<32x256xf32>
    %get3A_1061 = arith.constant 45 : index
    %get3A_1062 = arith.constant 0 : index
    %get3A_1063 = arith.constant 0 : index
    %get3A_1064 = vector.load %arg7[%get3A_1061, %get3A_1062, %get3A_1063] : memref<64x32x256xf32, #tpu.memory_space<vmem>>, vector<1x32x256xf32>
    %get3A_1065 = vector.shape_cast %get3A_1064 : vector<1x32x256xf32> to vector<32x256xf32>
    %min3A_1066 = arith.minimumf %get3A_1065, %add3A_1060 : vector<32x256xf32>
    %swap3A_1067 = arith.constant 45 : index
    %swap3A_1068 = arith.constant 0 : index
    %swap3A_1069 = arith.constant 0 : index
    %swap3A_1070 = vector.load %arg7[%swap3A_1067, %swap3A_1068, %swap3A_1069] : memref<64x32x256xf32, #tpu.memory_space<vmem>>, vector<1x32x256xf32>
    %swap3A_1071 = vector.shape_cast %swap3A_1070 : vector<1x32x256xf32> to vector<32x256xf32>
    %swap3A_1072 = vector.shape_cast %min3A_1066 : vector<32x256xf32> to vector<1x32x256xf32>
    tpu.vector_store %arg7[%swap3A_1067, %swap3A_1068, %swap3A_1069], %swap3A_1072 {strides = array<i32>} : memref<64x32x256xf32, #tpu.memory_space<vmem>>, vector<1x32x256xf32>,
    %get3A_1073 = arith.constant 46 : index
    %get3A_1074 = memref.load %arg2[%get3A_1073] : memref<64xf32, #tpu.memory_space<smem>>
    %sub3A_1075 = vector.broadcast %get3A_1074 : f32 to vector<32x256xf32>
    %sub3A_1076 = arith.subf %select_n3A, %sub3A_1075 : vector<32x256xf32>
    %get3A_1077 = arith.constant 46 : index
    %get3A_1078 = memref.load %arg3[%get3A_1077] : memref<64xf32, #tpu.memory_space<smem>>
    %sub3A_1079 = vector.broadcast %get3A_1078 : f32 to vector<32x256xf32>
    %sub3A_1080 = arith.subf %get3A_12, %sub3A_1079 : vector<32x256xf32>
    %mul3A_1081 = arith.mulf %sub3A_1076, %sub3A_1076 : vector<32x256xf32>
    %mul3A_1082 = arith.mulf %sub3A_1080, %sub3A_1080 : vector<32x256xf32>
    %add3A_1083 = arith.addf %mul3A_1081, %mul3A_1082 : vector<32x256xf32>
    %get3A_1084 = arith.constant 46 : index
    %get3A_1085 = arith.constant 0 : index
    %get3A_1086 = arith.constant 0 : index
    %get3A_1087 = vector.load %arg7[%get3A_1084, %get3A_1085, %get3A_1086] : memref<64x32x256xf32, #tpu.memory_space<vmem>>, vector<1x32x256xf32>
    %get3A_1088 = vector.shape_cast %get3A_1087 : vector<1x32x256xf32> to vector<32x256xf32>
    %min3A_1089 = arith.minimumf %get3A_1088, %add3A_1083 : vector<32x256xf32>
    %swap3A_1090 = arith.constant 46 : index
    %swap3A_1091 = arith.constant 0 : index
    %swap3A_1092 = arith.constant 0 : index
    %swap3A_1093 = vector.load %arg7[%swap3A_1090, %swap3A_1091, %swap3A_1092] : memref<64x32x256xf32, #tpu.memory_space<vmem>>, vector<1x32x256xf32>
    %swap3A_1094 = vector.shape_cast %swap3A_1093 : vector<1x32x256xf32> to vector<32x256xf32>
    %swap3A_1095 = vector.shape_cast %min3A_1089 : vector<32x256xf32> to vector<1x32x256xf32>
    tpu.vector_store %arg7[%swap3A_1090, %swap3A_1091, %swap3A_1092], %swap3A_1095 {strides = array<i32>} : memref<64x32x256xf32, #tpu.memory_space<vmem>>, vector<1x32x256xf32>,
    %get3A_1096 = arith.constant 47 : index
    %get3A_1097 = memref.load %arg2[%get3A_1096] : memref<64xf32, #tpu.memory_space<smem>>
    %sub3A_1098 = vector.broadcast %get3A_1097 : f32 to vector<32x256xf32>
    %sub3A_1099 = arith.subf %select_n3A, %sub3A_1098 : vector<32x256xf32>
    %get3A_1100 = arith.constant 47 : index
    %get3A_1101 = memref.load %arg3[%get3A_1100] : memref<64xf32, #tpu.memory_space<smem>>
    %sub3A_1102 = vector.broadcast %get3A_1101 : f32 to vector<32x256xf32>
    %sub3A_1103 = arith.subf %get3A_12, %sub3A_1102 : vector<32x256xf32>
    %mul3A_1104 = arith.mulf %sub3A_1099, %sub3A_1099 : vector<32x256xf32>
    %mul3A_1105 = arith.mulf %sub3A_1103, %sub3A_1103 : vector<32x256xf32>
    %add3A_1106 = arith.addf %mul3A_1104, %mul3A_1105 : vector<32x256xf32>
    %get3A_1107 = arith.constant 47 : index
    %get3A_1108 = arith.constant 0 : index
    %get3A_1109 = arith.constant 0 : index
    %get3A_1110 = vector.load %arg7[%get3A_1107, %get3A_1108, %get3A_1109] : memref<64x32x256xf32, #tpu.memory_space<vmem>>, vector<1x32x256xf32>
    %get3A_1111 = vector.shape_cast %get3A_1110 : vector<1x32x256xf32> to vector<32x256xf32>
    %min3A_1112 = arith.minimumf %get3A_1111, %add3A_1106 : vector<32x256xf32>
    %swap3A_1113 = arith.constant 47 : index
    %swap3A_1114 = arith.constant 0 : index
    %swap3A_1115 = arith.constant 0 : index
    %swap3A_1116 = vector.load %arg7[%swap3A_1113, %swap3A_1114, %swap3A_1115] : memref<64x32x256xf32, #tpu.memory_space<vmem>>, vector<1x32x256xf32>
    %swap3A_1117 = vector.shape_cast %swap3A_1116 : vector<1x32x256xf32> to vector<32x256xf32>
    %swap3A_1118 = vector.shape_cast %min3A_1112 : vector<32x256xf32> to vector<1x32x256xf32>
    tpu.vector_store %arg7[%swap3A_1113, %swap3A_1114, %swap3A_1115], %swap3A_1118 {strides = array<i32>} : memref<64x32x256xf32, #tpu.memory_space<vmem>>, vector<1x32x256xf32>,
    %get3A_1119 = arith.constant 48 : index
    %get3A_1120 = memref.load %arg2[%get3A_1119] : memref<64xf32, #tpu.memory_space<smem>>
    %sub3A_1121 = vector.broadcast %get3A_1120 : f32 to vector<32x256xf32>
    %sub3A_1122 = arith.subf %select_n3A, %sub3A_1121 : vector<32x256xf32>
    %get3A_1123 = arith.constant 48 : index
    %get3A_1124 = memref.load %arg3[%get3A_1123] : memref<64xf32, #tpu.memory_space<smem>>
    %sub3A_1125 = vector.broadcast %get3A_1124 : f32 to vector<32x256xf32>
    %sub3A_1126 = arith.subf %get3A_12, %sub3A_1125 : vector<32x256xf32>
    %mul3A_1127 = arith.mulf %sub3A_1122, %sub3A_1122 : vector<32x256xf32>
    %mul3A_1128 = arith.mulf %sub3A_1126, %sub3A_1126 : vector<32x256xf32>
    %add3A_1129 = arith.addf %mul3A_1127, %mul3A_1128 : vector<32x256xf32>
    %get3A_1130 = arith.constant 48 : index
    %get3A_1131 = arith.constant 0 : index
    %get3A_1132 = arith.constant 0 : index
    %get3A_1133 = vector.load %arg7[%get3A_1130, %get3A_1131, %get3A_1132] : memref<64x32x256xf32, #tpu.memory_space<vmem>>, vector<1x32x256xf32>
    %get3A_1134 = vector.shape_cast %get3A_1133 : vector<1x32x256xf32> to vector<32x256xf32>
    %min3A_1135 = arith.minimumf %get3A_1134, %add3A_1129 : vector<32x256xf32>
    %swap3A_1136 = arith.constant 48 : index
    %swap3A_1137 = arith.constant 0 : index
    %swap3A_1138 = arith.constant 0 : index
    %swap3A_1139 = vector.load %arg7[%swap3A_1136, %swap3A_1137, %swap3A_1138] : memref<64x32x256xf32, #tpu.memory_space<vmem>>, vector<1x32x256xf32>
    %swap3A_1140 = vector.shape_cast %swap3A_1139 : vector<1x32x256xf32> to vector<32x256xf32>
    %swap3A_1141 = vector.shape_cast %min3A_1135 : vector<32x256xf32> to vector<1x32x256xf32>
    tpu.vector_store %arg7[%swap3A_1136, %swap3A_1137, %swap3A_1138], %swap3A_1141 {strides = array<i32>} : memref<64x32x256xf32, #tpu.memory_space<vmem>>, vector<1x32x256xf32>,
    %get3A_1142 = arith.constant 49 : index
    %get3A_1143 = memref.load %arg2[%get3A_1142] : memref<64xf32, #tpu.memory_space<smem>>
    %sub3A_1144 = vector.broadcast %get3A_1143 : f32 to vector<32x256xf32>
    %sub3A_1145 = arith.subf %select_n3A, %sub3A_1144 : vector<32x256xf32>
    %get3A_1146 = arith.constant 49 : index
    %get3A_1147 = memref.load %arg3[%get3A_1146] : memref<64xf32, #tpu.memory_space<smem>>
    %sub3A_1148 = vector.broadcast %get3A_1147 : f32 to vector<32x256xf32>
    %sub3A_1149 = arith.subf %get3A_12, %sub3A_1148 : vector<32x256xf32>
    %mul3A_1150 = arith.mulf %sub3A_1145, %sub3A_1145 : vector<32x256xf32>
    %mul3A_1151 = arith.mulf %sub3A_1149, %sub3A_1149 : vector<32x256xf32>
    %add3A_1152 = arith.addf %mul3A_1150, %mul3A_1151 : vector<32x256xf32>
    %get3A_1153 = arith.constant 49 : index
    %get3A_1154 = arith.constant 0 : index
    %get3A_1155 = arith.constant 0 : index
    %get3A_1156 = vector.load %arg7[%get3A_1153, %get3A_1154, %get3A_1155] : memref<64x32x256xf32, #tpu.memory_space<vmem>>, vector<1x32x256xf32>
    %get3A_1157 = vector.shape_cast %get3A_1156 : vector<1x32x256xf32> to vector<32x256xf32>
    %min3A_1158 = arith.minimumf %get3A_1157, %add3A_1152 : vector<32x256xf32>
    %swap3A_1159 = arith.constant 49 : index
    %swap3A_1160 = arith.constant 0 : index
    %swap3A_1161 = arith.constant 0 : index
    %swap3A_1162 = vector.load %arg7[%swap3A_1159, %swap3A_1160, %swap3A_1161] : memref<64x32x256xf32, #tpu.memory_space<vmem>>, vector<1x32x256xf32>
    %swap3A_1163 = vector.shape_cast %swap3A_1162 : vector<1x32x256xf32> to vector<32x256xf32>
    %swap3A_1164 = vector.shape_cast %min3A_1158 : vector<32x256xf32> to vector<1x32x256xf32>
    tpu.vector_store %arg7[%swap3A_1159, %swap3A_1160, %swap3A_1161], %swap3A_1164 {strides = array<i32>} : memref<64x32x256xf32, #tpu.memory_space<vmem>>, vector<1x32x256xf32>,
    %get3A_1165 = arith.constant 50 : index
    %get3A_1166 = memref.load %arg2[%get3A_1165] : memref<64xf32, #tpu.memory_space<smem>>
    %sub3A_1167 = vector.broadcast %get3A_1166 : f32 to vector<32x256xf32>
    %sub3A_1168 = arith.subf %select_n3A, %sub3A_1167 : vector<32x256xf32>
    %get3A_1169 = arith.constant 50 : index
    %get3A_1170 = memref.load %arg3[%get3A_1169] : memref<64xf32, #tpu.memory_space<smem>>
    %sub3A_1171 = vector.broadcast %get3A_1170 : f32 to vector<32x256xf32>
    %sub3A_1172 = arith.subf %get3A_12, %sub3A_1171 : vector<32x256xf32>
    %mul3A_1173 = arith.mulf %sub3A_1168, %sub3A_1168 : vector<32x256xf32>
    %mul3A_1174 = arith.mulf %sub3A_1172, %sub3A_1172 : vector<32x256xf32>
    %add3A_1175 = arith.addf %mul3A_1173, %mul3A_1174 : vector<32x256xf32>
    %get3A_1176 = arith.constant 50 : index
    %get3A_1177 = arith.constant 0 : index
    %get3A_1178 = arith.constant 0 : index
    %get3A_1179 = vector.load %arg7[%get3A_1176, %get3A_1177, %get3A_1178] : memref<64x32x256xf32, #tpu.memory_space<vmem>>, vector<1x32x256xf32>
    %get3A_1180 = vector.shape_cast %get3A_1179 : vector<1x32x256xf32> to vector<32x256xf32>
    %min3A_1181 = arith.minimumf %get3A_1180, %add3A_1175 : vector<32x256xf32>
    %swap3A_1182 = arith.constant 50 : index
    %swap3A_1183 = arith.constant 0 : index
    %swap3A_1184 = arith.constant 0 : index
    %swap3A_1185 = vector.load %arg7[%swap3A_1182, %swap3A_1183, %swap3A_1184] : memref<64x32x256xf32, #tpu.memory_space<vmem>>, vector<1x32x256xf32>
    %swap3A_1186 = vector.shape_cast %swap3A_1185 : vector<1x32x256xf32> to vector<32x256xf32>
    %swap3A_1187 = vector.shape_cast %min3A_1181 : vector<32x256xf32> to vector<1x32x256xf32>
    tpu.vector_store %arg7[%swap3A_1182, %swap3A_1183, %swap3A_1184], %swap3A_1187 {strides = array<i32>} : memref<64x32x256xf32, #tpu.memory_space<vmem>>, vector<1x32x256xf32>,
    %get3A_1188 = arith.constant 51 : index
    %get3A_1189 = memref.load %arg2[%get3A_1188] : memref<64xf32, #tpu.memory_space<smem>>
    %sub3A_1190 = vector.broadcast %get3A_1189 : f32 to vector<32x256xf32>
    %sub3A_1191 = arith.subf %select_n3A, %sub3A_1190 : vector<32x256xf32>
    %get3A_1192 = arith.constant 51 : index
    %get3A_1193 = memref.load %arg3[%get3A_1192] : memref<64xf32, #tpu.memory_space<smem>>
    %sub3A_1194 = vector.broadcast %get3A_1193 : f32 to vector<32x256xf32>
    %sub3A_1195 = arith.subf %get3A_12, %sub3A_1194 : vector<32x256xf32>
    %mul3A_1196 = arith.mulf %sub3A_1191, %sub3A_1191 : vector<32x256xf32>
    %mul3A_1197 = arith.mulf %sub3A_1195, %sub3A_1195 : vector<32x256xf32>
    %add3A_1198 = arith.addf %mul3A_1196, %mul3A_1197 : vector<32x256xf32>
    %get3A_1199 = arith.constant 51 : index
    %get3A_1200 = arith.constant 0 : index
    %get3A_1201 = arith.constant 0 : index
    %get3A_1202 = vector.load %arg7[%get3A_1199, %get3A_1200, %get3A_1201] : memref<64x32x256xf32, #tpu.memory_space<vmem>>, vector<1x32x256xf32>
    %get3A_1203 = vector.shape_cast %get3A_1202 : vector<1x32x256xf32> to vector<32x256xf32>
    %min3A_1204 = arith.minimumf %get3A_1203, %add3A_1198 : vector<32x256xf32>
    %swap3A_1205 = arith.constant 51 : index
    %swap3A_1206 = arith.constant 0 : index
    %swap3A_1207 = arith.constant 0 : index
    %swap3A_1208 = vector.load %arg7[%swap3A_1205, %swap3A_1206, %swap3A_1207] : memref<64x32x256xf32, #tpu.memory_space<vmem>>, vector<1x32x256xf32>
    %swap3A_1209 = vector.shape_cast %swap3A_1208 : vector<1x32x256xf32> to vector<32x256xf32>
    %swap3A_1210 = vector.shape_cast %min3A_1204 : vector<32x256xf32> to vector<1x32x256xf32>
    tpu.vector_store %arg7[%swap3A_1205, %swap3A_1206, %swap3A_1207], %swap3A_1210 {strides = array<i32>} : memref<64x32x256xf32, #tpu.memory_space<vmem>>, vector<1x32x256xf32>,
    %get3A_1211 = arith.constant 52 : index
    %get3A_1212 = memref.load %arg2[%get3A_1211] : memref<64xf32, #tpu.memory_space<smem>>
    %sub3A_1213 = vector.broadcast %get3A_1212 : f32 to vector<32x256xf32>
    %sub3A_1214 = arith.subf %select_n3A, %sub3A_1213 : vector<32x256xf32>
    %get3A_1215 = arith.constant 52 : index
    %get3A_1216 = memref.load %arg3[%get3A_1215] : memref<64xf32, #tpu.memory_space<smem>>
    %sub3A_1217 = vector.broadcast %get3A_1216 : f32 to vector<32x256xf32>
    %sub3A_1218 = arith.subf %get3A_12, %sub3A_1217 : vector<32x256xf32>
    %mul3A_1219 = arith.mulf %sub3A_1214, %sub3A_1214 : vector<32x256xf32>
    %mul3A_1220 = arith.mulf %sub3A_1218, %sub3A_1218 : vector<32x256xf32>
    %add3A_1221 = arith.addf %mul3A_1219, %mul3A_1220 : vector<32x256xf32>
    %get3A_1222 = arith.constant 52 : index
    %get3A_1223 = arith.constant 0 : index
    %get3A_1224 = arith.constant 0 : index
    %get3A_1225 = vector.load %arg7[%get3A_1222, %get3A_1223, %get3A_1224] : memref<64x32x256xf32, #tpu.memory_space<vmem>>, vector<1x32x256xf32>
    %get3A_1226 = vector.shape_cast %get3A_1225 : vector<1x32x256xf32> to vector<32x256xf32>
    %min3A_1227 = arith.minimumf %get3A_1226, %add3A_1221 : vector<32x256xf32>
    %swap3A_1228 = arith.constant 52 : index
    %swap3A_1229 = arith.constant 0 : index
    %swap3A_1230 = arith.constant 0 : index
    %swap3A_1231 = vector.load %arg7[%swap3A_1228, %swap3A_1229, %swap3A_1230] : memref<64x32x256xf32, #tpu.memory_space<vmem>>, vector<1x32x256xf32>
    %swap3A_1232 = vector.shape_cast %swap3A_1231 : vector<1x32x256xf32> to vector<32x256xf32>
    %swap3A_1233 = vector.shape_cast %min3A_1227 : vector<32x256xf32> to vector<1x32x256xf32>
    tpu.vector_store %arg7[%swap3A_1228, %swap3A_1229, %swap3A_1230], %swap3A_1233 {strides = array<i32>} : memref<64x32x256xf32, #tpu.memory_space<vmem>>, vector<1x32x256xf32>,
    %get3A_1234 = arith.constant 53 : index
    %get3A_1235 = memref.load %arg2[%get3A_1234] : memref<64xf32, #tpu.memory_space<smem>>
    %sub3A_1236 = vector.broadcast %get3A_1235 : f32 to vector<32x256xf32>
    %sub3A_1237 = arith.subf %select_n3A, %sub3A_1236 : vector<32x256xf32>
    %get3A_1238 = arith.constant 53 : index
    %get3A_1239 = memref.load %arg3[%get3A_1238] : memref<64xf32, #tpu.memory_space<smem>>
    %sub3A_1240 = vector.broadcast %get3A_1239 : f32 to vector<32x256xf32>
    %sub3A_1241 = arith.subf %get3A_12, %sub3A_1240 : vector<32x256xf32>
    %mul3A_1242 = arith.mulf %sub3A_1237, %sub3A_1237 : vector<32x256xf32>
    %mul3A_1243 = arith.mulf %sub3A_1241, %sub3A_1241 : vector<32x256xf32>
    %add3A_1244 = arith.addf %mul3A_1242, %mul3A_1243 : vector<32x256xf32>
    %get3A_1245 = arith.constant 53 : index
    %get3A_1246 = arith.constant 0 : index
    %get3A_1247 = arith.constant 0 : index
    %get3A_1248 = vector.load %arg7[%get3A_1245, %get3A_1246, %get3A_1247] : memref<64x32x256xf32, #tpu.memory_space<vmem>>, vector<1x32x256xf32>
    %get3A_1249 = vector.shape_cast %get3A_1248 : vector<1x32x256xf32> to vector<32x256xf32>
    %min3A_1250 = arith.minimumf %get3A_1249, %add3A_1244 : vector<32x256xf32>
    %swap3A_1251 = arith.constant 53 : index
    %swap3A_1252 = arith.constant 0 : index
    %swap3A_1253 = arith.constant 0 : index
    %swap3A_1254 = vector.load %arg7[%swap3A_1251, %swap3A_1252, %swap3A_1253] : memref<64x32x256xf32, #tpu.memory_space<vmem>>, vector<1x32x256xf32>
    %swap3A_1255 = vector.shape_cast %swap3A_1254 : vector<1x32x256xf32> to vector<32x256xf32>
    %swap3A_1256 = vector.shape_cast %min3A_1250 : vector<32x256xf32> to vector<1x32x256xf32>
    tpu.vector_store %arg7[%swap3A_1251, %swap3A_1252, %swap3A_1253], %swap3A_1256 {strides = array<i32>} : memref<64x32x256xf32, #tpu.memory_space<vmem>>, vector<1x32x256xf32>,
    %get3A_1257 = arith.constant 54 : index
    %get3A_1258 = memref.load %arg2[%get3A_1257] : memref<64xf32, #tpu.memory_space<smem>>
    %sub3A_1259 = vector.broadcast %get3A_1258 : f32 to vector<32x256xf32>
    %sub3A_1260 = arith.subf %select_n3A, %sub3A_1259 : vector<32x256xf32>
    %get3A_1261 = arith.constant 54 : index
    %get3A_1262 = memref.load %arg3[%get3A_1261] : memref<64xf32, #tpu.memory_space<smem>>
    %sub3A_1263 = vector.broadcast %get3A_1262 : f32 to vector<32x256xf32>
    %sub3A_1264 = arith.subf %get3A_12, %sub3A_1263 : vector<32x256xf32>
    %mul3A_1265 = arith.mulf %sub3A_1260, %sub3A_1260 : vector<32x256xf32>
    %mul3A_1266 = arith.mulf %sub3A_1264, %sub3A_1264 : vector<32x256xf32>
    %add3A_1267 = arith.addf %mul3A_1265, %mul3A_1266 : vector<32x256xf32>
    %get3A_1268 = arith.constant 54 : index
    %get3A_1269 = arith.constant 0 : index
    %get3A_1270 = arith.constant 0 : index
    %get3A_1271 = vector.load %arg7[%get3A_1268, %get3A_1269, %get3A_1270] : memref<64x32x256xf32, #tpu.memory_space<vmem>>, vector<1x32x256xf32>
    %get3A_1272 = vector.shape_cast %get3A_1271 : vector<1x32x256xf32> to vector<32x256xf32>
    %min3A_1273 = arith.minimumf %get3A_1272, %add3A_1267 : vector<32x256xf32>
    %swap3A_1274 = arith.constant 54 : index
    %swap3A_1275 = arith.constant 0 : index
    %swap3A_1276 = arith.constant 0 : index
    %swap3A_1277 = vector.load %arg7[%swap3A_1274, %swap3A_1275, %swap3A_1276] : memref<64x32x256xf32, #tpu.memory_space<vmem>>, vector<1x32x256xf32>
    %swap3A_1278 = vector.shape_cast %swap3A_1277 : vector<1x32x256xf32> to vector<32x256xf32>
    %swap3A_1279 = vector.shape_cast %min3A_1273 : vector<32x256xf32> to vector<1x32x256xf32>
    tpu.vector_store %arg7[%swap3A_1274, %swap3A_1275, %swap3A_1276], %swap3A_1279 {strides = array<i32>} : memref<64x32x256xf32, #tpu.memory_space<vmem>>, vector<1x32x256xf32>,
    %get3A_1280 = arith.constant 55 : index
    %get3A_1281 = memref.load %arg2[%get3A_1280] : memref<64xf32, #tpu.memory_space<smem>>
    %sub3A_1282 = vector.broadcast %get3A_1281 : f32 to vector<32x256xf32>
    %sub3A_1283 = arith.subf %select_n3A, %sub3A_1282 : vector<32x256xf32>
    %get3A_1284 = arith.constant 55 : index
    %get3A_1285 = memref.load %arg3[%get3A_1284] : memref<64xf32, #tpu.memory_space<smem>>
    %sub3A_1286 = vector.broadcast %get3A_1285 : f32 to vector<32x256xf32>
    %sub3A_1287 = arith.subf %get3A_12, %sub3A_1286 : vector<32x256xf32>
    %mul3A_1288 = arith.mulf %sub3A_1283, %sub3A_1283 : vector<32x256xf32>
    %mul3A_1289 = arith.mulf %sub3A_1287, %sub3A_1287 : vector<32x256xf32>
    %add3A_1290 = arith.addf %mul3A_1288, %mul3A_1289 : vector<32x256xf32>
    %get3A_1291 = arith.constant 55 : index
    %get3A_1292 = arith.constant 0 : index
    %get3A_1293 = arith.constant 0 : index
    %get3A_1294 = vector.load %arg7[%get3A_1291, %get3A_1292, %get3A_1293] : memref<64x32x256xf32, #tpu.memory_space<vmem>>, vector<1x32x256xf32>
    %get3A_1295 = vector.shape_cast %get3A_1294 : vector<1x32x256xf32> to vector<32x256xf32>
    %min3A_1296 = arith.minimumf %get3A_1295, %add3A_1290 : vector<32x256xf32>
    %swap3A_1297 = arith.constant 55 : index
    %swap3A_1298 = arith.constant 0 : index
    %swap3A_1299 = arith.constant 0 : index
    %swap3A_1300 = vector.load %arg7[%swap3A_1297, %swap3A_1298, %swap3A_1299] : memref<64x32x256xf32, #tpu.memory_space<vmem>>, vector<1x32x256xf32>
    %swap3A_1301 = vector.shape_cast %swap3A_1300 : vector<1x32x256xf32> to vector<32x256xf32>
    %swap3A_1302 = vector.shape_cast %min3A_1296 : vector<32x256xf32> to vector<1x32x256xf32>
    tpu.vector_store %arg7[%swap3A_1297, %swap3A_1298, %swap3A_1299], %swap3A_1302 {strides = array<i32>} : memref<64x32x256xf32, #tpu.memory_space<vmem>>, vector<1x32x256xf32>,
    %get3A_1303 = arith.constant 56 : index
    %get3A_1304 = memref.load %arg2[%get3A_1303] : memref<64xf32, #tpu.memory_space<smem>>
    %sub3A_1305 = vector.broadcast %get3A_1304 : f32 to vector<32x256xf32>
    %sub3A_1306 = arith.subf %select_n3A, %sub3A_1305 : vector<32x256xf32>
    %get3A_1307 = arith.constant 56 : index
    %get3A_1308 = memref.load %arg3[%get3A_1307] : memref<64xf32, #tpu.memory_space<smem>>
    %sub3A_1309 = vector.broadcast %get3A_1308 : f32 to vector<32x256xf32>
    %sub3A_1310 = arith.subf %get3A_12, %sub3A_1309 : vector<32x256xf32>
    %mul3A_1311 = arith.mulf %sub3A_1306, %sub3A_1306 : vector<32x256xf32>
    %mul3A_1312 = arith.mulf %sub3A_1310, %sub3A_1310 : vector<32x256xf32>
    %add3A_1313 = arith.addf %mul3A_1311, %mul3A_1312 : vector<32x256xf32>
    %get3A_1314 = arith.constant 56 : index
    %get3A_1315 = arith.constant 0 : index
    %get3A_1316 = arith.constant 0 : index
    %get3A_1317 = vector.load %arg7[%get3A_1314, %get3A_1315, %get3A_1316] : memref<64x32x256xf32, #tpu.memory_space<vmem>>, vector<1x32x256xf32>
    %get3A_1318 = vector.shape_cast %get3A_1317 : vector<1x32x256xf32> to vector<32x256xf32>
    %min3A_1319 = arith.minimumf %get3A_1318, %add3A_1313 : vector<32x256xf32>
    %swap3A_1320 = arith.constant 56 : index
    %swap3A_1321 = arith.constant 0 : index
    %swap3A_1322 = arith.constant 0 : index
    %swap3A_1323 = vector.load %arg7[%swap3A_1320, %swap3A_1321, %swap3A_1322] : memref<64x32x256xf32, #tpu.memory_space<vmem>>, vector<1x32x256xf32>
    %swap3A_1324 = vector.shape_cast %swap3A_1323 : vector<1x32x256xf32> to vector<32x256xf32>
    %swap3A_1325 = vector.shape_cast %min3A_1319 : vector<32x256xf32> to vector<1x32x256xf32>
    tpu.vector_store %arg7[%swap3A_1320, %swap3A_1321, %swap3A_1322], %swap3A_1325 {strides = array<i32>} : memref<64x32x256xf32, #tpu.memory_space<vmem>>, vector<1x32x256xf32>,
    %get3A_1326 = arith.constant 57 : index
    %get3A_1327 = memref.load %arg2[%get3A_1326] : memref<64xf32, #tpu.memory_space<smem>>
    %sub3A_1328 = vector.broadcast %get3A_1327 : f32 to vector<32x256xf32>
    %sub3A_1329 = arith.subf %select_n3A, %sub3A_1328 : vector<32x256xf32>
    %get3A_1330 = arith.constant 57 : index
    %get3A_1331 = memref.load %arg3[%get3A_1330] : memref<64xf32, #tpu.memory_space<smem>>
    %sub3A_1332 = vector.broadcast %get3A_1331 : f32 to vector<32x256xf32>
    %sub3A_1333 = arith.subf %get3A_12, %sub3A_1332 : vector<32x256xf32>
    %mul3A_1334 = arith.mulf %sub3A_1329, %sub3A_1329 : vector<32x256xf32>
    %mul3A_1335 = arith.mulf %sub3A_1333, %sub3A_1333 : vector<32x256xf32>
    %add3A_1336 = arith.addf %mul3A_1334, %mul3A_1335 : vector<32x256xf32>
    %get3A_1337 = arith.constant 57 : index
    %get3A_1338 = arith.constant 0 : index
    %get3A_1339 = arith.constant 0 : index
    %get3A_1340 = vector.load %arg7[%get3A_1337, %get3A_1338, %get3A_1339] : memref<64x32x256xf32, #tpu.memory_space<vmem>>, vector<1x32x256xf32>
    %get3A_1341 = vector.shape_cast %get3A_1340 : vector<1x32x256xf32> to vector<32x256xf32>
    %min3A_1342 = arith.minimumf %get3A_1341, %add3A_1336 : vector<32x256xf32>
    %swap3A_1343 = arith.constant 57 : index
    %swap3A_1344 = arith.constant 0 : index
    %swap3A_1345 = arith.constant 0 : index
    %swap3A_1346 = vector.load %arg7[%swap3A_1343, %swap3A_1344, %swap3A_1345] : memref<64x32x256xf32, #tpu.memory_space<vmem>>, vector<1x32x256xf32>
    %swap3A_1347 = vector.shape_cast %swap3A_1346 : vector<1x32x256xf32> to vector<32x256xf32>
    %swap3A_1348 = vector.shape_cast %min3A_1342 : vector<32x256xf32> to vector<1x32x256xf32>
    tpu.vector_store %arg7[%swap3A_1343, %swap3A_1344, %swap3A_1345], %swap3A_1348 {strides = array<i32>} : memref<64x32x256xf32, #tpu.memory_space<vmem>>, vector<1x32x256xf32>,
    %get3A_1349 = arith.constant 58 : index
    %get3A_1350 = memref.load %arg2[%get3A_1349] : memref<64xf32, #tpu.memory_space<smem>>
    %sub3A_1351 = vector.broadcast %get3A_1350 : f32 to vector<32x256xf32>
    %sub3A_1352 = arith.subf %select_n3A, %sub3A_1351 : vector<32x256xf32>
    %get3A_1353 = arith.constant 58 : index
    %get3A_1354 = memref.load %arg3[%get3A_1353] : memref<64xf32, #tpu.memory_space<smem>>
    %sub3A_1355 = vector.broadcast %get3A_1354 : f32 to vector<32x256xf32>
    %sub3A_1356 = arith.subf %get3A_12, %sub3A_1355 : vector<32x256xf32>
    %mul3A_1357 = arith.mulf %sub3A_1352, %sub3A_1352 : vector<32x256xf32>
    %mul3A_1358 = arith.mulf %sub3A_1356, %sub3A_1356 : vector<32x256xf32>
    %add3A_1359 = arith.addf %mul3A_1357, %mul3A_1358 : vector<32x256xf32>
    %get3A_1360 = arith.constant 58 : index
    %get3A_1361 = arith.constant 0 : index
    %get3A_1362 = arith.constant 0 : index
    %get3A_1363 = vector.load %arg7[%get3A_1360, %get3A_1361, %get3A_1362] : memref<64x32x256xf32, #tpu.memory_space<vmem>>, vector<1x32x256xf32>
    %get3A_1364 = vector.shape_cast %get3A_1363 : vector<1x32x256xf32> to vector<32x256xf32>
    %min3A_1365 = arith.minimumf %get3A_1364, %add3A_1359 : vector<32x256xf32>
    %swap3A_1366 = arith.constant 58 : index
    %swap3A_1367 = arith.constant 0 : index
    %swap3A_1368 = arith.constant 0 : index
    %swap3A_1369 = vector.load %arg7[%swap3A_1366, %swap3A_1367, %swap3A_1368] : memref<64x32x256xf32, #tpu.memory_space<vmem>>, vector<1x32x256xf32>
    %swap3A_1370 = vector.shape_cast %swap3A_1369 : vector<1x32x256xf32> to vector<32x256xf32>
    %swap3A_1371 = vector.shape_cast %min3A_1365 : vector<32x256xf32> to vector<1x32x256xf32>
    tpu.vector_store %arg7[%swap3A_1366, %swap3A_1367, %swap3A_1368], %swap3A_1371 {strides = array<i32>} : memref<64x32x256xf32, #tpu.memory_space<vmem>>, vector<1x32x256xf32>,
    %get3A_1372 = arith.constant 59 : index
    %get3A_1373 = memref.load %arg2[%get3A_1372] : memref<64xf32, #tpu.memory_space<smem>>
    %sub3A_1374 = vector.broadcast %get3A_1373 : f32 to vector<32x256xf32>
    %sub3A_1375 = arith.subf %select_n3A, %sub3A_1374 : vector<32x256xf32>
    %get3A_1376 = arith.constant 59 : index
    %get3A_1377 = memref.load %arg3[%get3A_1376] : memref<64xf32, #tpu.memory_space<smem>>
    %sub3A_1378 = vector.broadcast %get3A_1377 : f32 to vector<32x256xf32>
    %sub3A_1379 = arith.subf %get3A_12, %sub3A_1378 : vector<32x256xf32>
    %mul3A_1380 = arith.mulf %sub3A_1375, %sub3A_1375 : vector<32x256xf32>
    %mul3A_1381 = arith.mulf %sub3A_1379, %sub3A_1379 : vector<32x256xf32>
    %add3A_1382 = arith.addf %mul3A_1380, %mul3A_1381 : vector<32x256xf32>
    %get3A_1383 = arith.constant 59 : index
    %get3A_1384 = arith.constant 0 : index
    %get3A_1385 = arith.constant 0 : index
    %get3A_1386 = vector.load %arg7[%get3A_1383, %get3A_1384, %get3A_1385] : memref<64x32x256xf32, #tpu.memory_space<vmem>>, vector<1x32x256xf32>
    %get3A_1387 = vector.shape_cast %get3A_1386 : vector<1x32x256xf32> to vector<32x256xf32>
    %min3A_1388 = arith.minimumf %get3A_1387, %add3A_1382 : vector<32x256xf32>
    %swap3A_1389 = arith.constant 59 : index
    %swap3A_1390 = arith.constant 0 : index
    %swap3A_1391 = arith.constant 0 : index
    %swap3A_1392 = vector.load %arg7[%swap3A_1389, %swap3A_1390, %swap3A_1391] : memref<64x32x256xf32, #tpu.memory_space<vmem>>, vector<1x32x256xf32>
    %swap3A_1393 = vector.shape_cast %swap3A_1392 : vector<1x32x256xf32> to vector<32x256xf32>
    %swap3A_1394 = vector.shape_cast %min3A_1388 : vector<32x256xf32> to vector<1x32x256xf32>
    tpu.vector_store %arg7[%swap3A_1389, %swap3A_1390, %swap3A_1391], %swap3A_1394 {strides = array<i32>} : memref<64x32x256xf32, #tpu.memory_space<vmem>>, vector<1x32x256xf32>,
    %get3A_1395 = arith.constant 60 : index
    %get3A_1396 = memref.load %arg2[%get3A_1395] : memref<64xf32, #tpu.memory_space<smem>>
    %sub3A_1397 = vector.broadcast %get3A_1396 : f32 to vector<32x256xf32>
    %sub3A_1398 = arith.subf %select_n3A, %sub3A_1397 : vector<32x256xf32>
    %get3A_1399 = arith.constant 60 : index
    %get3A_1400 = memref.load %arg3[%get3A_1399] : memref<64xf32, #tpu.memory_space<smem>>
    %sub3A_1401 = vector.broadcast %get3A_1400 : f32 to vector<32x256xf32>
    %sub3A_1402 = arith.subf %get3A_12, %sub3A_1401 : vector<32x256xf32>
    %mul3A_1403 = arith.mulf %sub3A_1398, %sub3A_1398 : vector<32x256xf32>
    %mul3A_1404 = arith.mulf %sub3A_1402, %sub3A_1402 : vector<32x256xf32>
    %add3A_1405 = arith.addf %mul3A_1403, %mul3A_1404 : vector<32x256xf32>
    %get3A_1406 = arith.constant 60 : index
    %get3A_1407 = arith.constant 0 : index
    %get3A_1408 = arith.constant 0 : index
    %get3A_1409 = vector.load %arg7[%get3A_1406, %get3A_1407, %get3A_1408] : memref<64x32x256xf32, #tpu.memory_space<vmem>>, vector<1x32x256xf32>
    %get3A_1410 = vector.shape_cast %get3A_1409 : vector<1x32x256xf32> to vector<32x256xf32>
    %min3A_1411 = arith.minimumf %get3A_1410, %add3A_1405 : vector<32x256xf32>
    %swap3A_1412 = arith.constant 60 : index
    %swap3A_1413 = arith.constant 0 : index
    %swap3A_1414 = arith.constant 0 : index
    %swap3A_1415 = vector.load %arg7[%swap3A_1412, %swap3A_1413, %swap3A_1414] : memref<64x32x256xf32, #tpu.memory_space<vmem>>, vector<1x32x256xf32>
    %swap3A_1416 = vector.shape_cast %swap3A_1415 : vector<1x32x256xf32> to vector<32x256xf32>
    %swap3A_1417 = vector.shape_cast %min3A_1411 : vector<32x256xf32> to vector<1x32x256xf32>
    tpu.vector_store %arg7[%swap3A_1412, %swap3A_1413, %swap3A_1414], %swap3A_1417 {strides = array<i32>} : memref<64x32x256xf32, #tpu.memory_space<vmem>>, vector<1x32x256xf32>,
    %get3A_1418 = arith.constant 61 : index
    %get3A_1419 = memref.load %arg2[%get3A_1418] : memref<64xf32, #tpu.memory_space<smem>>
    %sub3A_1420 = vector.broadcast %get3A_1419 : f32 to vector<32x256xf32>
    %sub3A_1421 = arith.subf %select_n3A, %sub3A_1420 : vector<32x256xf32>
    %get3A_1422 = arith.constant 61 : index
    %get3A_1423 = memref.load %arg3[%get3A_1422] : memref<64xf32, #tpu.memory_space<smem>>
    %sub3A_1424 = vector.broadcast %get3A_1423 : f32 to vector<32x256xf32>
    %sub3A_1425 = arith.subf %get3A_12, %sub3A_1424 : vector<32x256xf32>
    %mul3A_1426 = arith.mulf %sub3A_1421, %sub3A_1421 : vector<32x256xf32>
    %mul3A_1427 = arith.mulf %sub3A_1425, %sub3A_1425 : vector<32x256xf32>
    %add3A_1428 = arith.addf %mul3A_1426, %mul3A_1427 : vector<32x256xf32>
    %get3A_1429 = arith.constant 61 : index
    %get3A_1430 = arith.constant 0 : index
    %get3A_1431 = arith.constant 0 : index
    %get3A_1432 = vector.load %arg7[%get3A_1429, %get3A_1430, %get3A_1431] : memref<64x32x256xf32, #tpu.memory_space<vmem>>, vector<1x32x256xf32>
    %get3A_1433 = vector.shape_cast %get3A_1432 : vector<1x32x256xf32> to vector<32x256xf32>
    %min3A_1434 = arith.minimumf %get3A_1433, %add3A_1428 : vector<32x256xf32>
    %swap3A_1435 = arith.constant 61 : index
    %swap3A_1436 = arith.constant 0 : index
    %swap3A_1437 = arith.constant 0 : index
    %swap3A_1438 = vector.load %arg7[%swap3A_1435, %swap3A_1436, %swap3A_1437] : memref<64x32x256xf32, #tpu.memory_space<vmem>>, vector<1x32x256xf32>
    %swap3A_1439 = vector.shape_cast %swap3A_1438 : vector<1x32x256xf32> to vector<32x256xf32>
    %swap3A_1440 = vector.shape_cast %min3A_1434 : vector<32x256xf32> to vector<1x32x256xf32>
    tpu.vector_store %arg7[%swap3A_1435, %swap3A_1436, %swap3A_1437], %swap3A_1440 {strides = array<i32>} : memref<64x32x256xf32, #tpu.memory_space<vmem>>, vector<1x32x256xf32>,
    %get3A_1441 = arith.constant 62 : index
    %get3A_1442 = memref.load %arg2[%get3A_1441] : memref<64xf32, #tpu.memory_space<smem>>
    %sub3A_1443 = vector.broadcast %get3A_1442 : f32 to vector<32x256xf32>
    %sub3A_1444 = arith.subf %select_n3A, %sub3A_1443 : vector<32x256xf32>
    %get3A_1445 = arith.constant 62 : index
    %get3A_1446 = memref.load %arg3[%get3A_1445] : memref<64xf32, #tpu.memory_space<smem>>
    %sub3A_1447 = vector.broadcast %get3A_1446 : f32 to vector<32x256xf32>
    %sub3A_1448 = arith.subf %get3A_12, %sub3A_1447 : vector<32x256xf32>
    %mul3A_1449 = arith.mulf %sub3A_1444, %sub3A_1444 : vector<32x256xf32>
    %mul3A_1450 = arith.mulf %sub3A_1448, %sub3A_1448 : vector<32x256xf32>
    %add3A_1451 = arith.addf %mul3A_1449, %mul3A_1450 : vector<32x256xf32>
    %get3A_1452 = arith.constant 62 : index
    %get3A_1453 = arith.constant 0 : index
    %get3A_1454 = arith.constant 0 : index
    %get3A_1455 = vector.load %arg7[%get3A_1452, %get3A_1453, %get3A_1454] : memref<64x32x256xf32, #tpu.memory_space<vmem>>, vector<1x32x256xf32>
    %get3A_1456 = vector.shape_cast %get3A_1455 : vector<1x32x256xf32> to vector<32x256xf32>
    %min3A_1457 = arith.minimumf %get3A_1456, %add3A_1451 : vector<32x256xf32>
    %swap3A_1458 = arith.constant 62 : index
    %swap3A_1459 = arith.constant 0 : index
    %swap3A_1460 = arith.constant 0 : index
    %swap3A_1461 = vector.load %arg7[%swap3A_1458, %swap3A_1459, %swap3A_1460] : memref<64x32x256xf32, #tpu.memory_space<vmem>>, vector<1x32x256xf32>
    %swap3A_1462 = vector.shape_cast %swap3A_1461 : vector<1x32x256xf32> to vector<32x256xf32>
    %swap3A_1463 = vector.shape_cast %min3A_1457 : vector<32x256xf32> to vector<1x32x256xf32>
    tpu.vector_store %arg7[%swap3A_1458, %swap3A_1459, %swap3A_1460], %swap3A_1463 {strides = array<i32>} : memref<64x32x256xf32, #tpu.memory_space<vmem>>, vector<1x32x256xf32>,
    %get3A_1464 = arith.constant 63 : index
    %get3A_1465 = memref.load %arg2[%get3A_1464] : memref<64xf32, #tpu.memory_space<smem>>
    %sub3A_1466 = vector.broadcast %get3A_1465 : f32 to vector<32x256xf32>
    %sub3A_1467 = arith.subf %select_n3A, %sub3A_1466 : vector<32x256xf32>
    %get3A_1468 = arith.constant 63 : index
    %get3A_1469 = memref.load %arg3[%get3A_1468] : memref<64xf32, #tpu.memory_space<smem>>
    %sub3A_1470 = vector.broadcast %get3A_1469 : f32 to vector<32x256xf32>
    %sub3A_1471 = arith.subf %get3A_12, %sub3A_1470 : vector<32x256xf32>
    %mul3A_1472 = arith.mulf %sub3A_1467, %sub3A_1467 : vector<32x256xf32>
    %mul3A_1473 = arith.mulf %sub3A_1471, %sub3A_1471 : vector<32x256xf32>
    %add3A_1474 = arith.addf %mul3A_1472, %mul3A_1473 : vector<32x256xf32>
    %get3A_1475 = arith.constant 63 : index
    %get3A_1476 = arith.constant 0 : index
    %get3A_1477 = arith.constant 0 : index
    %get3A_1478 = vector.load %arg7[%get3A_1475, %get3A_1476, %get3A_1477] : memref<64x32x256xf32, #tpu.memory_space<vmem>>, vector<1x32x256xf32>
    %get3A_1479 = vector.shape_cast %get3A_1478 : vector<1x32x256xf32> to vector<32x256xf32>
    %min3A_1480 = arith.minimumf %get3A_1479, %add3A_1474 : vector<32x256xf32>
    %swap3A_1481 = arith.constant 63 : index
    %swap3A_1482 = arith.constant 0 : index
    %swap3A_1483 = arith.constant 0 : index
    %swap3A_1484 = vector.load %arg7[%swap3A_1481, %swap3A_1482, %swap3A_1483] : memref<64x32x256xf32, #tpu.memory_space<vmem>>, vector<1x32x256xf32>
    %swap3A_1485 = vector.shape_cast %swap3A_1484 : vector<1x32x256xf32> to vector<32x256xf32>
    %swap3A_1486 = vector.shape_cast %min3A_1480 : vector<32x256xf32> to vector<1x32x256xf32>
    tpu.vector_store %arg7[%swap3A_1481, %swap3A_1482, %swap3A_1483], %swap3A_1486 {strides = array<i32>} : memref<64x32x256xf32, #tpu.memory_space<vmem>>, vector<1x32x256xf32>,
    return
  }
  func.func @transform_0(%arg0: i32, %arg1: i32) -> i32 {
    %c0_i32 = arith.constant 0 : i32
    %c0_i32_0 = arith.constant 0 : i32
    return %c0_i32 : i32
  }
  func.func @transform_1(%arg0: i32, %arg1: i32) -> i32 {
    %c0_i32 = arith.constant 0 : i32
    %c0_i32_0 = arith.constant 0 : i32
    return %c0_i32 : i32
  }
  func.func @transform_2(%arg0: i32, %arg1: i32) -> (i32, i32, i32) {
    %c0_i32 = arith.constant 0 : i32
    %c0_i32_0 = arith.constant 0 : i32
    return %arg0, %arg1, %c0_i32 : i32, i32, i32
  }
  func.func @transform_3(%arg0: i32, %arg1: i32) -> (i32, i32, i32) {
    %c0_i32 = arith.constant 0 : i32
    %c0_i32_0 = arith.constant 0 : i32
    return %arg0, %arg1, %c0_i32 : i32, i32, i32
  }
  func.func @transform_4(%arg0: i32, %arg1: i32) -> (i32, i32, i32) {
    %c0_i32 = arith.constant 0 : i32
    %c0_i32_0 = arith.constant 0 : i32
    return %arg0, %arg1, %c0_i32 : i32, i32, i32
  }
  func.func @transform_5(%arg0: i32, %arg1: i32) -> (i32, i32, i32) {
    %c0_i32 = arith.constant 0 : i32
    %c0_i32_0 = arith.constant 0 : i32
    %c0_i32_1 = arith.constant 0 : i32
    %c0_i32_2 = arith.constant 0 : i32
    return %c0_i32, %c0_i32_0, %c0_i32_1 : i32, i32, i32
  }
}

module attributes {stable_mosaic.version = 14 : i64} {
  func.func @body(%arg0: memref<512x64xf32, #tpu.memory_space<vmem>>, %arg1: memref<64x32x256xf32, #tpu.memory_space<vmem>>, %arg2: memref<64xi32, #tpu.memory_space<vmem>>, %arg3: memref<64xf32, #tpu.memory_space<vmem>>) attributes {dimension_semantics = [], scalar_prefetch = 0 : i64, scratch_operands = 0 : i64, tpu.core_type = #tpu.core_type<tc>} {
    %get3A = arith.constant 0 : index
    %get3A_0 = arith.constant 0 : index
    %get3A_1 = vector.load %arg0[%get3A, %get3A_0] : memref<512x64xf32, #tpu.memory_space<vmem>>, vector<512x64xf32>
    %reduce_min3A = arith.constant dense<0x7F800000> : vector<64xf32>
    %reduce_min3A_2 = vector.multi_reduction <minimumf>, %get3A_1, %reduce_min3A [0] : vector<512x64xf32> to vector<64xf32>
    %broadcast_in_dim3A = vector.shape_cast %reduce_min3A_2 : vector<64xf32> to vector<1x64xf32>
    %get3A_3 = arith.constant 0 : index
    %get3A_4 = arith.constant 0 : index
    %get3A_5 = arith.constant 0 : index
    %get3A_6 = vector.load %arg1[%get3A_3, %get3A_4, %get3A_5] : memref<64x32x256xf32, #tpu.memory_space<vmem>>, vector<64x32x256xf32>
    %reduce_min3A_7 = arith.constant dense<0x7F800000> : vector<64x32xf32>
    %reduce_min3A_8 = vector.multi_reduction <minimumf>, %get3A_6, %reduce_min3A_7 [2] : vector<64x32x256xf32> to vector<64x32xf32>
    %reduce_min3A_9 = arith.constant dense<0x7F800000> : vector<64xf32>
    %reduce_min3A_10 = vector.multi_reduction <minimumf>, %reduce_min3A_8, %reduce_min3A_9 [1] : vector<64x32xf32> to vector<64xf32>
    %reshape3A = vector.shape_cast %broadcast_in_dim3A : vector<1x64xf32> to vector<64xf32>
    %min3A = arith.minimumf %reshape3A, %reduce_min3A_10 : vector<64xf32>
    %sqrt3A = math.sqrt %min3A : vector<64xf32>
    %swap3A = arith.constant 0 : index
    %swap3A_11 = vector.load %arg3[%swap3A] : memref<64xf32, #tpu.memory_space<vmem>>, vector<64xf32>
    tpu.vector_store %arg3[%swap3A], %sqrt3A {strides = array<i32>} : memref<64xf32, #tpu.memory_space<vmem>>, vector<64xf32>,
    %ge3A = arith.constant 3.18639684 : f32
    %ge3A_12 = vector.broadcast %ge3A : f32 to vector<64xf32>
    %ge3A_13 = arith.cmpf oge, %sqrt3A, %ge3A_12 : vector<64xf32>
    %swap3A_14 = arith.constant 0 : index
    %swap3A_15 = vector.load %arg2[%swap3A_14] : memref<64xi32, #tpu.memory_space<vmem>>, vector<64xi32>
    %swap3A_16 = arith.extui %ge3A_13 : vector<64xi1> to vector<64xi32>
    %swap3A_17 = arith.constant dense<0> : vector<64xi32>
    %swap3A_18 = arith.cmpi ne, %swap3A_15, %swap3A_17 : vector<64xi32>
    tpu.vector_store %arg2[%swap3A_14], %swap3A_16 {strides = array<i32>} : memref<64xi32, #tpu.memory_space<vmem>>, vector<64xi32>,
    return
  }
}

</mosaic_0001>

<sc_bundles>
// kernel: kernel.5.cloned.1.call-start
scs
__scs_entry_jumppad:
0x0: {  	(pc) =	sbr.rel $0x88, $3  }
0x1: {  	(tag) =	ssettag $0x0;
	lr =	simm.s32 $0x1  }
0x2: {  	[smem:$0x3F9E] =	sst lr;
	_ =	strace $0xD0000000  }
0x3: {  	_ = 	snop  }
0x4: {  	_ = 	snop  }
0x5: {  	_ = 	snop  }
0x6: {  	_ = 	snop  }
0x7: {  	_ = 	snop  }
__scs_overlays_trampoline_lowered:
0x8: {  	[smem:$0x3FAD] =	sst s0  }
0x9: {  	[smem:$0x3FAE] =	sst s1  }
0xa: {  	[smem:$0x3FAF] =	sst s2  }
0xb: {  	[smem:$0x3FB0] =	sst s3  }
0xc: {  	[smem:$0x3FB1] =	sst s4  }
0xd: {  	[smem:$0x3FB2] =	sst s5  }
0xe: {  	[smem:$0x3FB3] =	sst s6  }
0xf: {  	[smem:$0x3FB4] =	sst s7  }
0x10: {  	[smem:$0x3FB5] =	sst s8  }
0x11: {  	[smem:$0x3FB6] =	sst s9;
	s0 =	simm.s32 @!p0 $0x0  }
0x12: {  	s1 =	sld [smem:$0x3F9C];
	s0 =	simm.s32 @p0 $0x1  }
0x13: {  	[smem:$0x3FB7] =	sst s0;
	s0 =	simm.s32 @!p1 $0x0  }
0x14: {  	s2 =	sld [smem:$0x3F9B];
	s0 =	simm.s32 @p1 $0x1  }
0x15: {  	[smem:$0x3FB8] =	sst s0;
	s0 =	simm.s32 @!p2 $0x0  }
0x16: {  	s3 =	sld [smem:$0x3FDB];
	s0 =	simm.s32 @p2 $0x1  }
0x17: {  	s4 =	simm.s32 $0x1BF5;
	[smem:$0x3FBA] =	sst s0  }
0x18: {  	s0 =	sld [smem:$0x3F9D];
	_ =	swait.ge [sflag:s4], $0x0  }
0x19: {  	s7 =	sld [smem:$0x3F9E]  }
0x1a: {  	s8 =	sadd.s32 $0xFFFFE003, lr  }
0x1b: {  	s9 =	sadd.s32 $0xFFFFFEF7, lr;
	s5 =	simm.s32 $0xFFFFFFFF;
	p2 =	slt.u32 s8, $0xFFFFF086  }
0x1c: {  	p1 =	slt.u32 s9, $0xF7A;
	s5 =	simm.s32 @!p2 $0x0  }
0x1d: {  	s5 =	simm.s32 @p1 $0x1;
	p0 =	seq.s32 s7, s2  }
0x1e: {  	s7 =	smul.u32 @!p0 $0xF7A, s2;
	p2 =	seq.s32 @!p0 s5, $0x0  }
0x1f: {  	s9 =	smul.u32 $0xF7A, s1;
	s8 =	simm.s32 @!p0 $0x1BF5;
	p2 =	por !p2, p0  }
0x20: {  	[sflag:s8] =	ssyncset.s32 @!p0 $0xFFFFF086;
	s6 =	sadd.s32 @!p0 s3, s7;
	s7 =	simm.s32 @!p0 $0x108  }
0x21: {  	s3 =	sadd.s32 s3, s9;
	s6 =	sadd.s32 @!p0 $0x88, s6;
	s7 =	simm.s32 @p2 $0x1082  }
0x22: {  	[simem:s7], [sflag:s8] =	dma.local @!p0 [hbm:s6], $0xF7A  }
0x23: {  	s9 =	sor.u32 $0xD0000000, s2;
	s6 =	simm.s32 $0x108;
	_ =	swait.ge @!p0 [sflag:s8], $0x0  }
0x24: {  	s3 =	sadd.s32 $0x88, s3;
	s6 =	simm.s32 @!p1 $0x1082;
	[sflag:s4] =	ssyncset.s32 $0xFFFFF086  }
0x25: {  	[simem:s6], [sflag:s4] =	dma.local [hbm:s3], $0xF7A  }
0x26: {  	[smem:$0x3F9E] =	sst s1;
	(tag) =	ssettag s2;
	_ =	strace s9  }
0x27: {  	s1 =	sld [smem:$0x3FAE]  }
0x28: {  	s2 =	sld [smem:$0x3FAF]  }
0x29: {  	s4 =	sld [smem:$0x3FB1]  }
0x2a: {  	p0 =	seq.s32 s5, $0x0;
	s5 =	sld [smem:$0x3FB2]  }
0x2b: {  	s6 =	sld [smem:$0x3FB3]  }
0x2c: {  	s7 =	sld [smem:$0x3FB4]  }
0x2d: {  	s3 =	simm.s32 $0x108;
	s8 =	sld [smem:$0x3FB5]  }
0x2e: {  	s3 =	simm.s32 @!p0 $0x1082;
	s9 =	sld [smem:$0x3FB6]  }
0x2f: {  	lr =	sadd.s32 s0, s3;
	s0 =	sld [smem:$0x3FAD]  }
0x30: {  	s3 =	sld [smem:$0x3FB0]  }
0x31: {  	[smem:$0x3FB9] =	sst s10  }
0x32: {  	s10 =	sld [smem:$0x3FB7];
	_ =	sdelay $0x3  }
0x33: {  	p0 =	seq.s32 s10, $0x1;
	s10 =	sld [smem:$0x3FB9];
	_ =	sdelay $0x3  }
0x34: {  	[smem:$0x3FB9] =	sst s10  }
0x35: {  	s10 =	sld [smem:$0x3FB8];
	_ =	sdelay $0x3  }
0x36: {  	p1 =	seq.s32 s10, $0x1;
	s10 =	sld [smem:$0x3FB9];
	_ =	sdelay $0x3  }
0x37: {  	[smem:$0x3FB9] =	sst s10  }
0x38: {  	s10 =	sld [smem:$0x3FBA]  }
0x39: {  	_ = 	snop;
	(pc) =	sbr.ind lr, $3  }
0x3a: {  	_ = 	snop  }
0x3b: {  	_ = 	snop  }
0x3c: {  	p2 =	seq.s32 s10, $0x1;
	s10 =	sld [smem:$0x3FB9]  }
0x3d: {  	_ =	shalt  }
0x3e: {  	_ =	shalt  }
0x3f: {  	_ =	shalt  }
0x40: {  	_ =	shalt  }
0x41: {  	_ =	shalt  }
0x42: {  	_ =	shalt  }
0x43: {  	_ =	shalt  }
0x44: {  	_ =	shalt  }
0x45: {  	_ =	shalt  }
0x46: {  	_ =	shalt  }
0x47: {  	_ =	shalt  }
0x48: {  	_ =	shalt  }
0x49: {  	_ =	shalt  }
0x4a: {  	_ =	shalt  }
0x4b: {  	_ =	shalt  }
0x4c: {  	_ =	shalt  }
0x4d: {  	_ =	shalt  }
0x4e: {  	_ =	shalt  }
0x4f: {  	_ =	shalt  }
0x50: {  	_ =	shalt  }
0x51: {  	_ =	shalt  }
0x52: {  	_ =	shalt  }
0x53: {  	_ =	shalt  }
0x54: {  	_ =	shalt  }
0x55: {  	_ =	shalt  }
0x56: {  	_ =	shalt  }
0x57: {  	_ =	shalt  }
0x58: {  	_ =	shalt  }
0x59: {  	_ =	shalt  }
0x5a: {  	_ =	shalt  }
0x5b: {  	_ =	shalt  }
0x5c: {  	_ =	shalt  }
0x5d: {  	_ =	shalt  }
0x5e: {  	_ =	shalt  }
0x5f: {  	_ =	shalt  }
0x60: {  	_ =	shalt  }
0x61: {  	_ =	shalt  }
0x62: {  	_ =	shalt  }
0x63: {  	_ =	shalt  }
0x64: {  	_ =	shalt  }
0x65: {  	_ =	shalt  }
0x66: {  	_ =	shalt  }
0x67: {  	_ =	shalt  }
0x68: {  	_ =	shalt  }
0x69: {  	_ =	shalt  }
0x6a: {  	_ =	shalt  }
0x6b: {  	_ =	shalt  }
0x6c: {  	_ =	shalt  }
0x6d: {  	_ =	shalt  }
0x6e: {  	_ =	shalt  }
0x6f: {  	_ =	shalt  }
0x70: {  	_ =	shalt  }
0x71: {  	_ =	shalt  }
0x72: {  	_ =	shalt  }
0x73: {  	_ =	shalt  }
0x74: {  	_ =	shalt  }
0x75: {  	_ =	shalt  }
0x76: {  	_ =	shalt  }
0x77: {  	_ =	shalt  }
0x78: {  	_ =	shalt  }
0x79: {  	_ =	shalt  }
0x7a: {  	_ =	shalt  }
0x7b: {  	_ =	shalt  }
0x7c: {  	_ =	shalt  }
0x7d: {  	_ =	shalt  }
0x7e: {  	_ =	shalt  }
0x7f: {  	_ =	shalt  }
0x80: {  	_ =	shalt  }
0x81: {  	_ =	shalt  }
0x82: {  	_ =	shalt  }
0x83: {  	_ =	shalt  }
0x84: {  	_ =	shalt  }
0x85: {  	_ =	shalt  }
0x86: {  	_ =	shalt  }
0x87: {  	_ =	shalt  }
.Lfunc_end0:
.L_simem_size_0:
called_computation_lowered:
.L_overlay_start_0:
0x88: {  	s2 =	sld [smem:$0x3FD9]  }
0x89: {  	s3 =	sld [smem:$0x3FFE];
	_ =	sdelay $0x1  }
0x8a: {  	s1 =	srdreg.scid  }
0x8b: {  	s0 =	sand.u32 $0x1, s1  }
0x8c: {  	s16 =	sshll.u32 s0, $0xA;
	s2 =	sadd.s32 s3, s2  }
0x8d: {  	s2 =	sadd.s32 s2, s16  }
0x8e: {  	[smem:$0x3FC5] =	sst s2  }
0x8f: {  	_ = 	snop  }
0x90: {  	(tm) =	ssettm $0x1  }
0x91: {  	s17 =	sld [smem:$0x3FFB];
	_ =	sdelay $0x3  }
0x92: {  	_ =	strace s17  }
0x93: {  	s2 =	sld [smem:$0x3FFC];
	_ =	sdelay $0x3  }
0x94: {  	_ =	strace s2  }
0x95: {  	s2 =	sld [smem:$0x3FFD];
	_ =	sdelay $0x3  }
0x96: {  	_ =	strace s2  }
0x97: {  	_ =	strace $0x8FFFFFFF  }
0x98: {  	s18 =	sld [smem:$0x3FDB];
	_ =	sdelay $0x1  }
0x99: {  	s19 =	simm.s32 $_scs_section_size  }
0x9a: {  	s4 =	simm.s32 $_size__tile_overlayer_lowered;
	s5 =	simm.s32 $_tile_overlayer_lowered  }
0x9b: {  	s22 =	simm.s32 $0x1BFF;
	s21 =	sshll.u32 s5, $0x1;
	s2 =	sadd.s32 s19, s18  }
0x9c: {  	s6 =	simm.s32 $0x0;
	s20 =	sshll.u32 s4, $0x1;
	s4 =	sadd.s32 s21, s2  }
0x9d: {  	[timem:s6], [sflag:s22] =	dma.local [hbm:s4], s20  }
0x9e: {  	_ =	swait.ge [sflag:s22], s20  }
0x9f: {  	s3 =	ssub.s32 $0x0, s20;
	[sflag:s22] =	ssyncset.done $0x0  }
0xa0: {  	[sflag:s22] =	ssyncadd.s32 s3;
	_ =	sdelay $0x1  }
0xa1: {  	s23 =	simm.s32 $0x1B8B  }
0xa2: {  	_ =	swait.ge [sflag:s23], $0x1  }
0xa3: {  	[sflag:s23] =	ssyncset.done $0x0  }
0xa4: {  	s25 =	simm.s32 $0x1B8E;
	s24 =	sld [smem:$0x3FFE];
	[sflag:s23] =	ssyncadd.s32 $0xFFFFFFFF  }
0xa5: {  	s26 =	simm.s32 $execute0_lowered;
	[smem:$0x3FD2] =	sst s25  }
0xa6: {  	s4 =	sshll.u32 s26, $0x1;
	_ =	strace $0x80000046;
	[dreg:$0x1] =	wrdreg $0xFFFFFFFF  }
0xa7: {  	s28 =	simm.s32 $_size_execute0_lowered;
	s2 =	sadd.s32 s2, s4;
	[dreg:$0x0] =	wrdreg $0x0  }
0xa8: {  	s4 =	sshll.u32 s28, $0x1;
	[dreg:$0x2] =	wrdreg s2  }
0xa9: {  	[dreg:$0x3] =	wrdreg s4  }
0xaa: {  	[dreg:$0x4] =	wrdreg $0xC0  }
0xab: {  	_ =	task [dreg:s6], $0x5FFFF  }
0xac: {  	[dreg:$0x1] =	wrdreg $0xFFFFFFFF  }
0xad: {  	[dreg:$0x0] =	wrdreg $0x60  }
0xae: {  	[dreg:$0x2] =	wrdreg s24  }
0xaf: {  	[dreg:$0x3] =	wrdreg $0x9  }
0xb0: {  	_ =	task.clear_ibuf [dreg:s6], $0x4FFFF;
	_ =	strace $0x90000046  }
0xb1: {  	s29 =	simm.s32 $0x9;
	_ =	strace $0x80000048  }
0xb2: {  	_ =	swait.ge [sflag:s29], $0x1  }
0xb3: {  	[sflag:s29] =	ssyncadd.s32 $0xFFFFFFFF  }
0xb4: {  	_ =	strace $0x90000048  }
0xb5: {  	_ =	sfence  }
0xb6: {  	s30 =	sld [smem:$0x0];
	_ =	sdelay $0x2  }
0xb7: {  	s31 =	sshll.u32 s1, $0xD;
	s1 =	sshrl.u32 s1, $0x2  }
0xb8: {  	s3 =	sand.u32 $0x4000, s31;
	s1 =	sadd.s32 s1, s30  }
0xb9: {  	s0 =	sor.u32 s3, s0;
	s1 =	sshll.u32 s1, $0x11  }
0xba: {  	s0 =	sor.u32 s1, s0  }
0xbb: {  	s0 =	sadd.s32 $0x8F2B, s0  }
0xbc: {  	[sflag:s0] =	ssyncadd.remote.s32 $0x1  }
0xbd: {  	_ =	sfence.sel $0xFFFF  }
0xbe: {  	[dreg:$0x0] =	wrdreg $0xFFFFFFFF;
	(pc) =	sbr.abs _section_cstart, $3  }
0xbf: {  	[dreg:$0x1] =	wrdreg $0xFFFFFFFF  }
0xc0: {  	_ =	task.clear_ibuf [dreg:s6], $0x2FFFF;
	_ =	strace $0x9FFFFFFF  }
0xc1: {  	(tm) =	ssettm $0x7FFFFFFF  }
tec
execute0_lowered:
.L_overlay_start_1:
0x0: {  	(tag) =	ssettag $0x1  }
0x1: {  	s5 =	rddreg [dreg:$0x0]  }
0x2: {  	s1 =	srdreg.scid;
	s0 =	rddreg [dreg:$0x1]  }
0x3: {  	s2 =	simm.s32 $0x0;
	s11 =	simm.s32 $0x3880;
	s12 =	simm.s32 $0x7100  }
0x4: {  	s13 =	simm.s32 $0xA900;
	s14 =	simm.s32 $0xAD00;
	s6 =	sand.u32 $0x1, s1  }
0x5: {  	s15 =	simm.s32 $0xB100;
	s1 =	stileid.u32;
	s3 =	sshll.u32 s6, $0x4  }
0x6: {  	s16 =	simm.s32 $0x0;
	[smem:$0x7FF] =	sst s2;
	s7 =	sor.u32 s1, s3  }
0x7: {  	s4 =	sadd.s32 $0x41000, s5;
	s6 =	ssub.s32 $0x2, s6;
	s8 =	smul.u32 $0x3800, s7  }
.Ltmp0:
0x8: {  	_ =	strace $0x80000047;
	s9 =	sshrl.u32 s6, $0x1;
	(pc) =	sbr.rel .LBB2_1-.Ltmp0, $4  }
0x9: {  	s3 =	sadd.s32 $0x40E00, s5;
	s7 =	sshll.u32 s7, $0xA;
	s9 =	ssub.s32 s6, s9  }
0xa: {  	s10 =	sadd.s32 s7, s5;
	s9 =	smax.u32 s9, $0x1;
	s8 =	sshrl.u32 s8, $0x3  }
0xb: {  	s31 =	sadd.s32 s5, s8;
	s8 =	sadd.s32 $0x61200, s10;
	s10 =	simm.s32 $0x1  }
0xc: {  	v0 =	vimm.f32 $9.999999840e+17;
	s5 =	sadd.s32 $0x12E00, s31;
	s6 =	sadd.s32 $0x32E00, s31;
	s7 =	sadd.s32 $0x53200, s31  }
.LBB2_56:
0xd: {  	v2 =	vimm.f32 $+Inf  }
0xe: {  	v4 =	vimm.f32 $+Inf;
	v5 =	vimm.f32 $+Inf;
	v6 =	vimm.f32 $+Inf  }
0xf: {  	v7 =	vimm.f32 $+Inf;
	v8 =	vimm.f32 $+Inf;
	v3 =	vimm.f32 $+Inf  }
.LBB2_63:
0x10: {  	[tilespmem:$0xCD00] =	vst v1  }
0x11: {  	[tilespmem:$0xCD80] =	vst v2  }
0x12: {  	[tilespmem:$0xCE00] =	vst v4  }
0x13: {  	[tilespmem:$0xCE80] =	vst v5  }
0x14: {  	[tilespmem:$0xCF00] =	vst v6  }
0x15: {  	[tilespmem:$0xCF80] =	vst v7;
	s16 =	sadd.s32 $0x1, s16  }
0x16: {  	[tilespmem:$0xD000] =	vst v8;
	p0 =	sne.s32 s16, s9  }
.Ltmp1:
0x17: {  	[tilespmem:$0xD080] =	vst v3;
	(pc) =	sbr.rel @!p0 .LBB2_64-.Ltmp1, $4  }
0x18: {  	[hbm4b:s8+s2] =	stream.linear.scatter [tilespmem:s15], [sflag:$0x1], $0x2000, $0x38;
	[tilespmem:$0xD100] =	vst v63  }
0x19: {  	_ =	swait.ge [sflag:s10], $0x2000  }
0x1a: {  	[sflag:s10] =	ssyncset.done $0x0  }
0x1b: {  	[sflag:s10] =	ssyncadd.s32 $0xFFFFE000  }
.LBB2_1:
0x1c: {  	[tilespmem:s2], [sflag:$0x1] =	stream.linear.gather [hbm4b:s5+s2], $0x3800, $0x38;
	[tilespmem:$0xD100] =	vst v63  }
0x1d: {  	_ =	swait.ge [sflag:s10], $0x3800  }
0x1e: {  	[sflag:s10] =	ssyncset.done $0x0  }
0x1f: {  	[sflag:s10] =	ssyncadd.s32 $0xFFFFC800  }
0x20: {  	[tilespmem:s11], [sflag:$0x1] =	stream.linear.gather [hbm4b:s6+s2], $0x3800, $0x38;
	[tilespmem:$0xD100] =	vst v63  }
0x21: {  	_ =	swait.ge [sflag:s10], $0x3800  }
0x22: {  	[sflag:s10] =	ssyncset.done $0x0  }
0x23: {  	[sflag:s10] =	ssyncadd.s32 $0xFFFFC800  }
0x24: {  	[tilespmem:s12], [sflag:$0x1] =	stream.linear.gather [hbm4b:s7+s2], $0x3800, $0x38;
	[tilespmem:$0xD100] =	vst v63  }
0x25: {  	_ =	swait.ge [sflag:s10], $0x3800  }
0x26: {  	[sflag:s10] =	ssyncset.done $0x0  }
0x27: {  	[sflag:s10] =	ssyncadd.s32 $0xFFFFC800  }
0x28: {  	[tilespmem:s13], [sflag:$0x1] =	stream.linear.gather [hbm4b:s3+s2], $0x400, $0x38;
	[tilespmem:$0xD100] =	vst v63  }
0x29: {  	_ =	swait.ge [sflag:s10], $0x400  }
0x2a: {  	[sflag:s10] =	ssyncset.done $0x0  }
0x2b: {  	[sflag:s10] =	ssyncadd.s32 $0xFFFFFC00  }
0x2c: {  	[tilespmem:s14], [sflag:$0x1] =	stream.linear.gather [hbm4b:s4+s2], $0x400, $0x38;
	[tilespmem:$0xD100] =	vst v63  }
0x2d: {  	_ =	swait.ge [sflag:s10], $0x400  }
0x2e: {  	[sflag:s10] =	ssyncset.done $0x0  }
0x2f: {  	s17 =	simm.s32 $0x0;
	[sflag:s10] =	ssyncadd.s32 $0xFFFFFC00  }
0x30: {  	v1 =	vld [tilespmem:s17+$0x7100];
	_ =	sdelay $0x4  }
0x31: {  	vm0 =	vgt.f32 v1, $5.000000000e-01  }
0x32: {  	v1 =	vmpcnt.ones.xlane vm0;
	_ =	sdelay $0x1  }
0x33: {  	v1 =	vxor.u32 $0x80000000, v1  }
0x34: {  	(xrf0) =	vmax.scan.msk.u32 $0xffff, v1;
	_ =	sdelay $0x1  }
0x35: {  	v1 =	vld [tilespmem:s17+$0x0]  }
0x36: {  	v2 =	vld [tilespmem:s17+$0x3880];
	_ =	sdelay $0x2  }
0x37: {  	v3, _, _ =	vpop (xrf0)  }
0x38: {  	[tilespmem:s2+$0x0] =	vst.msk vm0, v1;
	(v2sf) =	vpush v3, $0xF  }
0x39: {  	s19 =	simm.s32 $0x10;
	s18 =	simm.s32 $0x80;
	s17 =	simm.s32 $0x0;
	[tilespmem:s2+$0x3880] =	vst.msk vm0, v2  }
.LBB2_2:
0x3a: {  	p0 =	sne.s32 s18, $0xDFC0;
	v1 =	vld [tilespmem:s19+$0x7100];
	_ =	sdelay $0x4  }
0x3b: {  	vm0 =	vgt.f32 v1, $5.000000000e-01  }
0x3c: {  	v1 =	vmpcnt.ones.xlane vm0;
	_ =	sdelay $0x1  }
0x3d: {  	v1 =	vxor.u32 $0x80000000, v1  }
0x3e: {  	(xrf0) =	vmax.scan.msk.u32 $0xffff, v1;
	_ =	sdelay $0x1  }
0x3f: {  	v1 =	vld [tilespmem:s19+$0x0]  }
0x40: {  	v2 =	vld [tilespmem:s19+$0x3880]  }
.Ltmp2:
0x41: {  	s19 =	spop (v2sf);
	(pc) =	sbr.rel @p0 .LBB2_2-.Ltmp2, $4  }
0x42: {  	s17 =	sadd.s32 s19, s17  }
0x43: {  	v3, _, _ =	vpop (xrf0);
	s17 =	sadd.s32 $0x80000000, s17  }
0x44: {  	[tilespmem:s17+$0x0] =	vst.msk vm0, v1;
	(v2sf) =	vpush v3, $0xF  }
0x45: {  	s19 =	sshra.s32 s18, $0x2;
	s18 =	sadd.s32 $0x40, s18;
	[tilespmem:s17+$0x3880] =	vst.msk vm0, v2  }
0x46: {  	v1 =	vld [tilespmem:s19+$0x7100];
	_ =	sdelay $0x4  }
0x47: {  	vm0 =	vgt.f32 v1, $5.000000000e-01  }
0x48: {  	v1 =	vmpcnt.ones.xlane vm0;
	_ =	sdelay $0x1  }
0x49: {  	v1 =	vxor.u32 $0x80000000, v1  }
0x4a: {  	(xrf0) =	vmax.scan.msk.u32 $0xffff, v1;
	_ =	sdelay $0x5  }
0x4b: {  	v1, _, _ =	vpop (xrf0)  }
0x4c: {  	(v2sf) =	vpush v1, $0xF;
	_ =	sdelay $0xc  }
0x4d: {  	s18 =	spop (v2sf);
	v1 =	vld [tilespmem:s19+$0x0]  }
0x4e: {  	v2 =	vld [tilespmem:s19+$0x3880];
	s17 =	sadd.s32 s18, s17  }
0x4f: {  	s17 =	sadd.s32 $0x80000000, s17;
	s30 =	spop (v2sf)  }
0x50: {  	s18 =	sadd.s32 s30, s17  }
0x51: {  	s18 =	sadd.s32 $0x80000000, s18  }
0x52: {  	[tilespmem:s17+$0x0] =	vst.msk vm0, v1;
	s31 =	sadd.s32 $0xF, s18  }
0x53: {  	[tilespmem:s17+$0x3880] =	vst.msk vm0, v2;
	s17 =	sshrl.u32 s31, $0x4  }
0x54: {  	p0 =	seq.s32 s17, $0x0  }
.Ltmp3:
0x55: {  	_ = 	snop;
	(pc) =	sbr.rel @p0 .LBB2_10-.Ltmp3, $4  }
0x56: {  	_ = 	snop  }
0x57: {  	v4 =	vimm.f32 $+Inf;
	v5 =	vimm.f32 $+Inf;
	v6 =	vimm.f32 $+Inf  }
0x58: {  	v7 =	vimm.f32 $+Inf;
	v8 =	vimm.f32 $+Inf;
	v9 =	vimm.f32 $+Inf;
	[tilespmem:s18+$0x0] =	vst v0  }
0x59: {  	v3 =	vimm.f32 $+Inf;
	v1 =	vimm.f32 $+Inf;
	v2 =	vimm.f32 $+Inf;
	[tilespmem:s18+$0x3880] =	vst v0  }
0x5a: {  	v12 =	vld [tilespmem:$0xA900]  }
0x5b: {  	v13 =	vld [tilespmem:$0xA910]  }
0x5c: {  	v9 =	vld [tilespmem:$0xA920]  }
0x5d: {  	v6 =	vld [tilespmem:$0xA930]  }
0x5e: {  	v4 =	vld [tilespmem:$0xA940]  }
0x5f: {  	v3 =	vld [tilespmem:$0xA950]  }
0x60: {  	v2 =	vld [tilespmem:$0xA960]  }
0x61: {  	v16 =	vld [tilespmem:$0xA970]  }
0x62: {  	v15 =	vld [tilespmem:$0xAD00]  }
0x63: {  	v14 =	vld [tilespmem:$0xAD10]  }
0x64: {  	v11 =	vld [tilespmem:$0xAD20]  }
0x65: {  	v10 =	vld [tilespmem:$0xAD30]  }
0x66: {  	v8 =	vld [tilespmem:$0xAD40];
	p2 =	sne.s32 s17, $0x1  }
.Ltmp4:
0x67: {  	v7 =	vld [tilespmem:$0xAD50];
	(pc) =	sbr.rel @!p2 .LBB2_5-.Ltmp4, $4  }
0x68: {  	v5 =	vld [tilespmem:$0xAD60]  }
0x69: {  	v17 =	vld [tilespmem:$0xAD70];
	s18 =	simm.s32 $0x0  }
0x6a: {  	s19 =	simm.s32 $0x3880;
	v18 =	vld [tilespmem:s18+$0x0]  }
0x6b: {  	s20 =	sadd.s32 $0xFFFFFFFF, s17;
	p1 =	por $0x0, $0x0;
	v19 =	vld [tilespmem:s19+$0x0]  }
0x6c: {  	_ =	sdelay $0x2  }
0x6d: {  	v20 =	vsub.f32 v18, v12;
	v21 =	vsub.f32 v18, v13  }
0x6e: {  	v22 =	vsub.f32 v18, v16;
	v26 =	vsub.f32 v18, v9  }
0x6f: {  	v35 =	vsub.f32 v18, v3;
	v23 =	vsub.f32 v19, v17  }
0x70: {  	v24 =	vsub.f32 v19, v15;
	v27 =	vsub.f32 v19, v11  }
0x71: {  	v31 =	vsub.f32 v19, v10;
	v33 =	vsub.f32 v19, v8;
	v25 =	vmul.f32 v20, v20  }
0x72: {  	v36 =	vsub.f32 v19, v7;
	v22 =	vmul.f32 v22, v22;
	v21 =	vmul.f32 v21, v21  }
0x73: {  	v28 =	vsub.f32 v19, v5;
	v23 =	vmul.f32 v23, v23;
	v24 =	vmul.f32 v24, v24  }
0x74: {  	v20 =	vsub.f32 v19, v14;
	v19 =	vmul.f32 v27, v27;
	v34 =	vmul.f32 v33, v33  }
0x75: {  	v30 =	vsub.f32 v18, v6;
	v33 =	vmul.f32 v35, v35;
	v37 =	vmul.f32 v36, v36  }
0x76: {  	v32 =	vmul.f32 v20, v20;
	v22 =	vadd.f32 v23, v22;
	v23 =	vsub.f32 v18, v4  }
0x77: {  	p2 =	sne.s32 s20, $0x1;
	v27 =	vimm.f32 $+Inf;
	v18 =	vsub.f32 v18, v2;
	v29 =	vadd.f32 v24, v25  }
.Ltmp5:
0x78: {  	v24 =	vmul.f32 v30, v30;
	v25 =	vmul.f32 v31, v31;
	v30 =	vadd.f32 v32, v21;
	(pc) =	sbr.rel @!p2 .LBB2_7-.Ltmp5, $4  }
0x79: {  	v21 =	vimm.f32 $+Inf;
	v20 =	vmin.f32 v1, v22;
	v22 =	vmul.f32 v26, v26  }
0x7a: {  	s18 =	simm.s32 $0x10;
	v31 =	vmul.f32 v23, v23;
	v35 =	vadd.f32 v25, v24;
	v36 =	vmul.f32 v18, v18  }
0x7b: {  	s19 =	simm.s32 $0x3890;
	v18 =	vld [tilespmem:s18+$0x0];
	v23 =	vimm.f32 $+Inf;
	v24 =	vimm.f32 $+Inf;
	v25 =	vimm.f32 $+Inf  }
0x7c: {  	s20 =	sadd.s32 $0xFFFFFFFF, s20;
	p1 =	por $0x1, $0x1;
	v26 =	vimm.f32 $+Inf;
	v32 =	vadd.f32 v19, v22;
	v22 =	vimm.f32 $+Inf;
	v19 =	vld [tilespmem:s19+$0x0]  }
.LBB2_8:
0x7d: {  	p2 =	sne.s32 s20, $0x1;
	v21 =	vmin.f32 v21, v29;
	v29 =	vadd.f32 v34, v31;
	v28 =	vmul.f32 v28, v28  }
0x7e: {  	v22 =	vmin.f32 v22, v30;
	v23 =	vmin.f32 v23, v32;
	v30 =	vadd.f32 v37, v33  }
0x7f: {  	v24 =	vmin.f32 v24, v35;
	v25 =	vmin.f32 v25, v29;
	v28 =	vadd.f32 v28, v36  }
0x80: {  	v29 =	vsub.f32 v18, v12;
	v31 =	vsub.f32 v18, v13;
	v26 =	vmin.f32 v26, v30  }
0x81: {  	v30 =	vsub.f32 v18, v16;
	v32 =	vsub.f32 v19, v17;
	v27 =	vmin.f32 v27, v28  }
0x82: {  	v28 =	vsub.f32 v19, v15;
	v33 =	vsub.f32 v19, v14;
	v29 =	vmul.f32 v29, v29  }
0x83: {  	v34 =	vsub.f32 v18, v9;
	v30 =	vmul.f32 v30, v30;
	v32 =	vmul.f32 v32, v32  }
0x84: {  	v37 =	vsub.f32 v18, v6;
	v36 =	vsub.f32 v19, v11;
	v35 =	vmul.f32 v28, v28  }
0x85: {  	v38 =	vsub.f32 v19, v10;
	v31 =	vmul.f32 v31, v31;
	v28 =	vadd.f32 v32, v30  }
0x86: {  	v30 =	vmul.f32 v33, v33;
	v32 =	vsub.f32 v18, v4;
	v33 =	vsub.f32 v19, v8  }
0x87: {  	v39 =	vsub.f32 v18, v3;
	v40 =	vsub.f32 v19, v7;
	v20 =	vmin.f32 v20, v28  }
.Ltmp6:
0x88: {  	v41 =	vsub.f32 v18, v2;
	v34 =	vmul.f32 v34, v34;
	v28 =	vsub.f32 v19, v5;
	(pc) =	sbr.rel @p2 .LBB2_8-.Ltmp6, $4  }
0x89: {  	v29 =	vadd.f32 v35, v29;
	v35 =	vmul.f32 v37, v37;
	v19 =	vmul.f32 v36, v36  }
0x8a: {  	s18 =	sadd.s32 $0x10, s18;
	v30 =	vadd.f32 v30, v31;
	v36 =	vmul.f32 v38, v38;
	v31 =	vmul.f32 v32, v32  }
0x8b: {  	s19 =	sadd.s32 $0x10, s19;
	v32 =	vadd.f32 v19, v34;
	v34 =	vmul.f32 v33, v33;
	v33 =	vmul.f32 v39, v39;
	v18 =	vld [tilespmem:s18+$0x0]  }
0x8c: {  	s20 =	sadd.s32 $0xFFFFFFFF, s20;
	v37 =	vmul.f32 v40, v40;
	v35 =	vadd.f32 v36, v35;
	v36 =	vmul.f32 v41, v41;
	v19 =	vld [tilespmem:s19+$0x0]  }
.LBB2_9:
0x8d: {  	v21 =	vmin.f32 @p1 v21, v29;
	v29 =	vadd.f32 @p1 v34, v31;
	v28 =	vmul.f32 @p1 v28, v28  }
0x8e: {  	v22 =	vmin.f32 @p1 v22, v30;
	v23 =	vmin.f32 @p1 v23, v32;
	v30 =	vadd.f32 @p1 v37, v33  }
0x8f: {  	v24 =	vmin.f32 @p1 v24, v35;
	v58 =	vpsel p1, v22, v1;
	v28 =	vadd.f32 @p1 v28, v36  }
0x90: {  	v59 =	vpsel p1, v23, v1;
	v12 =	vsub.f32 v18, v12;
	v13 =	vsub.f32 v18, v13  }
0x91: {  	v25 =	vmin.f32 @p1 v25, v29;
	v16 =	vsub.f32 v18, v16;
	v9 =	vsub.f32 v18, v9  }
0x92: {  	v60 =	vpsel p1, v24, v1;
	v6 =	vsub.f32 v18, v6;
	v4 =	vsub.f32 v18, v4  }
0x93: {  	v26 =	vmin.f32 @p1 v26, v30;
	v57 =	vsub.f32 v18, v3;
	v2 =	vsub.f32 v18, v2  }
0x94: {  	v61 =	vpsel p1, v25, v1;
	v17 =	vsub.f32 v19, v17;
	v15 =	vsub.f32 v19, v15  }
0x95: {  	v27 =	vmin.f32 @p1 v27, v28;
	v14 =	vsub.f32 v19, v14;
	v11 =	vsub.f32 v19, v11  }
0x96: {  	v10 =	vsub.f32 v19, v10;
	v12 =	vmul.f32 v12, v12;
	v16 =	vmul.f32 v16, v16  }
0x97: {  	v8 =	vsub.f32 v19, v8;
	v13 =	vmul.f32 v13, v13;
	v9 =	vmul.f32 v9, v9  }
0x98: {  	v7 =	vsub.f32 v19, v7;
	v6 =	vmul.f32 v6, v6;
	v4 =	vmul.f32 v4, v4  }
0x99: {  	v5 =	vsub.f32 v19, v5;
	v17 =	vmul.f32 v17, v17;
	v15 =	vmul.f32 v15, v15  }
0x9a: {  	v62 =	vpsel p1, v26, v1;
	v14 =	vmul.f32 v14, v14;
	v11 =	vmul.f32 v11, v11  }
0x9b: {  	v63 =	vpsel p1, v27, v1;
	v10 =	vmul.f32 v10, v10;
	v8 =	vmul.f32 v8, v8  }
0x9c: {  	v7 =	vmul.f32 v7, v7;
	v16 =	vadd.f32 v17, v16;
	v12 =	vadd.f32 v15, v12  }
0x9d: {  	v5 =	vmul.f32 v5, v5;
	v13 =	vadd.f32 v14, v13;
	v9 =	vadd.f32 v11, v9  }
0x9e: {  	v11 =	vmul.f32 v57, v57;
	v6 =	vadd.f32 v10, v6;
	v10 =	vmul.f32 v2, v2  }
0x9f: {  	v2 =	vpsel p1, v21, v1;
	v8 =	vadd.f32 v8, v4;
	v3 =	vmin.f32 v20, v16  }
0xa0: {  	v2 =	vmin.f32 v2, v12;
	v11 =	vadd.f32 v7, v11;
	v10 =	vadd.f32 v5, v10  }
0xa1: {  	v4 =	vmin.f32 v58, v13;
	v5 =	vmin.f32 v59, v9;
	v6 =	vmin.f32 v60, v6  }
0xa2: {  	v7 =	vmin.f32 v61, v8;
	v8 =	vmin.f32 v62, v11;
	v9 =	vmin.f32 v63, v10  }
.LBB2_10:
0xa3: {  	[tilespmem:$0xB100] =	vst v2  }
0xa4: {  	[tilespmem:$0xB180] =	vst v4  }
0xa5: {  	[tilespmem:$0xB200] =	vst v5  }
.Ltmp7:
0xa6: {  	[tilespmem:$0xB280] =	vst v6;
	(pc) =	sbr.rel @p0 .LBB2_11-.Ltmp7, $4  }
0xa7: {  	[tilespmem:$0xB300] =	vst v7  }
0xa8: {  	[tilespmem:$0xB380] =	vst v8  }
0xa9: {  	[tilespmem:$0xB400] =	vst v9  }
0xaa: {  	[tilespmem:$0xB480] =	vst v3  }
0xab: {  	v12 =	vld [tilespmem:$0xA980]  }
0xac: {  	v13 =	vld [tilespmem:$0xA990]  }
0xad: {  	v9 =	vld [tilespmem:$0xA9A0]  }
0xae: {  	v6 =	vld [tilespmem:$0xA9B0]  }
0xaf: {  	v4 =	vld [tilespmem:$0xA9C0]  }
0xb0: {  	v3 =	vld [tilespmem:$0xA9D0]  }
0xb1: {  	v2 =	vld [tilespmem:$0xA9E0]  }
0xb2: {  	v16 =	vld [tilespmem:$0xA9F0]  }
0xb3: {  	v15 =	vld [tilespmem:$0xAD80]  }
0xb4: {  	v14 =	vld [tilespmem:$0xAD90]  }
0xb5: {  	v11 =	vld [tilespmem:$0xADA0]  }
0xb6: {  	v10 =	vld [tilespmem:$0xADB0]  }
0xb7: {  	v8 =	vld [tilespmem:$0xADC0];
	p2 =	sne.s32 s17, $0x1  }
.Ltmp8:
0xb8: {  	v7 =	vld [tilespmem:$0xADD0];
	(pc) =	sbr.rel @!p2 .LBB2_13-.Ltmp8, $4  }
0xb9: {  	v5 =	vld [tilespmem:$0xADE0]  }
0xba: {  	s18 =	simm.s32 $0x0;
	v17 =	vld [tilespmem:$0xADF0]  }
0xbb: {  	s19 =	simm.s32 $0x3880;
	v18 =	vld [tilespmem:s18+$0x0]  }
0xbc: {  	s20 =	sadd.s32 $0xFFFFFFFF, s17;
	p1 =	por $0x0, $0x0;
	v19 =	vld [tilespmem:s19+$0x0]  }
0xbd: {  	_ =	sdelay $0x2  }
0xbe: {  	v20 =	vsub.f32 v18, v12;
	v21 =	vsub.f32 v18, v13  }
0xbf: {  	v22 =	vsub.f32 v18, v16;
	v26 =	vsub.f32 v18, v9  }
0xc0: {  	v35 =	vsub.f32 v18, v3;
	v23 =	vsub.f32 v19, v17  }
0xc1: {  	v24 =	vsub.f32 v19, v15;
	v27 =	vsub.f32 v19, v11  }
0xc2: {  	v31 =	vsub.f32 v19, v10;
	v33 =	vsub.f32 v19, v8;
	v25 =	vmul.f32 v20, v20  }
0xc3: {  	v36 =	vsub.f32 v19, v7;
	v22 =	vmul.f32 v22, v22;
	v21 =	vmul.f32 v21, v21  }
0xc4: {  	v28 =	vsub.f32 v19, v5;
	v23 =	vmul.f32 v23, v23;
	v24 =	vmul.f32 v24, v24  }
0xc5: {  	v20 =	vsub.f32 v19, v14;
	v19 =	vmul.f32 v27, v27;
	v34 =	vmul.f32 v33, v33  }
0xc6: {  	v30 =	vsub.f32 v18, v6;
	v33 =	vmul.f32 v35, v35;
	v37 =	vmul.f32 v36, v36  }
0xc7: {  	v32 =	vmul.f32 v20, v20;
	v22 =	vadd.f32 v23, v22;
	v23 =	vsub.f32 v18, v4  }
0xc8: {  	p2 =	sne.s32 s20, $0x1;
	v27 =	vimm.f32 $+Inf;
	v18 =	vsub.f32 v18, v2;
	v29 =	vadd.f32 v24, v25  }
.Ltmp9:
0xc9: {  	v24 =	vmul.f32 v30, v30;
	v25 =	vmul.f32 v31, v31;
	v30 =	vadd.f32 v32, v21;
	(pc) =	sbr.rel @!p2 .LBB2_15-.Ltmp9, $4  }
0xca: {  	v21 =	vimm.f32 $+Inf;
	v20 =	vmin.f32 v1, v22;
	v22 =	vmul.f32 v26, v26  }
0xcb: {  	s18 =	simm.s32 $0x10;
	v31 =	vmul.f32 v23, v23;
	v35 =	vadd.f32 v25, v24;
	v36 =	vmul.f32 v18, v18  }
0xcc: {  	s19 =	simm.s32 $0x3890;
	v18 =	vld [tilespmem:s18+$0x0];
	v23 =	vimm.f32 $+Inf;
	v24 =	vimm.f32 $+Inf;
	v25 =	vimm.f32 $+Inf  }
0xcd: {  	s20 =	sadd.s32 $0xFFFFFFFF, s20;
	p1 =	por $0x1, $0x1;
	v26 =	vimm.f32 $+Inf;
	v32 =	vadd.f32 v19, v22;
	v22 =	vimm.f32 $+Inf;
	v19 =	vld [tilespmem:s19+$0x0]  }
.LBB2_16:
0xce: {  	p2 =	sne.s32 s20, $0x1;
	v21 =	vmin.f32 v21, v29;
	v29 =	vadd.f32 v34, v31;
	v28 =	vmul.f32 v28, v28  }
0xcf: {  	v22 =	vmin.f32 v22, v30;
	v23 =	vmin.f32 v23, v32;
	v30 =	vadd.f32 v37, v33  }
0xd0: {  	v24 =	vmin.f32 v24, v35;
	v25 =	vmin.f32 v25, v29;
	v28 =	vadd.f32 v28, v36  }
0xd1: {  	v29 =	vsub.f32 v18, v12;
	v31 =	vsub.f32 v18, v13;
	v26 =	vmin.f32 v26, v30  }
0xd2: {  	v30 =	vsub.f32 v18, v16;
	v32 =	vsub.f32 v19, v17;
	v27 =	vmin.f32 v27, v28  }
0xd3: {  	v28 =	vsub.f32 v19, v15;
	v33 =	vsub.f32 v19, v14;
	v29 =	vmul.f32 v29, v29  }
0xd4: {  	v34 =	vsub.f32 v18, v9;
	v30 =	vmul.f32 v30, v30;
	v32 =	vmul.f32 v32, v32  }
0xd5: {  	v37 =	vsub.f32 v18, v6;
	v36 =	vsub.f32 v19, v11;
	v35 =	vmul.f32 v28, v28  }
0xd6: {  	v38 =	vsub.f32 v19, v10;
	v31 =	vmul.f32 v31, v31;
	v28 =	vadd.f32 v32, v30  }
0xd7: {  	v30 =	vmul.f32 v33, v33;
	v32 =	vsub.f32 v18, v4;
	v33 =	vsub.f32 v19, v8  }
0xd8: {  	v39 =	vsub.f32 v18, v3;
	v40 =	vsub.f32 v19, v7;
	v20 =	vmin.f32 v20, v28  }
.Ltmp10:
0xd9: {  	v41 =	vsub.f32 v18, v2;
	v34 =	vmul.f32 v34, v34;
	v28 =	vsub.f32 v19, v5;
	(pc) =	sbr.rel @p2 .LBB2_16-.Ltmp10, $4  }
0xda: {  	v29 =	vadd.f32 v35, v29;
	v35 =	vmul.f32 v37, v37;
	v19 =	vmul.f32 v36, v36  }
0xdb: {  	s18 =	sadd.s32 $0x10, s18;
	v30 =	vadd.f32 v30, v31;
	v36 =	vmul.f32 v38, v38;
	v31 =	vmul.f32 v32, v32  }
0xdc: {  	s19 =	sadd.s32 $0x10, s19;
	v32 =	vadd.f32 v19, v34;
	v34 =	vmul.f32 v33, v33;
	v33 =	vmul.f32 v39, v39;
	v18 =	vld [tilespmem:s18+$0x0]  }
0xdd: {  	s20 =	sadd.s32 $0xFFFFFFFF, s20;
	v37 =	vmul.f32 v40, v40;
	v35 =	vadd.f32 v36, v35;
	v36 =	vmul.f32 v41, v41;
	v19 =	vld [tilespmem:s19+$0x0]  }
.LBB2_17:
0xde: {  	v21 =	vmin.f32 @p1 v21, v29;
	v29 =	vadd.f32 @p1 v34, v31;
	v28 =	vmul.f32 @p1 v28, v28  }
0xdf: {  	v22 =	vmin.f32 @p1 v22, v30;
	v23 =	vmin.f32 @p1 v23, v32;
	v30 =	vadd.f32 @p1 v37, v33  }
0xe0: {  	v24 =	vmin.f32 @p1 v24, v35;
	v58 =	vpsel p1, v22, v1;
	v28 =	vadd.f32 @p1 v28, v36  }
0xe1: {  	v59 =	vpsel p1, v23, v1;
	v12 =	vsub.f32 v18, v12;
	v13 =	vsub.f32 v18, v13  }
0xe2: {  	v25 =	vmin.f32 @p1 v25, v29;
	v16 =	vsub.f32 v18, v16;
	v9 =	vsub.f32 v18, v9  }
0xe3: {  	v60 =	vpsel p1, v24, v1;
	v6 =	vsub.f32 v18, v6;
	v4 =	vsub.f32 v18, v4  }
0xe4: {  	v26 =	vmin.f32 @p1 v26, v30;
	v57 =	vsub.f32 v18, v3;
	v2 =	vsub.f32 v18, v2  }
0xe5: {  	v61 =	vpsel p1, v25, v1;
	v17 =	vsub.f32 v19, v17;
	v15 =	vsub.f32 v19, v15  }
0xe6: {  	v27 =	vmin.f32 @p1 v27, v28;
	v14 =	vsub.f32 v19, v14;
	v11 =	vsub.f32 v19, v11  }
0xe7: {  	v10 =	vsub.f32 v19, v10;
	v12 =	vmul.f32 v12, v12;
	v16 =	vmul.f32 v16, v16  }
0xe8: {  	v8 =	vsub.f32 v19, v8;
	v13 =	vmul.f32 v13, v13;
	v9 =	vmul.f32 v9, v9  }
0xe9: {  	v7 =	vsub.f32 v19, v7;
	v6 =	vmul.f32 v6, v6;
	v4 =	vmul.f32 v4, v4  }
0xea: {  	v5 =	vsub.f32 v19, v5;
	v2 =	vmul.f32 v2, v2;
	v17 =	vmul.f32 v17, v17  }
0xeb: {  	v62 =	vpsel p1, v26, v1;
	v15 =	vmul.f32 v15, v15;
	v14 =	vmul.f32 v14, v14  }
0xec: {  	v63 =	vpsel p1, v27, v1;
	v11 =	vmul.f32 v11, v11;
	v10 =	vmul.f32 v10, v10  }
0xed: {  	v8 =	vmul.f32 v8, v8;
	v7 =	vmul.f32 v7, v7;
	v16 =	vadd.f32 v17, v16  }
0xee: {  	v5 =	vmul.f32 v5, v5;
	v12 =	vadd.f32 v15, v12;
	v13 =	vadd.f32 v14, v13  }
.Ltmp11:
0xef: {  	v9 =	vadd.f32 v11, v9;
	v11 =	vmul.f32 v57, v57;
	v6 =	vadd.f32 v10, v6;
	(pc) =	sbr.rel .LBB2_18-.Ltmp11, $4  }
0xf0: {  	v10 =	vpsel p1, v21, v1;
	v8 =	vadd.f32 v8, v4;
	v3 =	vmin.f32 v20, v16  }
0xf1: {  	v1 =	vmin.f32 v10, v12;
	v10 =	vadd.f32 v7, v11;
	v11 =	vadd.f32 v5, v2  }
0xf2: {  	v2 =	vmin.f32 v58, v13;
	v4 =	vmin.f32 v59, v9;
	v5 =	vmin.f32 v60, v6  }
0xf3: {  	v7 =	vmin.f32 v61, v8;
	v8 =	vmin.f32 v62, v10;
	v6 =	vmin.f32 v63, v11  }
.LBB2_11:
0xf4: {  	v2 =	vimm.f32 $+Inf  }
0xf5: {  	v4 =	vimm.f32 $+Inf;
	v5 =	vimm.f32 $+Inf;
	v7 =	vimm.f32 $+Inf  }
0xf6: {  	v8 =	vimm.f32 $+Inf;
	v6 =	vimm.f32 $+Inf;
	v3 =	vimm.f32 $+Inf  }
.LBB2_18:
0xf7: {  	[tilespmem:$0xB500] =	vst v1  }
0xf8: {  	[tilespmem:$0xB580] =	vst v2  }
0xf9: {  	[tilespmem:$0xB600] =	vst v4  }
.Ltmp12:
0xfa: {  	[tilespmem:$0xB680] =	vst v5;
	(pc) =	sbr.rel @p0 .LBB2_25-.Ltmp12, $4  }
0xfb: {  	[tilespmem:$0xB700] =	vst v7  }
0xfc: {  	[tilespmem:$0xB780] =	vst v8;
	v1 =	vimm.f32 $+Inf;
	v2 =	vimm.f32 $+Inf;
	v4 =	vimm.f32 $+Inf  }
0xfd: {  	[tilespmem:$0xB800] =	vst v6;
	v5 =	vimm.f32 $+Inf;
	v6 =	vimm.f32 $+Inf;
	v7 =	vimm.f32 $+Inf  }
0xfe: {  	[tilespmem:$0xB880] =	vst v3;
	v8 =	vimm.f32 $+Inf;
	v9 =	vimm.f32 $+Inf;
	v3 =	vimm.f32 $+Inf  }
0xff: {  	v12 =	vld [tilespmem:$0xAA00]  }
0x100: {  	v13 =	vld [tilespmem:$0xAA10]  }
0x101: {  	v9 =	vld [tilespmem:$0xAA20]  }
0x102: {  	v6 =	vld [tilespmem:$0xAA30]  }
0x103: {  	v4 =	vld [tilespmem:$0xAA40]  }
0x104: {  	v3 =	vld [tilespmem:$0xAA50]  }
0x105: {  	v2 =	vld [tilespmem:$0xAA60]  }
0x106: {  	v16 =	vld [tilespmem:$0xAA70]  }
0x107: {  	v15 =	vld [tilespmem:$0xAE00]  }
0x108: {  	v14 =	vld [tilespmem:$0xAE10]  }
0x109: {  	v11 =	vld [tilespmem:$0xAE20]  }
0x10a: {  	v10 =	vld [tilespmem:$0xAE30]  }
0x10b: {  	v8 =	vld [tilespmem:$0xAE40];
	p2 =	sne.s32 s17, $0x1  }
.Ltmp13:
0x10c: {  	v7 =	vld [tilespmem:$0xAE50];
	(pc) =	sbr.rel @!p2 .LBB2_20-.Ltmp13, $4  }
0x10d: {  	v5 =	vld [tilespmem:$0xAE60]  }
0x10e: {  	s18 =	simm.s32 $0x0;
	v17 =	vld [tilespmem:$0xAE70]  }
0x10f: {  	s19 =	simm.s32 $0x3880;
	v18 =	vld [tilespmem:s18+$0x0]  }
0x110: {  	s20 =	sadd.s32 $0xFFFFFFFF, s17;
	p1 =	por $0x0, $0x0;
	v19 =	vld [tilespmem:s19+$0x0]  }
0x111: {  	_ =	sdelay $0x2  }
0x112: {  	v20 =	vsub.f32 v18, v12;
	v21 =	vsub.f32 v18, v13  }
0x113: {  	v22 =	vsub.f32 v18, v16;
	v26 =	vsub.f32 v18, v9  }
0x114: {  	v35 =	vsub.f32 v18, v3;
	v23 =	vsub.f32 v19, v17  }
0x115: {  	v24 =	vsub.f32 v19, v15;
	v27 =	vsub.f32 v19, v11  }
0x116: {  	v31 =	vsub.f32 v19, v10;
	v33 =	vsub.f32 v19, v8;
	v25 =	vmul.f32 v20, v20  }
0x117: {  	v36 =	vsub.f32 v19, v7;
	v22 =	vmul.f32 v22, v22;
	v21 =	vmul.f32 v21, v21  }
0x118: {  	v28 =	vsub.f32 v19, v5;
	v23 =	vmul.f32 v23, v23;
	v24 =	vmul.f32 v24, v24  }
0x119: {  	v20 =	vsub.f32 v19, v14;
	v19 =	vmul.f32 v27, v27;
	v34 =	vmul.f32 v33, v33  }
0x11a: {  	v30 =	vsub.f32 v18, v6;
	v33 =	vmul.f32 v35, v35;
	v37 =	vmul.f32 v36, v36  }
0x11b: {  	v32 =	vmul.f32 v20, v20;
	v22 =	vadd.f32 v23, v22;
	v23 =	vsub.f32 v18, v4  }
0x11c: {  	p2 =	sne.s32 s20, $0x1;
	v27 =	vimm.f32 $+Inf;
	v18 =	vsub.f32 v18, v2;
	v29 =	vadd.f32 v24, v25  }
.Ltmp14:
0x11d: {  	v24 =	vmul.f32 v30, v30;
	v25 =	vmul.f32 v31, v31;
	v30 =	vadd.f32 v32, v21;
	(pc) =	sbr.rel @!p2 .LBB2_22-.Ltmp14, $4  }
0x11e: {  	v21 =	vimm.f32 $+Inf;
	v20 =	vmin.f32 v1, v22;
	v22 =	vmul.f32 v26, v26  }
0x11f: {  	s18 =	simm.s32 $0x10;
	v31 =	vmul.f32 v23, v23;
	v35 =	vadd.f32 v25, v24;
	v36 =	vmul.f32 v18, v18  }
0x120: {  	s19 =	simm.s32 $0x3890;
	v18 =	vld [tilespmem:s18+$0x0];
	v23 =	vimm.f32 $+Inf;
	v24 =	vimm.f32 $+Inf;
	v25 =	vimm.f32 $+Inf  }
0x121: {  	s20 =	sadd.s32 $0xFFFFFFFF, s20;
	p1 =	por $0x1, $0x1;
	v26 =	vimm.f32 $+Inf;
	v32 =	vadd.f32 v19, v22;
	v22 =	vimm.f32 $+Inf;
	v19 =	vld [tilespmem:s19+$0x0]  }
.LBB2_23:
0x122: {  	p2 =	sne.s32 s20, $0x1;
	v21 =	vmin.f32 v21, v29;
	v29 =	vadd.f32 v34, v31;
	v28 =	vmul.f32 v28, v28  }
0x123: {  	v22 =	vmin.f32 v22, v30;
	v23 =	vmin.f32 v23, v32;
	v30 =	vadd.f32 v37, v33  }
0x124: {  	v24 =	vmin.f32 v24, v35;
	v25 =	vmin.f32 v25, v29;
	v28 =	vadd.f32 v28, v36  }
0x125: {  	v29 =	vsub.f32 v18, v12;
	v31 =	vsub.f32 v18, v13;
	v26 =	vmin.f32 v26, v30  }
0x126: {  	v30 =	vsub.f32 v18, v16;
	v32 =	vsub.f32 v19, v17;
	v27 =	vmin.f32 v27, v28  }
0x127: {  	v28 =	vsub.f32 v19, v15;
	v33 =	vsub.f32 v19, v14;
	v29 =	vmul.f32 v29, v29  }
0x128: {  	v34 =	vsub.f32 v18, v9;
	v30 =	vmul.f32 v30, v30;
	v32 =	vmul.f32 v32, v32  }
0x129: {  	v37 =	vsub.f32 v18, v6;
	v36 =	vsub.f32 v19, v11;
	v35 =	vmul.f32 v28, v28  }
0x12a: {  	v38 =	vsub.f32 v19, v10;
	v31 =	vmul.f32 v31, v31;
	v28 =	vadd.f32 v32, v30  }
0x12b: {  	v30 =	vmul.f32 v33, v33;
	v32 =	vsub.f32 v18, v4;
	v33 =	vsub.f32 v19, v8  }
0x12c: {  	v39 =	vsub.f32 v18, v3;
	v40 =	vsub.f32 v19, v7;
	v20 =	vmin.f32 v20, v28  }
.Ltmp15:
0x12d: {  	v41 =	vsub.f32 v18, v2;
	v34 =	vmul.f32 v34, v34;
	v28 =	vsub.f32 v19, v5;
	(pc) =	sbr.rel @p2 .LBB2_23-.Ltmp15, $4  }
0x12e: {  	v29 =	vadd.f32 v35, v29;
	v35 =	vmul.f32 v37, v37;
	v19 =	vmul.f32 v36, v36  }
0x12f: {  	s18 =	sadd.s32 $0x10, s18;
	v30 =	vadd.f32 v30, v31;
	v36 =	vmul.f32 v38, v38;
	v31 =	vmul.f32 v32, v32  }
0x130: {  	s19 =	sadd.s32 $0x10, s19;
	v32 =	vadd.f32 v19, v34;
	v34 =	vmul.f32 v33, v33;
	v33 =	vmul.f32 v39, v39;
	v18 =	vld [tilespmem:s18+$0x0]  }
0x131: {  	s20 =	sadd.s32 $0xFFFFFFFF, s20;
	v37 =	vmul.f32 v40, v40;
	v35 =	vadd.f32 v36, v35;
	v36 =	vmul.f32 v41, v41;
	v19 =	vld [tilespmem:s19+$0x0]  }
.LBB2_24:
0x132: {  	v21 =	vmin.f32 @p1 v21, v29;
	v29 =	vadd.f32 @p1 v34, v31;
	v28 =	vmul.f32 @p1 v28, v28  }
0x133: {  	v22 =	vmin.f32 @p1 v22, v30;
	v23 =	vmin.f32 @p1 v23, v32;
	v30 =	vadd.f32 @p1 v37, v33  }
0x134: {  	v24 =	vmin.f32 @p1 v24, v35;
	v58 =	vpsel p1, v22, v1;
	v28 =	vadd.f32 @p1 v28, v36  }
0x135: {  	v59 =	vpsel p1, v23, v1;
	v12 =	vsub.f32 v18, v12;
	v13 =	vsub.f32 v18, v13  }
0x136: {  	v25 =	vmin.f32 @p1 v25, v29;
	v16 =	vsub.f32 v18, v16;
	v9 =	vsub.f32 v18, v9  }
0x137: {  	v60 =	vpsel p1, v24, v1;
	v6 =	vsub.f32 v18, v6;
	v4 =	vsub.f32 v18, v4  }
0x138: {  	v26 =	vmin.f32 @p1 v26, v30;
	v57 =	vsub.f32 v18, v3;
	v2 =	vsub.f32 v18, v2  }
0x139: {  	v61 =	vpsel p1, v25, v1;
	v17 =	vsub.f32 v19, v17;
	v15 =	vsub.f32 v19, v15  }
0x13a: {  	v27 =	vmin.f32 @p1 v27, v28;
	v14 =	vsub.f32 v19, v14;
	v11 =	vsub.f32 v19, v11  }
0x13b: {  	v10 =	vsub.f32 v19, v10;
	v12 =	vmul.f32 v12, v12;
	v16 =	vmul.f32 v16, v16  }
0x13c: {  	v8 =	vsub.f32 v19, v8;
	v13 =	vmul.f32 v13, v13;
	v9 =	vmul.f32 v9, v9  }
0x13d: {  	v7 =	vsub.f32 v19, v7;
	v6 =	vmul.f32 v6, v6;
	v4 =	vmul.f32 v4, v4  }
0x13e: {  	v5 =	vsub.f32 v19, v5;
	v17 =	vmul.f32 v17, v17;
	v15 =	vmul.f32 v15, v15  }
0x13f: {  	v62 =	vpsel p1, v26, v1;
	v14 =	vmul.f32 v14, v14;
	v11 =	vmul.f32 v11, v11  }
0x140: {  	v63 =	vpsel p1, v27, v1;
	v10 =	vmul.f32 v10, v10;
	v8 =	vmul.f32 v8, v8  }
0x141: {  	v7 =	vmul.f32 v7, v7;
	v16 =	vadd.f32 v17, v16;
	v12 =	vadd.f32 v15, v12  }
0x142: {  	v5 =	vmul.f32 v5, v5;
	v13 =	vadd.f32 v14, v13;
	v9 =	vadd.f32 v11, v9  }
0x143: {  	v11 =	vmul.f32 v57, v57;
	v6 =	vadd.f32 v10, v6;
	v10 =	vmul.f32 v2, v2  }
0x144: {  	v2 =	vpsel p1, v21, v1;
	v8 =	vadd.f32 v8, v4;
	v3 =	vmin.f32 v20, v16  }
0x145: {  	v2 =	vmin.f32 v2, v12;
	v11 =	vadd.f32 v7, v11;
	v10 =	vadd.f32 v5, v10  }
0x146: {  	v4 =	vmin.f32 v58, v13;
	v5 =	vmin.f32 v59, v9;
	v6 =	vmin.f32 v60, v6  }
0x147: {  	v7 =	vmin.f32 v61, v8;
	v8 =	vmin.f32 v62, v11;
	v9 =	vmin.f32 v63, v10  }
.LBB2_25:
0x148: {  	[tilespmem:$0xB900] =	vst v2  }
0x149: {  	[tilespmem:$0xB980] =	vst v4  }
0x14a: {  	[tilespmem:$0xBA00] =	vst v5  }
.Ltmp16:
0x14b: {  	[tilespmem:$0xBA80] =	vst v6;
	(pc) =	sbr.rel @p0 .LBB2_26-.Ltmp16, $4  }
0x14c: {  	[tilespmem:$0xBB00] =	vst v7  }
0x14d: {  	[tilespmem:$0xBB80] =	vst v8  }
0x14e: {  	[tilespmem:$0xBC00] =	vst v9  }
0x14f: {  	[tilespmem:$0xBC80] =	vst v3  }
0x150: {  	v12 =	vld [tilespmem:$0xAA80]  }
0x151: {  	v13 =	vld [tilespmem:$0xAA90]  }
0x152: {  	v9 =	vld [tilespmem:$0xAAA0]  }
0x153: {  	v6 =	vld [tilespmem:$0xAAB0]  }
0x154: {  	v4 =	vld [tilespmem:$0xAAC0]  }
0x155: {  	v3 =	vld [tilespmem:$0xAAD0]  }
0x156: {  	v2 =	vld [tilespmem:$0xAAE0]  }
0x157: {  	v16 =	vld [tilespmem:$0xAAF0]  }
0x158: {  	v15 =	vld [tilespmem:$0xAE80]  }
0x159: {  	v14 =	vld [tilespmem:$0xAE90]  }
0x15a: {  	v11 =	vld [tilespmem:$0xAEA0]  }
0x15b: {  	v10 =	vld [tilespmem:$0xAEB0]  }
0x15c: {  	v8 =	vld [tilespmem:$0xAEC0];
	p2 =	sne.s32 s17, $0x1  }
.Ltmp17:
0x15d: {  	v7 =	vld [tilespmem:$0xAED0];
	(pc) =	sbr.rel @!p2 .LBB2_28-.Ltmp17, $4  }
0x15e: {  	v5 =	vld [tilespmem:$0xAEE0]  }
0x15f: {  	s18 =	simm.s32 $0x0;
	v17 =	vld [tilespmem:$0xAEF0]  }
0x160: {  	s19 =	simm.s32 $0x3880;
	v18 =	vld [tilespmem:s18+$0x0]  }
0x161: {  	s20 =	sadd.s32 $0xFFFFFFFF, s17;
	p1 =	por $0x0, $0x0;
	v19 =	vld [tilespmem:s19+$0x0]  }
0x162: {  	_ =	sdelay $0x2  }
0x163: {  	v20 =	vsub.f32 v18, v12;
	v21 =	vsub.f32 v18, v13  }
0x164: {  	v22 =	vsub.f32 v18, v16;
	v26 =	vsub.f32 v18, v9  }
0x165: {  	v35 =	vsub.f32 v18, v3;
	v23 =	vsub.f32 v19, v17  }
0x166: {  	v24 =	vsub.f32 v19, v15;
	v27 =	vsub.f32 v19, v11  }
0x167: {  	v31 =	vsub.f32 v19, v10;
	v33 =	vsub.f32 v19, v8;
	v25 =	vmul.f32 v20, v20  }
0x168: {  	v36 =	vsub.f32 v19, v7;
	v22 =	vmul.f32 v22, v22;
	v21 =	vmul.f32 v21, v21  }
0x169: {  	v28 =	vsub.f32 v19, v5;
	v23 =	vmul.f32 v23, v23;
	v24 =	vmul.f32 v24, v24  }
0x16a: {  	v20 =	vsub.f32 v19, v14;
	v19 =	vmul.f32 v27, v27;
	v34 =	vmul.f32 v33, v33  }
0x16b: {  	v30 =	vsub.f32 v18, v6;
	v33 =	vmul.f32 v35, v35;
	v37 =	vmul.f32 v36, v36  }
0x16c: {  	v32 =	vmul.f32 v20, v20;
	v22 =	vadd.f32 v23, v22;
	v23 =	vsub.f32 v18, v4  }
0x16d: {  	p2 =	sne.s32 s20, $0x1;
	v27 =	vimm.f32 $+Inf;
	v18 =	vsub.f32 v18, v2;
	v29 =	vadd.f32 v24, v25  }
.Ltmp18:
0x16e: {  	v24 =	vmul.f32 v30, v30;
	v25 =	vmul.f32 v31, v31;
	v30 =	vadd.f32 v32, v21;
	(pc) =	sbr.rel @!p2 .LBB2_30-.Ltmp18, $4  }
0x16f: {  	v21 =	vimm.f32 $+Inf;
	v20 =	vmin.f32 v1, v22;
	v22 =	vmul.f32 v26, v26  }
0x170: {  	s18 =	simm.s32 $0x10;
	v31 =	vmul.f32 v23, v23;
	v35 =	vadd.f32 v25, v24;
	v36 =	vmul.f32 v18, v18  }
0x171: {  	s19 =	simm.s32 $0x3890;
	v18 =	vld [tilespmem:s18+$0x0];
	v23 =	vimm.f32 $+Inf;
	v24 =	vimm.f32 $+Inf;
	v25 =	vimm.f32 $+Inf  }
0x172: {  	s20 =	sadd.s32 $0xFFFFFFFF, s20;
	p1 =	por $0x1, $0x1;
	v26 =	vimm.f32 $+Inf;
	v32 =	vadd.f32 v19, v22;
	v22 =	vimm.f32 $+Inf;
	v19 =	vld [tilespmem:s19+$0x0]  }
.LBB2_31:
0x173: {  	p2 =	sne.s32 s20, $0x1;
	v21 =	vmin.f32 v21, v29;
	v29 =	vadd.f32 v34, v31;
	v28 =	vmul.f32 v28, v28  }
0x174: {  	v22 =	vmin.f32 v22, v30;
	v23 =	vmin.f32 v23, v32;
	v30 =	vadd.f32 v37, v33  }
0x175: {  	v24 =	vmin.f32 v24, v35;
	v25 =	vmin.f32 v25, v29;
	v28 =	vadd.f32 v28, v36  }
0x176: {  	v29 =	vsub.f32 v18, v12;
	v31 =	vsub.f32 v18, v13;
	v26 =	vmin.f32 v26, v30  }
0x177: {  	v30 =	vsub.f32 v18, v16;
	v32 =	vsub.f32 v19, v17;
	v27 =	vmin.f32 v27, v28  }
0x178: {  	v28 =	vsub.f32 v19, v15;
	v33 =	vsub.f32 v19, v14;
	v29 =	vmul.f32 v29, v29  }
0x179: {  	v34 =	vsub.f32 v18, v9;
	v30 =	vmul.f32 v30, v30;
	v32 =	vmul.f32 v32, v32  }
0x17a: {  	v37 =	vsub.f32 v18, v6;
	v36 =	vsub.f32 v19, v11;
	v35 =	vmul.f32 v28, v28  }
0x17b: {  	v38 =	vsub.f32 v19, v10;
	v31 =	vmul.f32 v31, v31;
	v28 =	vadd.f32 v32, v30  }
0x17c: {  	v30 =	vmul.f32 v33, v33;
	v32 =	vsub.f32 v18, v4;
	v33 =	vsub.f32 v19, v8  }
0x17d: {  	v39 =	vsub.f32 v18, v3;
	v40 =	vsub.f32 v19, v7;
	v20 =	vmin.f32 v20, v28  }
.Ltmp19:
0x17e: {  	v41 =	vsub.f32 v18, v2;
	v34 =	vmul.f32 v34, v34;
	v28 =	vsub.f32 v19, v5;
	(pc) =	sbr.rel @p2 .LBB2_31-.Ltmp19, $4  }
0x17f: {  	v29 =	vadd.f32 v35, v29;
	v35 =	vmul.f32 v37, v37;
	v19 =	vmul.f32 v36, v36  }
0x180: {  	s18 =	sadd.s32 $0x10, s18;
	v30 =	vadd.f32 v30, v31;
	v36 =	vmul.f32 v38, v38;
	v31 =	vmul.f32 v32, v32  }
0x181: {  	s19 =	sadd.s32 $0x10, s19;
	v32 =	vadd.f32 v19, v34;
	v34 =	vmul.f32 v33, v33;
	v33 =	vmul.f32 v39, v39;
	v18 =	vld [tilespmem:s18+$0x0]  }
0x182: {  	s20 =	sadd.s32 $0xFFFFFFFF, s20;
	v37 =	vmul.f32 v40, v40;
	v35 =	vadd.f32 v36, v35;
	v36 =	vmul.f32 v41, v41;
	v19 =	vld [tilespmem:s19+$0x0]  }
.LBB2_32:
0x183: {  	v21 =	vmin.f32 @p1 v21, v29;
	v29 =	vadd.f32 @p1 v34, v31;
	v28 =	vmul.f32 @p1 v28, v28  }
0x184: {  	v22 =	vmin.f32 @p1 v22, v30;
	v23 =	vmin.f32 @p1 v23, v32;
	v30 =	vadd.f32 @p1 v37, v33  }
0x185: {  	v24 =	vmin.f32 @p1 v24, v35;
	v58 =	vpsel p1, v22, v1;
	v28 =	vadd.f32 @p1 v28, v36  }
0x186: {  	v59 =	vpsel p1, v23, v1;
	v12 =	vsub.f32 v18, v12;
	v13 =	vsub.f32 v18, v13  }
0x187: {  	v25 =	vmin.f32 @p1 v25, v29;
	v16 =	vsub.f32 v18, v16;
	v9 =	vsub.f32 v18, v9  }
0x188: {  	v60 =	vpsel p1, v24, v1;
	v6 =	vsub.f32 v18, v6;
	v4 =	vsub.f32 v18, v4  }
0x189: {  	v26 =	vmin.f32 @p1 v26, v30;
	v57 =	vsub.f32 v18, v3;
	v2 =	vsub.f32 v18, v2  }
0x18a: {  	v61 =	vpsel p1, v25, v1;
	v17 =	vsub.f32 v19, v17;
	v15 =	vsub.f32 v19, v15  }
0x18b: {  	v27 =	vmin.f32 @p1 v27, v28;
	v14 =	vsub.f32 v19, v14;
	v11 =	vsub.f32 v19, v11  }
0x18c: {  	v10 =	vsub.f32 v19, v10;
	v12 =	vmul.f32 v12, v12;
	v16 =	vmul.f32 v16, v16  }
0x18d: {  	v8 =	vsub.f32 v19, v8;
	v13 =	vmul.f32 v13, v13;
	v9 =	vmul.f32 v9, v9  }
0x18e: {  	v7 =	vsub.f32 v19, v7;
	v6 =	vmul.f32 v6, v6;
	v4 =	vmul.f32 v4, v4  }
0x18f: {  	v5 =	vsub.f32 v19, v5;
	v2 =	vmul.f32 v2, v2;
	v17 =	vmul.f32 v17, v17  }
0x190: {  	v62 =	vpsel p1, v26, v1;
	v15 =	vmul.f32 v15, v15;
	v14 =	vmul.f32 v14, v14  }
0x191: {  	v63 =	vpsel p1, v27, v1;
	v11 =	vmul.f32 v11, v11;
	v10 =	vmul.f32 v10, v10  }
0x192: {  	v8 =	vmul.f32 v8, v8;
	v7 =	vmul.f32 v7, v7;
	v16 =	vadd.f32 v17, v16  }
0x193: {  	v5 =	vmul.f32 v5, v5;
	v12 =	vadd.f32 v15, v12;
	v13 =	vadd.f32 v14, v13  }
.Ltmp20:
0x194: {  	v9 =	vadd.f32 v11, v9;
	v11 =	vmul.f32 v57, v57;
	v6 =	vadd.f32 v10, v6;
	(pc) =	sbr.rel .LBB2_33-.Ltmp20, $4  }
0x195: {  	v10 =	vpsel p1, v21, v1;
	v8 =	vadd.f32 v8, v4;
	v3 =	vmin.f32 v20, v16  }
0x196: {  	v1 =	vmin.f32 v10, v12;
	v10 =	vadd.f32 v7, v11;
	v11 =	vadd.f32 v5, v2  }
0x197: {  	v2 =	vmin.f32 v58, v13;
	v4 =	vmin.f32 v59, v9;
	v5 =	vmin.f32 v60, v6  }
0x198: {  	v7 =	vmin.f32 v61, v8;
	v8 =	vmin.f32 v62, v10;
	v6 =	vmin.f32 v63, v11  }
.LBB2_26:
0x199: {  	v2 =	vimm.f32 $+Inf  }
0x19a: {  	v4 =	vimm.f32 $+Inf;
	v5 =	vimm.f32 $+Inf;
	v7 =	vimm.f32 $+Inf  }
0x19b: {  	v8 =	vimm.f32 $+Inf;
	v6 =	vimm.f32 $+Inf;
	v3 =	vimm.f32 $+Inf  }
.LBB2_33:
0x19c: {  	[tilespmem:$0xBD00] =	vst v1  }
0x19d: {  	[tilespmem:$0xBD80] =	vst v2  }
0x19e: {  	[tilespmem:$0xBE00] =	vst v4  }
.Ltmp21:
0x19f: {  	[tilespmem:$0xBE80] =	vst v5;
	(pc) =	sbr.rel @p0 .LBB2_40-.Ltmp21, $4  }
0x1a0: {  	[tilespmem:$0xBF00] =	vst v7  }
0x1a1: {  	[tilespmem:$0xBF80] =	vst v8;
	v1 =	vimm.f32 $+Inf;
	v2 =	vimm.f32 $+Inf;
	v4 =	vimm.f32 $+Inf  }
0x1a2: {  	[tilespmem:$0xC000] =	vst v6;
	v5 =	vimm.f32 $+Inf;
	v6 =	vimm.f32 $+Inf;
	v7 =	vimm.f32 $+Inf  }
0x1a3: {  	[tilespmem:$0xC080] =	vst v3;
	v8 =	vimm.f32 $+Inf;
	v9 =	vimm.f32 $+Inf;
	v3 =	vimm.f32 $+Inf  }
0x1a4: {  	v12 =	vld [tilespmem:$0xAB00]  }
0x1a5: {  	v13 =	vld [tilespmem:$0xAB10]  }
0x1a6: {  	v9 =	vld [tilespmem:$0xAB20]  }
0x1a7: {  	v6 =	vld [tilespmem:$0xAB30]  }
0x1a8: {  	v4 =	vld [tilespmem:$0xAB40]  }
0x1a9: {  	v3 =	vld [tilespmem:$0xAB50]  }
0x1aa: {  	v2 =	vld [tilespmem:$0xAB60]  }
0x1ab: {  	v16 =	vld [tilespmem:$0xAB70]  }
0x1ac: {  	v15 =	vld [tilespmem:$0xAF00]  }
0x1ad: {  	v14 =	vld [tilespmem:$0xAF10]  }
0x1ae: {  	v11 =	vld [tilespmem:$0xAF20]  }
0x1af: {  	v10 =	vld [tilespmem:$0xAF30]  }
0x1b0: {  	v8 =	vld [tilespmem:$0xAF40];
	p2 =	sne.s32 s17, $0x1  }
.Ltmp22:
0x1b1: {  	v7 =	vld [tilespmem:$0xAF50];
	(pc) =	sbr.rel @!p2 .LBB2_35-.Ltmp22, $4  }
0x1b2: {  	v5 =	vld [tilespmem:$0xAF60]  }
0x1b3: {  	s18 =	simm.s32 $0x0;
	v17 =	vld [tilespmem:$0xAF70]  }
0x1b4: {  	s19 =	simm.s32 $0x3880;
	v18 =	vld [tilespmem:s18+$0x0]  }
0x1b5: {  	s20 =	sadd.s32 $0xFFFFFFFF, s17;
	p1 =	por $0x0, $0x0;
	v19 =	vld [tilespmem:s19+$0x0]  }
0x1b6: {  	_ =	sdelay $0x2  }
0x1b7: {  	v20 =	vsub.f32 v18, v12;
	v21 =	vsub.f32 v18, v13  }
0x1b8: {  	v22 =	vsub.f32 v18, v16;
	v26 =	vsub.f32 v18, v9  }
0x1b9: {  	v35 =	vsub.f32 v18, v3;
	v23 =	vsub.f32 v19, v17  }
0x1ba: {  	v24 =	vsub.f32 v19, v15;
	v27 =	vsub.f32 v19, v11  }
0x1bb: {  	v31 =	vsub.f32 v19, v10;
	v33 =	vsub.f32 v19, v8;
	v25 =	vmul.f32 v20, v20  }
0x1bc: {  	v36 =	vsub.f32 v19, v7;
	v22 =	vmul.f32 v22, v22;
	v21 =	vmul.f32 v21, v21  }
0x1bd: {  	v28 =	vsub.f32 v19, v5;
	v23 =	vmul.f32 v23, v23;
	v24 =	vmul.f32 v24, v24  }
0x1be: {  	v20 =	vsub.f32 v19, v14;
	v19 =	vmul.f32 v27, v27;
	v34 =	vmul.f32 v33, v33  }
0x1bf: {  	v30 =	vsub.f32 v18, v6;
	v33 =	vmul.f32 v35, v35;
	v37 =	vmul.f32 v36, v36  }
0x1c0: {  	v32 =	vmul.f32 v20, v20;
	v22 =	vadd.f32 v23, v22;
	v23 =	vsub.f32 v18, v4  }
0x1c1: {  	p2 =	sne.s32 s20, $0x1;
	v27 =	vimm.f32 $+Inf;
	v18 =	vsub.f32 v18, v2;
	v29 =	vadd.f32 v24, v25  }
.Ltmp23:
0x1c2: {  	v24 =	vmul.f32 v30, v30;
	v25 =	vmul.f32 v31, v31;
	v30 =	vadd.f32 v32, v21;
	(pc) =	sbr.rel @!p2 .LBB2_37-.Ltmp23, $4  }
0x1c3: {  	v21 =	vimm.f32 $+Inf;
	v20 =	vmin.f32 v1, v22;
	v22 =	vmul.f32 v26, v26  }
0x1c4: {  	s18 =	simm.s32 $0x10;
	v31 =	vmul.f32 v23, v23;
	v35 =	vadd.f32 v25, v24;
	v36 =	vmul.f32 v18, v18  }
0x1c5: {  	s19 =	simm.s32 $0x3890;
	v18 =	vld [tilespmem:s18+$0x0];
	v23 =	vimm.f32 $+Inf;
	v24 =	vimm.f32 $+Inf;
	v25 =	vimm.f32 $+Inf  }
0x1c6: {  	s20 =	sadd.s32 $0xFFFFFFFF, s20;
	p1 =	por $0x1, $0x1;
	v26 =	vimm.f32 $+Inf;
	v32 =	vadd.f32 v19, v22;
	v22 =	vimm.f32 $+Inf;
	v19 =	vld [tilespmem:s19+$0x0]  }
.LBB2_38:
0x1c7: {  	p2 =	sne.s32 s20, $0x1;
	v21 =	vmin.f32 v21, v29;
	v29 =	vadd.f32 v34, v31;
	v28 =	vmul.f32 v28, v28  }
0x1c8: {  	v22 =	vmin.f32 v22, v30;
	v23 =	vmin.f32 v23, v32;
	v30 =	vadd.f32 v37, v33  }
0x1c9: {  	v24 =	vmin.f32 v24, v35;
	v25 =	vmin.f32 v25, v29;
	v28 =	vadd.f32 v28, v36  }
0x1ca: {  	v29 =	vsub.f32 v18, v12;
	v31 =	vsub.f32 v18, v13;
	v26 =	vmin.f32 v26, v30  }
0x1cb: {  	v30 =	vsub.f32 v18, v16;
	v32 =	vsub.f32 v19, v17;
	v27 =	vmin.f32 v27, v28  }
0x1cc: {  	v28 =	vsub.f32 v19, v15;
	v33 =	vsub.f32 v19, v14;
	v29 =	vmul.f32 v29, v29  }
0x1cd: {  	v34 =	vsub.f32 v18, v9;
	v30 =	vmul.f32 v30, v30;
	v32 =	vmul.f32 v32, v32  }
0x1ce: {  	v37 =	vsub.f32 v18, v6;
	v36 =	vsub.f32 v19, v11;
	v35 =	vmul.f32 v28, v28  }
0x1cf: {  	v38 =	vsub.f32 v19, v10;
	v31 =	vmul.f32 v31, v31;
	v28 =	vadd.f32 v32, v30  }
0x1d0: {  	v30 =	vmul.f32 v33, v33;
	v32 =	vsub.f32 v18, v4;
	v33 =	vsub.f32 v19, v8  }
0x1d1: {  	v39 =	vsub.f32 v18, v3;
	v40 =	vsub.f32 v19, v7;
	v20 =	vmin.f32 v20, v28  }
.Ltmp24:
0x1d2: {  	v41 =	vsub.f32 v18, v2;
	v34 =	vmul.f32 v34, v34;
	v28 =	vsub.f32 v19, v5;
	(pc) =	sbr.rel @p2 .LBB2_38-.Ltmp24, $4  }
0x1d3: {  	v29 =	vadd.f32 v35, v29;
	v35 =	vmul.f32 v37, v37;
	v19 =	vmul.f32 v36, v36  }
0x1d4: {  	s18 =	sadd.s32 $0x10, s18;
	v30 =	vadd.f32 v30, v31;
	v36 =	vmul.f32 v38, v38;
	v31 =	vmul.f32 v32, v32  }
0x1d5: {  	s19 =	sadd.s32 $0x10, s19;
	v32 =	vadd.f32 v19, v34;
	v34 =	vmul.f32 v33, v33;
	v33 =	vmul.f32 v39, v39;
	v18 =	vld [tilespmem:s18+$0x0]  }
0x1d6: {  	s20 =	sadd.s32 $0xFFFFFFFF, s20;
	v37 =	vmul.f32 v40, v40;
	v35 =	vadd.f32 v36, v35;
	v36 =	vmul.f32 v41, v41;
	v19 =	vld [tilespmem:s19+$0x0]  }
.LBB2_39:
0x1d7: {  	v21 =	vmin.f32 @p1 v21, v29;
	v29 =	vadd.f32 @p1 v34, v31;
	v28 =	vmul.f32 @p1 v28, v28  }
0x1d8: {  	v22 =	vmin.f32 @p1 v22, v30;
	v23 =	vmin.f32 @p1 v23, v32;
	v30 =	vadd.f32 @p1 v37, v33  }
0x1d9: {  	v24 =	vmin.f32 @p1 v24, v35;
	v58 =	vpsel p1, v22, v1;
	v28 =	vadd.f32 @p1 v28, v36  }
0x1da: {  	v59 =	vpsel p1, v23, v1;
	v12 =	vsub.f32 v18, v12;
	v13 =	vsub.f32 v18, v13  }
0x1db: {  	v25 =	vmin.f32 @p1 v25, v29;
	v16 =	vsub.f32 v18, v16;
	v9 =	vsub.f32 v18, v9  }
0x1dc: {  	v60 =	vpsel p1, v24, v1;
	v6 =	vsub.f32 v18, v6;
	v4 =	vsub.f32 v18, v4  }
0x1dd: {  	v26 =	vmin.f32 @p1 v26, v30;
	v57 =	vsub.f32 v18, v3;
	v2 =	vsub.f32 v18, v2  }
0x1de: {  	v61 =	vpsel p1, v25, v1;
	v17 =	vsub.f32 v19, v17;
	v15 =	vsub.f32 v19, v15  }
0x1df: {  	v27 =	vmin.f32 @p1 v27, v28;
	v14 =	vsub.f32 v19, v14;
	v11 =	vsub.f32 v19, v11  }
0x1e0: {  	v10 =	vsub.f32 v19, v10;
	v12 =	vmul.f32 v12, v12;
	v16 =	vmul.f32 v16, v16  }
0x1e1: {  	v8 =	vsub.f32 v19, v8;
	v13 =	vmul.f32 v13, v13;
	v9 =	vmul.f32 v9, v9  }
0x1e2: {  	v7 =	vsub.f32 v19, v7;
	v6 =	vmul.f32 v6, v6;
	v4 =	vmul.f32 v4, v4  }
0x1e3: {  	v5 =	vsub.f32 v19, v5;
	v17 =	vmul.f32 v17, v17;
	v15 =	vmul.f32 v15, v15  }
0x1e4: {  	v62 =	vpsel p1, v26, v1;
	v14 =	vmul.f32 v14, v14;
	v11 =	vmul.f32 v11, v11  }
0x1e5: {  	v63 =	vpsel p1, v27, v1;
	v10 =	vmul.f32 v10, v10;
	v8 =	vmul.f32 v8, v8  }
0x1e6: {  	v7 =	vmul.f32 v7, v7;
	v16 =	vadd.f32 v17, v16;
	v12 =	vadd.f32 v15, v12  }
0x1e7: {  	v5 =	vmul.f32 v5, v5;
	v13 =	vadd.f32 v14, v13;
	v9 =	vadd.f32 v11, v9  }
0x1e8: {  	v11 =	vmul.f32 v57, v57;
	v6 =	vadd.f32 v10, v6;
	v10 =	vmul.f32 v2, v2  }
0x1e9: {  	v2 =	vpsel p1, v21, v1;
	v8 =	vadd.f32 v8, v4;
	v3 =	vmin.f32 v20, v16  }
0x1ea: {  	v2 =	vmin.f32 v2, v12;
	v11 =	vadd.f32 v7, v11;
	v10 =	vadd.f32 v5, v10  }
0x1eb: {  	v4 =	vmin.f32 v58, v13;
	v5 =	vmin.f32 v59, v9;
	v6 =	vmin.f32 v60, v6  }
0x1ec: {  	v7 =	vmin.f32 v61, v8;
	v8 =	vmin.f32 v62, v11;
	v9 =	vmin.f32 v63, v10  }
.LBB2_40:
0x1ed: {  	[tilespmem:$0xC100] =	vst v2  }
0x1ee: {  	[tilespmem:$0xC180] =	vst v4  }
0x1ef: {  	[tilespmem:$0xC200] =	vst v5  }
.Ltmp25:
0x1f0: {  	[tilespmem:$0xC280] =	vst v6;
	(pc) =	sbr.rel @p0 .LBB2_41-.Ltmp25, $4  }
0x1f1: {  	[tilespmem:$0xC300] =	vst v7  }
0x1f2: {  	[tilespmem:$0xC380] =	vst v8  }
0x1f3: {  	[tilespmem:$0xC400] =	vst v9  }
0x1f4: {  	[tilespmem:$0xC480] =	vst v3  }
0x1f5: {  	v12 =	vld [tilespmem:$0xAB80]  }
0x1f6: {  	v13 =	vld [tilespmem:$0xAB90]  }
0x1f7: {  	v9 =	vld [tilespmem:$0xABA0]  }
0x1f8: {  	v6 =	vld [tilespmem:$0xABB0]  }
0x1f9: {  	v4 =	vld [tilespmem:$0xABC0]  }
0x1fa: {  	v3 =	vld [tilespmem:$0xABD0]  }
0x1fb: {  	v2 =	vld [tilespmem:$0xABE0]  }
0x1fc: {  	v16 =	vld [tilespmem:$0xABF0]  }
0x1fd: {  	v15 =	vld [tilespmem:$0xAF80]  }
0x1fe: {  	v14 =	vld [tilespmem:$0xAF90]  }
0x1ff: {  	v11 =	vld [tilespmem:$0xAFA0]  }
0x200: {  	v10 =	vld [tilespmem:$0xAFB0]  }
0x201: {  	v8 =	vld [tilespmem:$0xAFC0];
	p2 =	sne.s32 s17, $0x1  }
.Ltmp26:
0x202: {  	v7 =	vld [tilespmem:$0xAFD0];
	(pc) =	sbr.rel @!p2 .LBB2_43-.Ltmp26, $4  }
0x203: {  	v5 =	vld [tilespmem:$0xAFE0]  }
0x204: {  	s18 =	simm.s32 $0x0;
	v17 =	vld [tilespmem:$0xAFF0]  }
0x205: {  	s19 =	simm.s32 $0x3880;
	v18 =	vld [tilespmem:s18+$0x0]  }
0x206: {  	s20 =	sadd.s32 $0xFFFFFFFF, s17;
	p1 =	por $0x0, $0x0;
	v19 =	vld [tilespmem:s19+$0x0]  }
0x207: {  	_ =	sdelay $0x2  }
0x208: {  	v20 =	vsub.f32 v18, v12;
	v21 =	vsub.f32 v18, v13  }
0x209: {  	v22 =	vsub.f32 v18, v16;
	v26 =	vsub.f32 v18, v9  }
0x20a: {  	v35 =	vsub.f32 v18, v3;
	v23 =	vsub.f32 v19, v17  }
0x20b: {  	v24 =	vsub.f32 v19, v15;
	v27 =	vsub.f32 v19, v11  }
0x20c: {  	v31 =	vsub.f32 v19, v10;
	v33 =	vsub.f32 v19, v8;
	v25 =	vmul.f32 v20, v20  }
0x20d: {  	v36 =	vsub.f32 v19, v7;
	v22 =	vmul.f32 v22, v22;
	v21 =	vmul.f32 v21, v21  }
0x20e: {  	v28 =	vsub.f32 v19, v5;
	v23 =	vmul.f32 v23, v23;
	v24 =	vmul.f32 v24, v24  }
0x20f: {  	v20 =	vsub.f32 v19, v14;
	v19 =	vmul.f32 v27, v27;
	v34 =	vmul.f32 v33, v33  }
0x210: {  	v30 =	vsub.f32 v18, v6;
	v33 =	vmul.f32 v35, v35;
	v37 =	vmul.f32 v36, v36  }
0x211: {  	v32 =	vmul.f32 v20, v20;
	v22 =	vadd.f32 v23, v22;
	v23 =	vsub.f32 v18, v4  }
0x212: {  	p2 =	sne.s32 s20, $0x1;
	v27 =	vimm.f32 $+Inf;
	v18 =	vsub.f32 v18, v2;
	v29 =	vadd.f32 v24, v25  }
.Ltmp27:
0x213: {  	v24 =	vmul.f32 v30, v30;
	v25 =	vmul.f32 v31, v31;
	v30 =	vadd.f32 v32, v21;
	(pc) =	sbr.rel @!p2 .LBB2_45-.Ltmp27, $4  }
0x214: {  	v21 =	vimm.f32 $+Inf;
	v20 =	vmin.f32 v1, v22;
	v22 =	vmul.f32 v26, v26  }
0x215: {  	s18 =	simm.s32 $0x10;
	v31 =	vmul.f32 v23, v23;
	v35 =	vadd.f32 v25, v24;
	v36 =	vmul.f32 v18, v18  }
0x216: {  	s19 =	simm.s32 $0x3890;
	v18 =	vld [tilespmem:s18+$0x0];
	v23 =	vimm.f32 $+Inf;
	v24 =	vimm.f32 $+Inf;
	v25 =	vimm.f32 $+Inf  }
0x217: {  	s20 =	sadd.s32 $0xFFFFFFFF, s20;
	p1 =	por $0x1, $0x1;
	v26 =	vimm.f32 $+Inf;
	v32 =	vadd.f32 v19, v22;
	v22 =	vimm.f32 $+Inf;
	v19 =	vld [tilespmem:s19+$0x0]  }
.LBB2_46:
0x218: {  	p2 =	sne.s32 s20, $0x1;
	v21 =	vmin.f32 v21, v29;
	v29 =	vadd.f32 v34, v31;
	v28 =	vmul.f32 v28, v28  }
0x219: {  	v22 =	vmin.f32 v22, v30;
	v23 =	vmin.f32 v23, v32;
	v30 =	vadd.f32 v37, v33  }
0x21a: {  	v24 =	vmin.f32 v24, v35;
	v25 =	vmin.f32 v25, v29;
	v28 =	vadd.f32 v28, v36  }
0x21b: {  	v29 =	vsub.f32 v18, v12;
	v31 =	vsub.f32 v18, v13;
	v26 =	vmin.f32 v26, v30  }
0x21c: {  	v30 =	vsub.f32 v18, v16;
	v32 =	vsub.f32 v19, v17;
	v27 =	vmin.f32 v27, v28  }
0x21d: {  	v28 =	vsub.f32 v19, v15;
	v33 =	vsub.f32 v19, v14;
	v29 =	vmul.f32 v29, v29  }
0x21e: {  	v34 =	vsub.f32 v18, v9;
	v30 =	vmul.f32 v30, v30;
	v32 =	vmul.f32 v32, v32  }
0x21f: {  	v37 =	vsub.f32 v18, v6;
	v36 =	vsub.f32 v19, v11;
	v35 =	vmul.f32 v28, v28  }
0x220: {  	v38 =	vsub.f32 v19, v10;
	v31 =	vmul.f32 v31, v31;
	v28 =	vadd.f32 v32, v30  }
0x221: {  	v30 =	vmul.f32 v33, v33;
	v32 =	vsub.f32 v18, v4;
	v33 =	vsub.f32 v19, v8  }
0x222: {  	v39 =	vsub.f32 v18, v3;
	v40 =	vsub.f32 v19, v7;
	v20 =	vmin.f32 v20, v28  }
.Ltmp28:
0x223: {  	v41 =	vsub.f32 v18, v2;
	v34 =	vmul.f32 v34, v34;
	v28 =	vsub.f32 v19, v5;
	(pc) =	sbr.rel @p2 .LBB2_46-.Ltmp28, $4  }
0x224: {  	v29 =	vadd.f32 v35, v29;
	v35 =	vmul.f32 v37, v37;
	v19 =	vmul.f32 v36, v36  }
0x225: {  	s18 =	sadd.s32 $0x10, s18;
	v30 =	vadd.f32 v30, v31;
	v36 =	vmul.f32 v38, v38;
	v31 =	vmul.f32 v32, v32  }
0x226: {  	s19 =	sadd.s32 $0x10, s19;
	v32 =	vadd.f32 v19, v34;
	v34 =	vmul.f32 v33, v33;
	v33 =	vmul.f32 v39, v39;
	v18 =	vld [tilespmem:s18+$0x0]  }
0x227: {  	s20 =	sadd.s32 $0xFFFFFFFF, s20;
	v37 =	vmul.f32 v40, v40;
	v35 =	vadd.f32 v36, v35;
	v36 =	vmul.f32 v41, v41;
	v19 =	vld [tilespmem:s19+$0x0]  }
.LBB2_47:
0x228: {  	v21 =	vmin.f32 @p1 v21, v29;
	v29 =	vadd.f32 @p1 v34, v31;
	v28 =	vmul.f32 @p1 v28, v28  }
0x229: {  	v22 =	vmin.f32 @p1 v22, v30;
	v23 =	vmin.f32 @p1 v23, v32;
	v30 =	vadd.f32 @p1 v37, v33  }
0x22a: {  	v24 =	vmin.f32 @p1 v24, v35;
	v58 =	vpsel p1, v22, v1;
	v28 =	vadd.f32 @p1 v28, v36  }
0x22b: {  	v59 =	vpsel p1, v23, v1;
	v12 =	vsub.f32 v18, v12;
	v13 =	vsub.f32 v18, v13  }
0x22c: {  	v25 =	vmin.f32 @p1 v25, v29;
	v16 =	vsub.f32 v18, v16;
	v9 =	vsub.f32 v18, v9  }
0x22d: {  	v60 =	vpsel p1, v24, v1;
	v6 =	vsub.f32 v18, v6;
	v4 =	vsub.f32 v18, v4  }
0x22e: {  	v26 =	vmin.f32 @p1 v26, v30;
	v57 =	vsub.f32 v18, v3;
	v2 =	vsub.f32 v18, v2  }
0x22f: {  	v61 =	vpsel p1, v25, v1;
	v17 =	vsub.f32 v19, v17;
	v15 =	vsub.f32 v19, v15  }
0x230: {  	v27 =	vmin.f32 @p1 v27, v28;
	v14 =	vsub.f32 v19, v14;
	v11 =	vsub.f32 v19, v11  }
0x231: {  	v10 =	vsub.f32 v19, v10;
	v12 =	vmul.f32 v12, v12;
	v16 =	vmul.f32 v16, v16  }
0x232: {  	v8 =	vsub.f32 v19, v8;
	v13 =	vmul.f32 v13, v13;
	v9 =	vmul.f32 v9, v9  }
0x233: {  	v7 =	vsub.f32 v19, v7;
	v6 =	vmul.f32 v6, v6;
	v4 =	vmul.f32 v4, v4  }
0x234: {  	v5 =	vsub.f32 v19, v5;
	v2 =	vmul.f32 v2, v2;
	v17 =	vmul.f32 v17, v17  }
0x235: {  	v62 =	vpsel p1, v26, v1;
	v15 =	vmul.f32 v15, v15;
	v14 =	vmul.f32 v14, v14  }
0x236: {  	v63 =	vpsel p1, v27, v1;
	v11 =	vmul.f32 v11, v11;
	v10 =	vmul.f32 v10, v10  }
0x237: {  	v8 =	vmul.f32 v8, v8;
	v7 =	vmul.f32 v7, v7;
	v16 =	vadd.f32 v17, v16  }
0x238: {  	v5 =	vmul.f32 v5, v5;
	v12 =	vadd.f32 v15, v12;
	v13 =	vadd.f32 v14, v13  }
.Ltmp29:
0x239: {  	v9 =	vadd.f32 v11, v9;
	v11 =	vmul.f32 v57, v57;
	v6 =	vadd.f32 v10, v6;
	(pc) =	sbr.rel .LBB2_48-.Ltmp29, $4  }
0x23a: {  	v10 =	vpsel p1, v21, v1;
	v8 =	vadd.f32 v8, v4;
	v3 =	vmin.f32 v20, v16  }
0x23b: {  	v1 =	vmin.f32 v10, v12;
	v10 =	vadd.f32 v7, v11;
	v11 =	vadd.f32 v5, v2  }
0x23c: {  	v2 =	vmin.f32 v58, v13;
	v4 =	vmin.f32 v59, v9;
	v5 =	vmin.f32 v60, v6  }
0x23d: {  	v7 =	vmin.f32 v61, v8;
	v8 =	vmin.f32 v62, v10;
	v6 =	vmin.f32 v63, v11  }
.LBB2_41:
0x23e: {  	v2 =	vimm.f32 $+Inf  }
0x23f: {  	v4 =	vimm.f32 $+Inf;
	v5 =	vimm.f32 $+Inf;
	v7 =	vimm.f32 $+Inf  }
0x240: {  	v8 =	vimm.f32 $+Inf;
	v6 =	vimm.f32 $+Inf;
	v3 =	vimm.f32 $+Inf  }
.LBB2_48:
0x241: {  	[tilespmem:$0xC500] =	vst v1  }
0x242: {  	[tilespmem:$0xC580] =	vst v2  }
0x243: {  	[tilespmem:$0xC600] =	vst v4  }
.Ltmp30:
0x244: {  	[tilespmem:$0xC680] =	vst v5;
	(pc) =	sbr.rel @p0 .LBB2_55-.Ltmp30, $4  }
0x245: {  	[tilespmem:$0xC700] =	vst v7  }
0x246: {  	[tilespmem:$0xC780] =	vst v8;
	v1 =	vimm.f32 $+Inf;
	v2 =	vimm.f32 $+Inf;
	v4 =	vimm.f32 $+Inf  }
0x247: {  	[tilespmem:$0xC800] =	vst v6;
	v5 =	vimm.f32 $+Inf;
	v6 =	vimm.f32 $+Inf;
	v7 =	vimm.f32 $+Inf  }
0x248: {  	[tilespmem:$0xC880] =	vst v3;
	v8 =	vimm.f32 $+Inf;
	v9 =	vimm.f32 $+Inf;
	v3 =	vimm.f32 $+Inf  }
0x249: {  	v12 =	vld [tilespmem:$0xAC00]  }
0x24a: {  	v13 =	vld [tilespmem:$0xAC10]  }
0x24b: {  	v9 =	vld [tilespmem:$0xAC20]  }
0x24c: {  	v6 =	vld [tilespmem:$0xAC30]  }
0x24d: {  	v4 =	vld [tilespmem:$0xAC40]  }
0x24e: {  	v3 =	vld [tilespmem:$0xAC50]  }
0x24f: {  	v2 =	vld [tilespmem:$0xAC60]  }
0x250: {  	v16 =	vld [tilespmem:$0xAC70]  }
0x251: {  	v15 =	vld [tilespmem:$0xB000]  }
0x252: {  	v14 =	vld [tilespmem:$0xB010]  }
0x253: {  	v11 =	vld [tilespmem:$0xB020]  }
0x254: {  	v10 =	vld [tilespmem:$0xB030]  }
0x255: {  	v8 =	vld [tilespmem:$0xB040];
	p2 =	sne.s32 s17, $0x1  }
.Ltmp31:
0x256: {  	v7 =	vld [tilespmem:$0xB050];
	(pc) =	sbr.rel @!p2 .LBB2_50-.Ltmp31, $4  }
0x257: {  	v5 =	vld [tilespmem:$0xB060]  }
0x258: {  	s18 =	simm.s32 $0x0;
	v17 =	vld [tilespmem:$0xB070]  }
0x259: {  	s19 =	simm.s32 $0x3880;
	v18 =	vld [tilespmem:s18+$0x0]  }
0x25a: {  	s20 =	sadd.s32 $0xFFFFFFFF, s17;
	p1 =	por $0x0, $0x0;
	v19 =	vld [tilespmem:s19+$0x0]  }
0x25b: {  	_ =	sdelay $0x2  }
0x25c: {  	v20 =	vsub.f32 v18, v12;
	v21 =	vsub.f32 v18, v13  }
0x25d: {  	v22 =	vsub.f32 v18, v16;
	v26 =	vsub.f32 v18, v9  }
0x25e: {  	v35 =	vsub.f32 v18, v3;
	v23 =	vsub.f32 v19, v17  }
0x25f: {  	v24 =	vsub.f32 v19, v15;
	v27 =	vsub.f32 v19, v11  }
0x260: {  	v31 =	vsub.f32 v19, v10;
	v33 =	vsub.f32 v19, v8;
	v25 =	vmul.f32 v20, v20  }
0x261: {  	v36 =	vsub.f32 v19, v7;
	v22 =	vmul.f32 v22, v22;
	v21 =	vmul.f32 v21, v21  }
0x262: {  	v28 =	vsub.f32 v19, v5;
	v23 =	vmul.f32 v23, v23;
	v24 =	vmul.f32 v24, v24  }
0x263: {  	v20 =	vsub.f32 v19, v14;
	v19 =	vmul.f32 v27, v27;
	v34 =	vmul.f32 v33, v33  }
0x264: {  	v30 =	vsub.f32 v18, v6;
	v33 =	vmul.f32 v35, v35;
	v37 =	vmul.f32 v36, v36  }
0x265: {  	v32 =	vmul.f32 v20, v20;
	v22 =	vadd.f32 v23, v22;
	v23 =	vsub.f32 v18, v4  }
0x266: {  	p2 =	sne.s32 s20, $0x1;
	v27 =	vimm.f32 $+Inf;
	v18 =	vsub.f32 v18, v2;
	v29 =	vadd.f32 v24, v25  }
.Ltmp32:
0x267: {  	v24 =	vmul.f32 v30, v30;
	v25 =	vmul.f32 v31, v31;
	v30 =	vadd.f32 v32, v21;
	(pc) =	sbr.rel @!p2 .LBB2_52-.Ltmp32, $4  }
0x268: {  	v21 =	vimm.f32 $+Inf;
	v20 =	vmin.f32 v1, v22;
	v22 =	vmul.f32 v26, v26  }
0x269: {  	s18 =	simm.s32 $0x10;
	v31 =	vmul.f32 v23, v23;
	v35 =	vadd.f32 v25, v24;
	v36 =	vmul.f32 v18, v18  }
0x26a: {  	s19 =	simm.s32 $0x3890;
	v18 =	vld [tilespmem:s18+$0x0];
	v23 =	vimm.f32 $+Inf;
	v24 =	vimm.f32 $+Inf;
	v25 =	vimm.f32 $+Inf  }
0x26b: {  	s20 =	sadd.s32 $0xFFFFFFFF, s20;
	p1 =	por $0x1, $0x1;
	v26 =	vimm.f32 $+Inf;
	v32 =	vadd.f32 v19, v22;
	v22 =	vimm.f32 $+Inf;
	v19 =	vld [tilespmem:s19+$0x0]  }
.LBB2_53:
0x26c: {  	p2 =	sne.s32 s20, $0x1;
	v21 =	vmin.f32 v21, v29;
	v29 =	vadd.f32 v34, v31;
	v28 =	vmul.f32 v28, v28  }
0x26d: {  	v22 =	vmin.f32 v22, v30;
	v23 =	vmin.f32 v23, v32;
	v30 =	vadd.f32 v37, v33  }
0x26e: {  	v24 =	vmin.f32 v24, v35;
	v25 =	vmin.f32 v25, v29;
	v28 =	vadd.f32 v28, v36  }
0x26f: {  	v29 =	vsub.f32 v18, v12;
	v31 =	vsub.f32 v18, v13;
	v26 =	vmin.f32 v26, v30  }
0x270: {  	v30 =	vsub.f32 v18, v16;
	v32 =	vsub.f32 v19, v17;
	v27 =	vmin.f32 v27, v28  }
0x271: {  	v28 =	vsub.f32 v19, v15;
	v33 =	vsub.f32 v19, v14;
	v29 =	vmul.f32 v29, v29  }
0x272: {  	v34 =	vsub.f32 v18, v9;
	v30 =	vmul.f32 v30, v30;
	v32 =	vmul.f32 v32, v32  }
0x273: {  	v37 =	vsub.f32 v18, v6;
	v36 =	vsub.f32 v19, v11;
	v35 =	vmul.f32 v28, v28  }
0x274: {  	v38 =	vsub.f32 v19, v10;
	v31 =	vmul.f32 v31, v31;
	v28 =	vadd.f32 v32, v30  }
0x275: {  	v30 =	vmul.f32 v33, v33;
	v32 =	vsub.f32 v18, v4;
	v33 =	vsub.f32 v19, v8  }
0x276: {  	v39 =	vsub.f32 v18, v3;
	v40 =	vsub.f32 v19, v7;
	v20 =	vmin.f32 v20, v28  }
.Ltmp33:
0x277: {  	v41 =	vsub.f32 v18, v2;
	v34 =	vmul.f32 v34, v34;
	v28 =	vsub.f32 v19, v5;
	(pc) =	sbr.rel @p2 .LBB2_53-.Ltmp33, $4  }
0x278: {  	v29 =	vadd.f32 v35, v29;
	v35 =	vmul.f32 v37, v37;
	v19 =	vmul.f32 v36, v36  }
0x279: {  	s18 =	sadd.s32 $0x10, s18;
	v30 =	vadd.f32 v30, v31;
	v36 =	vmul.f32 v38, v38;
	v31 =	vmul.f32 v32, v32  }
0x27a: {  	s19 =	sadd.s32 $0x10, s19;
	v32 =	vadd.f32 v19, v34;
	v34 =	vmul.f32 v33, v33;
	v33 =	vmul.f32 v39, v39;
	v18 =	vld [tilespmem:s18+$0x0]  }
0x27b: {  	s20 =	sadd.s32 $0xFFFFFFFF, s20;
	v37 =	vmul.f32 v40, v40;
	v35 =	vadd.f32 v36, v35;
	v36 =	vmul.f32 v41, v41;
	v19 =	vld [tilespmem:s19+$0x0]  }
.LBB2_54:
0x27c: {  	v21 =	vmin.f32 @p1 v21, v29;
	v29 =	vadd.f32 @p1 v34, v31;
	v28 =	vmul.f32 @p1 v28, v28  }
0x27d: {  	v22 =	vmin.f32 @p1 v22, v30;
	v23 =	vmin.f32 @p1 v23, v32;
	v30 =	vadd.f32 @p1 v37, v33  }
0x27e: {  	v24 =	vmin.f32 @p1 v24, v35;
	v58 =	vpsel p1, v22, v1;
	v28 =	vadd.f32 @p1 v28, v36  }
0x27f: {  	v59 =	vpsel p1, v23, v1;
	v12 =	vsub.f32 v18, v12;
	v13 =	vsub.f32 v18, v13  }
0x280: {  	v25 =	vmin.f32 @p1 v25, v29;
	v16 =	vsub.f32 v18, v16;
	v9 =	vsub.f32 v18, v9  }
0x281: {  	v60 =	vpsel p1, v24, v1;
	v6 =	vsub.f32 v18, v6;
	v4 =	vsub.f32 v18, v4  }
0x282: {  	v26 =	vmin.f32 @p1 v26, v30;
	v57 =	vsub.f32 v18, v3;
	v2 =	vsub.f32 v18, v2  }
0x283: {  	v61 =	vpsel p1, v25, v1;
	v17 =	vsub.f32 v19, v17;
	v15 =	vsub.f32 v19, v15  }
0x284: {  	v27 =	vmin.f32 @p1 v27, v28;
	v14 =	vsub.f32 v19, v14;
	v11 =	vsub.f32 v19, v11  }
0x285: {  	v10 =	vsub.f32 v19, v10;
	v12 =	vmul.f32 v12, v12;
	v16 =	vmul.f32 v16, v16  }
0x286: {  	v8 =	vsub.f32 v19, v8;
	v13 =	vmul.f32 v13, v13;
	v9 =	vmul.f32 v9, v9  }
0x287: {  	v7 =	vsub.f32 v19, v7;
	v6 =	vmul.f32 v6, v6;
	v4 =	vmul.f32 v4, v4  }
0x288: {  	v5 =	vsub.f32 v19, v5;
	v17 =	vmul.f32 v17, v17;
	v15 =	vmul.f32 v15, v15  }
0x289: {  	v62 =	vpsel p1, v26, v1;
	v14 =	vmul.f32 v14, v14;
	v11 =	vmul.f32 v11, v11  }
0x28a: {  	v63 =	vpsel p1, v27, v1;
	v10 =	vmul.f32 v10, v10;
	v8 =	vmul.f32 v8, v8  }
0x28b: {  	v7 =	vmul.f32 v7, v7;
	v16 =	vadd.f32 v17, v16;
	v12 =	vadd.f32 v15, v12  }
0x28c: {  	v5 =	vmul.f32 v5, v5;
	v13 =	vadd.f32 v14, v13;
	v9 =	vadd.f32 v11, v9  }
0x28d: {  	v11 =	vmul.f32 v57, v57;
	v6 =	vadd.f32 v10, v6;
	v10 =	vmul.f32 v2, v2  }
0x28e: {  	v2 =	vpsel p1, v21, v1;
	v8 =	vadd.f32 v8, v4;
	v3 =	vmin.f32 v20, v16  }
0x28f: {  	v2 =	vmin.f32 v2, v12;
	v11 =	vadd.f32 v7, v11;
	v10 =	vadd.f32 v5, v10  }
0x290: {  	v4 =	vmin.f32 v58, v13;
	v5 =	vmin.f32 v59, v9;
	v6 =	vmin.f32 v60, v6  }
0x291: {  	v7 =	vmin.f32 v61, v8;
	v8 =	vmin.f32 v62, v11;
	v9 =	vmin.f32 v63, v10  }
.LBB2_55:
0x292: {  	[tilespmem:$0xC900] =	vst v2  }
0x293: {  	[tilespmem:$0xC980] =	vst v4  }
0x294: {  	[tilespmem:$0xCA00] =	vst v5  }
.Ltmp34:
0x295: {  	[tilespmem:$0xCA80] =	vst v6;
	(pc) =	sbr.rel @p0 .LBB2_56-.Ltmp34, $4  }
0x296: {  	[tilespmem:$0xCB00] =	vst v7  }
0x297: {  	[tilespmem:$0xCB80] =	vst v8  }
0x298: {  	[tilespmem:$0xCC00] =	vst v9  }
0x299: {  	[tilespmem:$0xCC80] =	vst v3  }
0x29a: {  	v12 =	vld [tilespmem:$0xAC80]  }
0x29b: {  	v13 =	vld [tilespmem:$0xAC90]  }
0x29c: {  	v9 =	vld [tilespmem:$0xACA0]  }
0x29d: {  	v6 =	vld [tilespmem:$0xACB0]  }
0x29e: {  	v4 =	vld [tilespmem:$0xACC0]  }
0x29f: {  	v3 =	vld [tilespmem:$0xACD0]  }
0x2a0: {  	v2 =	vld [tilespmem:$0xACE0]  }
0x2a1: {  	v16 =	vld [tilespmem:$0xACF0]  }
0x2a2: {  	v15 =	vld [tilespmem:$0xB080]  }
0x2a3: {  	v14 =	vld [tilespmem:$0xB090]  }
0x2a4: {  	v11 =	vld [tilespmem:$0xB0A0]  }
0x2a5: {  	v10 =	vld [tilespmem:$0xB0B0]  }
0x2a6: {  	v8 =	vld [tilespmem:$0xB0C0];
	p1 =	sne.s32 s17, $0x1  }
.Ltmp35:
0x2a7: {  	v7 =	vld [tilespmem:$0xB0D0];
	(pc) =	sbr.rel @!p1 .LBB2_58-.Ltmp35, $4  }
0x2a8: {  	v5 =	vld [tilespmem:$0xB0E0]  }
0x2a9: {  	s18 =	simm.s32 $0x0;
	v17 =	vld [tilespmem:$0xB0F0]  }
0x2aa: {  	s19 =	simm.s32 $0x3880;
	v18 =	vld [tilespmem:s18+$0x0]  }
0x2ab: {  	p0 =	por $0x0, $0x0;
	v19 =	vld [tilespmem:s19+$0x0];
	s19 =	sadd.s32 $0xFFFFFFFF, s17  }
0x2ac: {  	_ =	sdelay $0x2  }
0x2ad: {  	v20 =	vsub.f32 v18, v12;
	v21 =	vsub.f32 v18, v13  }
0x2ae: {  	v22 =	vsub.f32 v18, v16;
	v26 =	vsub.f32 v18, v9  }
0x2af: {  	v35 =	vsub.f32 v18, v3;
	v23 =	vsub.f32 v19, v17  }
0x2b0: {  	v24 =	vsub.f32 v19, v15;
	v27 =	vsub.f32 v19, v11  }
0x2b1: {  	v31 =	vsub.f32 v19, v10;
	v33 =	vsub.f32 v19, v8;
	v25 =	vmul.f32 v20, v20  }
0x2b2: {  	v36 =	vsub.f32 v19, v7;
	v22 =	vmul.f32 v22, v22;
	v21 =	vmul.f32 v21, v21  }
0x2b3: {  	v28 =	vsub.f32 v19, v5;
	v23 =	vmul.f32 v23, v23;
	v24 =	vmul.f32 v24, v24  }
0x2b4: {  	v20 =	vsub.f32 v19, v14;
	v19 =	vmul.f32 v27, v27;
	v34 =	vmul.f32 v33, v33  }
0x2b5: {  	v30 =	vsub.f32 v18, v6;
	v33 =	vmul.f32 v35, v35;
	v37 =	vmul.f32 v36, v36  }
0x2b6: {  	v32 =	vmul.f32 v20, v20;
	v22 =	vadd.f32 v23, v22;
	v23 =	vsub.f32 v18, v4  }
0x2b7: {  	p1 =	sne.s32 s19, $0x1;
	v27 =	vimm.f32 $+Inf;
	v18 =	vsub.f32 v18, v2;
	v29 =	vadd.f32 v24, v25  }
.Ltmp36:
0x2b8: {  	v24 =	vmul.f32 v30, v30;
	v25 =	vmul.f32 v31, v31;
	v30 =	vadd.f32 v32, v21;
	(pc) =	sbr.rel @!p1 .LBB2_60-.Ltmp36, $4  }
0x2b9: {  	v21 =	vimm.f32 $+Inf;
	v20 =	vmin.f32 v1, v22;
	v22 =	vmul.f32 v26, v26  }
0x2ba: {  	s17 =	simm.s32 $0x10;
	v31 =	vmul.f32 v23, v23;
	v35 =	vadd.f32 v25, v24;
	v36 =	vmul.f32 v18, v18  }
0x2bb: {  	s18 =	simm.s32 $0x3890;
	v18 =	vld [tilespmem:s17+$0x0];
	v23 =	vimm.f32 $+Inf;
	v24 =	vimm.f32 $+Inf;
	v25 =	vimm.f32 $+Inf  }
0x2bc: {  	s19 =	sadd.s32 $0xFFFFFFFF, s19;
	p0 =	por $0x1, $0x1;
	v26 =	vimm.f32 $+Inf;
	v32 =	vadd.f32 v19, v22;
	v22 =	vimm.f32 $+Inf;
	v19 =	vld [tilespmem:s18+$0x0]  }
.LBB2_61:
0x2bd: {  	p1 =	sne.s32 s19, $0x1;
	v21 =	vmin.f32 v21, v29;
	v29 =	vadd.f32 v34, v31;
	v28 =	vmul.f32 v28, v28  }
0x2be: {  	v22 =	vmin.f32 v22, v30;
	v23 =	vmin.f32 v23, v32;
	v30 =	vadd.f32 v37, v33  }
0x2bf: {  	v24 =	vmin.f32 v24, v35;
	v25 =	vmin.f32 v25, v29;
	v28 =	vadd.f32 v28, v36  }
0x2c0: {  	v29 =	vsub.f32 v18, v12;
	v31 =	vsub.f32 v18, v13;
	v26 =	vmin.f32 v26, v30  }
0x2c1: {  	v30 =	vsub.f32 v18, v16;
	v32 =	vsub.f32 v19, v17;
	v27 =	vmin.f32 v27, v28  }
0x2c2: {  	v28 =	vsub.f32 v19, v15;
	v33 =	vsub.f32 v19, v14;
	v29 =	vmul.f32 v29, v29  }
0x2c3: {  	v34 =	vsub.f32 v18, v9;
	v30 =	vmul.f32 v30, v30;
	v32 =	vmul.f32 v32, v32  }
0x2c4: {  	v37 =	vsub.f32 v18, v6;
	v36 =	vsub.f32 v19, v11;
	v35 =	vmul.f32 v28, v28  }
0x2c5: {  	v38 =	vsub.f32 v19, v10;
	v31 =	vmul.f32 v31, v31;
	v28 =	vadd.f32 v32, v30  }
0x2c6: {  	v30 =	vmul.f32 v33, v33;
	v32 =	vsub.f32 v18, v4;
	v33 =	vsub.f32 v19, v8  }
0x2c7: {  	v39 =	vsub.f32 v18, v3;
	v40 =	vsub.f32 v19, v7;
	v20 =	vmin.f32 v20, v28  }
.Ltmp37:
0x2c8: {  	v41 =	vsub.f32 v18, v2;
	v34 =	vmul.f32 v34, v34;
	v28 =	vsub.f32 v19, v5;
	(pc) =	sbr.rel @p1 .LBB2_61-.Ltmp37, $4  }
0x2c9: {  	v29 =	vadd.f32 v35, v29;
	v35 =	vmul.f32 v37, v37;
	v19 =	vmul.f32 v36, v36  }
0x2ca: {  	s17 =	sadd.s32 $0x10, s17;
	v30 =	vadd.f32 v30, v31;
	v36 =	vmul.f32 v38, v38;
	v31 =	vmul.f32 v32, v32  }
0x2cb: {  	s18 =	sadd.s32 $0x10, s18;
	v32 =	vadd.f32 v19, v34;
	v34 =	vmul.f32 v33, v33;
	v33 =	vmul.f32 v39, v39;
	v18 =	vld [tilespmem:s17+$0x0]  }
0x2cc: {  	s19 =	sadd.s32 $0xFFFFFFFF, s19;
	v37 =	vmul.f32 v40, v40;
	v35 =	vadd.f32 v36, v35;
	v36 =	vmul.f32 v41, v41;
	v19 =	vld [tilespmem:s18+$0x0]  }
.LBB2_62:
0x2cd: {  	v21 =	vmin.f32 @p0 v21, v29;
	v29 =	vadd.f32 @p0 v34, v31;
	v28 =	vmul.f32 @p0 v28, v28  }
0x2ce: {  	v22 =	vmin.f32 @p0 v22, v30;
	v23 =	vmin.f32 @p0 v23, v32;
	v30 =	vadd.f32 @p0 v37, v33  }
0x2cf: {  	v24 =	vmin.f32 @p0 v24, v35;
	v58 =	vpsel p0, v22, v1;
	v28 =	vadd.f32 @p0 v28, v36  }
0x2d0: {  	v59 =	vpsel p0, v23, v1;
	v12 =	vsub.f32 v18, v12;
	v13 =	vsub.f32 v18, v13  }
0x2d1: {  	v25 =	vmin.f32 @p0 v25, v29;
	v16 =	vsub.f32 v18, v16;
	v9 =	vsub.f32 v18, v9  }
0x2d2: {  	v60 =	vpsel p0, v24, v1;
	v6 =	vsub.f32 v18, v6;
	v4 =	vsub.f32 v18, v4  }
0x2d3: {  	v26 =	vmin.f32 @p0 v26, v30;
	v57 =	vsub.f32 v18, v3;
	v2 =	vsub.f32 v18, v2  }
0x2d4: {  	v61 =	vpsel p0, v25, v1;
	v17 =	vsub.f32 v19, v17;
	v15 =	vsub.f32 v19, v15  }
0x2d5: {  	v27 =	vmin.f32 @p0 v27, v28;
	v14 =	vsub.f32 v19, v14;
	v11 =	vsub.f32 v19, v11  }
0x2d6: {  	v10 =	vsub.f32 v19, v10;
	v12 =	vmul.f32 v12, v12;
	v16 =	vmul.f32 v16, v16  }
0x2d7: {  	v8 =	vsub.f32 v19, v8;
	v13 =	vmul.f32 v13, v13;
	v9 =	vmul.f32 v9, v9  }
0x2d8: {  	v7 =	vsub.f32 v19, v7;
	v6 =	vmul.f32 v6, v6;
	v4 =	vmul.f32 v4, v4  }
0x2d9: {  	v5 =	vsub.f32 v19, v5;
	v2 =	vmul.f32 v2, v2;
	v17 =	vmul.f32 v17, v17  }
0x2da: {  	v62 =	vpsel p0, v26, v1;
	v15 =	vmul.f32 v15, v15;
	v14 =	vmul.f32 v14, v14  }
0x2db: {  	v63 =	vpsel p0, v27, v1;
	v11 =	vmul.f32 v11, v11;
	v10 =	vmul.f32 v10, v10  }
0x2dc: {  	v8 =	vmul.f32 v8, v8;
	v7 =	vmul.f32 v7, v7;
	v16 =	vadd.f32 v17, v16  }
0x2dd: {  	v5 =	vmul.f32 v5, v5;
	v12 =	vadd.f32 v15, v12;
	v13 =	vadd.f32 v14, v13  }
.Ltmp38:
0x2de: {  	v9 =	vadd.f32 v11, v9;
	v11 =	vmul.f32 v57, v57;
	v6 =	vadd.f32 v10, v6;
	(pc) =	sbr.rel .LBB2_63-.Ltmp38, $4  }
0x2df: {  	v10 =	vpsel p0, v21, v1;
	v8 =	vadd.f32 v8, v4;
	v3 =	vmin.f32 v20, v16  }
0x2e0: {  	v1 =	vmin.f32 v10, v12;
	v7 =	vadd.f32 v7, v11;
	v10 =	vadd.f32 v5, v2  }
0x2e1: {  	v2 =	vmin.f32 v58, v13;
	v4 =	vmin.f32 v59, v9;
	v5 =	vmin.f32 v60, v6  }
0x2e2: {  	v6 =	vmin.f32 v61, v8;
	v7 =	vmin.f32 v62, v7;
	v8 =	vmin.f32 v63, v10  }
.LBB2_5:
.Ltmp39:
0x2e3: {  	(pc) =	sbr.rel .LBB2_9-.Ltmp39, $4  }
0x2e4: {  	_ = 	snop  }
0x2e5: {  	v21 =	vimm.f32 $+Inf;
	v22 =	vimm.f32 $+Inf  }
0x2e6: {  	v23 =	vimm.f32 $+Inf;
	v24 =	vimm.f32 $+Inf;
	v25 =	vimm.f32 $+Inf  }
0x2e7: {  	v26 =	vimm.f32 $+Inf;
	v27 =	vimm.f32 $+Inf;
	v20 =	vimm.f32 $+Inf  }
.LBB2_13:
.Ltmp40:
0x2e8: {  	(pc) =	sbr.rel .LBB2_17-.Ltmp40, $4  }
0x2e9: {  	_ = 	snop  }
0x2ea: {  	v21 =	vimm.f32 $+Inf;
	v22 =	vimm.f32 $+Inf  }
0x2eb: {  	v23 =	vimm.f32 $+Inf;
	v24 =	vimm.f32 $+Inf;
	v25 =	vimm.f32 $+Inf  }
0x2ec: {  	v26 =	vimm.f32 $+Inf;
	v27 =	vimm.f32 $+Inf;
	v20 =	vimm.f32 $+Inf  }
.LBB2_20:
.Ltmp41:
0x2ed: {  	(pc) =	sbr.rel .LBB2_24-.Ltmp41, $4  }
0x2ee: {  	_ = 	snop  }
0x2ef: {  	v21 =	vimm.f32 $+Inf;
	v22 =	vimm.f32 $+Inf  }
0x2f0: {  	v23 =	vimm.f32 $+Inf;
	v24 =	vimm.f32 $+Inf;
	v25 =	vimm.f32 $+Inf  }
0x2f1: {  	v26 =	vimm.f32 $+Inf;
	v27 =	vimm.f32 $+Inf;
	v20 =	vimm.f32 $+Inf  }
.LBB2_28:
.Ltmp42:
0x2f2: {  	(pc) =	sbr.rel .LBB2_32-.Ltmp42, $4  }
0x2f3: {  	_ = 	snop  }
0x2f4: {  	v21 =	vimm.f32 $+Inf;
	v22 =	vimm.f32 $+Inf  }
0x2f5: {  	v23 =	vimm.f32 $+Inf;
	v24 =	vimm.f32 $+Inf;
	v25 =	vimm.f32 $+Inf  }
0x2f6: {  	v26 =	vimm.f32 $+Inf;
	v27 =	vimm.f32 $+Inf;
	v20 =	vimm.f32 $+Inf  }
.LBB2_35:
.Ltmp43:
0x2f7: {  	(pc) =	sbr.rel .LBB2_39-.Ltmp43, $4  }
0x2f8: {  	_ = 	snop  }
0x2f9: {  	v21 =	vimm.f32 $+Inf;
	v22 =	vimm.f32 $+Inf  }
0x2fa: {  	v23 =	vimm.f32 $+Inf;
	v24 =	vimm.f32 $+Inf;
	v25 =	vimm.f32 $+Inf  }
0x2fb: {  	v26 =	vimm.f32 $+Inf;
	v27 =	vimm.f32 $+Inf;
	v20 =	vimm.f32 $+Inf  }
.LBB2_43:
.Ltmp44:
0x2fc: {  	(pc) =	sbr.rel .LBB2_47-.Ltmp44, $4  }
0x2fd: {  	_ = 	snop  }
0x2fe: {  	v21 =	vimm.f32 $+Inf;
	v22 =	vimm.f32 $+Inf  }
0x2ff: {  	v23 =	vimm.f32 $+Inf;
	v24 =	vimm.f32 $+Inf;
	v25 =	vimm.f32 $+Inf  }
0x300: {  	v26 =	vimm.f32 $+Inf;
	v27 =	vimm.f32 $+Inf;
	v20 =	vimm.f32 $+Inf  }
.LBB2_50:
.Ltmp45:
0x301: {  	(pc) =	sbr.rel .LBB2_54-.Ltmp45, $4  }
0x302: {  	_ = 	snop  }
0x303: {  	v21 =	vimm.f32 $+Inf;
	v22 =	vimm.f32 $+Inf  }
0x304: {  	v23 =	vimm.f32 $+Inf;
	v24 =	vimm.f32 $+Inf;
	v25 =	vimm.f32 $+Inf  }
0x305: {  	v26 =	vimm.f32 $+Inf;
	v27 =	vimm.f32 $+Inf;
	v20 =	vimm.f32 $+Inf  }
.LBB2_58:
.Ltmp46:
0x306: {  	(pc) =	sbr.rel .LBB2_62-.Ltmp46, $4  }
0x307: {  	_ = 	snop  }
0x308: {  	v21 =	vimm.f32 $+Inf;
	v22 =	vimm.f32 $+Inf  }
0x309: {  	v23 =	vimm.f32 $+Inf;
	v24 =	vimm.f32 $+Inf;
	v25 =	vimm.f32 $+Inf  }
0x30a: {  	v26 =	vimm.f32 $+Inf;
	v27 =	vimm.f32 $+Inf;
	v20 =	vimm.f32 $+Inf  }
.LBB2_7:
.Ltmp47:
0x30b: {  	(pc) =	sbr.rel .LBB2_9-.Ltmp47, $4  }
0x30c: {  	_ = 	snop  }
0x30d: {  	v21 =	vimm.f32 $+Inf  }
0x30e: {  	v22 =	vimm.f32 $+Inf;
	v23 =	vimm.f32 $+Inf;
	v24 =	vimm.f32 $+Inf  }
0x30f: {  	v25 =	vimm.f32 $+Inf;
	v26 =	vimm.f32 $+Inf;
	v27 =	vimm.f32 $+Inf  }
.LBB2_15:
.Ltmp48:
0x310: {  	(pc) =	sbr.rel .LBB2_17-.Ltmp48, $4  }
0x311: {  	_ = 	snop  }
0x312: {  	v21 =	vimm.f32 $+Inf  }
0x313: {  	v22 =	vimm.f32 $+Inf;
	v23 =	vimm.f32 $+Inf;
	v24 =	vimm.f32 $+Inf  }
0x314: {  	v25 =	vimm.f32 $+Inf;
	v26 =	vimm.f32 $+Inf;
	v27 =	vimm.f32 $+Inf  }
.LBB2_22:
.Ltmp49:
0x315: {  	(pc) =	sbr.rel .LBB2_24-.Ltmp49, $4  }
0x316: {  	_ = 	snop  }
0x317: {  	v21 =	vimm.f32 $+Inf  }
0x318: {  	v22 =	vimm.f32 $+Inf;
	v23 =	vimm.f32 $+Inf;
	v24 =	vimm.f32 $+Inf  }
0x319: {  	v25 =	vimm.f32 $+Inf;
	v26 =	vimm.f32 $+Inf;
	v27 =	vimm.f32 $+Inf  }
.LBB2_30:
.Ltmp50:
0x31a: {  	(pc) =	sbr.rel .LBB2_32-.Ltmp50, $4  }
0x31b: {  	_ = 	snop  }
0x31c: {  	v21 =	vimm.f32 $+Inf  }
0x31d: {  	v22 =	vimm.f32 $+Inf;
	v23 =	vimm.f32 $+Inf;
	v24 =	vimm.f32 $+Inf  }
0x31e: {  	v25 =	vimm.f32 $+Inf;
	v26 =	vimm.f32 $+Inf;
	v27 =	vimm.f32 $+Inf  }
.LBB2_37:
.Ltmp51:
0x31f: {  	(pc) =	sbr.rel .LBB2_39-.Ltmp51, $4  }
0x320: {  	_ = 	snop  }
0x321: {  	v21 =	vimm.f32 $+Inf  }
0x322: {  	v22 =	vimm.f32 $+Inf;
	v23 =	vimm.f32 $+Inf;
	v24 =	vimm.f32 $+Inf  }
0x323: {  	v25 =	vimm.f32 $+Inf;
	v26 =	vimm.f32 $+Inf;
	v27 =	vimm.f32 $+Inf  }
.LBB2_45:
.Ltmp52:
0x324: {  	(pc) =	sbr.rel .LBB2_47-.Ltmp52, $4  }
0x325: {  	_ = 	snop  }
0x326: {  	v21 =	vimm.f32 $+Inf  }
0x327: {  	v22 =	vimm.f32 $+Inf;
	v23 =	vimm.f32 $+Inf;
	v24 =	vimm.f32 $+Inf  }
0x328: {  	v25 =	vimm.f32 $+Inf;
	v26 =	vimm.f32 $+Inf;
	v27 =	vimm.f32 $+Inf  }
.LBB2_52:
.Ltmp53:
0x329: {  	(pc) =	sbr.rel .LBB2_54-.Ltmp53, $4  }
0x32a: {  	_ = 	snop  }
0x32b: {  	v21 =	vimm.f32 $+Inf  }
0x32c: {  	v22 =	vimm.f32 $+Inf;
	v23 =	vimm.f32 $+Inf;
	v24 =	vimm.f32 $+Inf  }
0x32d: {  	v25 =	vimm.f32 $+Inf;
	v26 =	vimm.f32 $+Inf;
	v27 =	vimm.f32 $+Inf  }
.LBB2_60:
.Ltmp54:
0x32e: {  	(pc) =	sbr.rel .LBB2_62-.Ltmp54, $4  }
0x32f: {  	_ = 	snop  }
0x330: {  	v21 =	vimm.f32 $+Inf  }
0x331: {  	v22 =	vimm.f32 $+Inf;
	v23 =	vimm.f32 $+Inf;
	v24 =	vimm.f32 $+Inf  }
0x332: {  	v25 =	vimm.f32 $+Inf;
	v26 =	vimm.f32 $+Inf;
	v27 =	vimm.f32 $+Inf  }
.LBB2_64:
0x333: {  	_ =	sfence.sel $0x180000  }
0x334: {  	[bflag:$0x0] =	sbarrier.arrive $0xFFFF  }
0x335: {  	p0 =	sne.s32 s1, $0x0;
	_ =	strace $0x90000047  }
0x336: {  	s0 =	sadd.s32 @!p0 $0x100000, s0;
	[bflag:$0x2] =	sbarrier.arrive $0xFFFF  }
0x337: {  	[sflag:s0] =	ssyncadd.tile.s32 @!p0 $0x1;
	_ =	shalt  }
.Lfunc_end2:
_tile_overlayer_lowered:
.L_overlay_start_2:
0x338: {  	(tag) =	ssettag $0x2  }
0x339: {  	s0 =	rddreg [dreg:$0x0];
	s2 =	stileid.u32  }
0x33a: {  	s1 =	rddreg [dreg:$0x1];
	p0 =	sne.s32 s2, $0x0  }
0x33b: {  	s3 =	rddreg [dreg:$0x2];
	[bflag:$0x3] =	sbarrier.arrive $0xFFFF;
	s2 =	simm.s32 @!p0 $0x1C01  }
0x33c: {  	[timem:s3], [sflag:s2] =	dma.local @!p0 [hbm:s0], s1  }
0x33d: {  	s0 =	simm.s32 @!p0 $0x1  }
0x33e: {  	_ =	swait.ge @!p0 [sflag:s0], s1  }
0x33f: {  	s1 =	ssub.s32 @!p0 $0x0, s1;
	[sflag:s0] =	ssyncset.done @!p0 $0x0  }
0x340: {  	[sflag:s0] =	ssyncadd.s32 @!p0 s1  }
0x341: {  	[bflag:$0x3] =	sbarrier.arrive $0xFFFF  }
0x342: {  	_ =	shalt  }

</sc_bundles>
